<compile_context>
chip_gen: v7x
topology: tpu7x:2x2x1
jax: 0.10.2.dev20260603
libtpu: 0.0.44.dev20260713+nightly
codegen_flags: <defaults>
</compile_context>

<pallas_src>
import functools

import jax
import jax.numpy as jnp
from jax import lax
from jax.experimental import pallas as pl
from jax.experimental.pallas import tpu as pltpu
from jax.experimental.pallas import tpu_sc as plsc

N_CTX = 8192
CH = 768
ED = 512
QROWS = 224
TOPK9 = 9
LANES = 16
SCALE = 14 ** 0.5

TN = 2048

NWORK = 32
GB = 8192
GPW = GB // NWORK
GCH = 64


def _qk_body(q_ref, wk_ref, qk_ref):
    qk_ref[...] = lax.dot_general(
        q_ref[...], wk_ref[...], (((1,), (1,)), ((), ())),
        preferred_element_type=jnp.float32)


def _attn_body(x_ref, qk_ref, attn_ref, xsum_ref):
    t = pl.program_id(1)
    xt = x_ref[0]
    at = lax.dot_general(qk_ref[...], xt, (((1,), (1,)), ((), ())),
                         preferred_element_type=jnp.float32)
    attn_ref[...] = at * SCALE

    @pl.when(t == 0)
    def _():
        xsum_ref[...] = jnp.zeros_like(xsum_ref)

    xsum_ref[0] += jnp.broadcast_to(
        jnp.sum(xt, axis=0, keepdims=True), (8, xt.shape[1]))


RPW = 32
NSB = 16
SBW = N_CTX // NSB


def _sc_topk(attn2):
    mesh = plsc.VectorSubcoreMesh(core_axis_name="c", subcore_axis_name="s")

    @functools.partial(
        pl.kernel,
        mesh=mesh,
        out_type=jax.ShapeDtypeStruct((GB,), jnp.int32),
        scratch_types=[
            pltpu.VMEM((2 * N_CTX,), jnp.float32),
            pltpu.VMEM((NSB * 16,), jnp.float32),
            pltpu.VMEM((NSB * 16,), jnp.int32),
            pltpu.VMEM((32,), jnp.float32),
            pltpu.VMEM((32,), jnp.int32),
            pltpu.VMEM((TOPK9 * RPW + 16,), jnp.int32),
            pltpu.SemaphoreType.DMA,
        ],
    )
    def k(attn_hbm, gidx_hbm, row_v, sb_v, sbi_v, pad_v, pad_i, idx_v, sem):
        wid = lax.axis_index("s") * 2 + lax.axis_index("c")
        lane = lax.iota(jnp.int32, 16)
        NEG = jnp.float32(-jnp.inf)
        BIG = jnp.int32(2 ** 30)
        zf = jnp.zeros((16,), jnp.float32)
        zi = jnp.zeros((16,), jnp.int32)

        @pl.when(wid < 28)
        def _():
            b = wid // 7
            c0 = (wid % 7) * RPW
            base_row = b * QROWS + c0

            def fold_sb(l, cur):
                base = l * SBW
                acc = row_v[pl.ds(cur + base, 16)]
                iacc = lane + base
                for kk in range(1, SBW // 16):
                    x = row_v[pl.ds(cur + base + kk * 16, 16)]
                    better = x > acc
                    acc = jnp.where(better, x, acc)
                    iacc = jnp.where(better, lane + (base + kk * 16), iacc)
                sb_v[pl.ds(l * 16, 16)] = acc
                sbi_v[pl.ds(l * 16, 16)] = iacc

            pltpu.async_copy(attn_hbm.at[base_row],
                             row_v.at[pl.ds(0, N_CTX)], sem)

            def do_row(r, carry):
                cur = (r % 2) * N_CTX
                pltpu.make_async_copy(
                    attn_hbm.at[base_row + r],
                    row_v.at[pl.ds(cur, N_CTX)], sem).wait()

                @pl.when(r + 1 < RPW)
                def _():
                    pltpu.async_copy(
                        attn_hbm.at[base_row + r + 1],
                        row_v.at[pl.ds(((r + 1) % 2) * N_CTX, N_CTX)], sem)

                def build(l, c2):
                    fold_sb(l, cur)
                    return c2

                lax.fori_loop(0, NSB, build, 0)
                pad_v[pl.ds(16, 16)] = zf + NEG
                pad_i[pl.ds(16, 16)] = zi + BIG

                def extract(j, carry2):
                    g = sb_v[pl.ds(0, 16)]
                    gi = sbi_v[pl.ds(0, 16)]
                    for l in range(1, NSB):
                        x = sb_v[pl.ds(l * 16, 16)]
                        xi = sbi_v[pl.ds(l * 16, 16)]
                        better = x > g
                        g = jnp.where(better, x, g)
                        gi = jnp.where(better, xi, gi)
                    pad_v[pl.ds(0, 16)] = g
                    pad_i[pl.ds(0, 16)] = gi
                    for s in (8, 4, 2, 1):
                        a = pad_v[pl.ds(0, 16)]
                        bb = pad_v[pl.ds(s, 16)]
                        ia = pad_i[pl.ds(0, 16)]
                        ib = pad_i[pl.ds(s, 16)]
                        better = (bb > a) | ((bb == a) & (ib < ia))
                        pad_v[pl.ds(0, 16)] = jnp.where(better, bb, a)
                        pad_i[pl.ds(0, 16)] = jnp.where(better, ib, ia)
                    ix = pad_i[pl.ds(0, 16)][0]
                    off = cur + (ix // 16) * 16
                    sel = lane == (ix % 16)
                    vv = row_v[pl.ds(off, 16)]
                    row_v[pl.ds(off, 16)] = jnp.where(sel, NEG, vv)
                    fold_sb(ix // SBW, cur)
                    off2 = j * RPW + (r // 16) * 16
                    sel2 = lane == (r % 16)
                    prev = idx_v[pl.ds(off2, 16)]
                    idx_v[pl.ds(off2, 16)] = jnp.where(
                        sel2, zi + (ix + b * N_CTX), prev)
                    return carry2

                lax.fori_loop(0, TOPK9, extract, 0)
                return carry

            lax.fori_loop(0, RPW, do_row, 0)
            for j in range(TOPK9):
                pltpu.sync_copy(
                    idx_v.at[pl.ds(j * RPW, RPW)],
                    gidx_hbm.at[pl.ds(b * (TOPK9 * QROWS) + j * QROWS + c0,
                                      RPW)])

        @pl.when(wid == 28)
        def _():
            for t in range(8):
                idx_v[pl.ds(t * 16, 16)] = jnp.zeros((16,), jnp.int32)
            pltpu.sync_copy(idx_v.at[pl.ds(0, GB - TOPK9 * QROWS * 4)],
                            gidx_hbm.at[pl.ds(TOPK9 * QROWS * 4,
                                              GB - TOPK9 * QROWS * 4)])

    return k(attn2)


def _sc_gather(table, idx):
    mesh = plsc.VectorSubcoreMesh(core_axis_name="c", subcore_axis_name="s")

    @functools.partial(
        pl.kernel,
        mesh=mesh,
        out_type=jax.ShapeDtypeStruct((GB, CH), jnp.float32),
        scratch_types=[
            pltpu.VMEM((2 * GCH,), jnp.int32),
            pltpu.VMEM((2 * GCH, CH), jnp.float32),
            pltpu.SemaphoreType.DMA,
            pltpu.SemaphoreType.DMA,
        ],
    )
    def k(table_hbm, idx_hbm, out_hbm, idx_v, rows_v, gsem, ssem):
        wid = lax.axis_index("s") * 2 + lax.axis_index("c")
        base = wid * GPW
        nch = GPW // GCH

        def idxs(i):
            return idx_v.at[pl.ds((i % 2) * GCH, GCH)]

        def rows(i):
            return rows_v.at[pl.ds((i % 2) * GCH, GCH)]

        pltpu.sync_copy(idx_hbm.at[pl.ds(base, GCH)], idxs(0))
        pltpu.async_copy(table_hbm.at[idxs(0)], rows(0), gsem)
        for i in range(nch):
            off = base + i * GCH
            if i + 1 < nch:
                if i >= 1:
                    pltpu.make_async_copy(
                        rows(i - 1),
                        out_hbm.at[pl.ds(off - GCH, GCH)], ssem).wait()
                pltpu.sync_copy(
                    idx_hbm.at[pl.ds(off + GCH, GCH)], idxs(i + 1))
                pltpu.async_copy(table_hbm.at[idxs(i + 1)], rows(i + 1), gsem)
            pltpu.make_async_copy(
                table_hbm.at[idxs(i)], rows(i), gsem).wait()
            pltpu.async_copy(rows(i), out_hbm.at[pl.ds(off, GCH)], ssem)
        pltpu.make_async_copy(
            rows(nch - 2),
            out_hbm.at[pl.ds(base + (nch - 2) * GCH, GCH)], ssem).wait()
        pltpu.make_async_copy(
            rows(nch - 1),
            out_hbm.at[pl.ds(base + (nch - 1) * GCH, GCH)], ssem).wait()

    return k(table, idx)


def _combine_body(xg_ref, xsum_ref, wv_ref, wk_ref, q_ref, wp_ref, bp_ref,
                  out_ref):
    lane = lax.broadcasted_iota(jnp.int32, (QROWS, LANES), 1)
    valid = lane < TOPK9

    ktop = jnp.dot(xg_ref[...], wk_ref[...],
                   preferred_element_type=jnp.float32)
    qv = q_ref[...]
    rowi = lax.broadcasted_iota(jnp.int32, (QROWS, QROWS), 0)
    coli = lax.broadcasted_iota(jnp.int32, (QROWS, QROWS), 1)
    tv = jnp.zeros((QROWS, LANES), jnp.float32)
    for j in range(TOPK9):
        kj = ktop[j * QROWS:(j + 1) * QROWS, :]
        sq = lax.dot_general(qv, kj, (((1,), (1,)), ((), ())),
                             preferred_element_type=jnp.float32)
        sj = jnp.sum(jnp.where(rowi == coli, sq, 0.0),
                     axis=1, keepdims=True) * SCALE
        tv = jnp.where(lane == j, sj, tv)

    nrm = jnp.sqrt(jnp.sum(tv * tv, axis=1, keepdims=True))
    s = tv / nrm * N_CTX
    s = jnp.where(valid, s, -jnp.inf)
    m = jnp.maximum(jnp.max(s, axis=1, keepdims=True), 0.0)
    e = jnp.where(valid, jnp.exp(s - m), 0.0)
    ebg = jnp.exp(-m)
    z = jnp.sum(e, axis=1, keepdims=True) + (N_CTX - TOPK9) * ebg
    w = e / z

    vtop = jnp.dot(xg_ref[...], wv_ref[...],
                   preferred_element_type=jnp.float32)

    acc = jnp.zeros((QROWS, ED), jnp.float32)
    st = jnp.zeros((QROWS, ED), jnp.float32)
    for j in range(TOPK9):
        vj = vtop[j * QROWS:(j + 1) * QROWS, :]
        wj = jnp.sum(jnp.where(lane == j, w, 0.0), axis=1, keepdims=True)
        acc = acc + wj * vj
        st = st + vj

    vsum = jnp.dot(xsum_ref[0, 0:1, :], wv_ref[...],
                   preferred_element_type=jnp.float32)
    out = acc + (ebg / z) * (vsum - st)
    res = (jnp.dot(out, wp_ref[...], preferred_element_type=jnp.float32)
           + bp_ref[...])
    out_ref[0] = res[:196, :]


def kernel(x, q, Wk, Wv, Wp, bp):
    B, N, C = x.shape
    cn = q.shape[0]
    qp = jnp.zeros((QROWS, ED), q.dtype).at[:cn].set(q)

    qk = pl.pallas_call(
        _qk_body,
        in_specs=[
            pl.BlockSpec((QROWS, ED), lambda: (0, 0)),
            pl.BlockSpec((C, ED), lambda: (0, 0)),
        ],
        out_specs=pl.BlockSpec((QROWS, C), lambda: (0, 0)),
        out_shape=jax.ShapeDtypeStruct((QROWS, C), jnp.float32),
    )(qp, Wk)

    attn, xsum = pl.pallas_call(
        _attn_body,
        grid=(B, N // TN),
        in_specs=[
            pl.BlockSpec((1, TN, C), lambda b, t: (b, t, 0)),
            pl.BlockSpec((QROWS, C), lambda b, t: (0, 0)),
        ],
        out_specs=[
            pl.BlockSpec((QROWS, TN), lambda b, t: (b, t)),
            pl.BlockSpec((1, 8, C), lambda b, t: (b, 0, 0)),
        ],
        out_shape=[
            jax.ShapeDtypeStruct((B * QROWS, N), jnp.float32),
            jax.ShapeDtypeStruct((B, 8, C), jnp.float32),
        ],
        compiler_params=pltpu.CompilerParams(
            dimension_semantics=("parallel", "arbitrary")),
    )(x, qk)

    gidx = _sc_topk(attn)

    xg = _sc_gather(x.reshape(B * N, C), gidx)

    out = pl.pallas_call(
        _combine_body,
        grid=(B,),
        in_specs=[
            pl.BlockSpec((TOPK9 * QROWS, C), lambda b: (b, 0)),
            pl.BlockSpec((1, 8, C), lambda b: (b, 0, 0)),
            pl.BlockSpec((C, ED), lambda b: (0, 0)),
            pl.BlockSpec((C, ED), lambda b: (0, 0)),
            pl.BlockSpec((QROWS, ED), lambda b: (0, 0)),
            pl.BlockSpec((ED, C), lambda b: (0, 0)),
            pl.BlockSpec((1, C), lambda b: (0, 0)),
        ],
        out_specs=pl.BlockSpec((1, cn, C), lambda b: (b, 0, 0)),
        out_shape=jax.ShapeDtypeStruct((B, cn, C), jnp.float32),
    )(xg, xsum, Wv, Wk, qp, Wp, bp.reshape(1, C))

    return out

# --- scband reference (transcript-rebuilt; emitter-appended) ---
"""Pipeline reference for scband-kla-82463372083370 (READ-ONLY COPY).

The authoritative reference and input builder live on the scoring server;
editing this copy changes nothing except your own understanding.
"""

import jax, jax.numpy as jnp
import numpy as np

B, N, C = 4, 8192, 768
CN, ED = 196, 512
TOPK = 9
SCALE = 14 ** 0.5


def setup_inputs(seed: int = 0) -> dict:
    key = jax.random.key(seed)
    ks = jax.random.split(key, 6)
    x = jax.random.normal(ks[0], (B, N, C), dtype=jnp.float32)
    q = jax.random.normal(ks[1], (CN, ED), dtype=jnp.float32)
    Wk = jax.random.normal(ks[2], (C, ED), dtype=jnp.float32) * 0.02
    Wv = jax.random.normal(ks[3], (C, ED), dtype=jnp.float32) * 0.02
    Wp = jax.random.normal(ks[4], (ED, C), dtype=jnp.float32) * 0.02
    bp = jnp.zeros((C,), dtype=jnp.float32)
    return {"x": x, "q": q, "Wk": Wk, "Wv": Wv, "Wp": Wp, "bp": bp}


def reference(x, q, Wk, Wv, Wp, bp):
    B_, N_, C_ = x.shape
    cn = q.shape[0]
    k = x @ Wk  # [B, N, ED]
    v = x @ Wv  # [B, N, ED]
    qr = jnp.broadcast_to(q[None], (B_, cn, q.shape[1]))  # repeat(B,1,1)
    attn = (qr @ jnp.swapaxes(k, -2, -1)) * SCALE  # [B, CN, N]
    topv, topi = jax.lax.top_k(attn, TOPK)
    bi = jnp.arange(B_)[:, None, None]
    ci = jnp.arange(cn)[None, :, None]
    attn_ = jnp.zeros_like(attn).at[bi, ci, topi].set(topv)
    nrm = jnp.linalg.norm(attn_, axis=-1, keepdims=True)
    attn_ = attn_ / nrm * attn_.shape[-1]
    attn_ = jax.nn.softmax(attn_, axis=-1)
    # attn_drop is p=0.0 -> identity
    out = attn_ @ v  # [B, CN, ED]
    out = out @ Wp + bp  # proj, [B, CN, C]
    # proj_drop is p=0.0 -> identity
    return out

if __name__ == "__main__":
    import jax
    _d = setup_inputs()
    print(jax.jit(kernel)(*tuple(_d.values())))

</pallas_src>

<mosaic_0001>
#map = affine_map<(d0, d1) -> (0, 0)>
#map1 = affine_map<(d0, d1) -> (0)>
module attributes {stable_mosaic.version = 14 : i64} {
  func.func @k(%arg0: i32, %arg1: i32, %arg2: memref<32768x768xf32, #tpu.memory_space<hbm>>, %arg3: memref<8192xi32, #tpu.memory_space<hbm>>, %arg4: memref<8192x768xf32, #tpu.memory_space<hbm>>, %arg5: memref<128xi32, #tpu.memory_space<vmem>>, %arg6: memref<128x768xf32, #tpu.memory_space<vmem>>, %arg7: memref<!tpu.dma_semaphore, #tpu.memory_space<semaphore_mem>>, %arg8: memref<!tpu.dma_semaphore, #tpu.memory_space<semaphore_mem>>) attributes {dimension_semantics = [#tpu.dimension_semantics<core_parallel>, #tpu.dimension_semantics<subcore_parallel>], iteration_bounds = array<i64: 2, 16>, scalar_prefetch = 0 : i64, scratch_operands = 4 : i64, tpu.core_type = #tpu.core_type<sc_vector_subcore>, window_params = [{transform_indices = #map}, {transform_indices = #map1}, {transform_indices = #map}]} {
    %mul3A = arith.constant 2 : i32
    %mul3A_0 = arith.muli %arg1, %mul3A : i32
    %add3A = arith.addi %mul3A_0, %arg0 : i32
    %mul3A_1 = arith.constant 256 : i32
    %mul3A_2 = arith.muli %add3A, %mul3A_1 : i32
    "tpu.region"() ({
      %run_scoped3A = tpu.sem_alloc : memref<!tpu.dma_semaphore, #tpu.memory_space<semaphore_mem>>
      %dma_start3A_166 = arith.constant 0 : i32
      %dma_start3A_167 = tpu.memref_slice %arg5[%dma_start3A_166] : memref<128xi32, #tpu.memory_space<vmem>> -> memref<64xi32, #tpu.memory_space<vmem>>
      %dma_start3A_168 = tpu.memref_slice %arg3[%mul3A_2] : memref<8192xi32, #tpu.memory_space<hbm>> -> memref<64xi32, #tpu.memory_space<hbm>>
      %dma_start3A_169 = arith.constant 0 : i32
      %dma_start3A_170 = tpu.memref_slice %arg5[%dma_start3A_169] : memref<128xi32, #tpu.memory_space<vmem>> -> memref<64xi32, #tpu.memory_space<vmem>>
      %dma_start3A_171 = tpu.memref_slice %arg3[%mul3A_2] : memref<8192xi32, #tpu.memory_space<hbm>> -> memref<64xi32, #tpu.memory_space<hbm>>
      tpu.enqueue_dma source(%dma_start3A_171 : memref<64xi32, #tpu.memory_space<hbm>>) target(%dma_start3A_170 : memref<64xi32, #tpu.memory_space<vmem>>) target_semaphore(%run_scoped3A : memref<!tpu.dma_semaphore, #tpu.memory_space<semaphore_mem>>)
      %dma_wait3A_172 = arith.constant 0 : i32
      %dma_wait3A_173 = tpu.memref_slice %arg5[%dma_wait3A_172] : memref<128xi32, #tpu.memory_space<vmem>> -> memref<64xi32, #tpu.memory_space<vmem>>
      %dma_wait3A_174 = tpu.memref_slice %arg3[%mul3A_2] : memref<8192xi32, #tpu.memory_space<hbm>> -> memref<64xi32, #tpu.memory_space<hbm>>
      %dma_wait3A_175 = arith.constant 0 : i32
      %dma_wait3A_176 = tpu.memref_slice %arg5[%dma_wait3A_175] : memref<128xi32, #tpu.memory_space<vmem>> -> memref<64xi32, #tpu.memory_space<vmem>>
      %dma_wait3A_177 = tpu.memref_slice %arg3[%mul3A_2] : memref<8192xi32, #tpu.memory_space<hbm>> -> memref<64xi32, #tpu.memory_space<hbm>>
      tpu.wait_dma2 semaphore(%run_scoped3A : memref<!tpu.dma_semaphore, #tpu.memory_space<semaphore_mem>>) src(%dma_wait3A_177 : memref<64xi32, #tpu.memory_space<hbm>>) dst(%dma_wait3A_176 : memref<64xi32, #tpu.memory_space<vmem>>)
      tpu.yield
    }) : () -> ()
    %dma_start3A = arith.constant 0 : i32
    %dma_start3A_3 = arith.constant 0 : i32
    %dma_start3A_4 = tpu.memref_slice %arg6[%dma_start3A, %dma_start3A_3] : memref<128x768xf32, #tpu.memory_space<vmem>> -> memref<64x768xf32, #tpu.memory_space<vmem>>
    %dma_start3A_5 = arith.constant 0 : i32
    %dma_start3A_6 = tpu.memref_slice %arg5[%dma_start3A_5] : memref<128xi32, #tpu.memory_space<vmem>> -> memref<64xi32, #tpu.memory_space<vmem>>
    %dma_start3A_7 = arith.constant 0 : i32
    %dma_start3A_8 = arith.constant 0 : i32
    %dma_start3A_9 = tpu.memref_slice %arg2[%dma_start3A_7, %dma_start3A_8] : memref<32768x768xf32, #tpu.memory_space<hbm>> -> memref<32768x768xf32, #tpu.memory_space<hbm>>
    tpu.enqueue_indirect_dma source(%dma_start3A_9 : memref<32768x768xf32, #tpu.memory_space<hbm>>) target(%dma_start3A_4 : memref<64x768xf32, #tpu.memory_space<vmem>>) offsets(%dma_start3A_6 : memref<64xi32, #tpu.memory_space<vmem>>) semaphore(%arg7 : memref<!tpu.dma_semaphore, #tpu.memory_space<semaphore_mem>>)
    %add3A_10 = arith.constant 0 : i32
    %add3A_11 = arith.addi %mul3A_2, %add3A_10 : i32
    %add3A_12 = arith.constant 64 : i32
    %add3A_13 = arith.addi %add3A_11, %add3A_12 : i32
    "tpu.region"() ({
      %run_scoped3A = tpu.sem_alloc : memref<!tpu.dma_semaphore, #tpu.memory_space<semaphore_mem>>
      %dma_start3A_166 = arith.constant 64 : i32
      %dma_start3A_167 = tpu.memref_slice %arg5[%dma_start3A_166] : memref<128xi32, #tpu.memory_space<vmem>> -> memref<64xi32, #tpu.memory_space<vmem>>
      %dma_start3A_168 = tpu.memref_slice %arg3[%add3A_13] : memref<8192xi32, #tpu.memory_space<hbm>> -> memref<64xi32, #tpu.memory_space<hbm>>
      %dma_start3A_169 = arith.constant 64 : i32
      %dma_start3A_170 = tpu.memref_slice %arg5[%dma_start3A_169] : memref<128xi32, #tpu.memory_space<vmem>> -> memref<64xi32, #tpu.memory_space<vmem>>
      %dma_start3A_171 = tpu.memref_slice %arg3[%add3A_13] : memref<8192xi32, #tpu.memory_space<hbm>> -> memref<64xi32, #tpu.memory_space<hbm>>
      tpu.enqueue_dma source(%dma_start3A_171 : memref<64xi32, #tpu.memory_space<hbm>>) target(%dma_start3A_170 : memref<64xi32, #tpu.memory_space<vmem>>) target_semaphore(%run_scoped3A : memref<!tpu.dma_semaphore, #tpu.memory_space<semaphore_mem>>)
      %dma_wait3A_172 = arith.constant 64 : i32
      %dma_wait3A_173 = tpu.memref_slice %arg5[%dma_wait3A_172] : memref<128xi32, #tpu.memory_space<vmem>> -> memref<64xi32, #tpu.memory_space<vmem>>
      %dma_wait3A_174 = tpu.memref_slice %arg3[%add3A_13] : memref<8192xi32, #tpu.memory_space<hbm>> -> memref<64xi32, #tpu.memory_space<hbm>>
      %dma_wait3A_175 = arith.constant 64 : i32
      %dma_wait3A_176 = tpu.memref_slice %arg5[%dma_wait3A_175] : memref<128xi32, #tpu.memory_space<vmem>> -> memref<64xi32, #tpu.memory_space<vmem>>
      %dma_wait3A_177 = tpu.memref_slice %arg3[%add3A_13] : memref<8192xi32, #tpu.memory_space<hbm>> -> memref<64xi32, #tpu.memory_space<hbm>>
      tpu.wait_dma2 semaphore(%run_scoped3A : memref<!tpu.dma_semaphore, #tpu.memory_space<semaphore_mem>>) src(%dma_wait3A_177 : memref<64xi32, #tpu.memory_space<hbm>>) dst(%dma_wait3A_176 : memref<64xi32, #tpu.memory_space<vmem>>)
      tpu.yield
    }) : () -> ()
    %dma_start3A_14 = arith.constant 64 : i32
    %dma_start3A_15 = arith.constant 0 : i32
    %dma_start3A_16 = tpu.memref_slice %arg6[%dma_start3A_14, %dma_start3A_15] : memref<128x768xf32, #tpu.memory_space<vmem>> -> memref<64x768xf32, #tpu.memory_space<vmem>>
    %dma_start3A_17 = arith.constant 64 : i32
    %dma_start3A_18 = tpu.memref_slice %arg5[%dma_start3A_17] : memref<128xi32, #tpu.memory_space<vmem>> -> memref<64xi32, #tpu.memory_space<vmem>>
    %dma_start3A_19 = arith.constant 0 : i32
    %dma_start3A_20 = arith.constant 0 : i32
    %dma_start3A_21 = tpu.memref_slice %arg2[%dma_start3A_19, %dma_start3A_20] : memref<32768x768xf32, #tpu.memory_space<hbm>> -> memref<32768x768xf32, #tpu.memory_space<hbm>>
    tpu.enqueue_indirect_dma source(%dma_start3A_21 : memref<32768x768xf32, #tpu.memory_space<hbm>>) target(%dma_start3A_16 : memref<64x768xf32, #tpu.memory_space<vmem>>) offsets(%dma_start3A_18 : memref<64xi32, #tpu.memory_space<vmem>>) semaphore(%arg7 : memref<!tpu.dma_semaphore, #tpu.memory_space<semaphore_mem>>)
    %dma_wait3A = arith.constant 0 : i32
    %dma_wait3A_22 = arith.constant 0 : i32
    %dma_wait3A_23 = tpu.memref_slice %arg6[%dma_wait3A, %dma_wait3A_22] : memref<128x768xf32, #tpu.memory_space<vmem>> -> memref<64x768xf32, #tpu.memory_space<vmem>>
    %dma_wait3A_24 = arith.constant 0 : i32
    %dma_wait3A_25 = tpu.memref_slice %arg5[%dma_wait3A_24] : memref<128xi32, #tpu.memory_space<vmem>> -> memref<64xi32, #tpu.memory_space<vmem>>
    %dma_wait3A_26 = arith.constant 0 : i32
    %dma_wait3A_27 = arith.constant 0 : i32
    %dma_wait3A_28 = tpu.memref_slice %arg2[%dma_wait3A_26, %dma_wait3A_27] : memref<32768x768xf32, #tpu.memory_space<hbm>> -> memref<32768x768xf32, #tpu.memory_space<hbm>>
    tpu.wait_indirect_dma semaphore(%arg7 : memref<!tpu.dma_semaphore, #tpu.memory_space<semaphore_mem>>) src(%dma_wait3A_28 : memref<32768x768xf32, #tpu.memory_space<hbm>>) dst(%dma_wait3A_23 : memref<64x768xf32, #tpu.memory_space<vmem>>)
    %dma_start3A_29 = arith.constant 0 : i32
    %dma_start3A_30 = arith.constant 0 : i32
    %dma_start3A_31 = tpu.memref_slice %arg6[%dma_start3A_29, %dma_start3A_30] : memref<128x768xf32, #tpu.memory_space<vmem>> -> memref<64x768xf32, #tpu.memory_space<vmem>>
    %dma_start3A_32 = arith.constant 0 : i32
    %dma_start3A_33 = tpu.memref_slice %arg4[%add3A_11, %dma_start3A_32] : memref<8192x768xf32, #tpu.memory_space<hbm>> -> memref<64x768xf32, #tpu.memory_space<hbm>>
    %dma_start3A_34 = arith.constant 0 : i32
    %dma_start3A_35 = tpu.memref_slice %arg4[%add3A_11, %dma_start3A_34] : memref<8192x768xf32, #tpu.memory_space<hbm>> -> memref<64x768xf32, #tpu.memory_space<hbm>>
    %dma_start3A_36 = arith.constant 0 : i32
    %dma_start3A_37 = arith.constant 0 : i32
    %dma_start3A_38 = tpu.memref_slice %arg6[%dma_start3A_36, %dma_start3A_37] : memref<128x768xf32, #tpu.memory_space<vmem>> -> memref<64x768xf32, #tpu.memory_space<vmem>>
    tpu.enqueue_dma source(%dma_start3A_38 : memref<64x768xf32, #tpu.memory_space<vmem>>) target(%dma_start3A_35 : memref<64x768xf32, #tpu.memory_space<hbm>>) target_semaphore(%arg8 : memref<!tpu.dma_semaphore, #tpu.memory_space<semaphore_mem>>)
    %add3A_39 = arith.constant 64 : i32
    %add3A_40 = arith.addi %mul3A_2, %add3A_39 : i32
    %sub3A = arith.constant 64 : i32
    %sub3A_41 = arith.subi %add3A_40, %sub3A : i32
    %dma_wait3A_42 = arith.constant 0 : i32
    %dma_wait3A_43 = arith.constant 0 : i32
    %dma_wait3A_44 = tpu.memref_slice %arg6[%dma_wait3A_42, %dma_wait3A_43] : memref<128x768xf32, #tpu.memory_space<vmem>> -> memref<64x768xf32, #tpu.memory_space<vmem>>
    %dma_wait3A_45 = arith.constant 0 : i32
    %dma_wait3A_46 = tpu.memref_slice %arg4[%sub3A_41, %dma_wait3A_45] : memref<8192x768xf32, #tpu.memory_space<hbm>> -> memref<64x768xf32, #tpu.memory_space<hbm>>
    %dma_wait3A_47 = arith.constant 0 : i32
    %dma_wait3A_48 = tpu.memref_slice %arg4[%sub3A_41, %dma_wait3A_47] : memref<8192x768xf32, #tpu.memory_space<hbm>> -> memref<64x768xf32, #tpu.memory_space<hbm>>
    %dma_wait3A_49 = arith.constant 0 : i32
    %dma_wait3A_50 = arith.constant 0 : i32
    %dma_wait3A_51 = tpu.memref_slice %arg6[%dma_wait3A_49, %dma_wait3A_50] : memref<128x768xf32, #tpu.memory_space<vmem>> -> memref<64x768xf32, #tpu.memory_space<vmem>>
    tpu.wait_dma2 semaphore(%arg8 : memref<!tpu.dma_semaphore, #tpu.memory_space<semaphore_mem>>) src(%dma_wait3A_51 : memref<64x768xf32, #tpu.memory_space<vmem>>) dst(%dma_wait3A_48 : memref<64x768xf32, #tpu.memory_space<hbm>>)
    %add3A_52 = arith.constant 64 : i32
    %add3A_53 = arith.addi %add3A_40, %add3A_52 : i32
    "tpu.region"() ({
      %run_scoped3A = tpu.sem_alloc : memref<!tpu.dma_semaphore, #tpu.memory_space<semaphore_mem>>
      %dma_start3A_166 = arith.constant 0 : i32
      %dma_start3A_167 = tpu.memref_slice %arg5[%dma_start3A_166] : memref<128xi32, #tpu.memory_space<vmem>> -> memref<64xi32, #tpu.memory_space<vmem>>
      %dma_start3A_168 = tpu.memref_slice %arg3[%add3A_53] : memref<8192xi32, #tpu.memory_space<hbm>> -> memref<64xi32, #tpu.memory_space<hbm>>
      %dma_start3A_169 = arith.constant 0 : i32
      %dma_start3A_170 = tpu.memref_slice %arg5[%dma_start3A_169] : memref<128xi32, #tpu.memory_space<vmem>> -> memref<64xi32, #tpu.memory_space<vmem>>
      %dma_start3A_171 = tpu.memref_slice %arg3[%add3A_53] : memref<8192xi32, #tpu.memory_space<hbm>> -> memref<64xi32, #tpu.memory_space<hbm>>
      tpu.enqueue_dma source(%dma_start3A_171 : memref<64xi32, #tpu.memory_space<hbm>>) target(%dma_start3A_170 : memref<64xi32, #tpu.memory_space<vmem>>) target_semaphore(%run_scoped3A : memref<!tpu.dma_semaphore, #tpu.memory_space<semaphore_mem>>)
      %dma_wait3A_172 = arith.constant 0 : i32
      %dma_wait3A_173 = tpu.memref_slice %arg5[%dma_wait3A_172] : memref<128xi32, #tpu.memory_space<vmem>> -> memref<64xi32, #tpu.memory_space<vmem>>
      %dma_wait3A_174 = tpu.memref_slice %arg3[%add3A_53] : memref<8192xi32, #tpu.memory_space<hbm>> -> memref<64xi32, #tpu.memory_space<hbm>>
      %dma_wait3A_175 = arith.constant 0 : i32
      %dma_wait3A_176 = tpu.memref_slice %arg5[%dma_wait3A_175] : memref<128xi32, #tpu.memory_space<vmem>> -> memref<64xi32, #tpu.memory_space<vmem>>
      %dma_wait3A_177 = tpu.memref_slice %arg3[%add3A_53] : memref<8192xi32, #tpu.memory_space<hbm>> -> memref<64xi32, #tpu.memory_space<hbm>>
      tpu.wait_dma2 semaphore(%run_scoped3A : memref<!tpu.dma_semaphore, #tpu.memory_space<semaphore_mem>>) src(%dma_wait3A_177 : memref<64xi32, #tpu.memory_space<hbm>>) dst(%dma_wait3A_176 : memref<64xi32, #tpu.memory_space<vmem>>)
      tpu.yield
    }) : () -> ()
    %dma_start3A_54 = arith.constant 0 : i32
    %dma_start3A_55 = arith.constant 0 : i32
    %dma_start3A_56 = tpu.memref_slice %arg6[%dma_start3A_54, %dma_start3A_55] : memref<128x768xf32, #tpu.memory_space<vmem>> -> memref<64x768xf32, #tpu.memory_space<vmem>>
    %dma_start3A_57 = arith.constant 0 : i32
    %dma_start3A_58 = tpu.memref_slice %arg5[%dma_start3A_57] : memref<128xi32, #tpu.memory_space<vmem>> -> memref<64xi32, #tpu.memory_space<vmem>>
    %dma_start3A_59 = arith.constant 0 : i32
    %dma_start3A_60 = arith.constant 0 : i32
    %dma_start3A_61 = tpu.memref_slice %arg2[%dma_start3A_59, %dma_start3A_60] : memref<32768x768xf32, #tpu.memory_space<hbm>> -> memref<32768x768xf32, #tpu.memory_space<hbm>>
    tpu.enqueue_indirect_dma source(%dma_start3A_61 : memref<32768x768xf32, #tpu.memory_space<hbm>>) target(%dma_start3A_56 : memref<64x768xf32, #tpu.memory_space<vmem>>) offsets(%dma_start3A_58 : memref<64xi32, #tpu.memory_space<vmem>>) semaphore(%arg7 : memref<!tpu.dma_semaphore, #tpu.memory_space<semaphore_mem>>)
    %dma_wait3A_62 = arith.constant 64 : i32
    %dma_wait3A_63 = arith.constant 0 : i32
    %dma_wait3A_64 = tpu.memref_slice %arg6[%dma_wait3A_62, %dma_wait3A_63] : memref<128x768xf32, #tpu.memory_space<vmem>> -> memref<64x768xf32, #tpu.memory_space<vmem>>
    %dma_wait3A_65 = arith.constant 64 : i32
    %dma_wait3A_66 = tpu.memref_slice %arg5[%dma_wait3A_65] : memref<128xi32, #tpu.memory_space<vmem>> -> memref<64xi32, #tpu.memory_space<vmem>>
    %dma_wait3A_67 = arith.constant 0 : i32
    %dma_wait3A_68 = arith.constant 0 : i32
    %dma_wait3A_69 = tpu.memref_slice %arg2[%dma_wait3A_67, %dma_wait3A_68] : memref<32768x768xf32, #tpu.memory_space<hbm>> -> memref<32768x768xf32, #tpu.memory_space<hbm>>
    tpu.wait_indirect_dma semaphore(%arg7 : memref<!tpu.dma_semaphore, #tpu.memory_space<semaphore_mem>>) src(%dma_wait3A_69 : memref<32768x768xf32, #tpu.memory_space<hbm>>) dst(%dma_wait3A_64 : memref<64x768xf32, #tpu.memory_space<vmem>>)
    %dma_start3A_70 = arith.constant 64 : i32
    %dma_start3A_71 = arith.constant 0 : i32
    %dma_start3A_72 = tpu.memref_slice %arg6[%dma_start3A_70, %dma_start3A_71] : memref<128x768xf32, #tpu.memory_space<vmem>> -> memref<64x768xf32, #tpu.memory_space<vmem>>
    %dma_start3A_73 = arith.constant 0 : i32
    %dma_start3A_74 = tpu.memref_slice %arg4[%add3A_40, %dma_start3A_73] : memref<8192x768xf32, #tpu.memory_space<hbm>> -> memref<64x768xf32, #tpu.memory_space<hbm>>
    %dma_start3A_75 = arith.constant 0 : i32
    %dma_start3A_76 = tpu.memref_slice %arg4[%add3A_40, %dma_start3A_75] : memref<8192x768xf32, #tpu.memory_space<hbm>> -> memref<64x768xf32, #tpu.memory_space<hbm>>
    %dma_start3A_77 = arith.constant 64 : i32
    %dma_start3A_78 = arith.constant 0 : i32
    %dma_start3A_79 = tpu.memref_slice %arg6[%dma_start3A_77, %dma_start3A_78] : memref<128x768xf32, #tpu.memory_space<vmem>> -> memref<64x768xf32, #tpu.memory_space<vmem>>
    tpu.enqueue_dma source(%dma_start3A_79 : memref<64x768xf32, #tpu.memory_space<vmem>>) target(%dma_start3A_76 : memref<64x768xf32, #tpu.memory_space<hbm>>) target_semaphore(%arg8 : memref<!tpu.dma_semaphore, #tpu.memory_space<semaphore_mem>>)
    %add3A_80 = arith.constant 128 : i32
    %add3A_81 = arith.addi %mul3A_2, %add3A_80 : i32
    %sub3A_82 = arith.constant 64 : i32
    %sub3A_83 = arith.subi %add3A_81, %sub3A_82 : i32
    %dma_wait3A_84 = arith.constant 64 : i32
    %dma_wait3A_85 = arith.constant 0 : i32
    %dma_wait3A_86 = tpu.memref_slice %arg6[%dma_wait3A_84, %dma_wait3A_85] : memref<128x768xf32, #tpu.memory_space<vmem>> -> memref<64x768xf32, #tpu.memory_space<vmem>>
    %dma_wait3A_87 = arith.constant 0 : i32
    %dma_wait3A_88 = tpu.memref_slice %arg4[%sub3A_83, %dma_wait3A_87] : memref<8192x768xf32, #tpu.memory_space<hbm>> -> memref<64x768xf32, #tpu.memory_space<hbm>>
    %dma_wait3A_89 = arith.constant 0 : i32
    %dma_wait3A_90 = tpu.memref_slice %arg4[%sub3A_83, %dma_wait3A_89] : memref<8192x768xf32, #tpu.memory_space<hbm>> -> memref<64x768xf32, #tpu.memory_space<hbm>>
    %dma_wait3A_91 = arith.constant 64 : i32
    %dma_wait3A_92 = arith.constant 0 : i32
    %dma_wait3A_93 = tpu.memref_slice %arg6[%dma_wait3A_91, %dma_wait3A_92] : memref<128x768xf32, #tpu.memory_space<vmem>> -> memref<64x768xf32, #tpu.memory_space<vmem>>
    tpu.wait_dma2 semaphore(%arg8 : memref<!tpu.dma_semaphore, #tpu.memory_space<semaphore_mem>>) src(%dma_wait3A_93 : memref<64x768xf32, #tpu.memory_space<vmem>>) dst(%dma_wait3A_90 : memref<64x768xf32, #tpu.memory_space<hbm>>)
    %add3A_94 = arith.constant 64 : i32
    %add3A_95 = arith.addi %add3A_81, %add3A_94 : i32
    "tpu.region"() ({
      %run_scoped3A = tpu.sem_alloc : memref<!tpu.dma_semaphore, #tpu.memory_space<semaphore_mem>>
      %dma_start3A_166 = arith.constant 64 : i32
      %dma_start3A_167 = tpu.memref_slice %arg5[%dma_start3A_166] : memref<128xi32, #tpu.memory_space<vmem>> -> memref<64xi32, #tpu.memory_space<vmem>>
      %dma_start3A_168 = tpu.memref_slice %arg3[%add3A_95] : memref<8192xi32, #tpu.memory_space<hbm>> -> memref<64xi32, #tpu.memory_space<hbm>>
      %dma_start3A_169 = arith.constant 64 : i32
      %dma_start3A_170 = tpu.memref_slice %arg5[%dma_start3A_169] : memref<128xi32, #tpu.memory_space<vmem>> -> memref<64xi32, #tpu.memory_space<vmem>>
      %dma_start3A_171 = tpu.memref_slice %arg3[%add3A_95] : memref<8192xi32, #tpu.memory_space<hbm>> -> memref<64xi32, #tpu.memory_space<hbm>>
      tpu.enqueue_dma source(%dma_start3A_171 : memref<64xi32, #tpu.memory_space<hbm>>) target(%dma_start3A_170 : memref<64xi32, #tpu.memory_space<vmem>>) target_semaphore(%run_scoped3A : memref<!tpu.dma_semaphore, #tpu.memory_space<semaphore_mem>>)
      %dma_wait3A_172 = arith.constant 64 : i32
      %dma_wait3A_173 = tpu.memref_slice %arg5[%dma_wait3A_172] : memref<128xi32, #tpu.memory_space<vmem>> -> memref<64xi32, #tpu.memory_space<vmem>>
      %dma_wait3A_174 = tpu.memref_slice %arg3[%add3A_95] : memref<8192xi32, #tpu.memory_space<hbm>> -> memref<64xi32, #tpu.memory_space<hbm>>
      %dma_wait3A_175 = arith.constant 64 : i32
      %dma_wait3A_176 = tpu.memref_slice %arg5[%dma_wait3A_175] : memref<128xi32, #tpu.memory_space<vmem>> -> memref<64xi32, #tpu.memory_space<vmem>>
      %dma_wait3A_177 = tpu.memref_slice %arg3[%add3A_95] : memref<8192xi32, #tpu.memory_space<hbm>> -> memref<64xi32, #tpu.memory_space<hbm>>
      tpu.wait_dma2 semaphore(%run_scoped3A : memref<!tpu.dma_semaphore, #tpu.memory_space<semaphore_mem>>) src(%dma_wait3A_177 : memref<64xi32, #tpu.memory_space<hbm>>) dst(%dma_wait3A_176 : memref<64xi32, #tpu.memory_space<vmem>>)
      tpu.yield
    }) : () -> ()
    %dma_start3A_96 = arith.constant 64 : i32
    %dma_start3A_97 = arith.constant 0 : i32
    %dma_start3A_98 = tpu.memref_slice %arg6[%dma_start3A_96, %dma_start3A_97] : memref<128x768xf32, #tpu.memory_space<vmem>> -> memref<64x768xf32, #tpu.memory_space<vmem>>
    %dma_start3A_99 = arith.constant 64 : i32
    %dma_start3A_100 = tpu.memref_slice %arg5[%dma_start3A_99] : memref<128xi32, #tpu.memory_space<vmem>> -> memref<64xi32, #tpu.memory_space<vmem>>
    %dma_start3A_101 = arith.constant 0 : i32
    %dma_start3A_102 = arith.constant 0 : i32
    %dma_start3A_103 = tpu.memref_slice %arg2[%dma_start3A_101, %dma_start3A_102] : memref<32768x768xf32, #tpu.memory_space<hbm>> -> memref<32768x768xf32, #tpu.memory_space<hbm>>
    tpu.enqueue_indirect_dma source(%dma_start3A_103 : memref<32768x768xf32, #tpu.memory_space<hbm>>) target(%dma_start3A_98 : memref<64x768xf32, #tpu.memory_space<vmem>>) offsets(%dma_start3A_100 : memref<64xi32, #tpu.memory_space<vmem>>) semaphore(%arg7 : memref<!tpu.dma_semaphore, #tpu.memory_space<semaphore_mem>>)
    %dma_wait3A_104 = arith.constant 0 : i32
    %dma_wait3A_105 = arith.constant 0 : i32
    %dma_wait3A_106 = tpu.memref_slice %arg6[%dma_wait3A_104, %dma_wait3A_105] : memref<128x768xf32, #tpu.memory_space<vmem>> -> memref<64x768xf32, #tpu.memory_space<vmem>>
    %dma_wait3A_107 = arith.constant 0 : i32
    %dma_wait3A_108 = tpu.memref_slice %arg5[%dma_wait3A_107] : memref<128xi32, #tpu.memory_space<vmem>> -> memref<64xi32, #tpu.memory_space<vmem>>
    %dma_wait3A_109 = arith.constant 0 : i32
    %dma_wait3A_110 = arith.constant 0 : i32
    %dma_wait3A_111 = tpu.memref_slice %arg2[%dma_wait3A_109, %dma_wait3A_110] : memref<32768x768xf32, #tpu.memory_space<hbm>> -> memref<32768x768xf32, #tpu.memory_space<hbm>>
    tpu.wait_indirect_dma semaphore(%arg7 : memref<!tpu.dma_semaphore, #tpu.memory_space<semaphore_mem>>) src(%dma_wait3A_111 : memref<32768x768xf32, #tpu.memory_space<hbm>>) dst(%dma_wait3A_106 : memref<64x768xf32, #tpu.memory_space<vmem>>)
    %dma_start3A_112 = arith.constant 0 : i32
    %dma_start3A_113 = arith.constant 0 : i32
    %dma_start3A_114 = tpu.memref_slice %arg6[%dma_start3A_112, %dma_start3A_113] : memref<128x768xf32, #tpu.memory_space<vmem>> -> memref<64x768xf32, #tpu.memory_space<vmem>>
    %dma_start3A_115 = arith.constant 0 : i32
    %dma_start3A_116 = tpu.memref_slice %arg4[%add3A_81, %dma_start3A_115] : memref<8192x768xf32, #tpu.memory_space<hbm>> -> memref<64x768xf32, #tpu.memory_space<hbm>>
    %dma_start3A_117 = arith.constant 0 : i32
    %dma_start3A_118 = tpu.memref_slice %arg4[%add3A_81, %dma_start3A_117] : memref<8192x768xf32, #tpu.memory_space<hbm>> -> memref<64x768xf32, #tpu.memory_space<hbm>>
    %dma_start3A_119 = arith.constant 0 : i32
    %dma_start3A_120 = arith.constant 0 : i32
    %dma_start3A_121 = tpu.memref_slice %arg6[%dma_start3A_119, %dma_start3A_120] : memref<128x768xf32, #tpu.memory_space<vmem>> -> memref<64x768xf32, #tpu.memory_space<vmem>>
    tpu.enqueue_dma source(%dma_start3A_121 : memref<64x768xf32, #tpu.memory_space<vmem>>) target(%dma_start3A_118 : memref<64x768xf32, #tpu.memory_space<hbm>>) target_semaphore(%arg8 : memref<!tpu.dma_semaphore, #tpu.memory_space<semaphore_mem>>)
    %add3A_122 = arith.constant 192 : i32
    %add3A_123 = arith.addi %mul3A_2, %add3A_122 : i32
    %dma_wait3A_124 = arith.constant 64 : i32
    %dma_wait3A_125 = arith.constant 0 : i32
    %dma_wait3A_126 = tpu.memref_slice %arg6[%dma_wait3A_124, %dma_wait3A_125] : memref<128x768xf32, #tpu.memory_space<vmem>> -> memref<64x768xf32, #tpu.memory_space<vmem>>
    %dma_wait3A_127 = arith.constant 64 : i32
    %dma_wait3A_128 = tpu.memref_slice %arg5[%dma_wait3A_127] : memref<128xi32, #tpu.memory_space<vmem>> -> memref<64xi32, #tpu.memory_space<vmem>>
    %dma_wait3A_129 = arith.constant 0 : i32
    %dma_wait3A_130 = arith.constant 0 : i32
    %dma_wait3A_131 = tpu.memref_slice %arg2[%dma_wait3A_129, %dma_wait3A_130] : memref<32768x768xf32, #tpu.memory_space<hbm>> -> memref<32768x768xf32, #tpu.memory_space<hbm>>
    tpu.wait_indirect_dma semaphore(%arg7 : memref<!tpu.dma_semaphore, #tpu.memory_space<semaphore_mem>>) src(%dma_wait3A_131 : memref<32768x768xf32, #tpu.memory_space<hbm>>) dst(%dma_wait3A_126 : memref<64x768xf32, #tpu.memory_space<vmem>>)
    %dma_start3A_132 = arith.constant 64 : i32
    %dma_start3A_133 = arith.constant 0 : i32
    %dma_start3A_134 = tpu.memref_slice %arg6[%dma_start3A_132, %dma_start3A_133] : memref<128x768xf32, #tpu.memory_space<vmem>> -> memref<64x768xf32, #tpu.memory_space<vmem>>
    %dma_start3A_135 = arith.constant 0 : i32
    %dma_start3A_136 = tpu.memref_slice %arg4[%add3A_123, %dma_start3A_135] : memref<8192x768xf32, #tpu.memory_space<hbm>> -> memref<64x768xf32, #tpu.memory_space<hbm>>
    %dma_start3A_137 = arith.constant 0 : i32
    %dma_start3A_138 = tpu.memref_slice %arg4[%add3A_123, %dma_start3A_137] : memref<8192x768xf32, #tpu.memory_space<hbm>> -> memref<64x768xf32, #tpu.memory_space<hbm>>
    %dma_start3A_139 = arith.constant 64 : i32
    %dma_start3A_140 = arith.constant 0 : i32
    %dma_start3A_141 = tpu.memref_slice %arg6[%dma_start3A_139, %dma_start3A_140] : memref<128x768xf32, #tpu.memory_space<vmem>> -> memref<64x768xf32, #tpu.memory_space<vmem>>
    tpu.enqueue_dma source(%dma_start3A_141 : memref<64x768xf32, #tpu.memory_space<vmem>>) target(%dma_start3A_138 : memref<64x768xf32, #tpu.memory_space<hbm>>) target_semaphore(%arg8 : memref<!tpu.dma_semaphore, #tpu.memory_space<semaphore_mem>>)
    %add3A_142 = arith.constant 128 : i32
    %add3A_143 = arith.addi %mul3A_2, %add3A_142 : i32
    %dma_wait3A_144 = arith.constant 0 : i32
    %dma_wait3A_145 = arith.constant 0 : i32
    %dma_wait3A_146 = tpu.memref_slice %arg6[%dma_wait3A_144, %dma_wait3A_145] : memref<128x768xf32, #tpu.memory_space<vmem>> -> memref<64x768xf32, #tpu.memory_space<vmem>>
    %dma_wait3A_147 = arith.constant 0 : i32
    %dma_wait3A_148 = tpu.memref_slice %arg4[%add3A_143, %dma_wait3A_147] : memref<8192x768xf32, #tpu.memory_space<hbm>> -> memref<64x768xf32, #tpu.memory_space<hbm>>
    %dma_wait3A_149 = arith.constant 0 : i32
    %dma_wait3A_150 = tpu.memref_slice %arg4[%add3A_143, %dma_wait3A_149] : memref<8192x768xf32, #tpu.memory_space<hbm>> -> memref<64x768xf32, #tpu.memory_space<hbm>>
    %dma_wait3A_151 = arith.constant 0 : i32
    %dma_wait3A_152 = arith.constant 0 : i32
    %dma_wait3A_153 = tpu.memref_slice %arg6[%dma_wait3A_151, %dma_wait3A_152] : memref<128x768xf32, #tpu.memory_space<vmem>> -> memref<64x768xf32, #tpu.memory_space<vmem>>
    tpu.wait_dma2 semaphore(%arg8 : memref<!tpu.dma_semaphore, #tpu.memory_space<semaphore_mem>>) src(%dma_wait3A_153 : memref<64x768xf32, #tpu.memory_space<vmem>>) dst(%dma_wait3A_150 : memref<64x768xf32, #tpu.memory_space<hbm>>)
    %add3A_154 = arith.constant 192 : i32
    %add3A_155 = arith.addi %mul3A_2, %add3A_154 : i32
    %dma_wait3A_156 = arith.constant 64 : i32
    %dma_wait3A_157 = arith.constant 0 : i32
    %dma_wait3A_158 = tpu.memref_slice %arg6[%dma_wait3A_156, %dma_wait3A_157] : memref<128x768xf32, #tpu.memory_space<vmem>> -> memref<64x768xf32, #tpu.memory_space<vmem>>
    %dma_wait3A_159 = arith.constant 0 : i32
    %dma_wait3A_160 = tpu.memref_slice %arg4[%add3A_155, %dma_wait3A_159] : memref<8192x768xf32, #tpu.memory_space<hbm>> -> memref<64x768xf32, #tpu.memory_space<hbm>>
    %dma_wait3A_161 = arith.constant 0 : i32
    %dma_wait3A_162 = tpu.memref_slice %arg4[%add3A_155, %dma_wait3A_161] : memref<8192x768xf32, #tpu.memory_space<hbm>> -> memref<64x768xf32, #tpu.memory_space<hbm>>
    %dma_wait3A_163 = arith.constant 64 : i32
    %dma_wait3A_164 = arith.constant 0 : i32
    %dma_wait3A_165 = tpu.memref_slice %arg6[%dma_wait3A_163, %dma_wait3A_164] : memref<128x768xf32, #tpu.memory_space<vmem>> -> memref<64x768xf32, #tpu.memory_space<vmem>>
    tpu.wait_dma2 semaphore(%arg8 : memref<!tpu.dma_semaphore, #tpu.memory_space<semaphore_mem>>) src(%dma_wait3A_165 : memref<64x768xf32, #tpu.memory_space<vmem>>) dst(%dma_wait3A_162 : memref<64x768xf32, #tpu.memory_space<hbm>>)
    return
  }
}

#map = affine_map<(d0, d1) -> (0, 0)>
#map1 = affine_map<(d0, d1) -> (0)>
module attributes {stable_mosaic.version = 14 : i64} {
  func.func @k(%arg0: i32, %arg1: i32, %arg2: memref<896x8192xf32, #tpu.memory_space<hbm>>, %arg3: memref<8192xi32, #tpu.memory_space<hbm>>, %arg4: memref<16384xf32, #tpu.memory_space<vmem>>, %arg5: memref<256xf32, #tpu.memory_space<vmem>>, %arg6: memref<256xi32, #tpu.memory_space<vmem>>, %arg7: memref<32xf32, #tpu.memory_space<vmem>>, %arg8: memref<32xi32, #tpu.memory_space<vmem>>, %arg9: memref<304xi32, #tpu.memory_space<vmem>>, %arg10: memref<!tpu.dma_semaphore, #tpu.memory_space<semaphore_mem>>) attributes {dimension_semantics = [#tpu.dimension_semantics<core_parallel>, #tpu.dimension_semantics<subcore_parallel>], iteration_bounds = array<i64: 2, 16>, scalar_prefetch = 0 : i64, scratch_operands = 7 : i64, tpu.core_type = #tpu.core_type<sc_vector_subcore>, window_params = [{transform_indices = #map}, {transform_indices = #map1}]} {
    %mul3A = arith.constant 2 : i32
    %mul3A_0 = arith.muli %arg1, %mul3A : i32
    %add3A = arith.addi %mul3A_0, %arg0 : i32
    %iota3A = tpu.iota {dimensions = array<i32: 0>} : vector<16xi32>
    %broadcast_in_dim3A = arith.constant 0.000000e+00 : f32
    %broadcast_in_dim3A_1 = vector.broadcast %broadcast_in_dim3A : f32 to vector<16xf32>
    %broadcast_in_dim3A_2 = arith.constant 0 : i32
    %broadcast_in_dim3A_3 = vector.broadcast %broadcast_in_dim3A_2 : i32 to vector<16xi32>
    %lt3A = arith.constant 28 : i32
    %lt3A_4 = arith.cmpi slt, %add3A, %lt3A : i32
    %convert_element_type3A = arith.extui %lt3A_4 : i1 to i32
    %cond3A = arith.constant 0xFF800000 : f32
    %cond3A_5 = arith.constant 1073741824 : i32
    %cond3A_6 = arith.constant 0 : i32
    %cond3A_7 = arith.cmpi ne, %convert_element_type3A, %cond3A_6 : i32
    scf.if %cond3A_7 {
      %jit3A = arith.constant 7 : i32
      %div3A = arith.divsi %add3A, %jit3A : i32
      %sign3A = arith.constant 0 : i32
      %sign3A_12 = arith.cmpi sgt, %add3A, %sign3A : i32
      %sign3A_13 = arith.extui %sign3A_12 : i1 to i32
      %sign3A_14 = arith.constant 0 : i32
      %sign3A_15 = arith.cmpi slt, %add3A, %sign3A_14 : i32
      %sign3A_16 = arith.extui %sign3A_15 : i1 to i32
      %sign3A_17 = arith.subi %sign3A_13, %sign3A_16 : i32
      %sign3A_18 = arith.constant 0 : i32
      %sign3A_19 = arith.cmpi sgt, %jit3A, %sign3A_18 : i32
      %sign3A_20 = arith.extui %sign3A_19 : i1 to i32
      %sign3A_21 = arith.constant 0 : i32
      %sign3A_22 = arith.cmpi slt, %jit3A, %sign3A_21 : i32
      %sign3A_23 = arith.extui %sign3A_22 : i1 to i32
      %sign3A_24 = arith.subi %sign3A_20, %sign3A_23 : i32
      %ne3A = arith.cmpi ne, %sign3A_17, %sign3A_24 : i32
      %rem3A = arith.remsi %add3A, %jit3A : i32
      %ne3A_25 = arith.constant 0 : i32
      %ne3A_26 = arith.cmpi ne, %rem3A, %ne3A_25 : i32
      %and3A = arith.andi %ne3A, %ne3A_26 : i1
      %sub3A = arith.constant 1 : i32
      %sub3A_27 = arith.subi %div3A, %sub3A : i32
      %select_n3A = arith.select %and3A, %sub3A_27, %div3A : i32
      %jit3A_28 = arith.constant 7 : i32
      %eq3A_29 = arith.constant 0 : i32
      %eq3A_30 = arith.cmpi eq, %jit3A_28, %eq3A_29 : i32
      %jit3A_31 = arith.constant 1 : i32
      %select_n3A_32 = arith.select %eq3A_30, %jit3A_31, %jit3A_28 : i32
      %rem3A_33 = arith.remsi %add3A, %select_n3A_32 : i32
      %ne3A_34 = arith.constant 0 : i32
      %ne3A_35 = arith.cmpi ne, %rem3A_33, %ne3A_34 : i32
      %lt3A_36 = arith.constant 0 : i32
      %lt3A_37 = arith.cmpi slt, %rem3A_33, %lt3A_36 : i32
      %lt3A_38 = arith.constant 0 : i32
      %lt3A_39 = arith.cmpi slt, %select_n3A_32, %lt3A_38 : i32
      %ne3A_40 = arith.xori %lt3A_37, %lt3A_39 : i1
      %and3A_41 = arith.andi %ne3A_40, %ne3A_35 : i1
      %add3A_42 = arith.addi %rem3A_33, %select_n3A_32 : i32
      %select_n3A_43 = arith.select %and3A_41, %add3A_42, %rem3A_33 : i32
      %mul3A_44 = arith.constant 32 : i32
      %mul3A_45 = arith.muli %select_n3A_43, %mul3A_44 : i32
      %mul3A_46 = arith.constant 224 : i32
      %mul3A_47 = arith.muli %select_n3A, %mul3A_46 : i32
      %add3A_48 = arith.addi %mul3A_47, %mul3A_45 : i32
      %dma_start3A = arith.constant 0 : i32
      %dma_start3A_49 = tpu.memref_slice %arg4[%dma_start3A] : memref<16384xf32, #tpu.memory_space<vmem>> -> memref<8192xf32, #tpu.memory_space<vmem>>
      %dma_start3A_50 = arith.constant 0 : i32
      %dma_start3A_51 = tpu.memref_slice %arg2[%add3A_48, %dma_start3A_50] : memref<896x8192xf32, #tpu.memory_space<hbm>> -> memref<1x8192xf32, #tpu.memory_space<hbm>>
      %dma_start3A_52 = tpu.memref_squeeze %dma_start3A_51 : memref<1x8192xf32, #tpu.memory_space<hbm>> -> memref<8192xf32, #tpu.memory_space<hbm>>
      %dma_start3A_53 = arith.constant 0 : i32
      %dma_start3A_54 = tpu.memref_slice %arg4[%dma_start3A_53] : memref<16384xf32, #tpu.memory_space<vmem>> -> memref<8192xf32, #tpu.memory_space<vmem>>
      %dma_start3A_55 = arith.constant 0 : i32
      %dma_start3A_56 = tpu.memref_slice %arg2[%add3A_48, %dma_start3A_55] : memref<896x8192xf32, #tpu.memory_space<hbm>> -> memref<1x8192xf32, #tpu.memory_space<hbm>>
      %dma_start3A_57 = tpu.memref_squeeze %dma_start3A_56 : memref<1x8192xf32, #tpu.memory_space<hbm>> -> memref<8192xf32, #tpu.memory_space<hbm>>
      tpu.enqueue_dma source(%dma_start3A_57 : memref<8192xf32, #tpu.memory_space<hbm>>) target(%dma_start3A_54 : memref<8192xf32, #tpu.memory_space<vmem>>) target_semaphore(%arg10 : memref<!tpu.dma_semaphore, #tpu.memory_space<semaphore_mem>>)
      %scan3A = arith.constant 0 : i32
      %scan3A_58 = arith.constant 0 : i32
      %scan3A_59 = arith.constant 32 : i32
      %scan3A_60 = arith.addi %scan3A_58, %scan3A_59 : i32
      %scan3A_61 = arith.constant 1 : i32
      scf.for %scan3A_108 = %scan3A_58 to %scan3A_60 step %scan3A_61  : i32 {
        %jit3A_109 = arith.constant 2 : i32
        %eq3A_110 = arith.constant 0 : i32
        %eq3A_111 = arith.cmpi eq, %jit3A_109, %eq3A_110 : i32
        %jit3A_112 = arith.constant 1 : i32
        %select_n3A_113 = arith.select %eq3A_111, %jit3A_112, %jit3A_109 : i32
        %rem3A_114 = arith.remsi %scan3A_108, %select_n3A_113 : i32
        %ne3A_115 = arith.constant 0 : i32
        %ne3A_116 = arith.cmpi ne, %rem3A_114, %ne3A_115 : i32
        %lt3A_117 = arith.constant 0 : i32
        %lt3A_118 = arith.cmpi slt, %rem3A_114, %lt3A_117 : i32
        %lt3A_119 = arith.constant 0 : i32
        %lt3A_120 = arith.cmpi slt, %select_n3A_113, %lt3A_119 : i32
        %ne3A_121 = arith.xori %lt3A_118, %lt3A_120 : i1
        %and3A_122 = arith.andi %ne3A_121, %ne3A_116 : i1
        %add3A_123 = arith.addi %rem3A_114, %select_n3A_113 : i32
        %select_n3A_124 = arith.select %and3A_122, %add3A_123, %rem3A_114 : i32
        %mul3A_125 = arith.constant 8192 : i32
        %mul3A_126 = arith.muli %select_n3A_124, %mul3A_125 : i32
        %add3A_127 = arith.addi %add3A_48, %scan3A_108 : i32
        %dma_wait3A = tpu.memref_slice %arg4[%mul3A_126] : memref<16384xf32, #tpu.memory_space<vmem>> -> memref<8192xf32, #tpu.memory_space<vmem>>
        %dma_wait3A_128 = arith.constant 0 : i32
        %dma_wait3A_129 = tpu.memref_slice %arg2[%add3A_127, %dma_wait3A_128] : memref<896x8192xf32, #tpu.memory_space<hbm>> -> memref<1x8192xf32, #tpu.memory_space<hbm>>
        %dma_wait3A_130 = tpu.memref_squeeze %dma_wait3A_129 : memref<1x8192xf32, #tpu.memory_space<hbm>> -> memref<8192xf32, #tpu.memory_space<hbm>>
        %dma_wait3A_131 = tpu.memref_slice %arg4[%mul3A_126] : memref<16384xf32, #tpu.memory_space<vmem>> -> memref<8192xf32, #tpu.memory_space<vmem>>
        %dma_wait3A_132 = arith.constant 0 : i32
        %dma_wait3A_133 = tpu.memref_slice %arg2[%add3A_127, %dma_wait3A_132] : memref<896x8192xf32, #tpu.memory_space<hbm>> -> memref<1x8192xf32, #tpu.memory_space<hbm>>
        %dma_wait3A_134 = tpu.memref_squeeze %dma_wait3A_133 : memref<1x8192xf32, #tpu.memory_space<hbm>> -> memref<8192xf32, #tpu.memory_space<hbm>>
        tpu.wait_dma2 semaphore(%arg10 : memref<!tpu.dma_semaphore, #tpu.memory_space<semaphore_mem>>) src(%dma_wait3A_134 : memref<8192xf32, #tpu.memory_space<hbm>>) dst(%dma_wait3A_131 : memref<8192xf32, #tpu.memory_space<vmem>>)
        %add3A_135 = arith.constant 1 : i32
        %add3A_136 = arith.addi %scan3A_108, %add3A_135 : i32
        %lt3A_137 = arith.constant 32 : i32
        %lt3A_138 = arith.cmpi slt, %add3A_136, %lt3A_137 : i32
        %convert_element_type3A_139 = arith.extui %lt3A_138 : i1 to i32
        %cond3A_140 = arith.constant 0 : i32
        %cond3A_141 = arith.cmpi ne, %convert_element_type3A_139, %cond3A_140 : i32
        scf.if %cond3A_141 {
          %add3A_165 = arith.addi %add3A_48, %scan3A_108 : i32
          %add3A_166 = arith.constant 1 : i32
          %add3A_167 = arith.addi %add3A_165, %add3A_166 : i32
          %add3A_168 = arith.constant 1 : i32
          %add3A_169 = arith.addi %scan3A_108, %add3A_168 : i32
          %jit3A_170 = arith.constant 2 : i32
          %eq3A_171 = arith.constant 0 : i32
          %eq3A_172 = arith.cmpi eq, %jit3A_170, %eq3A_171 : i32
          %jit3A_173 = arith.constant 1 : i32
          %select_n3A_174 = arith.select %eq3A_172, %jit3A_173, %jit3A_170 : i32
          %rem3A_175 = arith.remsi %add3A_169, %select_n3A_174 : i32
          %ne3A_176 = arith.constant 0 : i32
          %ne3A_177 = arith.cmpi ne, %rem3A_175, %ne3A_176 : i32
          %lt3A_178 = arith.constant 0 : i32
          %lt3A_179 = arith.cmpi slt, %rem3A_175, %lt3A_178 : i32
          %lt3A_180 = arith.constant 0 : i32
          %lt3A_181 = arith.cmpi slt, %select_n3A_174, %lt3A_180 : i32
          %ne3A_182 = arith.xori %lt3A_179, %lt3A_181 : i1
          %and3A_183 = arith.andi %ne3A_182, %ne3A_177 : i1
          %add3A_184 = arith.addi %rem3A_175, %select_n3A_174 : i32
          %select_n3A_185 = arith.select %and3A_183, %add3A_184, %rem3A_175 : i32
          %mul3A_186 = arith.constant 8192 : i32
          %mul3A_187 = arith.muli %select_n3A_185, %mul3A_186 : i32
          %dma_start3A_188 = tpu.memref_slice %arg4[%mul3A_187] : memref<16384xf32, #tpu.memory_space<vmem>> -> memref<8192xf32, #tpu.memory_space<vmem>>
          %dma_start3A_189 = arith.constant 0 : i32
          %dma_start3A_190 = tpu.memref_slice %arg2[%add3A_167, %dma_start3A_189] : memref<896x8192xf32, #tpu.memory_space<hbm>> -> memref<1x8192xf32, #tpu.memory_space<hbm>>
          %dma_start3A_191 = tpu.memref_squeeze %dma_start3A_190 : memref<1x8192xf32, #tpu.memory_space<hbm>> -> memref<8192xf32, #tpu.memory_space<hbm>>
          %dma_start3A_192 = tpu.memref_slice %arg4[%mul3A_187] : memref<16384xf32, #tpu.memory_space<vmem>> -> memref<8192xf32, #tpu.memory_space<vmem>>
          %dma_start3A_193 = arith.constant 0 : i32
          %dma_start3A_194 = tpu.memref_slice %arg2[%add3A_167, %dma_start3A_193] : memref<896x8192xf32, #tpu.memory_space<hbm>> -> memref<1x8192xf32, #tpu.memory_space<hbm>>
          %dma_start3A_195 = tpu.memref_squeeze %dma_start3A_194 : memref<1x8192xf32, #tpu.memory_space<hbm>> -> memref<8192xf32, #tpu.memory_space<hbm>>
          tpu.enqueue_dma source(%dma_start3A_195 : memref<8192xf32, #tpu.memory_space<hbm>>) target(%dma_start3A_192 : memref<8192xf32, #tpu.memory_space<vmem>>) target_semaphore(%arg10 : memref<!tpu.dma_semaphore, #tpu.memory_space<semaphore_mem>>)
        } else {
        }
        %scan3A_142 = arith.constant 0 : i32
        %scan3A_143 = arith.constant 0 : i32
        %scan3A_144 = arith.constant 16 : i32
        %scan3A_145 = arith.addi %scan3A_143, %scan3A_144 : i32
        %scan3A_146 = arith.constant 1 : i32
        scf.for %scan3A_165 = %scan3A_143 to %scan3A_145 step %scan3A_146  : i32 {
          %mul3A_166 = arith.constant 512 : i32
          %mul3A_167 = arith.muli %scan3A_165, %mul3A_166 : i32
          %add3A_168 = arith.addi %mul3A_126, %mul3A_167 : i32
          %get3A = arith.index_cast %add3A_168 : i32 to index
          %get3A_169 = tpu.vector_load %arg4[%get3A] {strides = array<i32>} : memref<16384xf32, #tpu.memory_space<vmem>>, vector<16xf32>,
          %get3A_170 = vector.shape_cast %get3A_169 : vector<16xf32> to vector<16xf32>
          %add3A_171 = vector.broadcast %mul3A_167 : i32 to vector<16xi32>
          %add3A_172 = arith.addi %iota3A, %add3A_171 : vector<16xi32>
          %add3A_173 = arith.addi %mul3A_126, %mul3A_167 : i32
          %add3A_174 = arith.constant 16 : i32
          %add3A_175 = arith.addi %add3A_173, %add3A_174 : i32
          %get3A_176 = arith.index_cast %add3A_175 : i32 to index
          %get3A_177 = tpu.vector_load %arg4[%get3A_176] {strides = array<i32>} : memref<16384xf32, #tpu.memory_space<vmem>>, vector<16xf32>,
          %get3A_178 = vector.shape_cast %get3A_177 : vector<16xf32> to vector<16xf32>
          %gt3A = arith.cmpf ogt, %get3A_178, %get3A_170 : vector<16xf32>
          %select_n3A_179 = arith.select %gt3A, %get3A_178, %get3A_170 : vector<16xi1>, vector<16xf32>
          %add3A_180 = arith.constant 16 : i32
          %add3A_181 = arith.addi %mul3A_167, %add3A_180 : i32
          %add3A_182 = vector.broadcast %add3A_181 : i32 to vector<16xi32>
          %add3A_183 = arith.addi %iota3A, %add3A_182 : vector<16xi32>
          %select_n3A_184 = arith.select %gt3A, %add3A_183, %add3A_172 : vector<16xi1>, vector<16xi32>
          %add3A_185 = arith.addi %mul3A_126, %mul3A_167 : i32
          %add3A_186 = arith.constant 32 : i32
          %add3A_187 = arith.addi %add3A_185, %add3A_186 : i32
          %get3A_188 = arith.index_cast %add3A_187 : i32 to index
          %get3A_189 = tpu.vector_load %arg4[%get3A_188] {strides = array<i32>} : memref<16384xf32, #tpu.memory_space<vmem>>, vector<16xf32>,
          %get3A_190 = vector.shape_cast %get3A_189 : vector<16xf32> to vector<16xf32>
          %gt3A_191 = arith.cmpf ogt, %get3A_190, %select_n3A_179 : vector<16xf32>
          %select_n3A_192 = arith.select %gt3A_191, %get3A_190, %select_n3A_179 : vector<16xi1>, vector<16xf32>
          %add3A_193 = arith.constant 32 : i32
          %add3A_194 = arith.addi %mul3A_167, %add3A_193 : i32
          %add3A_195 = vector.broadcast %add3A_194 : i32 to vector<16xi32>
          %add3A_196 = arith.addi %iota3A, %add3A_195 : vector<16xi32>
          %select_n3A_197 = arith.select %gt3A_191, %add3A_196, %select_n3A_184 : vector<16xi1>, vector<16xi32>
          %add3A_198 = arith.addi %mul3A_126, %mul3A_167 : i32
          %add3A_199 = arith.constant 48 : i32
          %add3A_200 = arith.addi %add3A_198, %add3A_199 : i32
          %get3A_201 = arith.index_cast %add3A_200 : i32 to index
          %get3A_202 = tpu.vector_load %arg4[%get3A_201] {strides = array<i32>} : memref<16384xf32, #tpu.memory_space<vmem>>, vector<16xf32>,
          %get3A_203 = vector.shape_cast %get3A_202 : vector<16xf32> to vector<16xf32>
          %gt3A_204 = arith.cmpf ogt, %get3A_203, %select_n3A_192 : vector<16xf32>
          %select_n3A_205 = arith.select %gt3A_204, %get3A_203, %select_n3A_192 : vector<16xi1>, vector<16xf32>
          %add3A_206 = arith.constant 48 : i32
          %add3A_207 = arith.addi %mul3A_167, %add3A_206 : i32
          %add3A_208 = vector.broadcast %add3A_207 : i32 to vector<16xi32>
          %add3A_209 = arith.addi %iota3A, %add3A_208 : vector<16xi32>
          %select_n3A_210 = arith.select %gt3A_204, %add3A_209, %select_n3A_197 : vector<16xi1>, vector<16xi32>
          %add3A_211 = arith.addi %mul3A_126, %mul3A_167 : i32
          %add3A_212 = arith.constant 64 : i32
          %add3A_213 = arith.addi %add3A_211, %add3A_212 : i32
          %get3A_214 = arith.index_cast %add3A_213 : i32 to index
          %get3A_215 = tpu.vector_load %arg4[%get3A_214] {strides = array<i32>} : memref<16384xf32, #tpu.memory_space<vmem>>, vector<16xf32>,
          %get3A_216 = vector.shape_cast %get3A_215 : vector<16xf32> to vector<16xf32>
          %gt3A_217 = arith.cmpf ogt, %get3A_216, %select_n3A_205 : vector<16xf32>
          %select_n3A_218 = arith.select %gt3A_217, %get3A_216, %select_n3A_205 : vector<16xi1>, vector<16xf32>
          %add3A_219 = arith.constant 64 : i32
          %add3A_220 = arith.addi %mul3A_167, %add3A_219 : i32
          %add3A_221 = vector.broadcast %add3A_220 : i32 to vector<16xi32>
          %add3A_222 = arith.addi %iota3A, %add3A_221 : vector<16xi32>
          %select_n3A_223 = arith.select %gt3A_217, %add3A_222, %select_n3A_210 : vector<16xi1>, vector<16xi32>
          %add3A_224 = arith.addi %mul3A_126, %mul3A_167 : i32
          %add3A_225 = arith.constant 80 : i32
          %add3A_226 = arith.addi %add3A_224, %add3A_225 : i32
          %get3A_227 = arith.index_cast %add3A_226 : i32 to index
          %get3A_228 = tpu.vector_load %arg4[%get3A_227] {strides = array<i32>} : memref<16384xf32, #tpu.memory_space<vmem>>, vector<16xf32>,
          %get3A_229 = vector.shape_cast %get3A_228 : vector<16xf32> to vector<16xf32>
          %gt3A_230 = arith.cmpf ogt, %get3A_229, %select_n3A_218 : vector<16xf32>
          %select_n3A_231 = arith.select %gt3A_230, %get3A_229, %select_n3A_218 : vector<16xi1>, vector<16xf32>
          %add3A_232 = arith.constant 80 : i32
          %add3A_233 = arith.addi %mul3A_167, %add3A_232 : i32
          %add3A_234 = vector.broadcast %add3A_233 : i32 to vector<16xi32>
          %add3A_235 = arith.addi %iota3A, %add3A_234 : vector<16xi32>
          %select_n3A_236 = arith.select %gt3A_230, %add3A_235, %select_n3A_223 : vector<16xi1>, vector<16xi32>
          %add3A_237 = arith.addi %mul3A_126, %mul3A_167 : i32
          %add3A_238 = arith.constant 96 : i32
          %add3A_239 = arith.addi %add3A_237, %add3A_238 : i32
          %get3A_240 = arith.index_cast %add3A_239 : i32 to index
          %get3A_241 = tpu.vector_load %arg4[%get3A_240] {strides = array<i32>} : memref<16384xf32, #tpu.memory_space<vmem>>, vector<16xf32>,
          %get3A_242 = vector.shape_cast %get3A_241 : vector<16xf32> to vector<16xf32>
          %gt3A_243 = arith.cmpf ogt, %get3A_242, %select_n3A_231 : vector<16xf32>
          %select_n3A_244 = arith.select %gt3A_243, %get3A_242, %select_n3A_231 : vector<16xi1>, vector<16xf32>
          %add3A_245 = arith.constant 96 : i32
          %add3A_246 = arith.addi %mul3A_167, %add3A_245 : i32
          %add3A_247 = vector.broadcast %add3A_246 : i32 to vector<16xi32>
          %add3A_248 = arith.addi %iota3A, %add3A_247 : vector<16xi32>
          %select_n3A_249 = arith.select %gt3A_243, %add3A_248, %select_n3A_236 : vector<16xi1>, vector<16xi32>
          %add3A_250 = arith.addi %mul3A_126, %mul3A_167 : i32
          %add3A_251 = arith.constant 112 : i32
          %add3A_252 = arith.addi %add3A_250, %add3A_251 : i32
          %get3A_253 = arith.index_cast %add3A_252 : i32 to index
          %get3A_254 = tpu.vector_load %arg4[%get3A_253] {strides = array<i32>} : memref<16384xf32, #tpu.memory_space<vmem>>, vector<16xf32>,
          %get3A_255 = vector.shape_cast %get3A_254 : vector<16xf32> to vector<16xf32>
          %gt3A_256 = arith.cmpf ogt, %get3A_255, %select_n3A_244 : vector<16xf32>
          %select_n3A_257 = arith.select %gt3A_256, %get3A_255, %select_n3A_244 : vector<16xi1>, vector<16xf32>
          %add3A_258 = arith.constant 112 : i32
          %add3A_259 = arith.addi %mul3A_167, %add3A_258 : i32
          %add3A_260 = vector.broadcast %add3A_259 : i32 to vector<16xi32>
          %add3A_261 = arith.addi %iota3A, %add3A_260 : vector<16xi32>
          %select_n3A_262 = arith.select %gt3A_256, %add3A_261, %select_n3A_249 : vector<16xi1>, vector<16xi32>
          %add3A_263 = arith.addi %mul3A_126, %mul3A_167 : i32
          %add3A_264 = arith.constant 128 : i32
          %add3A_265 = arith.addi %add3A_263, %add3A_264 : i32
          %get3A_266 = arith.index_cast %add3A_265 : i32 to index
          %get3A_267 = tpu.vector_load %arg4[%get3A_266] {strides = array<i32>} : memref<16384xf32, #tpu.memory_space<vmem>>, vector<16xf32>,
          %get3A_268 = vector.shape_cast %get3A_267 : vector<16xf32> to vector<16xf32>
          %gt3A_269 = arith.cmpf ogt, %get3A_268, %select_n3A_257 : vector<16xf32>
          %select_n3A_270 = arith.select %gt3A_269, %get3A_268, %select_n3A_257 : vector<16xi1>, vector<16xf32>
          %add3A_271 = arith.constant 128 : i32
          %add3A_272 = arith.addi %mul3A_167, %add3A_271 : i32
          %add3A_273 = vector.broadcast %add3A_272 : i32 to vector<16xi32>
          %add3A_274 = arith.addi %iota3A, %add3A_273 : vector<16xi32>
          %select_n3A_275 = arith.select %gt3A_269, %add3A_274, %select_n3A_262 : vector<16xi1>, vector<16xi32>
          %add3A_276 = arith.addi %mul3A_126, %mul3A_167 : i32
          %add3A_277 = arith.constant 144 : i32
          %add3A_278 = arith.addi %add3A_276, %add3A_277 : i32
          %get3A_279 = arith.index_cast %add3A_278 : i32 to index
          %get3A_280 = tpu.vector_load %arg4[%get3A_279] {strides = array<i32>} : memref<16384xf32, #tpu.memory_space<vmem>>, vector<16xf32>,
          %get3A_281 = vector.shape_cast %get3A_280 : vector<16xf32> to vector<16xf32>
          %gt3A_282 = arith.cmpf ogt, %get3A_281, %select_n3A_270 : vector<16xf32>
          %select_n3A_283 = arith.select %gt3A_282, %get3A_281, %select_n3A_270 : vector<16xi1>, vector<16xf32>
          %add3A_284 = arith.constant 144 : i32
          %add3A_285 = arith.addi %mul3A_167, %add3A_284 : i32
          %add3A_286 = vector.broadcast %add3A_285 : i32 to vector<16xi32>
          %add3A_287 = arith.addi %iota3A, %add3A_286 : vector<16xi32>
          %select_n3A_288 = arith.select %gt3A_282, %add3A_287, %select_n3A_275 : vector<16xi1>, vector<16xi32>
          %add3A_289 = arith.addi %mul3A_126, %mul3A_167 : i32
          %add3A_290 = arith.constant 160 : i32
          %add3A_291 = arith.addi %add3A_289, %add3A_290 : i32
          %get3A_292 = arith.index_cast %add3A_291 : i32 to index
          %get3A_293 = tpu.vector_load %arg4[%get3A_292] {strides = array<i32>} : memref<16384xf32, #tpu.memory_space<vmem>>, vector<16xf32>,
          %get3A_294 = vector.shape_cast %get3A_293 : vector<16xf32> to vector<16xf32>
          %gt3A_295 = arith.cmpf ogt, %get3A_294, %select_n3A_283 : vector<16xf32>
          %select_n3A_296 = arith.select %gt3A_295, %get3A_294, %select_n3A_283 : vector<16xi1>, vector<16xf32>
          %add3A_297 = arith.constant 160 : i32
          %add3A_298 = arith.addi %mul3A_167, %add3A_297 : i32
          %add3A_299 = vector.broadcast %add3A_298 : i32 to vector<16xi32>
          %add3A_300 = arith.addi %iota3A, %add3A_299 : vector<16xi32>
          %select_n3A_301 = arith.select %gt3A_295, %add3A_300, %select_n3A_288 : vector<16xi1>, vector<16xi32>
          %add3A_302 = arith.addi %mul3A_126, %mul3A_167 : i32
          %add3A_303 = arith.constant 176 : i32
          %add3A_304 = arith.addi %add3A_302, %add3A_303 : i32
          %get3A_305 = arith.index_cast %add3A_304 : i32 to index
          %get3A_306 = tpu.vector_load %arg4[%get3A_305] {strides = array<i32>} : memref<16384xf32, #tpu.memory_space<vmem>>, vector<16xf32>,
          %get3A_307 = vector.shape_cast %get3A_306 : vector<16xf32> to vector<16xf32>
          %gt3A_308 = arith.cmpf ogt, %get3A_307, %select_n3A_296 : vector<16xf32>
          %select_n3A_309 = arith.select %gt3A_308, %get3A_307, %select_n3A_296 : vector<16xi1>, vector<16xf32>
          %add3A_310 = arith.constant 176 : i32
          %add3A_311 = arith.addi %mul3A_167, %add3A_310 : i32
          %add3A_312 = vector.broadcast %add3A_311 : i32 to vector<16xi32>
          %add3A_313 = arith.addi %iota3A, %add3A_312 : vector<16xi32>
          %select_n3A_314 = arith.select %gt3A_308, %add3A_313, %select_n3A_301 : vector<16xi1>, vector<16xi32>
          %add3A_315 = arith.addi %mul3A_126, %mul3A_167 : i32
          %add3A_316 = arith.constant 192 : i32
          %add3A_317 = arith.addi %add3A_315, %add3A_316 : i32
          %get3A_318 = arith.index_cast %add3A_317 : i32 to index
          %get3A_319 = tpu.vector_load %arg4[%get3A_318] {strides = array<i32>} : memref<16384xf32, #tpu.memory_space<vmem>>, vector<16xf32>,
          %get3A_320 = vector.shape_cast %get3A_319 : vector<16xf32> to vector<16xf32>
          %gt3A_321 = arith.cmpf ogt, %get3A_320, %select_n3A_309 : vector<16xf32>
          %select_n3A_322 = arith.select %gt3A_321, %get3A_320, %select_n3A_309 : vector<16xi1>, vector<16xf32>
          %add3A_323 = arith.constant 192 : i32
          %add3A_324 = arith.addi %mul3A_167, %add3A_323 : i32
          %add3A_325 = vector.broadcast %add3A_324 : i32 to vector<16xi32>
          %add3A_326 = arith.addi %iota3A, %add3A_325 : vector<16xi32>
          %select_n3A_327 = arith.select %gt3A_321, %add3A_326, %select_n3A_314 : vector<16xi1>, vector<16xi32>
          %add3A_328 = arith.addi %mul3A_126, %mul3A_167 : i32
          %add3A_329 = arith.constant 208 : i32
          %add3A_330 = arith.addi %add3A_328, %add3A_329 : i32
          %get3A_331 = arith.index_cast %add3A_330 : i32 to index
          %get3A_332 = tpu.vector_load %arg4[%get3A_331] {strides = array<i32>} : memref<16384xf32, #tpu.memory_space<vmem>>, vector<16xf32>,
          %get3A_333 = vector.shape_cast %get3A_332 : vector<16xf32> to vector<16xf32>
          %gt3A_334 = arith.cmpf ogt, %get3A_333, %select_n3A_322 : vector<16xf32>
          %select_n3A_335 = arith.select %gt3A_334, %get3A_333, %select_n3A_322 : vector<16xi1>, vector<16xf32>
          %add3A_336 = arith.constant 208 : i32
          %add3A_337 = arith.addi %mul3A_167, %add3A_336 : i32
          %add3A_338 = vector.broadcast %add3A_337 : i32 to vector<16xi32>
          %add3A_339 = arith.addi %iota3A, %add3A_338 : vector<16xi32>
          %select_n3A_340 = arith.select %gt3A_334, %add3A_339, %select_n3A_327 : vector<16xi1>, vector<16xi32>
          %add3A_341 = arith.addi %mul3A_126, %mul3A_167 : i32
          %add3A_342 = arith.constant 224 : i32
          %add3A_343 = arith.addi %add3A_341, %add3A_342 : i32
          %get3A_344 = arith.index_cast %add3A_343 : i32 to index
          %get3A_345 = tpu.vector_load %arg4[%get3A_344] {strides = array<i32>} : memref<16384xf32, #tpu.memory_space<vmem>>, vector<16xf32>,
          %get3A_346 = vector.shape_cast %get3A_345 : vector<16xf32> to vector<16xf32>
          %gt3A_347 = arith.cmpf ogt, %get3A_346, %select_n3A_335 : vector<16xf32>
          %select_n3A_348 = arith.select %gt3A_347, %get3A_346, %select_n3A_335 : vector<16xi1>, vector<16xf32>
          %add3A_349 = arith.constant 224 : i32
          %add3A_350 = arith.addi %mul3A_167, %add3A_349 : i32
          %add3A_351 = vector.broadcast %add3A_350 : i32 to vector<16xi32>
          %add3A_352 = arith.addi %iota3A, %add3A_351 : vector<16xi32>
          %select_n3A_353 = arith.select %gt3A_347, %add3A_352, %select_n3A_340 : vector<16xi1>, vector<16xi32>
          %add3A_354 = arith.addi %mul3A_126, %mul3A_167 : i32
          %add3A_355 = arith.constant 240 : i32
          %add3A_356 = arith.addi %add3A_354, %add3A_355 : i32
          %get3A_357 = arith.index_cast %add3A_356 : i32 to index
          %get3A_358 = tpu.vector_load %arg4[%get3A_357] {strides = array<i32>} : memref<16384xf32, #tpu.memory_space<vmem>>, vector<16xf32>,
          %get3A_359 = vector.shape_cast %get3A_358 : vector<16xf32> to vector<16xf32>
          %gt3A_360 = arith.cmpf ogt, %get3A_359, %select_n3A_348 : vector<16xf32>
          %select_n3A_361 = arith.select %gt3A_360, %get3A_359, %select_n3A_348 : vector<16xi1>, vector<16xf32>
          %add3A_362 = arith.constant 240 : i32
          %add3A_363 = arith.addi %mul3A_167, %add3A_362 : i32
          %add3A_364 = vector.broadcast %add3A_363 : i32 to vector<16xi32>
          %add3A_365 = arith.addi %iota3A, %add3A_364 : vector<16xi32>
          %select_n3A_366 = arith.select %gt3A_360, %add3A_365, %select_n3A_353 : vector<16xi1>, vector<16xi32>
          %add3A_367 = arith.addi %mul3A_126, %mul3A_167 : i32
          %add3A_368 = arith.constant 256 : i32
          %add3A_369 = arith.addi %add3A_367, %add3A_368 : i32
          %get3A_370 = arith.index_cast %add3A_369 : i32 to index
          %get3A_371 = tpu.vector_load %arg4[%get3A_370] {strides = array<i32>} : memref<16384xf32, #tpu.memory_space<vmem>>, vector<16xf32>,
          %get3A_372 = vector.shape_cast %get3A_371 : vector<16xf32> to vector<16xf32>
          %gt3A_373 = arith.cmpf ogt, %get3A_372, %select_n3A_361 : vector<16xf32>
          %select_n3A_374 = arith.select %gt3A_373, %get3A_372, %select_n3A_361 : vector<16xi1>, vector<16xf32>
          %add3A_375 = arith.constant 256 : i32
          %add3A_376 = arith.addi %mul3A_167, %add3A_375 : i32
          %add3A_377 = vector.broadcast %add3A_376 : i32 to vector<16xi32>
          %add3A_378 = arith.addi %iota3A, %add3A_377 : vector<16xi32>
          %select_n3A_379 = arith.select %gt3A_373, %add3A_378, %select_n3A_366 : vector<16xi1>, vector<16xi32>
          %add3A_380 = arith.addi %mul3A_126, %mul3A_167 : i32
          %add3A_381 = arith.constant 272 : i32
          %add3A_382 = arith.addi %add3A_380, %add3A_381 : i32
          %get3A_383 = arith.index_cast %add3A_382 : i32 to index
          %get3A_384 = tpu.vector_load %arg4[%get3A_383] {strides = array<i32>} : memref<16384xf32, #tpu.memory_space<vmem>>, vector<16xf32>,
          %get3A_385 = vector.shape_cast %get3A_384 : vector<16xf32> to vector<16xf32>
          %gt3A_386 = arith.cmpf ogt, %get3A_385, %select_n3A_374 : vector<16xf32>
          %select_n3A_387 = arith.select %gt3A_386, %get3A_385, %select_n3A_374 : vector<16xi1>, vector<16xf32>
          %add3A_388 = arith.constant 272 : i32
          %add3A_389 = arith.addi %mul3A_167, %add3A_388 : i32
          %add3A_390 = vector.broadcast %add3A_389 : i32 to vector<16xi32>
          %add3A_391 = arith.addi %iota3A, %add3A_390 : vector<16xi32>
          %select_n3A_392 = arith.select %gt3A_386, %add3A_391, %select_n3A_379 : vector<16xi1>, vector<16xi32>
          %add3A_393 = arith.addi %mul3A_126, %mul3A_167 : i32
          %add3A_394 = arith.constant 288 : i32
          %add3A_395 = arith.addi %add3A_393, %add3A_394 : i32
          %get3A_396 = arith.index_cast %add3A_395 : i32 to index
          %get3A_397 = tpu.vector_load %arg4[%get3A_396] {strides = array<i32>} : memref<16384xf32, #tpu.memory_space<vmem>>, vector<16xf32>,
          %get3A_398 = vector.shape_cast %get3A_397 : vector<16xf32> to vector<16xf32>
          %gt3A_399 = arith.cmpf ogt, %get3A_398, %select_n3A_387 : vector<16xf32>
          %select_n3A_400 = arith.select %gt3A_399, %get3A_398, %select_n3A_387 : vector<16xi1>, vector<16xf32>
          %add3A_401 = arith.constant 288 : i32
          %add3A_402 = arith.addi %mul3A_167, %add3A_401 : i32
          %add3A_403 = vector.broadcast %add3A_402 : i32 to vector<16xi32>
          %add3A_404 = arith.addi %iota3A, %add3A_403 : vector<16xi32>
          %select_n3A_405 = arith.select %gt3A_399, %add3A_404, %select_n3A_392 : vector<16xi1>, vector<16xi32>
          %add3A_406 = arith.addi %mul3A_126, %mul3A_167 : i32
          %add3A_407 = arith.constant 304 : i32
          %add3A_408 = arith.addi %add3A_406, %add3A_407 : i32
          %get3A_409 = arith.index_cast %add3A_408 : i32 to index
          %get3A_410 = tpu.vector_load %arg4[%get3A_409] {strides = array<i32>} : memref<16384xf32, #tpu.memory_space<vmem>>, vector<16xf32>,
          %get3A_411 = vector.shape_cast %get3A_410 : vector<16xf32> to vector<16xf32>
          %gt3A_412 = arith.cmpf ogt, %get3A_411, %select_n3A_400 : vector<16xf32>
          %select_n3A_413 = arith.select %gt3A_412, %get3A_411, %select_n3A_400 : vector<16xi1>, vector<16xf32>
          %add3A_414 = arith.constant 304 : i32
          %add3A_415 = arith.addi %mul3A_167, %add3A_414 : i32
          %add3A_416 = vector.broadcast %add3A_415 : i32 to vector<16xi32>
          %add3A_417 = arith.addi %iota3A, %add3A_416 : vector<16xi32>
          %select_n3A_418 = arith.select %gt3A_412, %add3A_417, %select_n3A_405 : vector<16xi1>, vector<16xi32>
          %add3A_419 = arith.addi %mul3A_126, %mul3A_167 : i32
          %add3A_420 = arith.constant 320 : i32
          %add3A_421 = arith.addi %add3A_419, %add3A_420 : i32
          %get3A_422 = arith.index_cast %add3A_421 : i32 to index
          %get3A_423 = tpu.vector_load %arg4[%get3A_422] {strides = array<i32>} : memref<16384xf32, #tpu.memory_space<vmem>>, vector<16xf32>,
          %get3A_424 = vector.shape_cast %get3A_423 : vector<16xf32> to vector<16xf32>
          %gt3A_425 = arith.cmpf ogt, %get3A_424, %select_n3A_413 : vector<16xf32>
          %select_n3A_426 = arith.select %gt3A_425, %get3A_424, %select_n3A_413 : vector<16xi1>, vector<16xf32>
          %add3A_427 = arith.constant 320 : i32
          %add3A_428 = arith.addi %mul3A_167, %add3A_427 : i32
          %add3A_429 = vector.broadcast %add3A_428 : i32 to vector<16xi32>
          %add3A_430 = arith.addi %iota3A, %add3A_429 : vector<16xi32>
          %select_n3A_431 = arith.select %gt3A_425, %add3A_430, %select_n3A_418 : vector<16xi1>, vector<16xi32>
          %add3A_432 = arith.addi %mul3A_126, %mul3A_167 : i32
          %add3A_433 = arith.constant 336 : i32
          %add3A_434 = arith.addi %add3A_432, %add3A_433 : i32
          %get3A_435 = arith.index_cast %add3A_434 : i32 to index
          %get3A_436 = tpu.vector_load %arg4[%get3A_435] {strides = array<i32>} : memref<16384xf32, #tpu.memory_space<vmem>>, vector<16xf32>,
          %get3A_437 = vector.shape_cast %get3A_436 : vector<16xf32> to vector<16xf32>
          %gt3A_438 = arith.cmpf ogt, %get3A_437, %select_n3A_426 : vector<16xf32>
          %select_n3A_439 = arith.select %gt3A_438, %get3A_437, %select_n3A_426 : vector<16xi1>, vector<16xf32>
          %add3A_440 = arith.constant 336 : i32
          %add3A_441 = arith.addi %mul3A_167, %add3A_440 : i32
          %add3A_442 = vector.broadcast %add3A_441 : i32 to vector<16xi32>
          %add3A_443 = arith.addi %iota3A, %add3A_442 : vector<16xi32>
          %select_n3A_444 = arith.select %gt3A_438, %add3A_443, %select_n3A_431 : vector<16xi1>, vector<16xi32>
          %add3A_445 = arith.addi %mul3A_126, %mul3A_167 : i32
          %add3A_446 = arith.constant 352 : i32
          %add3A_447 = arith.addi %add3A_445, %add3A_446 : i32
          %get3A_448 = arith.index_cast %add3A_447 : i32 to index
          %get3A_449 = tpu.vector_load %arg4[%get3A_448] {strides = array<i32>} : memref<16384xf32, #tpu.memory_space<vmem>>, vector<16xf32>,
          %get3A_450 = vector.shape_cast %get3A_449 : vector<16xf32> to vector<16xf32>
          %gt3A_451 = arith.cmpf ogt, %get3A_450, %select_n3A_439 : vector<16xf32>
          %select_n3A_452 = arith.select %gt3A_451, %get3A_450, %select_n3A_439 : vector<16xi1>, vector<16xf32>
          %add3A_453 = arith.constant 352 : i32
          %add3A_454 = arith.addi %mul3A_167, %add3A_453 : i32
          %add3A_455 = vector.broadcast %add3A_454 : i32 to vector<16xi32>
          %add3A_456 = arith.addi %iota3A, %add3A_455 : vector<16xi32>
          %select_n3A_457 = arith.select %gt3A_451, %add3A_456, %select_n3A_444 : vector<16xi1>, vector<16xi32>
          %add3A_458 = arith.addi %mul3A_126, %mul3A_167 : i32
          %add3A_459 = arith.constant 368 : i32
          %add3A_460 = arith.addi %add3A_458, %add3A_459 : i32
          %get3A_461 = arith.index_cast %add3A_460 : i32 to index
          %get3A_462 = tpu.vector_load %arg4[%get3A_461] {strides = array<i32>} : memref<16384xf32, #tpu.memory_space<vmem>>, vector<16xf32>,
          %get3A_463 = vector.shape_cast %get3A_462 : vector<16xf32> to vector<16xf32>
          %gt3A_464 = arith.cmpf ogt, %get3A_463, %select_n3A_452 : vector<16xf32>
          %select_n3A_465 = arith.select %gt3A_464, %get3A_463, %select_n3A_452 : vector<16xi1>, vector<16xf32>
          %add3A_466 = arith.constant 368 : i32
          %add3A_467 = arith.addi %mul3A_167, %add3A_466 : i32
          %add3A_468 = vector.broadcast %add3A_467 : i32 to vector<16xi32>
          %add3A_469 = arith.addi %iota3A, %add3A_468 : vector<16xi32>
          %select_n3A_470 = arith.select %gt3A_464, %add3A_469, %select_n3A_457 : vector<16xi1>, vector<16xi32>
          %add3A_471 = arith.addi %mul3A_126, %mul3A_167 : i32
          %add3A_472 = arith.constant 384 : i32
          %add3A_473 = arith.addi %add3A_471, %add3A_472 : i32
          %get3A_474 = arith.index_cast %add3A_473 : i32 to index
          %get3A_475 = tpu.vector_load %arg4[%get3A_474] {strides = array<i32>} : memref<16384xf32, #tpu.memory_space<vmem>>, vector<16xf32>,
          %get3A_476 = vector.shape_cast %get3A_475 : vector<16xf32> to vector<16xf32>
          %gt3A_477 = arith.cmpf ogt, %get3A_476, %select_n3A_465 : vector<16xf32>
          %select_n3A_478 = arith.select %gt3A_477, %get3A_476, %select_n3A_465 : vector<16xi1>, vector<16xf32>
          %add3A_479 = arith.constant 384 : i32
          %add3A_480 = arith.addi %mul3A_167, %add3A_479 : i32
          %add3A_481 = vector.broadcast %add3A_480 : i32 to vector<16xi32>
          %add3A_482 = arith.addi %iota3A, %add3A_481 : vector<16xi32>
          %select_n3A_483 = arith.select %gt3A_477, %add3A_482, %select_n3A_470 : vector<16xi1>, vector<16xi32>
          %add3A_484 = arith.addi %mul3A_126, %mul3A_167 : i32
          %add3A_485 = arith.constant 400 : i32
          %add3A_486 = arith.addi %add3A_484, %add3A_485 : i32
          %get3A_487 = arith.index_cast %add3A_486 : i32 to index
          %get3A_488 = tpu.vector_load %arg4[%get3A_487] {strides = array<i32>} : memref<16384xf32, #tpu.memory_space<vmem>>, vector<16xf32>,
          %get3A_489 = vector.shape_cast %get3A_488 : vector<16xf32> to vector<16xf32>
          %gt3A_490 = arith.cmpf ogt, %get3A_489, %select_n3A_478 : vector<16xf32>
          %select_n3A_491 = arith.select %gt3A_490, %get3A_489, %select_n3A_478 : vector<16xi1>, vector<16xf32>
          %add3A_492 = arith.constant 400 : i32
          %add3A_493 = arith.addi %mul3A_167, %add3A_492 : i32
          %add3A_494 = vector.broadcast %add3A_493 : i32 to vector<16xi32>
          %add3A_495 = arith.addi %iota3A, %add3A_494 : vector<16xi32>
          %select_n3A_496 = arith.select %gt3A_490, %add3A_495, %select_n3A_483 : vector<16xi1>, vector<16xi32>
          %add3A_497 = arith.addi %mul3A_126, %mul3A_167 : i32
          %add3A_498 = arith.constant 416 : i32
          %add3A_499 = arith.addi %add3A_497, %add3A_498 : i32
          %get3A_500 = arith.index_cast %add3A_499 : i32 to index
          %get3A_501 = tpu.vector_load %arg4[%get3A_500] {strides = array<i32>} : memref<16384xf32, #tpu.memory_space<vmem>>, vector<16xf32>,
          %get3A_502 = vector.shape_cast %get3A_501 : vector<16xf32> to vector<16xf32>
          %gt3A_503 = arith.cmpf ogt, %get3A_502, %select_n3A_491 : vector<16xf32>
          %select_n3A_504 = arith.select %gt3A_503, %get3A_502, %select_n3A_491 : vector<16xi1>, vector<16xf32>
          %add3A_505 = arith.constant 416 : i32
          %add3A_506 = arith.addi %mul3A_167, %add3A_505 : i32
          %add3A_507 = vector.broadcast %add3A_506 : i32 to vector<16xi32>
          %add3A_508 = arith.addi %iota3A, %add3A_507 : vector<16xi32>
          %select_n3A_509 = arith.select %gt3A_503, %add3A_508, %select_n3A_496 : vector<16xi1>, vector<16xi32>
          %add3A_510 = arith.addi %mul3A_126, %mul3A_167 : i32
          %add3A_511 = arith.constant 432 : i32
          %add3A_512 = arith.addi %add3A_510, %add3A_511 : i32
          %get3A_513 = arith.index_cast %add3A_512 : i32 to index
          %get3A_514 = tpu.vector_load %arg4[%get3A_513] {strides = array<i32>} : memref<16384xf32, #tpu.memory_space<vmem>>, vector<16xf32>,
          %get3A_515 = vector.shape_cast %get3A_514 : vector<16xf32> to vector<16xf32>
          %gt3A_516 = arith.cmpf ogt, %get3A_515, %select_n3A_504 : vector<16xf32>
          %select_n3A_517 = arith.select %gt3A_516, %get3A_515, %select_n3A_504 : vector<16xi1>, vector<16xf32>
          %add3A_518 = arith.constant 432 : i32
          %add3A_519 = arith.addi %mul3A_167, %add3A_518 : i32
          %add3A_520 = vector.broadcast %add3A_519 : i32 to vector<16xi32>
          %add3A_521 = arith.addi %iota3A, %add3A_520 : vector<16xi32>
          %select_n3A_522 = arith.select %gt3A_516, %add3A_521, %select_n3A_509 : vector<16xi1>, vector<16xi32>
          %add3A_523 = arith.addi %mul3A_126, %mul3A_167 : i32
          %add3A_524 = arith.constant 448 : i32
          %add3A_525 = arith.addi %add3A_523, %add3A_524 : i32
          %get3A_526 = arith.index_cast %add3A_525 : i32 to index
          %get3A_527 = tpu.vector_load %arg4[%get3A_526] {strides = array<i32>} : memref<16384xf32, #tpu.memory_space<vmem>>, vector<16xf32>,
          %get3A_528 = vector.shape_cast %get3A_527 : vector<16xf32> to vector<16xf32>
          %gt3A_529 = arith.cmpf ogt, %get3A_528, %select_n3A_517 : vector<16xf32>
          %select_n3A_530 = arith.select %gt3A_529, %get3A_528, %select_n3A_517 : vector<16xi1>, vector<16xf32>
          %add3A_531 = arith.constant 448 : i32
          %add3A_532 = arith.addi %mul3A_167, %add3A_531 : i32
          %add3A_533 = vector.broadcast %add3A_532 : i32 to vector<16xi32>
          %add3A_534 = arith.addi %iota3A, %add3A_533 : vector<16xi32>
          %select_n3A_535 = arith.select %gt3A_529, %add3A_534, %select_n3A_522 : vector<16xi1>, vector<16xi32>
          %add3A_536 = arith.addi %mul3A_126, %mul3A_167 : i32
          %add3A_537 = arith.constant 464 : i32
          %add3A_538 = arith.addi %add3A_536, %add3A_537 : i32
          %get3A_539 = arith.index_cast %add3A_538 : i32 to index
          %get3A_540 = tpu.vector_load %arg4[%get3A_539] {strides = array<i32>} : memref<16384xf32, #tpu.memory_space<vmem>>, vector<16xf32>,
          %get3A_541 = vector.shape_cast %get3A_540 : vector<16xf32> to vector<16xf32>
          %gt3A_542 = arith.cmpf ogt, %get3A_541, %select_n3A_530 : vector<16xf32>
          %select_n3A_543 = arith.select %gt3A_542, %get3A_541, %select_n3A_530 : vector<16xi1>, vector<16xf32>
          %add3A_544 = arith.constant 464 : i32
          %add3A_545 = arith.addi %mul3A_167, %add3A_544 : i32
          %add3A_546 = vector.broadcast %add3A_545 : i32 to vector<16xi32>
          %add3A_547 = arith.addi %iota3A, %add3A_546 : vector<16xi32>
          %select_n3A_548 = arith.select %gt3A_542, %add3A_547, %select_n3A_535 : vector<16xi1>, vector<16xi32>
          %add3A_549 = arith.addi %mul3A_126, %mul3A_167 : i32
          %add3A_550 = arith.constant 480 : i32
          %add3A_551 = arith.addi %add3A_549, %add3A_550 : i32
          %get3A_552 = arith.index_cast %add3A_551 : i32 to index
          %get3A_553 = tpu.vector_load %arg4[%get3A_552] {strides = array<i32>} : memref<16384xf32, #tpu.memory_space<vmem>>, vector<16xf32>,
          %get3A_554 = vector.shape_cast %get3A_553 : vector<16xf32> to vector<16xf32>
          %gt3A_555 = arith.cmpf ogt, %get3A_554, %select_n3A_543 : vector<16xf32>
          %select_n3A_556 = arith.select %gt3A_555, %get3A_554, %select_n3A_543 : vector<16xi1>, vector<16xf32>
          %add3A_557 = arith.constant 480 : i32
          %add3A_558 = arith.addi %mul3A_167, %add3A_557 : i32
          %add3A_559 = vector.broadcast %add3A_558 : i32 to vector<16xi32>
          %add3A_560 = arith.addi %iota3A, %add3A_559 : vector<16xi32>
          %select_n3A_561 = arith.select %gt3A_555, %add3A_560, %select_n3A_548 : vector<16xi1>, vector<16xi32>
          %add3A_562 = arith.addi %mul3A_126, %mul3A_167 : i32
          %add3A_563 = arith.constant 496 : i32
          %add3A_564 = arith.addi %add3A_562, %add3A_563 : i32
          %get3A_565 = arith.index_cast %add3A_564 : i32 to index
          %get3A_566 = tpu.vector_load %arg4[%get3A_565] {strides = array<i32>} : memref<16384xf32, #tpu.memory_space<vmem>>, vector<16xf32>,
          %get3A_567 = vector.shape_cast %get3A_566 : vector<16xf32> to vector<16xf32>
          %gt3A_568 = arith.cmpf ogt, %get3A_567, %select_n3A_556 : vector<16xf32>
          %select_n3A_569 = arith.select %gt3A_568, %get3A_567, %select_n3A_556 : vector<16xi1>, vector<16xf32>
          %add3A_570 = arith.constant 496 : i32
          %add3A_571 = arith.addi %mul3A_167, %add3A_570 : i32
          %add3A_572 = vector.broadcast %add3A_571 : i32 to vector<16xi32>
          %add3A_573 = arith.addi %iota3A, %add3A_572 : vector<16xi32>
          %select_n3A_574 = arith.select %gt3A_568, %add3A_573, %select_n3A_561 : vector<16xi1>, vector<16xi32>
          %mul3A_575 = arith.constant 16 : i32
          %mul3A_576 = arith.muli %scan3A_165, %mul3A_575 : i32
          %swap3A_577 = arith.index_cast %mul3A_576 : i32 to index
          %swap3A_578 = tpu.vector_load %arg5[%swap3A_577] {strides = array<i32>} : memref<256xf32, #tpu.memory_space<vmem>>, vector<16xf32>,
          %swap3A_579 = vector.shape_cast %swap3A_578 : vector<16xf32> to vector<16xf32>
          %swap3A_580 = vector.shape_cast %select_n3A_569 : vector<16xf32> to vector<16xf32>
          tpu.vector_store %arg5[%swap3A_577], %swap3A_580 {strides = array<i32>} : memref<256xf32, #tpu.memory_space<vmem>>, vector<16xf32>,
          %mul3A_581 = arith.constant 16 : i32
          %mul3A_582 = arith.muli %scan3A_165, %mul3A_581 : i32
          %swap3A_583 = arith.index_cast %mul3A_582 : i32 to index
          %swap3A_584 = tpu.vector_load %arg6[%swap3A_583] {strides = array<i32>} : memref<256xi32, #tpu.memory_space<vmem>>, vector<16xi32>,
          %swap3A_585 = vector.shape_cast %swap3A_584 : vector<16xi32> to vector<16xi32>
          %swap3A_586 = vector.shape_cast %select_n3A_574 : vector<16xi32> to vector<16xi32>
          tpu.vector_store %arg6[%swap3A_583], %swap3A_586 {strides = array<i32>} : memref<256xi32, #tpu.memory_space<vmem>>, vector<16xi32>,
        }
        %scan3A_147 = arith.constant 16 : i32
        %add3A_148 = vector.broadcast %cond3A : f32 to vector<16xf32>
        %add3A_149 = arith.addf %broadcast_in_dim3A_1, %add3A_148 : vector<16xf32>
        %swap3A = arith.constant 16 : index
        %swap3A_150 = tpu.vector_load %arg7[%swap3A] {strides = array<i32>} : memref<32xf32, #tpu.memory_space<vmem>>, vector<16xf32>,
        %swap3A_151 = vector.shape_cast %swap3A_150 : vector<16xf32> to vector<16xf32>
        %swap3A_152 = vector.shape_cast %add3A_149 : vector<16xf32> to vector<16xf32>
        tpu.vector_store %arg7[%swap3A], %swap3A_152 {strides = array<i32>} : memref<32xf32, #tpu.memory_space<vmem>>, vector<16xf32>,
        %add3A_153 = vector.broadcast %cond3A_5 : i32 to vector<16xi32>
        %add3A_154 = arith.addi %broadcast_in_dim3A_3, %add3A_153 : vector<16xi32>
        %swap3A_155 = arith.constant 16 : index
        %swap3A_156 = tpu.vector_load %arg8[%swap3A_155] {strides = array<i32>} : memref<32xi32, #tpu.memory_space<vmem>>, vector<16xi32>,
        %swap3A_157 = vector.shape_cast %swap3A_156 : vector<16xi32> to vector<16xi32>
        %swap3A_158 = vector.shape_cast %add3A_154 : vector<16xi32> to vector<16xi32>
        tpu.vector_store %arg8[%swap3A_155], %swap3A_158 {strides = array<i32>} : memref<32xi32, #tpu.memory_space<vmem>>, vector<16xi32>,
        %scan3A_159 = arith.constant 0 : i32
        %scan3A_160 = arith.constant 0 : i32
        %scan3A_161 = arith.constant 9 : i32
        %scan3A_162 = arith.addi %scan3A_160, %scan3A_161 : i32
        %scan3A_163 = arith.constant 1 : i32
        scf.for %scan3A_165 = %scan3A_160 to %scan3A_162 step %scan3A_163  : i32 {
          %get3A = arith.constant 0 : index
          %get3A_166 = tpu.vector_load %arg5[%get3A] {strides = array<i32>} : memref<256xf32, #tpu.memory_space<vmem>>, vector<16xf32>,
          %get3A_167 = vector.shape_cast %get3A_166 : vector<16xf32> to vector<16xf32>
          %get3A_168 = arith.constant 0 : index
          %get3A_169 = tpu.vector_load %arg6[%get3A_168] {strides = array<i32>} : memref<256xi32, #tpu.memory_space<vmem>>, vector<16xi32>,
          %get3A_170 = vector.shape_cast %get3A_169 : vector<16xi32> to vector<16xi32>
          %get3A_171 = arith.constant 16 : index
          %get3A_172 = tpu.vector_load %arg5[%get3A_171] {strides = array<i32>} : memref<256xf32, #tpu.memory_space<vmem>>, vector<16xf32>,
          %get3A_173 = vector.shape_cast %get3A_172 : vector<16xf32> to vector<16xf32>
          %get3A_174 = arith.constant 16 : index
          %get3A_175 = tpu.vector_load %arg6[%get3A_174] {strides = array<i32>} : memref<256xi32, #tpu.memory_space<vmem>>, vector<16xi32>,
          %get3A_176 = vector.shape_cast %get3A_175 : vector<16xi32> to vector<16xi32>
          %gt3A = arith.cmpf ogt, %get3A_173, %get3A_167 : vector<16xf32>
          %select_n3A_177 = arith.select %gt3A, %get3A_173, %get3A_167 : vector<16xi1>, vector<16xf32>
          %select_n3A_178 = arith.select %gt3A, %get3A_176, %get3A_170 : vector<16xi1>, vector<16xi32>
          %get3A_179 = arith.constant 32 : index
          %get3A_180 = tpu.vector_load %arg5[%get3A_179] {strides = array<i32>} : memref<256xf32, #tpu.memory_space<vmem>>, vector<16xf32>,
          %get3A_181 = vector.shape_cast %get3A_180 : vector<16xf32> to vector<16xf32>
          %get3A_182 = arith.constant 32 : index
          %get3A_183 = tpu.vector_load %arg6[%get3A_182] {strides = array<i32>} : memref<256xi32, #tpu.memory_space<vmem>>, vector<16xi32>,
          %get3A_184 = vector.shape_cast %get3A_183 : vector<16xi32> to vector<16xi32>
          %gt3A_185 = arith.cmpf ogt, %get3A_181, %select_n3A_177 : vector<16xf32>
          %select_n3A_186 = arith.select %gt3A_185, %get3A_181, %select_n3A_177 : vector<16xi1>, vector<16xf32>
          %select_n3A_187 = arith.select %gt3A_185, %get3A_184, %select_n3A_178 : vector<16xi1>, vector<16xi32>
          %get3A_188 = arith.constant 48 : index
          %get3A_189 = tpu.vector_load %arg5[%get3A_188] {strides = array<i32>} : memref<256xf32, #tpu.memory_space<vmem>>, vector<16xf32>,
          %get3A_190 = vector.shape_cast %get3A_189 : vector<16xf32> to vector<16xf32>
          %get3A_191 = arith.constant 48 : index
          %get3A_192 = tpu.vector_load %arg6[%get3A_191] {strides = array<i32>} : memref<256xi32, #tpu.memory_space<vmem>>, vector<16xi32>,
          %get3A_193 = vector.shape_cast %get3A_192 : vector<16xi32> to vector<16xi32>
          %gt3A_194 = arith.cmpf ogt, %get3A_190, %select_n3A_186 : vector<16xf32>
          %select_n3A_195 = arith.select %gt3A_194, %get3A_190, %select_n3A_186 : vector<16xi1>, vector<16xf32>
          %select_n3A_196 = arith.select %gt3A_194, %get3A_193, %select_n3A_187 : vector<16xi1>, vector<16xi32>
          %get3A_197 = arith.constant 64 : index
          %get3A_198 = tpu.vector_load %arg5[%get3A_197] {strides = array<i32>} : memref<256xf32, #tpu.memory_space<vmem>>, vector<16xf32>,
          %get3A_199 = vector.shape_cast %get3A_198 : vector<16xf32> to vector<16xf32>
          %get3A_200 = arith.constant 64 : index
          %get3A_201 = tpu.vector_load %arg6[%get3A_200] {strides = array<i32>} : memref<256xi32, #tpu.memory_space<vmem>>, vector<16xi32>,
          %get3A_202 = vector.shape_cast %get3A_201 : vector<16xi32> to vector<16xi32>
          %gt3A_203 = arith.cmpf ogt, %get3A_199, %select_n3A_195 : vector<16xf32>
          %select_n3A_204 = arith.select %gt3A_203, %get3A_199, %select_n3A_195 : vector<16xi1>, vector<16xf32>
          %select_n3A_205 = arith.select %gt3A_203, %get3A_202, %select_n3A_196 : vector<16xi1>, vector<16xi32>
          %get3A_206 = arith.constant 80 : index
          %get3A_207 = tpu.vector_load %arg5[%get3A_206] {strides = array<i32>} : memref<256xf32, #tpu.memory_space<vmem>>, vector<16xf32>,
          %get3A_208 = vector.shape_cast %get3A_207 : vector<16xf32> to vector<16xf32>
          %get3A_209 = arith.constant 80 : index
          %get3A_210 = tpu.vector_load %arg6[%get3A_209] {strides = array<i32>} : memref<256xi32, #tpu.memory_space<vmem>>, vector<16xi32>,
          %get3A_211 = vector.shape_cast %get3A_210 : vector<16xi32> to vector<16xi32>
          %gt3A_212 = arith.cmpf ogt, %get3A_208, %select_n3A_204 : vector<16xf32>
          %select_n3A_213 = arith.select %gt3A_212, %get3A_208, %select_n3A_204 : vector<16xi1>, vector<16xf32>
          %select_n3A_214 = arith.select %gt3A_212, %get3A_211, %select_n3A_205 : vector<16xi1>, vector<16xi32>
          %get3A_215 = arith.constant 96 : index
          %get3A_216 = tpu.vector_load %arg5[%get3A_215] {strides = array<i32>} : memref<256xf32, #tpu.memory_space<vmem>>, vector<16xf32>,
          %get3A_217 = vector.shape_cast %get3A_216 : vector<16xf32> to vector<16xf32>
          %get3A_218 = arith.constant 96 : index
          %get3A_219 = tpu.vector_load %arg6[%get3A_218] {strides = array<i32>} : memref<256xi32, #tpu.memory_space<vmem>>, vector<16xi32>,
          %get3A_220 = vector.shape_cast %get3A_219 : vector<16xi32> to vector<16xi32>
          %gt3A_221 = arith.cmpf ogt, %get3A_217, %select_n3A_213 : vector<16xf32>
          %select_n3A_222 = arith.select %gt3A_221, %get3A_217, %select_n3A_213 : vector<16xi1>, vector<16xf32>
          %select_n3A_223 = arith.select %gt3A_221, %get3A_220, %select_n3A_214 : vector<16xi1>, vector<16xi32>
          %get3A_224 = arith.constant 112 : index
          %get3A_225 = tpu.vector_load %arg5[%get3A_224] {strides = array<i32>} : memref<256xf32, #tpu.memory_space<vmem>>, vector<16xf32>,
          %get3A_226 = vector.shape_cast %get3A_225 : vector<16xf32> to vector<16xf32>
          %get3A_227 = arith.constant 112 : index
          %get3A_228 = tpu.vector_load %arg6[%get3A_227] {strides = array<i32>} : memref<256xi32, #tpu.memory_space<vmem>>, vector<16xi32>,
          %get3A_229 = vector.shape_cast %get3A_228 : vector<16xi32> to vector<16xi32>
          %gt3A_230 = arith.cmpf ogt, %get3A_226, %select_n3A_222 : vector<16xf32>
          %select_n3A_231 = arith.select %gt3A_230, %get3A_226, %select_n3A_222 : vector<16xi1>, vector<16xf32>
          %select_n3A_232 = arith.select %gt3A_230, %get3A_229, %select_n3A_223 : vector<16xi1>, vector<16xi32>
          %get3A_233 = arith.constant 128 : index
          %get3A_234 = tpu.vector_load %arg5[%get3A_233] {strides = array<i32>} : memref<256xf32, #tpu.memory_space<vmem>>, vector<16xf32>,
          %get3A_235 = vector.shape_cast %get3A_234 : vector<16xf32> to vector<16xf32>
          %get3A_236 = arith.constant 128 : index
          %get3A_237 = tpu.vector_load %arg6[%get3A_236] {strides = array<i32>} : memref<256xi32, #tpu.memory_space<vmem>>, vector<16xi32>,
          %get3A_238 = vector.shape_cast %get3A_237 : vector<16xi32> to vector<16xi32>
          %gt3A_239 = arith.cmpf ogt, %get3A_235, %select_n3A_231 : vector<16xf32>
          %select_n3A_240 = arith.select %gt3A_239, %get3A_235, %select_n3A_231 : vector<16xi1>, vector<16xf32>
          %select_n3A_241 = arith.select %gt3A_239, %get3A_238, %select_n3A_232 : vector<16xi1>, vector<16xi32>
          %get3A_242 = arith.constant 144 : index
          %get3A_243 = tpu.vector_load %arg5[%get3A_242] {strides = array<i32>} : memref<256xf32, #tpu.memory_space<vmem>>, vector<16xf32>,
          %get3A_244 = vector.shape_cast %get3A_243 : vector<16xf32> to vector<16xf32>
          %get3A_245 = arith.constant 144 : index
          %get3A_246 = tpu.vector_load %arg6[%get3A_245] {strides = array<i32>} : memref<256xi32, #tpu.memory_space<vmem>>, vector<16xi32>,
          %get3A_247 = vector.shape_cast %get3A_246 : vector<16xi32> to vector<16xi32>
          %gt3A_248 = arith.cmpf ogt, %get3A_244, %select_n3A_240 : vector<16xf32>
          %select_n3A_249 = arith.select %gt3A_248, %get3A_244, %select_n3A_240 : vector<16xi1>, vector<16xf32>
          %select_n3A_250 = arith.select %gt3A_248, %get3A_247, %select_n3A_241 : vector<16xi1>, vector<16xi32>
          %get3A_251 = arith.constant 160 : index
          %get3A_252 = tpu.vector_load %arg5[%get3A_251] {strides = array<i32>} : memref<256xf32, #tpu.memory_space<vmem>>, vector<16xf32>,
          %get3A_253 = vector.shape_cast %get3A_252 : vector<16xf32> to vector<16xf32>
          %get3A_254 = arith.constant 160 : index
          %get3A_255 = tpu.vector_load %arg6[%get3A_254] {strides = array<i32>} : memref<256xi32, #tpu.memory_space<vmem>>, vector<16xi32>,
          %get3A_256 = vector.shape_cast %get3A_255 : vector<16xi32> to vector<16xi32>
          %gt3A_257 = arith.cmpf ogt, %get3A_253, %select_n3A_249 : vector<16xf32>
          %select_n3A_258 = arith.select %gt3A_257, %get3A_253, %select_n3A_249 : vector<16xi1>, vector<16xf32>
          %select_n3A_259 = arith.select %gt3A_257, %get3A_256, %select_n3A_250 : vector<16xi1>, vector<16xi32>
          %get3A_260 = arith.constant 176 : index
          %get3A_261 = tpu.vector_load %arg5[%get3A_260] {strides = array<i32>} : memref<256xf32, #tpu.memory_space<vmem>>, vector<16xf32>,
          %get3A_262 = vector.shape_cast %get3A_261 : vector<16xf32> to vector<16xf32>
          %get3A_263 = arith.constant 176 : index
          %get3A_264 = tpu.vector_load %arg6[%get3A_263] {strides = array<i32>} : memref<256xi32, #tpu.memory_space<vmem>>, vector<16xi32>,
          %get3A_265 = vector.shape_cast %get3A_264 : vector<16xi32> to vector<16xi32>
          %gt3A_266 = arith.cmpf ogt, %get3A_262, %select_n3A_258 : vector<16xf32>
          %select_n3A_267 = arith.select %gt3A_266, %get3A_262, %select_n3A_258 : vector<16xi1>, vector<16xf32>
          %select_n3A_268 = arith.select %gt3A_266, %get3A_265, %select_n3A_259 : vector<16xi1>, vector<16xi32>
          %get3A_269 = arith.constant 192 : index
          %get3A_270 = tpu.vector_load %arg5[%get3A_269] {strides = array<i32>} : memref<256xf32, #tpu.memory_space<vmem>>, vector<16xf32>,
          %get3A_271 = vector.shape_cast %get3A_270 : vector<16xf32> to vector<16xf32>
          %get3A_272 = arith.constant 192 : index
          %get3A_273 = tpu.vector_load %arg6[%get3A_272] {strides = array<i32>} : memref<256xi32, #tpu.memory_space<vmem>>, vector<16xi32>,
          %get3A_274 = vector.shape_cast %get3A_273 : vector<16xi32> to vector<16xi32>
          %gt3A_275 = arith.cmpf ogt, %get3A_271, %select_n3A_267 : vector<16xf32>
          %select_n3A_276 = arith.select %gt3A_275, %get3A_271, %select_n3A_267 : vector<16xi1>, vector<16xf32>
          %select_n3A_277 = arith.select %gt3A_275, %get3A_274, %select_n3A_268 : vector<16xi1>, vector<16xi32>
          %get3A_278 = arith.constant 208 : index
          %get3A_279 = tpu.vector_load %arg5[%get3A_278] {strides = array<i32>} : memref<256xf32, #tpu.memory_space<vmem>>, vector<16xf32>,
          %get3A_280 = vector.shape_cast %get3A_279 : vector<16xf32> to vector<16xf32>
          %get3A_281 = arith.constant 208 : index
          %get3A_282 = tpu.vector_load %arg6[%get3A_281] {strides = array<i32>} : memref<256xi32, #tpu.memory_space<vmem>>, vector<16xi32>,
          %get3A_283 = vector.shape_cast %get3A_282 : vector<16xi32> to vector<16xi32>
          %gt3A_284 = arith.cmpf ogt, %get3A_280, %select_n3A_276 : vector<16xf32>
          %select_n3A_285 = arith.select %gt3A_284, %get3A_280, %select_n3A_276 : vector<16xi1>, vector<16xf32>
          %select_n3A_286 = arith.select %gt3A_284, %get3A_283, %select_n3A_277 : vector<16xi1>, vector<16xi32>
          %get3A_287 = arith.constant 224 : index
          %get3A_288 = tpu.vector_load %arg5[%get3A_287] {strides = array<i32>} : memref<256xf32, #tpu.memory_space<vmem>>, vector<16xf32>,
          %get3A_289 = vector.shape_cast %get3A_288 : vector<16xf32> to vector<16xf32>
          %get3A_290 = arith.constant 224 : index
          %get3A_291 = tpu.vector_load %arg6[%get3A_290] {strides = array<i32>} : memref<256xi32, #tpu.memory_space<vmem>>, vector<16xi32>,
          %get3A_292 = vector.shape_cast %get3A_291 : vector<16xi32> to vector<16xi32>
          %gt3A_293 = arith.cmpf ogt, %get3A_289, %select_n3A_285 : vector<16xf32>
          %select_n3A_294 = arith.select %gt3A_293, %get3A_289, %select_n3A_285 : vector<16xi1>, vector<16xf32>
          %select_n3A_295 = arith.select %gt3A_293, %get3A_292, %select_n3A_286 : vector<16xi1>, vector<16xi32>
          %get3A_296 = arith.constant 240 : index
          %get3A_297 = tpu.vector_load %arg5[%get3A_296] {strides = array<i32>} : memref<256xf32, #tpu.memory_space<vmem>>, vector<16xf32>,
          %get3A_298 = vector.shape_cast %get3A_297 : vector<16xf32> to vector<16xf32>
          %get3A_299 = arith.constant 240 : index
          %get3A_300 = tpu.vector_load %arg6[%get3A_299] {strides = array<i32>} : memref<256xi32, #tpu.memory_space<vmem>>, vector<16xi32>,
          %get3A_301 = vector.shape_cast %get3A_300 : vector<16xi32> to vector<16xi32>
          %gt3A_302 = arith.cmpf ogt, %get3A_298, %select_n3A_294 : vector<16xf32>
          %select_n3A_303 = arith.select %gt3A_302, %get3A_298, %select_n3A_294 : vector<16xi1>, vector<16xf32>
          %select_n3A_304 = arith.select %gt3A_302, %get3A_301, %select_n3A_295 : vector<16xi1>, vector<16xi32>
          %swap3A_305 = arith.constant 0 : index
          %swap3A_306 = tpu.vector_load %arg7[%swap3A_305] {strides = array<i32>} : memref<32xf32, #tpu.memory_space<vmem>>, vector<16xf32>,
          %swap3A_307 = vector.shape_cast %swap3A_306 : vector<16xf32> to vector<16xf32>
          %swap3A_308 = vector.shape_cast %select_n3A_303 : vector<16xf32> to vector<16xf32>
          tpu.vector_store %arg7[%swap3A_305], %swap3A_308 {strides = array<i32>} : memref<32xf32, #tpu.memory_space<vmem>>, vector<16xf32>,
          %swap3A_309 = arith.constant 0 : index
          %swap3A_310 = tpu.vector_load %arg8[%swap3A_309] {strides = array<i32>} : memref<32xi32, #tpu.memory_space<vmem>>, vector<16xi32>,
          %swap3A_311 = vector.shape_cast %swap3A_310 : vector<16xi32> to vector<16xi32>
          %swap3A_312 = vector.shape_cast %select_n3A_304 : vector<16xi32> to vector<16xi32>
          tpu.vector_store %arg8[%swap3A_309], %swap3A_312 {strides = array<i32>} : memref<32xi32, #tpu.memory_space<vmem>>, vector<16xi32>,
          %get3A_313 = arith.constant 0 : index
          %get3A_314 = tpu.vector_load %arg7[%get3A_313] {strides = array<i32>} : memref<32xf32, #tpu.memory_space<vmem>>, vector<16xf32>,
          %get3A_315 = vector.shape_cast %get3A_314 : vector<16xf32> to vector<16xf32>
          %get3A_316 = arith.constant 8 : index
          %get3A_317 = tpu.vector_load %arg7[%get3A_316] {strides = array<i32>} : memref<32xf32, #tpu.memory_space<vmem>>, vector<16xf32>,
          %get3A_318 = vector.shape_cast %get3A_317 : vector<16xf32> to vector<16xf32>
          %get3A_319 = arith.constant 0 : index
          %get3A_320 = tpu.vector_load %arg8[%get3A_319] {strides = array<i32>} : memref<32xi32, #tpu.memory_space<vmem>>, vector<16xi32>,
          %get3A_321 = vector.shape_cast %get3A_320 : vector<16xi32> to vector<16xi32>
          %get3A_322 = arith.constant 8 : index
          %get3A_323 = tpu.vector_load %arg8[%get3A_322] {strides = array<i32>} : memref<32xi32, #tpu.memory_space<vmem>>, vector<16xi32>,
          %get3A_324 = vector.shape_cast %get3A_323 : vector<16xi32> to vector<16xi32>
          %gt3A_325 = arith.cmpf ogt, %get3A_318, %get3A_315 : vector<16xf32>
          %eq3A_326 = arith.cmpf oeq, %get3A_318, %get3A_315 : vector<16xf32>
          %lt3A_327 = arith.cmpi slt, %get3A_324, %get3A_321 : vector<16xi32>
          %and3A_328 = arith.andi %eq3A_326, %lt3A_327 : vector<16xi1>
          %or3A = arith.ori %gt3A_325, %and3A_328 : vector<16xi1>
          %select_n3A_329 = arith.select %or3A, %get3A_318, %get3A_315 : vector<16xi1>, vector<16xf32>
          %swap3A_330 = arith.constant 0 : index
          %swap3A_331 = tpu.vector_load %arg7[%swap3A_330] {strides = array<i32>} : memref<32xf32, #tpu.memory_space<vmem>>, vector<16xf32>,
          %swap3A_332 = vector.shape_cast %swap3A_331 : vector<16xf32> to vector<16xf32>
          %swap3A_333 = vector.shape_cast %select_n3A_329 : vector<16xf32> to vector<16xf32>
          tpu.vector_store %arg7[%swap3A_330], %swap3A_333 {strides = array<i32>} : memref<32xf32, #tpu.memory_space<vmem>>, vector<16xf32>,
          %select_n3A_334 = arith.select %or3A, %get3A_324, %get3A_321 : vector<16xi1>, vector<16xi32>
          %swap3A_335 = arith.constant 0 : index
          %swap3A_336 = tpu.vector_load %arg8[%swap3A_335] {strides = array<i32>} : memref<32xi32, #tpu.memory_space<vmem>>, vector<16xi32>,
          %swap3A_337 = vector.shape_cast %swap3A_336 : vector<16xi32> to vector<16xi32>
          %swap3A_338 = vector.shape_cast %select_n3A_334 : vector<16xi32> to vector<16xi32>
          tpu.vector_store %arg8[%swap3A_335], %swap3A_338 {strides = array<i32>} : memref<32xi32, #tpu.memory_space<vmem>>, vector<16xi32>,
          %get3A_339 = arith.constant 0 : index
          %get3A_340 = tpu.vector_load %arg7[%get3A_339] {strides = array<i32>} : memref<32xf32, #tpu.memory_space<vmem>>, vector<16xf32>,
          %get3A_341 = vector.shape_cast %get3A_340 : vector<16xf32> to vector<16xf32>
          %get3A_342 = arith.constant 4 : index
          %get3A_343 = tpu.vector_load %arg7[%get3A_342] {strides = array<i32>} : memref<32xf32, #tpu.memory_space<vmem>>, vector<16xf32>,
          %get3A_344 = vector.shape_cast %get3A_343 : vector<16xf32> to vector<16xf32>
          %get3A_345 = arith.constant 0 : index
          %get3A_346 = tpu.vector_load %arg8[%get3A_345] {strides = array<i32>} : memref<32xi32, #tpu.memory_space<vmem>>, vector<16xi32>,
          %get3A_347 = vector.shape_cast %get3A_346 : vector<16xi32> to vector<16xi32>
          %get3A_348 = arith.constant 4 : index
          %get3A_349 = tpu.vector_load %arg8[%get3A_348] {strides = array<i32>} : memref<32xi32, #tpu.memory_space<vmem>>, vector<16xi32>,
          %get3A_350 = vector.shape_cast %get3A_349 : vector<16xi32> to vector<16xi32>
          %gt3A_351 = arith.cmpf ogt, %get3A_344, %get3A_341 : vector<16xf32>
          %eq3A_352 = arith.cmpf oeq, %get3A_344, %get3A_341 : vector<16xf32>
          %lt3A_353 = arith.cmpi slt, %get3A_350, %get3A_347 : vector<16xi32>
          %and3A_354 = arith.andi %eq3A_352, %lt3A_353 : vector<16xi1>
          %or3A_355 = arith.ori %gt3A_351, %and3A_354 : vector<16xi1>
          %select_n3A_356 = arith.select %or3A_355, %get3A_344, %get3A_341 : vector<16xi1>, vector<16xf32>
          %swap3A_357 = arith.constant 0 : index
          %swap3A_358 = tpu.vector_load %arg7[%swap3A_357] {strides = array<i32>} : memref<32xf32, #tpu.memory_space<vmem>>, vector<16xf32>,
          %swap3A_359 = vector.shape_cast %swap3A_358 : vector<16xf32> to vector<16xf32>
          %swap3A_360 = vector.shape_cast %select_n3A_356 : vector<16xf32> to vector<16xf32>
          tpu.vector_store %arg7[%swap3A_357], %swap3A_360 {strides = array<i32>} : memref<32xf32, #tpu.memory_space<vmem>>, vector<16xf32>,
          %select_n3A_361 = arith.select %or3A_355, %get3A_350, %get3A_347 : vector<16xi1>, vector<16xi32>
          %swap3A_362 = arith.constant 0 : index
          %swap3A_363 = tpu.vector_load %arg8[%swap3A_362] {strides = array<i32>} : memref<32xi32, #tpu.memory_space<vmem>>, vector<16xi32>,
          %swap3A_364 = vector.shape_cast %swap3A_363 : vector<16xi32> to vector<16xi32>
          %swap3A_365 = vector.shape_cast %select_n3A_361 : vector<16xi32> to vector<16xi32>
          tpu.vector_store %arg8[%swap3A_362], %swap3A_365 {strides = array<i32>} : memref<32xi32, #tpu.memory_space<vmem>>, vector<16xi32>,
          %get3A_366 = arith.constant 0 : index
          %get3A_367 = tpu.vector_load %arg7[%get3A_366] {strides = array<i32>} : memref<32xf32, #tpu.memory_space<vmem>>, vector<16xf32>,
          %get3A_368 = vector.shape_cast %get3A_367 : vector<16xf32> to vector<16xf32>
          %get3A_369 = arith.constant 2 : index
          %get3A_370 = tpu.vector_load %arg7[%get3A_369] {strides = array<i32>} : memref<32xf32, #tpu.memory_space<vmem>>, vector<16xf32>,
          %get3A_371 = vector.shape_cast %get3A_370 : vector<16xf32> to vector<16xf32>
          %get3A_372 = arith.constant 0 : index
          %get3A_373 = tpu.vector_load %arg8[%get3A_372] {strides = array<i32>} : memref<32xi32, #tpu.memory_space<vmem>>, vector<16xi32>,
          %get3A_374 = vector.shape_cast %get3A_373 : vector<16xi32> to vector<16xi32>
          %get3A_375 = arith.constant 2 : index
          %get3A_376 = tpu.vector_load %arg8[%get3A_375] {strides = array<i32>} : memref<32xi32, #tpu.memory_space<vmem>>, vector<16xi32>,
          %get3A_377 = vector.shape_cast %get3A_376 : vector<16xi32> to vector<16xi32>
          %gt3A_378 = arith.cmpf ogt, %get3A_371, %get3A_368 : vector<16xf32>
          %eq3A_379 = arith.cmpf oeq, %get3A_371, %get3A_368 : vector<16xf32>
          %lt3A_380 = arith.cmpi slt, %get3A_377, %get3A_374 : vector<16xi32>
          %and3A_381 = arith.andi %eq3A_379, %lt3A_380 : vector<16xi1>
          %or3A_382 = arith.ori %gt3A_378, %and3A_381 : vector<16xi1>
          %select_n3A_383 = arith.select %or3A_382, %get3A_371, %get3A_368 : vector<16xi1>, vector<16xf32>
          %swap3A_384 = arith.constant 0 : index
          %swap3A_385 = tpu.vector_load %arg7[%swap3A_384] {strides = array<i32>} : memref<32xf32, #tpu.memory_space<vmem>>, vector<16xf32>,
          %swap3A_386 = vector.shape_cast %swap3A_385 : vector<16xf32> to vector<16xf32>
          %swap3A_387 = vector.shape_cast %select_n3A_383 : vector<16xf32> to vector<16xf32>
          tpu.vector_store %arg7[%swap3A_384], %swap3A_387 {strides = array<i32>} : memref<32xf32, #tpu.memory_space<vmem>>, vector<16xf32>,
          %select_n3A_388 = arith.select %or3A_382, %get3A_377, %get3A_374 : vector<16xi1>, vector<16xi32>
          %swap3A_389 = arith.constant 0 : index
          %swap3A_390 = tpu.vector_load %arg8[%swap3A_389] {strides = array<i32>} : memref<32xi32, #tpu.memory_space<vmem>>, vector<16xi32>,
          %swap3A_391 = vector.shape_cast %swap3A_390 : vector<16xi32> to vector<16xi32>
          %swap3A_392 = vector.shape_cast %select_n3A_388 : vector<16xi32> to vector<16xi32>
          tpu.vector_store %arg8[%swap3A_389], %swap3A_392 {strides = array<i32>} : memref<32xi32, #tpu.memory_space<vmem>>, vector<16xi32>,
          %get3A_393 = arith.constant 0 : index
          %get3A_394 = tpu.vector_load %arg7[%get3A_393] {strides = array<i32>} : memref<32xf32, #tpu.memory_space<vmem>>, vector<16xf32>,
          %get3A_395 = vector.shape_cast %get3A_394 : vector<16xf32> to vector<16xf32>
          %get3A_396 = arith.constant 1 : index
          %get3A_397 = tpu.vector_load %arg7[%get3A_396] {strides = array<i32>} : memref<32xf32, #tpu.memory_space<vmem>>, vector<16xf32>,
          %get3A_398 = vector.shape_cast %get3A_397 : vector<16xf32> to vector<16xf32>
          %get3A_399 = arith.constant 0 : index
          %get3A_400 = tpu.vector_load %arg8[%get3A_399] {strides = array<i32>} : memref<32xi32, #tpu.memory_space<vmem>>, vector<16xi32>,
          %get3A_401 = vector.shape_cast %get3A_400 : vector<16xi32> to vector<16xi32>
          %get3A_402 = arith.constant 1 : index
          %get3A_403 = tpu.vector_load %arg8[%get3A_402] {strides = array<i32>} : memref<32xi32, #tpu.memory_space<vmem>>, vector<16xi32>,
          %get3A_404 = vector.shape_cast %get3A_403 : vector<16xi32> to vector<16xi32>
          %gt3A_405 = arith.cmpf ogt, %get3A_398, %get3A_395 : vector<16xf32>
          %eq3A_406 = arith.cmpf oeq, %get3A_398, %get3A_395 : vector<16xf32>
          %lt3A_407 = arith.cmpi slt, %get3A_404, %get3A_401 : vector<16xi32>
          %and3A_408 = arith.andi %eq3A_406, %lt3A_407 : vector<16xi1>
          %or3A_409 = arith.ori %gt3A_405, %and3A_408 : vector<16xi1>
          %select_n3A_410 = arith.select %or3A_409, %get3A_398, %get3A_395 : vector<16xi1>, vector<16xf32>
          %swap3A_411 = arith.constant 0 : index
          %swap3A_412 = tpu.vector_load %arg7[%swap3A_411] {strides = array<i32>} : memref<32xf32, #tpu.memory_space<vmem>>, vector<16xf32>,
          %swap3A_413 = vector.shape_cast %swap3A_412 : vector<16xf32> to vector<16xf32>
          %swap3A_414 = vector.shape_cast %select_n3A_410 : vector<16xf32> to vector<16xf32>
          tpu.vector_store %arg7[%swap3A_411], %swap3A_414 {strides = array<i32>} : memref<32xf32, #tpu.memory_space<vmem>>, vector<16xf32>,
          %select_n3A_415 = arith.select %or3A_409, %get3A_404, %get3A_401 : vector<16xi1>, vector<16xi32>
          %swap3A_416 = arith.constant 0 : index
          %swap3A_417 = tpu.vector_load %arg8[%swap3A_416] {strides = array<i32>} : memref<32xi32, #tpu.memory_space<vmem>>, vector<16xi32>,
          %swap3A_418 = vector.shape_cast %swap3A_417 : vector<16xi32> to vector<16xi32>
          %swap3A_419 = vector.shape_cast %select_n3A_415 : vector<16xi32> to vector<16xi32>
          tpu.vector_store %arg8[%swap3A_416], %swap3A_419 {strides = array<i32>} : memref<32xi32, #tpu.memory_space<vmem>>, vector<16xi32>,
          %get3A_420 = arith.constant 0 : index
          %get3A_421 = tpu.vector_load %arg8[%get3A_420] {strides = array<i32>} : memref<32xi32, #tpu.memory_space<vmem>>, vector<16xi32>,
          %get3A_422 = vector.shape_cast %get3A_421 : vector<16xi32> to vector<16xi32>
          %slice3A = vector.extract_strided_slice %get3A_422 {offsets = [0], sizes = [1], strides = [1]} : vector<16xi32> to vector<1xi32>
          %squeeze3A = vector.extract %slice3A[0] : i32 from vector<1xi32>
          %jit3A_423 = arith.constant 16 : i32
          %div3A_424 = arith.divsi %squeeze3A, %jit3A_423 : i32
          %sign3A_425 = arith.constant 0 : i32
          %sign3A_426 = arith.cmpi sgt, %squeeze3A, %sign3A_425 : i32
          %sign3A_427 = arith.extui %sign3A_426 : i1 to i32
          %sign3A_428 = arith.constant 0 : i32
          %sign3A_429 = arith.cmpi slt, %squeeze3A, %sign3A_428 : i32
          %sign3A_430 = arith.extui %sign3A_429 : i1 to i32
          %sign3A_431 = arith.subi %sign3A_427, %sign3A_430 : i32
          %sign3A_432 = arith.constant 0 : i32
          %sign3A_433 = arith.cmpi sgt, %jit3A_423, %sign3A_432 : i32
          %sign3A_434 = arith.extui %sign3A_433 : i1 to i32
          %sign3A_435 = arith.constant 0 : i32
          %sign3A_436 = arith.cmpi slt, %jit3A_423, %sign3A_435 : i32
          %sign3A_437 = arith.extui %sign3A_436 : i1 to i32
          %sign3A_438 = arith.subi %sign3A_434, %sign3A_437 : i32
          %ne3A_439 = arith.cmpi ne, %sign3A_431, %sign3A_438 : i32
          %rem3A_440 = arith.remsi %squeeze3A, %jit3A_423 : i32
          %ne3A_441 = arith.constant 0 : i32
          %ne3A_442 = arith.cmpi ne, %rem3A_440, %ne3A_441 : i32
          %and3A_443 = arith.andi %ne3A_439, %ne3A_442 : i1
          %sub3A_444 = arith.constant 1 : i32
          %sub3A_445 = arith.subi %div3A_424, %sub3A_444 : i32
          %select_n3A_446 = arith.select %and3A_443, %sub3A_445, %div3A_424 : i32
          %mul3A_447 = arith.constant 16 : i32
          %mul3A_448 = arith.muli %select_n3A_446, %mul3A_447 : i32
          %add3A_449 = arith.addi %mul3A_126, %mul3A_448 : i32
          %jit3A_450 = arith.constant 16 : i32
          %eq3A_451 = arith.constant 0 : i32
          %eq3A_452 = arith.cmpi eq, %jit3A_450, %eq3A_451 : i32
          %jit3A_453 = arith.constant 1 : i32
          %select_n3A_454 = arith.select %eq3A_452, %jit3A_453, %jit3A_450 : i32
          %rem3A_455 = arith.remsi %squeeze3A, %select_n3A_454 : i32
          %ne3A_456 = arith.constant 0 : i32
          %ne3A_457 = arith.cmpi ne, %rem3A_455, %ne3A_456 : i32
          %lt3A_458 = arith.constant 0 : i32
          %lt3A_459 = arith.cmpi slt, %rem3A_455, %lt3A_458 : i32
          %lt3A_460 = arith.constant 0 : i32
          %lt3A_461 = arith.cmpi slt, %select_n3A_454, %lt3A_460 : i32
          %ne3A_462 = arith.xori %lt3A_459, %lt3A_461 : i1
          %and3A_463 = arith.andi %ne3A_462, %ne3A_457 : i1
          %add3A_464 = arith.addi %rem3A_455, %select_n3A_454 : i32
          %select_n3A_465 = arith.select %and3A_463, %add3A_464, %rem3A_455 : i32
          %eq3A_466 = vector.broadcast %select_n3A_465 : i32 to vector<16xi32>
          %eq3A_467 = arith.cmpi eq, %iota3A, %eq3A_466 : vector<16xi32>
          %get3A_468 = arith.index_cast %add3A_449 : i32 to index
          %get3A_469 = tpu.vector_load %arg4[%get3A_468] {strides = array<i32>} : memref<16384xf32, #tpu.memory_space<vmem>>, vector<16xf32>,
          %get3A_470 = vector.shape_cast %get3A_469 : vector<16xf32> to vector<16xf32>
          %broadcast_in_dim3A_471 = vector.broadcast %cond3A : f32 to vector<16xf32>
          %select_n3A_472 = arith.select %eq3A_467, %broadcast_in_dim3A_471, %get3A_470 : vector<16xi1>, vector<16xf32>
          %swap3A_473 = arith.index_cast %add3A_449 : i32 to index
          %swap3A_474 = tpu.vector_load %arg4[%swap3A_473] {strides = array<i32>} : memref<16384xf32, #tpu.memory_space<vmem>>, vector<16xf32>,
          %swap3A_475 = vector.shape_cast %swap3A_474 : vector<16xf32> to vector<16xf32>
          %swap3A_476 = vector.shape_cast %select_n3A_472 : vector<16xf32> to vector<16xf32>
          tpu.vector_store %arg4[%swap3A_473], %swap3A_476 {strides = array<i32>} : memref<16384xf32, #tpu.memory_space<vmem>>, vector<16xf32>,
          %jit3A_477 = arith.constant 512 : i32
          %div3A_478 = arith.divsi %squeeze3A, %jit3A_477 : i32
          %sign3A_479 = arith.constant 0 : i32
          %sign3A_480 = arith.cmpi sgt, %squeeze3A, %sign3A_479 : i32
          %sign3A_481 = arith.extui %sign3A_480 : i1 to i32
          %sign3A_482 = arith.constant 0 : i32
          %sign3A_483 = arith.cmpi slt, %squeeze3A, %sign3A_482 : i32
          %sign3A_484 = arith.extui %sign3A_483 : i1 to i32
          %sign3A_485 = arith.subi %sign3A_481, %sign3A_484 : i32
          %sign3A_486 = arith.constant 0 : i32
          %sign3A_487 = arith.cmpi sgt, %jit3A_477, %sign3A_486 : i32
          %sign3A_488 = arith.extui %sign3A_487 : i1 to i32
          %sign3A_489 = arith.constant 0 : i32
          %sign3A_490 = arith.cmpi slt, %jit3A_477, %sign3A_489 : i32
          %sign3A_491 = arith.extui %sign3A_490 : i1 to i32
          %sign3A_492 = arith.subi %sign3A_488, %sign3A_491 : i32
          %ne3A_493 = arith.cmpi ne, %sign3A_485, %sign3A_492 : i32
          %rem3A_494 = arith.remsi %squeeze3A, %jit3A_477 : i32
          %ne3A_495 = arith.constant 0 : i32
          %ne3A_496 = arith.cmpi ne, %rem3A_494, %ne3A_495 : i32
          %and3A_497 = arith.andi %ne3A_493, %ne3A_496 : i1
          %sub3A_498 = arith.constant 1 : i32
          %sub3A_499 = arith.subi %div3A_478, %sub3A_498 : i32
          %select_n3A_500 = arith.select %and3A_497, %sub3A_499, %div3A_478 : i32
          %mul3A_501 = arith.constant 512 : i32
          %mul3A_502 = arith.muli %select_n3A_500, %mul3A_501 : i32
          %add3A_503 = arith.addi %mul3A_126, %mul3A_502 : i32
          %get3A_504 = arith.index_cast %add3A_503 : i32 to index
          %get3A_505 = tpu.vector_load %arg4[%get3A_504] {strides = array<i32>} : memref<16384xf32, #tpu.memory_space<vmem>>, vector<16xf32>,
          %get3A_506 = vector.shape_cast %get3A_505 : vector<16xf32> to vector<16xf32>
          %add3A_507 = vector.broadcast %mul3A_502 : i32 to vector<16xi32>
          %add3A_508 = arith.addi %iota3A, %add3A_507 : vector<16xi32>
          %add3A_509 = arith.addi %mul3A_126, %mul3A_502 : i32
          %add3A_510 = arith.constant 16 : i32
          %add3A_511 = arith.addi %add3A_509, %add3A_510 : i32
          %get3A_512 = arith.index_cast %add3A_511 : i32 to index
          %get3A_513 = tpu.vector_load %arg4[%get3A_512] {strides = array<i32>} : memref<16384xf32, #tpu.memory_space<vmem>>, vector<16xf32>,
          %get3A_514 = vector.shape_cast %get3A_513 : vector<16xf32> to vector<16xf32>
          %gt3A_515 = arith.cmpf ogt, %get3A_514, %get3A_506 : vector<16xf32>
          %select_n3A_516 = arith.select %gt3A_515, %get3A_514, %get3A_506 : vector<16xi1>, vector<16xf32>
          %add3A_517 = arith.constant 16 : i32
          %add3A_518 = arith.addi %mul3A_502, %add3A_517 : i32
          %add3A_519 = vector.broadcast %add3A_518 : i32 to vector<16xi32>
          %add3A_520 = arith.addi %iota3A, %add3A_519 : vector<16xi32>
          %select_n3A_521 = arith.select %gt3A_515, %add3A_520, %add3A_508 : vector<16xi1>, vector<16xi32>
          %add3A_522 = arith.addi %mul3A_126, %mul3A_502 : i32
          %add3A_523 = arith.constant 32 : i32
          %add3A_524 = arith.addi %add3A_522, %add3A_523 : i32
          %get3A_525 = arith.index_cast %add3A_524 : i32 to index
          %get3A_526 = tpu.vector_load %arg4[%get3A_525] {strides = array<i32>} : memref<16384xf32, #tpu.memory_space<vmem>>, vector<16xf32>,
          %get3A_527 = vector.shape_cast %get3A_526 : vector<16xf32> to vector<16xf32>
          %gt3A_528 = arith.cmpf ogt, %get3A_527, %select_n3A_516 : vector<16xf32>
          %select_n3A_529 = arith.select %gt3A_528, %get3A_527, %select_n3A_516 : vector<16xi1>, vector<16xf32>
          %add3A_530 = arith.constant 32 : i32
          %add3A_531 = arith.addi %mul3A_502, %add3A_530 : i32
          %add3A_532 = vector.broadcast %add3A_531 : i32 to vector<16xi32>
          %add3A_533 = arith.addi %iota3A, %add3A_532 : vector<16xi32>
          %select_n3A_534 = arith.select %gt3A_528, %add3A_533, %select_n3A_521 : vector<16xi1>, vector<16xi32>
          %add3A_535 = arith.addi %mul3A_126, %mul3A_502 : i32
          %add3A_536 = arith.constant 48 : i32
          %add3A_537 = arith.addi %add3A_535, %add3A_536 : i32
          %get3A_538 = arith.index_cast %add3A_537 : i32 to index
          %get3A_539 = tpu.vector_load %arg4[%get3A_538] {strides = array<i32>} : memref<16384xf32, #tpu.memory_space<vmem>>, vector<16xf32>,
          %get3A_540 = vector.shape_cast %get3A_539 : vector<16xf32> to vector<16xf32>
          %gt3A_541 = arith.cmpf ogt, %get3A_540, %select_n3A_529 : vector<16xf32>
          %select_n3A_542 = arith.select %gt3A_541, %get3A_540, %select_n3A_529 : vector<16xi1>, vector<16xf32>
          %add3A_543 = arith.constant 48 : i32
          %add3A_544 = arith.addi %mul3A_502, %add3A_543 : i32
          %add3A_545 = vector.broadcast %add3A_544 : i32 to vector<16xi32>
          %add3A_546 = arith.addi %iota3A, %add3A_545 : vector<16xi32>
          %select_n3A_547 = arith.select %gt3A_541, %add3A_546, %select_n3A_534 : vector<16xi1>, vector<16xi32>
          %add3A_548 = arith.addi %mul3A_126, %mul3A_502 : i32
          %add3A_549 = arith.constant 64 : i32
          %add3A_550 = arith.addi %add3A_548, %add3A_549 : i32
          %get3A_551 = arith.index_cast %add3A_550 : i32 to index
          %get3A_552 = tpu.vector_load %arg4[%get3A_551] {strides = array<i32>} : memref<16384xf32, #tpu.memory_space<vmem>>, vector<16xf32>,
          %get3A_553 = vector.shape_cast %get3A_552 : vector<16xf32> to vector<16xf32>
          %gt3A_554 = arith.cmpf ogt, %get3A_553, %select_n3A_542 : vector<16xf32>
          %select_n3A_555 = arith.select %gt3A_554, %get3A_553, %select_n3A_542 : vector<16xi1>, vector<16xf32>
          %add3A_556 = arith.constant 64 : i32
          %add3A_557 = arith.addi %mul3A_502, %add3A_556 : i32
          %add3A_558 = vector.broadcast %add3A_557 : i32 to vector<16xi32>
          %add3A_559 = arith.addi %iota3A, %add3A_558 : vector<16xi32>
          %select_n3A_560 = arith.select %gt3A_554, %add3A_559, %select_n3A_547 : vector<16xi1>, vector<16xi32>
          %add3A_561 = arith.addi %mul3A_126, %mul3A_502 : i32
          %add3A_562 = arith.constant 80 : i32
          %add3A_563 = arith.addi %add3A_561, %add3A_562 : i32
          %get3A_564 = arith.index_cast %add3A_563 : i32 to index
          %get3A_565 = tpu.vector_load %arg4[%get3A_564] {strides = array<i32>} : memref<16384xf32, #tpu.memory_space<vmem>>, vector<16xf32>,
          %get3A_566 = vector.shape_cast %get3A_565 : vector<16xf32> to vector<16xf32>
          %gt3A_567 = arith.cmpf ogt, %get3A_566, %select_n3A_555 : vector<16xf32>
          %select_n3A_568 = arith.select %gt3A_567, %get3A_566, %select_n3A_555 : vector<16xi1>, vector<16xf32>
          %add3A_569 = arith.constant 80 : i32
          %add3A_570 = arith.addi %mul3A_502, %add3A_569 : i32
          %add3A_571 = vector.broadcast %add3A_570 : i32 to vector<16xi32>
          %add3A_572 = arith.addi %iota3A, %add3A_571 : vector<16xi32>
          %select_n3A_573 = arith.select %gt3A_567, %add3A_572, %select_n3A_560 : vector<16xi1>, vector<16xi32>
          %add3A_574 = arith.addi %mul3A_126, %mul3A_502 : i32
          %add3A_575 = arith.constant 96 : i32
          %add3A_576 = arith.addi %add3A_574, %add3A_575 : i32
          %get3A_577 = arith.index_cast %add3A_576 : i32 to index
          %get3A_578 = tpu.vector_load %arg4[%get3A_577] {strides = array<i32>} : memref<16384xf32, #tpu.memory_space<vmem>>, vector<16xf32>,
          %get3A_579 = vector.shape_cast %get3A_578 : vector<16xf32> to vector<16xf32>
          %gt3A_580 = arith.cmpf ogt, %get3A_579, %select_n3A_568 : vector<16xf32>
          %select_n3A_581 = arith.select %gt3A_580, %get3A_579, %select_n3A_568 : vector<16xi1>, vector<16xf32>
          %add3A_582 = arith.constant 96 : i32
          %add3A_583 = arith.addi %mul3A_502, %add3A_582 : i32
          %add3A_584 = vector.broadcast %add3A_583 : i32 to vector<16xi32>
          %add3A_585 = arith.addi %iota3A, %add3A_584 : vector<16xi32>
          %select_n3A_586 = arith.select %gt3A_580, %add3A_585, %select_n3A_573 : vector<16xi1>, vector<16xi32>
          %add3A_587 = arith.addi %mul3A_126, %mul3A_502 : i32
          %add3A_588 = arith.constant 112 : i32
          %add3A_589 = arith.addi %add3A_587, %add3A_588 : i32
          %get3A_590 = arith.index_cast %add3A_589 : i32 to index
          %get3A_591 = tpu.vector_load %arg4[%get3A_590] {strides = array<i32>} : memref<16384xf32, #tpu.memory_space<vmem>>, vector<16xf32>,
          %get3A_592 = vector.shape_cast %get3A_591 : vector<16xf32> to vector<16xf32>
          %gt3A_593 = arith.cmpf ogt, %get3A_592, %select_n3A_581 : vector<16xf32>
          %select_n3A_594 = arith.select %gt3A_593, %get3A_592, %select_n3A_581 : vector<16xi1>, vector<16xf32>
          %add3A_595 = arith.constant 112 : i32
          %add3A_596 = arith.addi %mul3A_502, %add3A_595 : i32
          %add3A_597 = vector.broadcast %add3A_596 : i32 to vector<16xi32>
          %add3A_598 = arith.addi %iota3A, %add3A_597 : vector<16xi32>
          %select_n3A_599 = arith.select %gt3A_593, %add3A_598, %select_n3A_586 : vector<16xi1>, vector<16xi32>
          %add3A_600 = arith.addi %mul3A_126, %mul3A_502 : i32
          %add3A_601 = arith.constant 128 : i32
          %add3A_602 = arith.addi %add3A_600, %add3A_601 : i32
          %get3A_603 = arith.index_cast %add3A_602 : i32 to index
          %get3A_604 = tpu.vector_load %arg4[%get3A_603] {strides = array<i32>} : memref<16384xf32, #tpu.memory_space<vmem>>, vector<16xf32>,
          %get3A_605 = vector.shape_cast %get3A_604 : vector<16xf32> to vector<16xf32>
          %gt3A_606 = arith.cmpf ogt, %get3A_605, %select_n3A_594 : vector<16xf32>
          %select_n3A_607 = arith.select %gt3A_606, %get3A_605, %select_n3A_594 : vector<16xi1>, vector<16xf32>
          %add3A_608 = arith.constant 128 : i32
          %add3A_609 = arith.addi %mul3A_502, %add3A_608 : i32
          %add3A_610 = vector.broadcast %add3A_609 : i32 to vector<16xi32>
          %add3A_611 = arith.addi %iota3A, %add3A_610 : vector<16xi32>
          %select_n3A_612 = arith.select %gt3A_606, %add3A_611, %select_n3A_599 : vector<16xi1>, vector<16xi32>
          %add3A_613 = arith.addi %mul3A_126, %mul3A_502 : i32
          %add3A_614 = arith.constant 144 : i32
          %add3A_615 = arith.addi %add3A_613, %add3A_614 : i32
          %get3A_616 = arith.index_cast %add3A_615 : i32 to index
          %get3A_617 = tpu.vector_load %arg4[%get3A_616] {strides = array<i32>} : memref<16384xf32, #tpu.memory_space<vmem>>, vector<16xf32>,
          %get3A_618 = vector.shape_cast %get3A_617 : vector<16xf32> to vector<16xf32>
          %gt3A_619 = arith.cmpf ogt, %get3A_618, %select_n3A_607 : vector<16xf32>
          %select_n3A_620 = arith.select %gt3A_619, %get3A_618, %select_n3A_607 : vector<16xi1>, vector<16xf32>
          %add3A_621 = arith.constant 144 : i32
          %add3A_622 = arith.addi %mul3A_502, %add3A_621 : i32
          %add3A_623 = vector.broadcast %add3A_622 : i32 to vector<16xi32>
          %add3A_624 = arith.addi %iota3A, %add3A_623 : vector<16xi32>
          %select_n3A_625 = arith.select %gt3A_619, %add3A_624, %select_n3A_612 : vector<16xi1>, vector<16xi32>
          %add3A_626 = arith.addi %mul3A_126, %mul3A_502 : i32
          %add3A_627 = arith.constant 160 : i32
          %add3A_628 = arith.addi %add3A_626, %add3A_627 : i32
          %get3A_629 = arith.index_cast %add3A_628 : i32 to index
          %get3A_630 = tpu.vector_load %arg4[%get3A_629] {strides = array<i32>} : memref<16384xf32, #tpu.memory_space<vmem>>, vector<16xf32>,
          %get3A_631 = vector.shape_cast %get3A_630 : vector<16xf32> to vector<16xf32>
          %gt3A_632 = arith.cmpf ogt, %get3A_631, %select_n3A_620 : vector<16xf32>
          %select_n3A_633 = arith.select %gt3A_632, %get3A_631, %select_n3A_620 : vector<16xi1>, vector<16xf32>
          %add3A_634 = arith.constant 160 : i32
          %add3A_635 = arith.addi %mul3A_502, %add3A_634 : i32
          %add3A_636 = vector.broadcast %add3A_635 : i32 to vector<16xi32>
          %add3A_637 = arith.addi %iota3A, %add3A_636 : vector<16xi32>
          %select_n3A_638 = arith.select %gt3A_632, %add3A_637, %select_n3A_625 : vector<16xi1>, vector<16xi32>
          %add3A_639 = arith.addi %mul3A_126, %mul3A_502 : i32
          %add3A_640 = arith.constant 176 : i32
          %add3A_641 = arith.addi %add3A_639, %add3A_640 : i32
          %get3A_642 = arith.index_cast %add3A_641 : i32 to index
          %get3A_643 = tpu.vector_load %arg4[%get3A_642] {strides = array<i32>} : memref<16384xf32, #tpu.memory_space<vmem>>, vector<16xf32>,
          %get3A_644 = vector.shape_cast %get3A_643 : vector<16xf32> to vector<16xf32>
          %gt3A_645 = arith.cmpf ogt, %get3A_644, %select_n3A_633 : vector<16xf32>
          %select_n3A_646 = arith.select %gt3A_645, %get3A_644, %select_n3A_633 : vector<16xi1>, vector<16xf32>
          %add3A_647 = arith.constant 176 : i32
          %add3A_648 = arith.addi %mul3A_502, %add3A_647 : i32
          %add3A_649 = vector.broadcast %add3A_648 : i32 to vector<16xi32>
          %add3A_650 = arith.addi %iota3A, %add3A_649 : vector<16xi32>
          %select_n3A_651 = arith.select %gt3A_645, %add3A_650, %select_n3A_638 : vector<16xi1>, vector<16xi32>
          %add3A_652 = arith.addi %mul3A_126, %mul3A_502 : i32
          %add3A_653 = arith.constant 192 : i32
          %add3A_654 = arith.addi %add3A_652, %add3A_653 : i32
          %get3A_655 = arith.index_cast %add3A_654 : i32 to index
          %get3A_656 = tpu.vector_load %arg4[%get3A_655] {strides = array<i32>} : memref<16384xf32, #tpu.memory_space<vmem>>, vector<16xf32>,
          %get3A_657 = vector.shape_cast %get3A_656 : vector<16xf32> to vector<16xf32>
          %gt3A_658 = arith.cmpf ogt, %get3A_657, %select_n3A_646 : vector<16xf32>
          %select_n3A_659 = arith.select %gt3A_658, %get3A_657, %select_n3A_646 : vector<16xi1>, vector<16xf32>
          %add3A_660 = arith.constant 192 : i32
          %add3A_661 = arith.addi %mul3A_502, %add3A_660 : i32
          %add3A_662 = vector.broadcast %add3A_661 : i32 to vector<16xi32>
          %add3A_663 = arith.addi %iota3A, %add3A_662 : vector<16xi32>
          %select_n3A_664 = arith.select %gt3A_658, %add3A_663, %select_n3A_651 : vector<16xi1>, vector<16xi32>
          %add3A_665 = arith.addi %mul3A_126, %mul3A_502 : i32
          %add3A_666 = arith.constant 208 : i32
          %add3A_667 = arith.addi %add3A_665, %add3A_666 : i32
          %get3A_668 = arith.index_cast %add3A_667 : i32 to index
          %get3A_669 = tpu.vector_load %arg4[%get3A_668] {strides = array<i32>} : memref<16384xf32, #tpu.memory_space<vmem>>, vector<16xf32>,
          %get3A_670 = vector.shape_cast %get3A_669 : vector<16xf32> to vector<16xf32>
          %gt3A_671 = arith.cmpf ogt, %get3A_670, %select_n3A_659 : vector<16xf32>
          %select_n3A_672 = arith.select %gt3A_671, %get3A_670, %select_n3A_659 : vector<16xi1>, vector<16xf32>
          %add3A_673 = arith.constant 208 : i32
          %add3A_674 = arith.addi %mul3A_502, %add3A_673 : i32
          %add3A_675 = vector.broadcast %add3A_674 : i32 to vector<16xi32>
          %add3A_676 = arith.addi %iota3A, %add3A_675 : vector<16xi32>
          %select_n3A_677 = arith.select %gt3A_671, %add3A_676, %select_n3A_664 : vector<16xi1>, vector<16xi32>
          %add3A_678 = arith.addi %mul3A_126, %mul3A_502 : i32
          %add3A_679 = arith.constant 224 : i32
          %add3A_680 = arith.addi %add3A_678, %add3A_679 : i32
          %get3A_681 = arith.index_cast %add3A_680 : i32 to index
          %get3A_682 = tpu.vector_load %arg4[%get3A_681] {strides = array<i32>} : memref<16384xf32, #tpu.memory_space<vmem>>, vector<16xf32>,
          %get3A_683 = vector.shape_cast %get3A_682 : vector<16xf32> to vector<16xf32>
          %gt3A_684 = arith.cmpf ogt, %get3A_683, %select_n3A_672 : vector<16xf32>
          %select_n3A_685 = arith.select %gt3A_684, %get3A_683, %select_n3A_672 : vector<16xi1>, vector<16xf32>
          %add3A_686 = arith.constant 224 : i32
          %add3A_687 = arith.addi %mul3A_502, %add3A_686 : i32
          %add3A_688 = vector.broadcast %add3A_687 : i32 to vector<16xi32>
          %add3A_689 = arith.addi %iota3A, %add3A_688 : vector<16xi32>
          %select_n3A_690 = arith.select %gt3A_684, %add3A_689, %select_n3A_677 : vector<16xi1>, vector<16xi32>
          %add3A_691 = arith.addi %mul3A_126, %mul3A_502 : i32
          %add3A_692 = arith.constant 240 : i32
          %add3A_693 = arith.addi %add3A_691, %add3A_692 : i32
          %get3A_694 = arith.index_cast %add3A_693 : i32 to index
          %get3A_695 = tpu.vector_load %arg4[%get3A_694] {strides = array<i32>} : memref<16384xf32, #tpu.memory_space<vmem>>, vector<16xf32>,
          %get3A_696 = vector.shape_cast %get3A_695 : vector<16xf32> to vector<16xf32>
          %gt3A_697 = arith.cmpf ogt, %get3A_696, %select_n3A_685 : vector<16xf32>
          %select_n3A_698 = arith.select %gt3A_697, %get3A_696, %select_n3A_685 : vector<16xi1>, vector<16xf32>
          %add3A_699 = arith.constant 240 : i32
          %add3A_700 = arith.addi %mul3A_502, %add3A_699 : i32
          %add3A_701 = vector.broadcast %add3A_700 : i32 to vector<16xi32>
          %add3A_702 = arith.addi %iota3A, %add3A_701 : vector<16xi32>
          %select_n3A_703 = arith.select %gt3A_697, %add3A_702, %select_n3A_690 : vector<16xi1>, vector<16xi32>
          %add3A_704 = arith.addi %mul3A_126, %mul3A_502 : i32
          %add3A_705 = arith.constant 256 : i32
          %add3A_706 = arith.addi %add3A_704, %add3A_705 : i32
          %get3A_707 = arith.index_cast %add3A_706 : i32 to index
          %get3A_708 = tpu.vector_load %arg4[%get3A_707] {strides = array<i32>} : memref<16384xf32, #tpu.memory_space<vmem>>, vector<16xf32>,
          %get3A_709 = vector.shape_cast %get3A_708 : vector<16xf32> to vector<16xf32>
          %gt3A_710 = arith.cmpf ogt, %get3A_709, %select_n3A_698 : vector<16xf32>
          %select_n3A_711 = arith.select %gt3A_710, %get3A_709, %select_n3A_698 : vector<16xi1>, vector<16xf32>
          %add3A_712 = arith.constant 256 : i32
          %add3A_713 = arith.addi %mul3A_502, %add3A_712 : i32
          %add3A_714 = vector.broadcast %add3A_713 : i32 to vector<16xi32>
          %add3A_715 = arith.addi %iota3A, %add3A_714 : vector<16xi32>
          %select_n3A_716 = arith.select %gt3A_710, %add3A_715, %select_n3A_703 : vector<16xi1>, vector<16xi32>
          %add3A_717 = arith.addi %mul3A_126, %mul3A_502 : i32
          %add3A_718 = arith.constant 272 : i32
          %add3A_719 = arith.addi %add3A_717, %add3A_718 : i32
          %get3A_720 = arith.index_cast %add3A_719 : i32 to index
          %get3A_721 = tpu.vector_load %arg4[%get3A_720] {strides = array<i32>} : memref<16384xf32, #tpu.memory_space<vmem>>, vector<16xf32>,
          %get3A_722 = vector.shape_cast %get3A_721 : vector<16xf32> to vector<16xf32>
          %gt3A_723 = arith.cmpf ogt, %get3A_722, %select_n3A_711 : vector<16xf32>
          %select_n3A_724 = arith.select %gt3A_723, %get3A_722, %select_n3A_711 : vector<16xi1>, vector<16xf32>
          %add3A_725 = arith.constant 272 : i32
          %add3A_726 = arith.addi %mul3A_502, %add3A_725 : i32
          %add3A_727 = vector.broadcast %add3A_726 : i32 to vector<16xi32>
          %add3A_728 = arith.addi %iota3A, %add3A_727 : vector<16xi32>
          %select_n3A_729 = arith.select %gt3A_723, %add3A_728, %select_n3A_716 : vector<16xi1>, vector<16xi32>
          %add3A_730 = arith.addi %mul3A_126, %mul3A_502 : i32
          %add3A_731 = arith.constant 288 : i32
          %add3A_732 = arith.addi %add3A_730, %add3A_731 : i32
          %get3A_733 = arith.index_cast %add3A_732 : i32 to index
          %get3A_734 = tpu.vector_load %arg4[%get3A_733] {strides = array<i32>} : memref<16384xf32, #tpu.memory_space<vmem>>, vector<16xf32>,
          %get3A_735 = vector.shape_cast %get3A_734 : vector<16xf32> to vector<16xf32>
          %gt3A_736 = arith.cmpf ogt, %get3A_735, %select_n3A_724 : vector<16xf32>
          %select_n3A_737 = arith.select %gt3A_736, %get3A_735, %select_n3A_724 : vector<16xi1>, vector<16xf32>
          %add3A_738 = arith.constant 288 : i32
          %add3A_739 = arith.addi %mul3A_502, %add3A_738 : i32
          %add3A_740 = vector.broadcast %add3A_739 : i32 to vector<16xi32>
          %add3A_741 = arith.addi %iota3A, %add3A_740 : vector<16xi32>
          %select_n3A_742 = arith.select %gt3A_736, %add3A_741, %select_n3A_729 : vector<16xi1>, vector<16xi32>
          %add3A_743 = arith.addi %mul3A_126, %mul3A_502 : i32
          %add3A_744 = arith.constant 304 : i32
          %add3A_745 = arith.addi %add3A_743, %add3A_744 : i32
          %get3A_746 = arith.index_cast %add3A_745 : i32 to index
          %get3A_747 = tpu.vector_load %arg4[%get3A_746] {strides = array<i32>} : memref<16384xf32, #tpu.memory_space<vmem>>, vector<16xf32>,
          %get3A_748 = vector.shape_cast %get3A_747 : vector<16xf32> to vector<16xf32>
          %gt3A_749 = arith.cmpf ogt, %get3A_748, %select_n3A_737 : vector<16xf32>
          %select_n3A_750 = arith.select %gt3A_749, %get3A_748, %select_n3A_737 : vector<16xi1>, vector<16xf32>
          %add3A_751 = arith.constant 304 : i32
          %add3A_752 = arith.addi %mul3A_502, %add3A_751 : i32
          %add3A_753 = vector.broadcast %add3A_752 : i32 to vector<16xi32>
          %add3A_754 = arith.addi %iota3A, %add3A_753 : vector<16xi32>
          %select_n3A_755 = arith.select %gt3A_749, %add3A_754, %select_n3A_742 : vector<16xi1>, vector<16xi32>
          %add3A_756 = arith.addi %mul3A_126, %mul3A_502 : i32
          %add3A_757 = arith.constant 320 : i32
          %add3A_758 = arith.addi %add3A_756, %add3A_757 : i32
          %get3A_759 = arith.index_cast %add3A_758 : i32 to index
          %get3A_760 = tpu.vector_load %arg4[%get3A_759] {strides = array<i32>} : memref<16384xf32, #tpu.memory_space<vmem>>, vector<16xf32>,
          %get3A_761 = vector.shape_cast %get3A_760 : vector<16xf32> to vector<16xf32>
          %gt3A_762 = arith.cmpf ogt, %get3A_761, %select_n3A_750 : vector<16xf32>
          %select_n3A_763 = arith.select %gt3A_762, %get3A_761, %select_n3A_750 : vector<16xi1>, vector<16xf32>
          %add3A_764 = arith.constant 320 : i32
          %add3A_765 = arith.addi %mul3A_502, %add3A_764 : i32
          %add3A_766 = vector.broadcast %add3A_765 : i32 to vector<16xi32>
          %add3A_767 = arith.addi %iota3A, %add3A_766 : vector<16xi32>
          %select_n3A_768 = arith.select %gt3A_762, %add3A_767, %select_n3A_755 : vector<16xi1>, vector<16xi32>
          %add3A_769 = arith.addi %mul3A_126, %mul3A_502 : i32
          %add3A_770 = arith.constant 336 : i32
          %add3A_771 = arith.addi %add3A_769, %add3A_770 : i32
          %get3A_772 = arith.index_cast %add3A_771 : i32 to index
          %get3A_773 = tpu.vector_load %arg4[%get3A_772] {strides = array<i32>} : memref<16384xf32, #tpu.memory_space<vmem>>, vector<16xf32>,
          %get3A_774 = vector.shape_cast %get3A_773 : vector<16xf32> to vector<16xf32>
          %gt3A_775 = arith.cmpf ogt, %get3A_774, %select_n3A_763 : vector<16xf32>
          %select_n3A_776 = arith.select %gt3A_775, %get3A_774, %select_n3A_763 : vector<16xi1>, vector<16xf32>
          %add3A_777 = arith.constant 336 : i32
          %add3A_778 = arith.addi %mul3A_502, %add3A_777 : i32
          %add3A_779 = vector.broadcast %add3A_778 : i32 to vector<16xi32>
          %add3A_780 = arith.addi %iota3A, %add3A_779 : vector<16xi32>
          %select_n3A_781 = arith.select %gt3A_775, %add3A_780, %select_n3A_768 : vector<16xi1>, vector<16xi32>
          %add3A_782 = arith.addi %mul3A_126, %mul3A_502 : i32
          %add3A_783 = arith.constant 352 : i32
          %add3A_784 = arith.addi %add3A_782, %add3A_783 : i32
          %get3A_785 = arith.index_cast %add3A_784 : i32 to index
          %get3A_786 = tpu.vector_load %arg4[%get3A_785] {strides = array<i32>} : memref<16384xf32, #tpu.memory_space<vmem>>, vector<16xf32>,
          %get3A_787 = vector.shape_cast %get3A_786 : vector<16xf32> to vector<16xf32>
          %gt3A_788 = arith.cmpf ogt, %get3A_787, %select_n3A_776 : vector<16xf32>
          %select_n3A_789 = arith.select %gt3A_788, %get3A_787, %select_n3A_776 : vector<16xi1>, vector<16xf32>
          %add3A_790 = arith.constant 352 : i32
          %add3A_791 = arith.addi %mul3A_502, %add3A_790 : i32
          %add3A_792 = vector.broadcast %add3A_791 : i32 to vector<16xi32>
          %add3A_793 = arith.addi %iota3A, %add3A_792 : vector<16xi32>
          %select_n3A_794 = arith.select %gt3A_788, %add3A_793, %select_n3A_781 : vector<16xi1>, vector<16xi32>
          %add3A_795 = arith.addi %mul3A_126, %mul3A_502 : i32
          %add3A_796 = arith.constant 368 : i32
          %add3A_797 = arith.addi %add3A_795, %add3A_796 : i32
          %get3A_798 = arith.index_cast %add3A_797 : i32 to index
          %get3A_799 = tpu.vector_load %arg4[%get3A_798] {strides = array<i32>} : memref<16384xf32, #tpu.memory_space<vmem>>, vector<16xf32>,
          %get3A_800 = vector.shape_cast %get3A_799 : vector<16xf32> to vector<16xf32>
          %gt3A_801 = arith.cmpf ogt, %get3A_800, %select_n3A_789 : vector<16xf32>
          %select_n3A_802 = arith.select %gt3A_801, %get3A_800, %select_n3A_789 : vector<16xi1>, vector<16xf32>
          %add3A_803 = arith.constant 368 : i32
          %add3A_804 = arith.addi %mul3A_502, %add3A_803 : i32
          %add3A_805 = vector.broadcast %add3A_804 : i32 to vector<16xi32>
          %add3A_806 = arith.addi %iota3A, %add3A_805 : vector<16xi32>
          %select_n3A_807 = arith.select %gt3A_801, %add3A_806, %select_n3A_794 : vector<16xi1>, vector<16xi32>
          %add3A_808 = arith.addi %mul3A_126, %mul3A_502 : i32
          %add3A_809 = arith.constant 384 : i32
          %add3A_810 = arith.addi %add3A_808, %add3A_809 : i32
          %get3A_811 = arith.index_cast %add3A_810 : i32 to index
          %get3A_812 = tpu.vector_load %arg4[%get3A_811] {strides = array<i32>} : memref<16384xf32, #tpu.memory_space<vmem>>, vector<16xf32>,
          %get3A_813 = vector.shape_cast %get3A_812 : vector<16xf32> to vector<16xf32>
          %gt3A_814 = arith.cmpf ogt, %get3A_813, %select_n3A_802 : vector<16xf32>
          %select_n3A_815 = arith.select %gt3A_814, %get3A_813, %select_n3A_802 : vector<16xi1>, vector<16xf32>
          %add3A_816 = arith.constant 384 : i32
          %add3A_817 = arith.addi %mul3A_502, %add3A_816 : i32
          %add3A_818 = vector.broadcast %add3A_817 : i32 to vector<16xi32>
          %add3A_819 = arith.addi %iota3A, %add3A_818 : vector<16xi32>
          %select_n3A_820 = arith.select %gt3A_814, %add3A_819, %select_n3A_807 : vector<16xi1>, vector<16xi32>
          %add3A_821 = arith.addi %mul3A_126, %mul3A_502 : i32
          %add3A_822 = arith.constant 400 : i32
          %add3A_823 = arith.addi %add3A_821, %add3A_822 : i32
          %get3A_824 = arith.index_cast %add3A_823 : i32 to index
          %get3A_825 = tpu.vector_load %arg4[%get3A_824] {strides = array<i32>} : memref<16384xf32, #tpu.memory_space<vmem>>, vector<16xf32>,
          %get3A_826 = vector.shape_cast %get3A_825 : vector<16xf32> to vector<16xf32>
          %gt3A_827 = arith.cmpf ogt, %get3A_826, %select_n3A_815 : vector<16xf32>
          %select_n3A_828 = arith.select %gt3A_827, %get3A_826, %select_n3A_815 : vector<16xi1>, vector<16xf32>
          %add3A_829 = arith.constant 400 : i32
          %add3A_830 = arith.addi %mul3A_502, %add3A_829 : i32
          %add3A_831 = vector.broadcast %add3A_830 : i32 to vector<16xi32>
          %add3A_832 = arith.addi %iota3A, %add3A_831 : vector<16xi32>
          %select_n3A_833 = arith.select %gt3A_827, %add3A_832, %select_n3A_820 : vector<16xi1>, vector<16xi32>
          %add3A_834 = arith.addi %mul3A_126, %mul3A_502 : i32
          %add3A_835 = arith.constant 416 : i32
          %add3A_836 = arith.addi %add3A_834, %add3A_835 : i32
          %get3A_837 = arith.index_cast %add3A_836 : i32 to index
          %get3A_838 = tpu.vector_load %arg4[%get3A_837] {strides = array<i32>} : memref<16384xf32, #tpu.memory_space<vmem>>, vector<16xf32>,
          %get3A_839 = vector.shape_cast %get3A_838 : vector<16xf32> to vector<16xf32>
          %gt3A_840 = arith.cmpf ogt, %get3A_839, %select_n3A_828 : vector<16xf32>
          %select_n3A_841 = arith.select %gt3A_840, %get3A_839, %select_n3A_828 : vector<16xi1>, vector<16xf32>
          %add3A_842 = arith.constant 416 : i32
          %add3A_843 = arith.addi %mul3A_502, %add3A_842 : i32
          %add3A_844 = vector.broadcast %add3A_843 : i32 to vector<16xi32>
          %add3A_845 = arith.addi %iota3A, %add3A_844 : vector<16xi32>
          %select_n3A_846 = arith.select %gt3A_840, %add3A_845, %select_n3A_833 : vector<16xi1>, vector<16xi32>
          %add3A_847 = arith.addi %mul3A_126, %mul3A_502 : i32
          %add3A_848 = arith.constant 432 : i32
          %add3A_849 = arith.addi %add3A_847, %add3A_848 : i32
          %get3A_850 = arith.index_cast %add3A_849 : i32 to index
          %get3A_851 = tpu.vector_load %arg4[%get3A_850] {strides = array<i32>} : memref<16384xf32, #tpu.memory_space<vmem>>, vector<16xf32>,
          %get3A_852 = vector.shape_cast %get3A_851 : vector<16xf32> to vector<16xf32>
          %gt3A_853 = arith.cmpf ogt, %get3A_852, %select_n3A_841 : vector<16xf32>
          %select_n3A_854 = arith.select %gt3A_853, %get3A_852, %select_n3A_841 : vector<16xi1>, vector<16xf32>
          %add3A_855 = arith.constant 432 : i32
          %add3A_856 = arith.addi %mul3A_502, %add3A_855 : i32
          %add3A_857 = vector.broadcast %add3A_856 : i32 to vector<16xi32>
          %add3A_858 = arith.addi %iota3A, %add3A_857 : vector<16xi32>
          %select_n3A_859 = arith.select %gt3A_853, %add3A_858, %select_n3A_846 : vector<16xi1>, vector<16xi32>
          %add3A_860 = arith.addi %mul3A_126, %mul3A_502 : i32
          %add3A_861 = arith.constant 448 : i32
          %add3A_862 = arith.addi %add3A_860, %add3A_861 : i32
          %get3A_863 = arith.index_cast %add3A_862 : i32 to index
          %get3A_864 = tpu.vector_load %arg4[%get3A_863] {strides = array<i32>} : memref<16384xf32, #tpu.memory_space<vmem>>, vector<16xf32>,
          %get3A_865 = vector.shape_cast %get3A_864 : vector<16xf32> to vector<16xf32>
          %gt3A_866 = arith.cmpf ogt, %get3A_865, %select_n3A_854 : vector<16xf32>
          %select_n3A_867 = arith.select %gt3A_866, %get3A_865, %select_n3A_854 : vector<16xi1>, vector<16xf32>
          %add3A_868 = arith.constant 448 : i32
          %add3A_869 = arith.addi %mul3A_502, %add3A_868 : i32
          %add3A_870 = vector.broadcast %add3A_869 : i32 to vector<16xi32>
          %add3A_871 = arith.addi %iota3A, %add3A_870 : vector<16xi32>
          %select_n3A_872 = arith.select %gt3A_866, %add3A_871, %select_n3A_859 : vector<16xi1>, vector<16xi32>
          %add3A_873 = arith.addi %mul3A_126, %mul3A_502 : i32
          %add3A_874 = arith.constant 464 : i32
          %add3A_875 = arith.addi %add3A_873, %add3A_874 : i32
          %get3A_876 = arith.index_cast %add3A_875 : i32 to index
          %get3A_877 = tpu.vector_load %arg4[%get3A_876] {strides = array<i32>} : memref<16384xf32, #tpu.memory_space<vmem>>, vector<16xf32>,
          %get3A_878 = vector.shape_cast %get3A_877 : vector<16xf32> to vector<16xf32>
          %gt3A_879 = arith.cmpf ogt, %get3A_878, %select_n3A_867 : vector<16xf32>
          %select_n3A_880 = arith.select %gt3A_879, %get3A_878, %select_n3A_867 : vector<16xi1>, vector<16xf32>
          %add3A_881 = arith.constant 464 : i32
          %add3A_882 = arith.addi %mul3A_502, %add3A_881 : i32
          %add3A_883 = vector.broadcast %add3A_882 : i32 to vector<16xi32>
          %add3A_884 = arith.addi %iota3A, %add3A_883 : vector<16xi32>
          %select_n3A_885 = arith.select %gt3A_879, %add3A_884, %select_n3A_872 : vector<16xi1>, vector<16xi32>
          %add3A_886 = arith.addi %mul3A_126, %mul3A_502 : i32
          %add3A_887 = arith.constant 480 : i32
          %add3A_888 = arith.addi %add3A_886, %add3A_887 : i32
          %get3A_889 = arith.index_cast %add3A_888 : i32 to index
          %get3A_890 = tpu.vector_load %arg4[%get3A_889] {strides = array<i32>} : memref<16384xf32, #tpu.memory_space<vmem>>, vector<16xf32>,
          %get3A_891 = vector.shape_cast %get3A_890 : vector<16xf32> to vector<16xf32>
          %gt3A_892 = arith.cmpf ogt, %get3A_891, %select_n3A_880 : vector<16xf32>
          %select_n3A_893 = arith.select %gt3A_892, %get3A_891, %select_n3A_880 : vector<16xi1>, vector<16xf32>
          %add3A_894 = arith.constant 480 : i32
          %add3A_895 = arith.addi %mul3A_502, %add3A_894 : i32
          %add3A_896 = vector.broadcast %add3A_895 : i32 to vector<16xi32>
          %add3A_897 = arith.addi %iota3A, %add3A_896 : vector<16xi32>
          %select_n3A_898 = arith.select %gt3A_892, %add3A_897, %select_n3A_885 : vector<16xi1>, vector<16xi32>
          %add3A_899 = arith.addi %mul3A_126, %mul3A_502 : i32
          %add3A_900 = arith.constant 496 : i32
          %add3A_901 = arith.addi %add3A_899, %add3A_900 : i32
          %get3A_902 = arith.index_cast %add3A_901 : i32 to index
          %get3A_903 = tpu.vector_load %arg4[%get3A_902] {strides = array<i32>} : memref<16384xf32, #tpu.memory_space<vmem>>, vector<16xf32>,
          %get3A_904 = vector.shape_cast %get3A_903 : vector<16xf32> to vector<16xf32>
          %gt3A_905 = arith.cmpf ogt, %get3A_904, %select_n3A_893 : vector<16xf32>
          %select_n3A_906 = arith.select %gt3A_905, %get3A_904, %select_n3A_893 : vector<16xi1>, vector<16xf32>
          %add3A_907 = arith.constant 496 : i32
          %add3A_908 = arith.addi %mul3A_502, %add3A_907 : i32
          %add3A_909 = vector.broadcast %add3A_908 : i32 to vector<16xi32>
          %add3A_910 = arith.addi %iota3A, %add3A_909 : vector<16xi32>
          %select_n3A_911 = arith.select %gt3A_905, %add3A_910, %select_n3A_898 : vector<16xi1>, vector<16xi32>
          %mul3A_912 = arith.constant 16 : i32
          %mul3A_913 = arith.muli %select_n3A_500, %mul3A_912 : i32
          %swap3A_914 = arith.index_cast %mul3A_913 : i32 to index
          %swap3A_915 = tpu.vector_load %arg5[%swap3A_914] {strides = array<i32>} : memref<256xf32, #tpu.memory_space<vmem>>, vector<16xf32>,
          %swap3A_916 = vector.shape_cast %swap3A_915 : vector<16xf32> to vector<16xf32>
          %swap3A_917 = vector.shape_cast %select_n3A_906 : vector<16xf32> to vector<16xf32>
          tpu.vector_store %arg5[%swap3A_914], %swap3A_917 {strides = array<i32>} : memref<256xf32, #tpu.memory_space<vmem>>, vector<16xf32>,
          %mul3A_918 = arith.constant 16 : i32
          %mul3A_919 = arith.muli %select_n3A_500, %mul3A_918 : i32
          %swap3A_920 = arith.index_cast %mul3A_919 : i32 to index
          %swap3A_921 = tpu.vector_load %arg6[%swap3A_920] {strides = array<i32>} : memref<256xi32, #tpu.memory_space<vmem>>, vector<16xi32>,
          %swap3A_922 = vector.shape_cast %swap3A_921 : vector<16xi32> to vector<16xi32>
          %swap3A_923 = vector.shape_cast %select_n3A_911 : vector<16xi32> to vector<16xi32>
          tpu.vector_store %arg6[%swap3A_920], %swap3A_923 {strides = array<i32>} : memref<256xi32, #tpu.memory_space<vmem>>, vector<16xi32>,
          %mul3A_924 = arith.constant 32 : i32
          %mul3A_925 = arith.muli %scan3A_165, %mul3A_924 : i32
          %jit3A_926 = arith.constant 16 : i32
          %div3A_927 = arith.divsi %scan3A_108, %jit3A_926 : i32
          %sign3A_928 = arith.constant 0 : i32
          %sign3A_929 = arith.cmpi sgt, %scan3A_108, %sign3A_928 : i32
          %sign3A_930 = arith.extui %sign3A_929 : i1 to i32
          %sign3A_931 = arith.constant 0 : i32
          %sign3A_932 = arith.cmpi slt, %scan3A_108, %sign3A_931 : i32
          %sign3A_933 = arith.extui %sign3A_932 : i1 to i32
          %sign3A_934 = arith.subi %sign3A_930, %sign3A_933 : i32
          %sign3A_935 = arith.constant 0 : i32
          %sign3A_936 = arith.cmpi sgt, %jit3A_926, %sign3A_935 : i32
          %sign3A_937 = arith.extui %sign3A_936 : i1 to i32
          %sign3A_938 = arith.constant 0 : i32
          %sign3A_939 = arith.cmpi slt, %jit3A_926, %sign3A_938 : i32
          %sign3A_940 = arith.extui %sign3A_939 : i1 to i32
          %sign3A_941 = arith.subi %sign3A_937, %sign3A_940 : i32
          %ne3A_942 = arith.cmpi ne, %sign3A_934, %sign3A_941 : i32
          %rem3A_943 = arith.remsi %scan3A_108, %jit3A_926 : i32
          %ne3A_944 = arith.constant 0 : i32
          %ne3A_945 = arith.cmpi ne, %rem3A_943, %ne3A_944 : i32
          %and3A_946 = arith.andi %ne3A_942, %ne3A_945 : i1
          %sub3A_947 = arith.constant 1 : i32
          %sub3A_948 = arith.subi %div3A_927, %sub3A_947 : i32
          %select_n3A_949 = arith.select %and3A_946, %sub3A_948, %div3A_927 : i32
          %mul3A_950 = arith.constant 16 : i32
          %mul3A_951 = arith.muli %select_n3A_949, %mul3A_950 : i32
          %add3A_952 = arith.addi %mul3A_925, %mul3A_951 : i32
          %jit3A_953 = arith.constant 16 : i32
          %eq3A_954 = arith.constant 0 : i32
          %eq3A_955 = arith.cmpi eq, %jit3A_953, %eq3A_954 : i32
          %jit3A_956 = arith.constant 1 : i32
          %select_n3A_957 = arith.select %eq3A_955, %jit3A_956, %jit3A_953 : i32
          %rem3A_958 = arith.remsi %scan3A_108, %select_n3A_957 : i32
          %ne3A_959 = arith.constant 0 : i32
          %ne3A_960 = arith.cmpi ne, %rem3A_958, %ne3A_959 : i32
          %lt3A_961 = arith.constant 0 : i32
          %lt3A_962 = arith.cmpi slt, %rem3A_958, %lt3A_961 : i32
          %lt3A_963 = arith.constant 0 : i32
          %lt3A_964 = arith.cmpi slt, %select_n3A_957, %lt3A_963 : i32
          %ne3A_965 = arith.xori %lt3A_962, %lt3A_964 : i1
          %and3A_966 = arith.andi %ne3A_965, %ne3A_960 : i1
          %add3A_967 = arith.addi %rem3A_958, %select_n3A_957 : i32
          %select_n3A_968 = arith.select %and3A_966, %add3A_967, %rem3A_958 : i32
          %eq3A_969 = vector.broadcast %select_n3A_968 : i32 to vector<16xi32>
          %eq3A_970 = arith.cmpi eq, %iota3A, %eq3A_969 : vector<16xi32>
          %get3A_971 = arith.index_cast %add3A_952 : i32 to index
          %get3A_972 = tpu.vector_load %arg9[%get3A_971] {strides = array<i32>} : memref<304xi32, #tpu.memory_space<vmem>>, vector<16xi32>,
          %get3A_973 = vector.shape_cast %get3A_972 : vector<16xi32> to vector<16xi32>
          %mul3A_974 = arith.constant 8192 : i32
          %mul3A_975 = arith.muli %select_n3A, %mul3A_974 : i32
          %add3A_976 = arith.addi %squeeze3A, %mul3A_975 : i32
          %add3A_977 = vector.broadcast %add3A_976 : i32 to vector<16xi32>
          %add3A_978 = arith.addi %broadcast_in_dim3A_3, %add3A_977 : vector<16xi32>
          %select_n3A_979 = arith.select %eq3A_970, %add3A_978, %get3A_973 : vector<16xi1>, vector<16xi32>
          %swap3A_980 = arith.index_cast %add3A_952 : i32 to index
          %swap3A_981 = tpu.vector_load %arg9[%swap3A_980] {strides = array<i32>} : memref<304xi32, #tpu.memory_space<vmem>>, vector<16xi32>,
          %swap3A_982 = vector.shape_cast %swap3A_981 : vector<16xi32> to vector<16xi32>
          %swap3A_983 = vector.shape_cast %select_n3A_979 : vector<16xi32> to vector<16xi32>
          tpu.vector_store %arg9[%swap3A_980], %swap3A_983 {strides = array<i32>} : memref<304xi32, #tpu.memory_space<vmem>>, vector<16xi32>,
        }
        %scan3A_164 = arith.constant 9 : i32
      }
      %scan3A_62 = arith.constant 32 : i32
      %mul3A_63 = arith.constant 2016 : i32
      %mul3A_64 = arith.muli %select_n3A, %mul3A_63 : i32
      %add3A_65 = arith.constant 0 : i32
      %add3A_66 = arith.addi %mul3A_64, %add3A_65 : i32
      %add3A_67 = arith.addi %add3A_66, %mul3A_45 : i32
      "tpu.region"() ({
        %run_scoped3A = tpu.sem_alloc : memref<!tpu.dma_semaphore, #tpu.memory_space<semaphore_mem>>
        %dma_start3A_108 = arith.constant 0 : i32
        %dma_start3A_109 = tpu.memref_slice %arg9[%dma_start3A_108] : memref<304xi32, #tpu.memory_space<vmem>> -> memref<32xi32, #tpu.memory_space<vmem>>
        %dma_start3A_110 = tpu.memref_slice %arg3[%add3A_67] : memref<8192xi32, #tpu.memory_space<hbm>> -> memref<32xi32, #tpu.memory_space<hbm>>
        %dma_start3A_111 = tpu.memref_slice %arg3[%add3A_67] : memref<8192xi32, #tpu.memory_space<hbm>> -> memref<32xi32, #tpu.memory_space<hbm>>
        %dma_start3A_112 = arith.constant 0 : i32
        %dma_start3A_113 = tpu.memref_slice %arg9[%dma_start3A_112] : memref<304xi32, #tpu.memory_space<vmem>> -> memref<32xi32, #tpu.memory_space<vmem>>
        tpu.enqueue_dma source(%dma_start3A_113 : memref<32xi32, #tpu.memory_space<vmem>>) target(%dma_start3A_111 : memref<32xi32, #tpu.memory_space<hbm>>) target_semaphore(%run_scoped3A : memref<!tpu.dma_semaphore, #tpu.memory_space<semaphore_mem>>)
        %dma_wait3A = arith.constant 0 : i32
        %dma_wait3A_114 = tpu.memref_slice %arg9[%dma_wait3A] : memref<304xi32, #tpu.memory_space<vmem>> -> memref<32xi32, #tpu.memory_space<vmem>>
        %dma_wait3A_115 = tpu.memref_slice %arg3[%add3A_67] : memref<8192xi32, #tpu.memory_space<hbm>> -> memref<32xi32, #tpu.memory_space<hbm>>
        %dma_wait3A_116 = tpu.memref_slice %arg3[%add3A_67] : memref<8192xi32, #tpu.memory_space<hbm>> -> memref<32xi32, #tpu.memory_space<hbm>>
        %dma_wait3A_117 = arith.constant 0 : i32
        %dma_wait3A_118 = tpu.memref_slice %arg9[%dma_wait3A_117] : memref<304xi32, #tpu.memory_space<vmem>> -> memref<32xi32, #tpu.memory_space<vmem>>
        tpu.wait_dma2 semaphore(%run_scoped3A : memref<!tpu.dma_semaphore, #tpu.memory_space<semaphore_mem>>) src(%dma_wait3A_118 : memref<32xi32, #tpu.memory_space<vmem>>) dst(%dma_wait3A_116 : memref<32xi32, #tpu.memory_space<hbm>>)
        tpu.yield
      }) : () -> ()
      %mul3A_68 = arith.constant 2016 : i32
      %mul3A_69 = arith.muli %select_n3A, %mul3A_68 : i32
      %add3A_70 = arith.constant 224 : i32
      %add3A_71 = arith.addi %mul3A_69, %add3A_70 : i32
      %add3A_72 = arith.addi %add3A_71, %mul3A_45 : i32
      "tpu.region"() ({
        %run_scoped3A = tpu.sem_alloc : memref<!tpu.dma_semaphore, #tpu.memory_space<semaphore_mem>>
        %dma_start3A_108 = arith.constant 32 : i32
        %dma_start3A_109 = tpu.memref_slice %arg9[%dma_start3A_108] : memref<304xi32, #tpu.memory_space<vmem>> -> memref<32xi32, #tpu.memory_space<vmem>>
        %dma_start3A_110 = tpu.memref_slice %arg3[%add3A_72] : memref<8192xi32, #tpu.memory_space<hbm>> -> memref<32xi32, #tpu.memory_space<hbm>>
        %dma_start3A_111 = tpu.memref_slice %arg3[%add3A_72] : memref<8192xi32, #tpu.memory_space<hbm>> -> memref<32xi32, #tpu.memory_space<hbm>>
        %dma_start3A_112 = arith.constant 32 : i32
        %dma_start3A_113 = tpu.memref_slice %arg9[%dma_start3A_112] : memref<304xi32, #tpu.memory_space<vmem>> -> memref<32xi32, #tpu.memory_space<vmem>>
        tpu.enqueue_dma source(%dma_start3A_113 : memref<32xi32, #tpu.memory_space<vmem>>) target(%dma_start3A_111 : memref<32xi32, #tpu.memory_space<hbm>>) target_semaphore(%run_scoped3A : memref<!tpu.dma_semaphore, #tpu.memory_space<semaphore_mem>>)
        %dma_wait3A = arith.constant 32 : i32
        %dma_wait3A_114 = tpu.memref_slice %arg9[%dma_wait3A] : memref<304xi32, #tpu.memory_space<vmem>> -> memref<32xi32, #tpu.memory_space<vmem>>
        %dma_wait3A_115 = tpu.memref_slice %arg3[%add3A_72] : memref<8192xi32, #tpu.memory_space<hbm>> -> memref<32xi32, #tpu.memory_space<hbm>>
        %dma_wait3A_116 = tpu.memref_slice %arg3[%add3A_72] : memref<8192xi32, #tpu.memory_space<hbm>> -> memref<32xi32, #tpu.memory_space<hbm>>
        %dma_wait3A_117 = arith.constant 32 : i32
        %dma_wait3A_118 = tpu.memref_slice %arg9[%dma_wait3A_117] : memref<304xi32, #tpu.memory_space<vmem>> -> memref<32xi32, #tpu.memory_space<vmem>>
        tpu.wait_dma2 semaphore(%run_scoped3A : memref<!tpu.dma_semaphore, #tpu.memory_space<semaphore_mem>>) src(%dma_wait3A_118 : memref<32xi32, #tpu.memory_space<vmem>>) dst(%dma_wait3A_116 : memref<32xi32, #tpu.memory_space<hbm>>)
        tpu.yield
      }) : () -> ()
      %mul3A_73 = arith.constant 2016 : i32
      %mul3A_74 = arith.muli %select_n3A, %mul3A_73 : i32
      %add3A_75 = arith.constant 448 : i32
      %add3A_76 = arith.addi %mul3A_74, %add3A_75 : i32
      %add3A_77 = arith.addi %add3A_76, %mul3A_45 : i32
      "tpu.region"() ({
        %run_scoped3A = tpu.sem_alloc : memref<!tpu.dma_semaphore, #tpu.memory_space<semaphore_mem>>
        %dma_start3A_108 = arith.constant 64 : i32
        %dma_start3A_109 = tpu.memref_slice %arg9[%dma_start3A_108] : memref<304xi32, #tpu.memory_space<vmem>> -> memref<32xi32, #tpu.memory_space<vmem>>
        %dma_start3A_110 = tpu.memref_slice %arg3[%add3A_77] : memref<8192xi32, #tpu.memory_space<hbm>> -> memref<32xi32, #tpu.memory_space<hbm>>
        %dma_start3A_111 = tpu.memref_slice %arg3[%add3A_77] : memref<8192xi32, #tpu.memory_space<hbm>> -> memref<32xi32, #tpu.memory_space<hbm>>
        %dma_start3A_112 = arith.constant 64 : i32
        %dma_start3A_113 = tpu.memref_slice %arg9[%dma_start3A_112] : memref<304xi32, #tpu.memory_space<vmem>> -> memref<32xi32, #tpu.memory_space<vmem>>
        tpu.enqueue_dma source(%dma_start3A_113 : memref<32xi32, #tpu.memory_space<vmem>>) target(%dma_start3A_111 : memref<32xi32, #tpu.memory_space<hbm>>) target_semaphore(%run_scoped3A : memref<!tpu.dma_semaphore, #tpu.memory_space<semaphore_mem>>)
        %dma_wait3A = arith.constant 64 : i32
        %dma_wait3A_114 = tpu.memref_slice %arg9[%dma_wait3A] : memref<304xi32, #tpu.memory_space<vmem>> -> memref<32xi32, #tpu.memory_space<vmem>>
        %dma_wait3A_115 = tpu.memref_slice %arg3[%add3A_77] : memref<8192xi32, #tpu.memory_space<hbm>> -> memref<32xi32, #tpu.memory_space<hbm>>
        %dma_wait3A_116 = tpu.memref_slice %arg3[%add3A_77] : memref<8192xi32, #tpu.memory_space<hbm>> -> memref<32xi32, #tpu.memory_space<hbm>>
        %dma_wait3A_117 = arith.constant 64 : i32
        %dma_wait3A_118 = tpu.memref_slice %arg9[%dma_wait3A_117] : memref<304xi32, #tpu.memory_space<vmem>> -> memref<32xi32, #tpu.memory_space<vmem>>
        tpu.wait_dma2 semaphore(%run_scoped3A : memref<!tpu.dma_semaphore, #tpu.memory_space<semaphore_mem>>) src(%dma_wait3A_118 : memref<32xi32, #tpu.memory_space<vmem>>) dst(%dma_wait3A_116 : memref<32xi32, #tpu.memory_space<hbm>>)
        tpu.yield
      }) : () -> ()
      %mul3A_78 = arith.constant 2016 : i32
      %mul3A_79 = arith.muli %select_n3A, %mul3A_78 : i32
      %add3A_80 = arith.constant 672 : i32
      %add3A_81 = arith.addi %mul3A_79, %add3A_80 : i32
      %add3A_82 = arith.addi %add3A_81, %mul3A_45 : i32
      "tpu.region"() ({
        %run_scoped3A = tpu.sem_alloc : memref<!tpu.dma_semaphore, #tpu.memory_space<semaphore_mem>>
        %dma_start3A_108 = arith.constant 96 : i32
        %dma_start3A_109 = tpu.memref_slice %arg9[%dma_start3A_108] : memref<304xi32, #tpu.memory_space<vmem>> -> memref<32xi32, #tpu.memory_space<vmem>>
        %dma_start3A_110 = tpu.memref_slice %arg3[%add3A_82] : memref<8192xi32, #tpu.memory_space<hbm>> -> memref<32xi32, #tpu.memory_space<hbm>>
        %dma_start3A_111 = tpu.memref_slice %arg3[%add3A_82] : memref<8192xi32, #tpu.memory_space<hbm>> -> memref<32xi32, #tpu.memory_space<hbm>>
        %dma_start3A_112 = arith.constant 96 : i32
        %dma_start3A_113 = tpu.memref_slice %arg9[%dma_start3A_112] : memref<304xi32, #tpu.memory_space<vmem>> -> memref<32xi32, #tpu.memory_space<vmem>>
        tpu.enqueue_dma source(%dma_start3A_113 : memref<32xi32, #tpu.memory_space<vmem>>) target(%dma_start3A_111 : memref<32xi32, #tpu.memory_space<hbm>>) target_semaphore(%run_scoped3A : memref<!tpu.dma_semaphore, #tpu.memory_space<semaphore_mem>>)
        %dma_wait3A = arith.constant 96 : i32
        %dma_wait3A_114 = tpu.memref_slice %arg9[%dma_wait3A] : memref<304xi32, #tpu.memory_space<vmem>> -> memref<32xi32, #tpu.memory_space<vmem>>
        %dma_wait3A_115 = tpu.memref_slice %arg3[%add3A_82] : memref<8192xi32, #tpu.memory_space<hbm>> -> memref<32xi32, #tpu.memory_space<hbm>>
        %dma_wait3A_116 = tpu.memref_slice %arg3[%add3A_82] : memref<8192xi32, #tpu.memory_space<hbm>> -> memref<32xi32, #tpu.memory_space<hbm>>
        %dma_wait3A_117 = arith.constant 96 : i32
        %dma_wait3A_118 = tpu.memref_slice %arg9[%dma_wait3A_117] : memref<304xi32, #tpu.memory_space<vmem>> -> memref<32xi32, #tpu.memory_space<vmem>>
        tpu.wait_dma2 semaphore(%run_scoped3A : memref<!tpu.dma_semaphore, #tpu.memory_space<semaphore_mem>>) src(%dma_wait3A_118 : memref<32xi32, #tpu.memory_space<vmem>>) dst(%dma_wait3A_116 : memref<32xi32, #tpu.memory_space<hbm>>)
        tpu.yield
      }) : () -> ()
      %mul3A_83 = arith.constant 2016 : i32
      %mul3A_84 = arith.muli %select_n3A, %mul3A_83 : i32
      %add3A_85 = arith.constant 896 : i32
      %add3A_86 = arith.addi %mul3A_84, %add3A_85 : i32
      %add3A_87 = arith.addi %add3A_86, %mul3A_45 : i32
      "tpu.region"() ({
        %run_scoped3A = tpu.sem_alloc : memref<!tpu.dma_semaphore, #tpu.memory_space<semaphore_mem>>
        %dma_start3A_108 = arith.constant 128 : i32
        %dma_start3A_109 = tpu.memref_slice %arg9[%dma_start3A_108] : memref<304xi32, #tpu.memory_space<vmem>> -> memref<32xi32, #tpu.memory_space<vmem>>
        %dma_start3A_110 = tpu.memref_slice %arg3[%add3A_87] : memref<8192xi32, #tpu.memory_space<hbm>> -> memref<32xi32, #tpu.memory_space<hbm>>
        %dma_start3A_111 = tpu.memref_slice %arg3[%add3A_87] : memref<8192xi32, #tpu.memory_space<hbm>> -> memref<32xi32, #tpu.memory_space<hbm>>
        %dma_start3A_112 = arith.constant 128 : i32
        %dma_start3A_113 = tpu.memref_slice %arg9[%dma_start3A_112] : memref<304xi32, #tpu.memory_space<vmem>> -> memref<32xi32, #tpu.memory_space<vmem>>
        tpu.enqueue_dma source(%dma_start3A_113 : memref<32xi32, #tpu.memory_space<vmem>>) target(%dma_start3A_111 : memref<32xi32, #tpu.memory_space<hbm>>) target_semaphore(%run_scoped3A : memref<!tpu.dma_semaphore, #tpu.memory_space<semaphore_mem>>)
        %dma_wait3A = arith.constant 128 : i32
        %dma_wait3A_114 = tpu.memref_slice %arg9[%dma_wait3A] : memref<304xi32, #tpu.memory_space<vmem>> -> memref<32xi32, #tpu.memory_space<vmem>>
        %dma_wait3A_115 = tpu.memref_slice %arg3[%add3A_87] : memref<8192xi32, #tpu.memory_space<hbm>> -> memref<32xi32, #tpu.memory_space<hbm>>
        %dma_wait3A_116 = tpu.memref_slice %arg3[%add3A_87] : memref<8192xi32, #tpu.memory_space<hbm>> -> memref<32xi32, #tpu.memory_space<hbm>>
        %dma_wait3A_117 = arith.constant 128 : i32
        %dma_wait3A_118 = tpu.memref_slice %arg9[%dma_wait3A_117] : memref<304xi32, #tpu.memory_space<vmem>> -> memref<32xi32, #tpu.memory_space<vmem>>
        tpu.wait_dma2 semaphore(%run_scoped3A : memref<!tpu.dma_semaphore, #tpu.memory_space<semaphore_mem>>) src(%dma_wait3A_118 : memref<32xi32, #tpu.memory_space<vmem>>) dst(%dma_wait3A_116 : memref<32xi32, #tpu.memory_space<hbm>>)
        tpu.yield
      }) : () -> ()
      %mul3A_88 = arith.constant 2016 : i32
      %mul3A_89 = arith.muli %select_n3A, %mul3A_88 : i32
      %add3A_90 = arith.constant 1120 : i32
      %add3A_91 = arith.addi %mul3A_89, %add3A_90 : i32
      %add3A_92 = arith.addi %add3A_91, %mul3A_45 : i32
      "tpu.region"() ({
        %run_scoped3A = tpu.sem_alloc : memref<!tpu.dma_semaphore, #tpu.memory_space<semaphore_mem>>
        %dma_start3A_108 = arith.constant 160 : i32
        %dma_start3A_109 = tpu.memref_slice %arg9[%dma_start3A_108] : memref<304xi32, #tpu.memory_space<vmem>> -> memref<32xi32, #tpu.memory_space<vmem>>
        %dma_start3A_110 = tpu.memref_slice %arg3[%add3A_92] : memref<8192xi32, #tpu.memory_space<hbm>> -> memref<32xi32, #tpu.memory_space<hbm>>
        %dma_start3A_111 = tpu.memref_slice %arg3[%add3A_92] : memref<8192xi32, #tpu.memory_space<hbm>> -> memref<32xi32, #tpu.memory_space<hbm>>
        %dma_start3A_112 = arith.constant 160 : i32
        %dma_start3A_113 = tpu.memref_slice %arg9[%dma_start3A_112] : memref<304xi32, #tpu.memory_space<vmem>> -> memref<32xi32, #tpu.memory_space<vmem>>
        tpu.enqueue_dma source(%dma_start3A_113 : memref<32xi32, #tpu.memory_space<vmem>>) target(%dma_start3A_111 : memref<32xi32, #tpu.memory_space<hbm>>) target_semaphore(%run_scoped3A : memref<!tpu.dma_semaphore, #tpu.memory_space<semaphore_mem>>)
        %dma_wait3A = arith.constant 160 : i32
        %dma_wait3A_114 = tpu.memref_slice %arg9[%dma_wait3A] : memref<304xi32, #tpu.memory_space<vmem>> -> memref<32xi32, #tpu.memory_space<vmem>>
        %dma_wait3A_115 = tpu.memref_slice %arg3[%add3A_92] : memref<8192xi32, #tpu.memory_space<hbm>> -> memref<32xi32, #tpu.memory_space<hbm>>
        %dma_wait3A_116 = tpu.memref_slice %arg3[%add3A_92] : memref<8192xi32, #tpu.memory_space<hbm>> -> memref<32xi32, #tpu.memory_space<hbm>>
        %dma_wait3A_117 = arith.constant 160 : i32
        %dma_wait3A_118 = tpu.memref_slice %arg9[%dma_wait3A_117] : memref<304xi32, #tpu.memory_space<vmem>> -> memref<32xi32, #tpu.memory_space<vmem>>
        tpu.wait_dma2 semaphore(%run_scoped3A : memref<!tpu.dma_semaphore, #tpu.memory_space<semaphore_mem>>) src(%dma_wait3A_118 : memref<32xi32, #tpu.memory_space<vmem>>) dst(%dma_wait3A_116 : memref<32xi32, #tpu.memory_space<hbm>>)
        tpu.yield
      }) : () -> ()
      %mul3A_93 = arith.constant 2016 : i32
      %mul3A_94 = arith.muli %select_n3A, %mul3A_93 : i32
      %add3A_95 = arith.constant 1344 : i32
      %add3A_96 = arith.addi %mul3A_94, %add3A_95 : i32
      %add3A_97 = arith.addi %add3A_96, %mul3A_45 : i32
      "tpu.region"() ({
        %run_scoped3A = tpu.sem_alloc : memref<!tpu.dma_semaphore, #tpu.memory_space<semaphore_mem>>
        %dma_start3A_108 = arith.constant 192 : i32
        %dma_start3A_109 = tpu.memref_slice %arg9[%dma_start3A_108] : memref<304xi32, #tpu.memory_space<vmem>> -> memref<32xi32, #tpu.memory_space<vmem>>
        %dma_start3A_110 = tpu.memref_slice %arg3[%add3A_97] : memref<8192xi32, #tpu.memory_space<hbm>> -> memref<32xi32, #tpu.memory_space<hbm>>
        %dma_start3A_111 = tpu.memref_slice %arg3[%add3A_97] : memref<8192xi32, #tpu.memory_space<hbm>> -> memref<32xi32, #tpu.memory_space<hbm>>
        %dma_start3A_112 = arith.constant 192 : i32
        %dma_start3A_113 = tpu.memref_slice %arg9[%dma_start3A_112] : memref<304xi32, #tpu.memory_space<vmem>> -> memref<32xi32, #tpu.memory_space<vmem>>
        tpu.enqueue_dma source(%dma_start3A_113 : memref<32xi32, #tpu.memory_space<vmem>>) target(%dma_start3A_111 : memref<32xi32, #tpu.memory_space<hbm>>) target_semaphore(%run_scoped3A : memref<!tpu.dma_semaphore, #tpu.memory_space<semaphore_mem>>)
        %dma_wait3A = arith.constant 192 : i32
        %dma_wait3A_114 = tpu.memref_slice %arg9[%dma_wait3A] : memref<304xi32, #tpu.memory_space<vmem>> -> memref<32xi32, #tpu.memory_space<vmem>>
        %dma_wait3A_115 = tpu.memref_slice %arg3[%add3A_97] : memref<8192xi32, #tpu.memory_space<hbm>> -> memref<32xi32, #tpu.memory_space<hbm>>
        %dma_wait3A_116 = tpu.memref_slice %arg3[%add3A_97] : memref<8192xi32, #tpu.memory_space<hbm>> -> memref<32xi32, #tpu.memory_space<hbm>>
        %dma_wait3A_117 = arith.constant 192 : i32
        %dma_wait3A_118 = tpu.memref_slice %arg9[%dma_wait3A_117] : memref<304xi32, #tpu.memory_space<vmem>> -> memref<32xi32, #tpu.memory_space<vmem>>
        tpu.wait_dma2 semaphore(%run_scoped3A : memref<!tpu.dma_semaphore, #tpu.memory_space<semaphore_mem>>) src(%dma_wait3A_118 : memref<32xi32, #tpu.memory_space<vmem>>) dst(%dma_wait3A_116 : memref<32xi32, #tpu.memory_space<hbm>>)
        tpu.yield
      }) : () -> ()
      %mul3A_98 = arith.constant 2016 : i32
      %mul3A_99 = arith.muli %select_n3A, %mul3A_98 : i32
      %add3A_100 = arith.constant 1568 : i32
      %add3A_101 = arith.addi %mul3A_99, %add3A_100 : i32
      %add3A_102 = arith.addi %add3A_101, %mul3A_45 : i32
      "tpu.region"() ({
        %run_scoped3A = tpu.sem_alloc : memref<!tpu.dma_semaphore, #tpu.memory_space<semaphore_mem>>
        %dma_start3A_108 = arith.constant 224 : i32
        %dma_start3A_109 = tpu.memref_slice %arg9[%dma_start3A_108] : memref<304xi32, #tpu.memory_space<vmem>> -> memref<32xi32, #tpu.memory_space<vmem>>
        %dma_start3A_110 = tpu.memref_slice %arg3[%add3A_102] : memref<8192xi32, #tpu.memory_space<hbm>> -> memref<32xi32, #tpu.memory_space<hbm>>
        %dma_start3A_111 = tpu.memref_slice %arg3[%add3A_102] : memref<8192xi32, #tpu.memory_space<hbm>> -> memref<32xi32, #tpu.memory_space<hbm>>
        %dma_start3A_112 = arith.constant 224 : i32
        %dma_start3A_113 = tpu.memref_slice %arg9[%dma_start3A_112] : memref<304xi32, #tpu.memory_space<vmem>> -> memref<32xi32, #tpu.memory_space<vmem>>
        tpu.enqueue_dma source(%dma_start3A_113 : memref<32xi32, #tpu.memory_space<vmem>>) target(%dma_start3A_111 : memref<32xi32, #tpu.memory_space<hbm>>) target_semaphore(%run_scoped3A : memref<!tpu.dma_semaphore, #tpu.memory_space<semaphore_mem>>)
        %dma_wait3A = arith.constant 224 : i32
        %dma_wait3A_114 = tpu.memref_slice %arg9[%dma_wait3A] : memref<304xi32, #tpu.memory_space<vmem>> -> memref<32xi32, #tpu.memory_space<vmem>>
        %dma_wait3A_115 = tpu.memref_slice %arg3[%add3A_102] : memref<8192xi32, #tpu.memory_space<hbm>> -> memref<32xi32, #tpu.memory_space<hbm>>
        %dma_wait3A_116 = tpu.memref_slice %arg3[%add3A_102] : memref<8192xi32, #tpu.memory_space<hbm>> -> memref<32xi32, #tpu.memory_space<hbm>>
        %dma_wait3A_117 = arith.constant 224 : i32
        %dma_wait3A_118 = tpu.memref_slice %arg9[%dma_wait3A_117] : memref<304xi32, #tpu.memory_space<vmem>> -> memref<32xi32, #tpu.memory_space<vmem>>
        tpu.wait_dma2 semaphore(%run_scoped3A : memref<!tpu.dma_semaphore, #tpu.memory_space<semaphore_mem>>) src(%dma_wait3A_118 : memref<32xi32, #tpu.memory_space<vmem>>) dst(%dma_wait3A_116 : memref<32xi32, #tpu.memory_space<hbm>>)
        tpu.yield
      }) : () -> ()
      %mul3A_103 = arith.constant 2016 : i32
      %mul3A_104 = arith.muli %select_n3A, %mul3A_103 : i32
      %add3A_105 = arith.constant 1792 : i32
      %add3A_106 = arith.addi %mul3A_104, %add3A_105 : i32
      %add3A_107 = arith.addi %add3A_106, %mul3A_45 : i32
      "tpu.region"() ({
        %run_scoped3A = tpu.sem_alloc : memref<!tpu.dma_semaphore, #tpu.memory_space<semaphore_mem>>
        %dma_start3A_108 = arith.constant 256 : i32
        %dma_start3A_109 = tpu.memref_slice %arg9[%dma_start3A_108] : memref<304xi32, #tpu.memory_space<vmem>> -> memref<32xi32, #tpu.memory_space<vmem>>
        %dma_start3A_110 = tpu.memref_slice %arg3[%add3A_107] : memref<8192xi32, #tpu.memory_space<hbm>> -> memref<32xi32, #tpu.memory_space<hbm>>
        %dma_start3A_111 = tpu.memref_slice %arg3[%add3A_107] : memref<8192xi32, #tpu.memory_space<hbm>> -> memref<32xi32, #tpu.memory_space<hbm>>
        %dma_start3A_112 = arith.constant 256 : i32
        %dma_start3A_113 = tpu.memref_slice %arg9[%dma_start3A_112] : memref<304xi32, #tpu.memory_space<vmem>> -> memref<32xi32, #tpu.memory_space<vmem>>
        tpu.enqueue_dma source(%dma_start3A_113 : memref<32xi32, #tpu.memory_space<vmem>>) target(%dma_start3A_111 : memref<32xi32, #tpu.memory_space<hbm>>) target_semaphore(%run_scoped3A : memref<!tpu.dma_semaphore, #tpu.memory_space<semaphore_mem>>)
        %dma_wait3A = arith.constant 256 : i32
        %dma_wait3A_114 = tpu.memref_slice %arg9[%dma_wait3A] : memref<304xi32, #tpu.memory_space<vmem>> -> memref<32xi32, #tpu.memory_space<vmem>>
        %dma_wait3A_115 = tpu.memref_slice %arg3[%add3A_107] : memref<8192xi32, #tpu.memory_space<hbm>> -> memref<32xi32, #tpu.memory_space<hbm>>
        %dma_wait3A_116 = tpu.memref_slice %arg3[%add3A_107] : memref<8192xi32, #tpu.memory_space<hbm>> -> memref<32xi32, #tpu.memory_space<hbm>>
        %dma_wait3A_117 = arith.constant 256 : i32
        %dma_wait3A_118 = tpu.memref_slice %arg9[%dma_wait3A_117] : memref<304xi32, #tpu.memory_space<vmem>> -> memref<32xi32, #tpu.memory_space<vmem>>
        tpu.wait_dma2 semaphore(%run_scoped3A : memref<!tpu.dma_semaphore, #tpu.memory_space<semaphore_mem>>) src(%dma_wait3A_118 : memref<32xi32, #tpu.memory_space<vmem>>) dst(%dma_wait3A_116 : memref<32xi32, #tpu.memory_space<hbm>>)
        tpu.yield
      }) : () -> ()
    } else {
    }
    %eq3A = arith.constant 28 : i32
    %eq3A_8 = arith.cmpi eq, %add3A, %eq3A : i32
    %convert_element_type3A_9 = arith.extui %eq3A_8 : i1 to i32
    %cond3A_10 = arith.constant 0 : i32
    %cond3A_11 = arith.cmpi ne, %convert_element_type3A_9, %cond3A_10 : i32
    scf.if %cond3A_11 {
      %broadcast_in_dim3A_12 = arith.constant 0 : i32
      %broadcast_in_dim3A_13 = vector.broadcast %broadcast_in_dim3A_12 : i32 to vector<16xi32>
      %swap3A = arith.constant 0 : index
      %swap3A_14 = tpu.vector_load %arg9[%swap3A] {strides = array<i32>} : memref<304xi32, #tpu.memory_space<vmem>>, vector<16xi32>,
      %swap3A_15 = vector.shape_cast %swap3A_14 : vector<16xi32> to vector<16xi32>
      %swap3A_16 = vector.shape_cast %broadcast_in_dim3A_13 : vector<16xi32> to vector<16xi32>
      tpu.vector_store %arg9[%swap3A], %swap3A_16 {strides = array<i32>} : memref<304xi32, #tpu.memory_space<vmem>>, vector<16xi32>,
      %broadcast_in_dim3A_17 = arith.constant 0 : i32
      %broadcast_in_dim3A_18 = vector.broadcast %broadcast_in_dim3A_17 : i32 to vector<16xi32>
      %swap3A_19 = arith.constant 16 : index
      %swap3A_20 = tpu.vector_load %arg9[%swap3A_19] {strides = array<i32>} : memref<304xi32, #tpu.memory_space<vmem>>, vector<16xi32>,
      %swap3A_21 = vector.shape_cast %swap3A_20 : vector<16xi32> to vector<16xi32>
      %swap3A_22 = vector.shape_cast %broadcast_in_dim3A_18 : vector<16xi32> to vector<16xi32>
      tpu.vector_store %arg9[%swap3A_19], %swap3A_22 {strides = array<i32>} : memref<304xi32, #tpu.memory_space<vmem>>, vector<16xi32>,
      %broadcast_in_dim3A_23 = arith.constant 0 : i32
      %broadcast_in_dim3A_24 = vector.broadcast %broadcast_in_dim3A_23 : i32 to vector<16xi32>
      %swap3A_25 = arith.constant 32 : index
      %swap3A_26 = tpu.vector_load %arg9[%swap3A_25] {strides = array<i32>} : memref<304xi32, #tpu.memory_space<vmem>>, vector<16xi32>,
      %swap3A_27 = vector.shape_cast %swap3A_26 : vector<16xi32> to vector<16xi32>
      %swap3A_28 = vector.shape_cast %broadcast_in_dim3A_24 : vector<16xi32> to vector<16xi32>
      tpu.vector_store %arg9[%swap3A_25], %swap3A_28 {strides = array<i32>} : memref<304xi32, #tpu.memory_space<vmem>>, vector<16xi32>,
      %broadcast_in_dim3A_29 = arith.constant 0 : i32
      %broadcast_in_dim3A_30 = vector.broadcast %broadcast_in_dim3A_29 : i32 to vector<16xi32>
      %swap3A_31 = arith.constant 48 : index
      %swap3A_32 = tpu.vector_load %arg9[%swap3A_31] {strides = array<i32>} : memref<304xi32, #tpu.memory_space<vmem>>, vector<16xi32>,
      %swap3A_33 = vector.shape_cast %swap3A_32 : vector<16xi32> to vector<16xi32>
      %swap3A_34 = vector.shape_cast %broadcast_in_dim3A_30 : vector<16xi32> to vector<16xi32>
      tpu.vector_store %arg9[%swap3A_31], %swap3A_34 {strides = array<i32>} : memref<304xi32, #tpu.memory_space<vmem>>, vector<16xi32>,
      %broadcast_in_dim3A_35 = arith.constant 0 : i32
      %broadcast_in_dim3A_36 = vector.broadcast %broadcast_in_dim3A_35 : i32 to vector<16xi32>
      %swap3A_37 = arith.constant 64 : index
      %swap3A_38 = tpu.vector_load %arg9[%swap3A_37] {strides = array<i32>} : memref<304xi32, #tpu.memory_space<vmem>>, vector<16xi32>,
      %swap3A_39 = vector.shape_cast %swap3A_38 : vector<16xi32> to vector<16xi32>
      %swap3A_40 = vector.shape_cast %broadcast_in_dim3A_36 : vector<16xi32> to vector<16xi32>
      tpu.vector_store %arg9[%swap3A_37], %swap3A_40 {strides = array<i32>} : memref<304xi32, #tpu.memory_space<vmem>>, vector<16xi32>,
      %broadcast_in_dim3A_41 = arith.constant 0 : i32
      %broadcast_in_dim3A_42 = vector.broadcast %broadcast_in_dim3A_41 : i32 to vector<16xi32>
      %swap3A_43 = arith.constant 80 : index
      %swap3A_44 = tpu.vector_load %arg9[%swap3A_43] {strides = array<i32>} : memref<304xi32, #tpu.memory_space<vmem>>, vector<16xi32>,
      %swap3A_45 = vector.shape_cast %swap3A_44 : vector<16xi32> to vector<16xi32>
      %swap3A_46 = vector.shape_cast %broadcast_in_dim3A_42 : vector<16xi32> to vector<16xi32>
      tpu.vector_store %arg9[%swap3A_43], %swap3A_46 {strides = array<i32>} : memref<304xi32, #tpu.memory_space<vmem>>, vector<16xi32>,
      %broadcast_in_dim3A_47 = arith.constant 0 : i32
      %broadcast_in_dim3A_48 = vector.broadcast %broadcast_in_dim3A_47 : i32 to vector<16xi32>
      %swap3A_49 = arith.constant 96 : index
      %swap3A_50 = tpu.vector_load %arg9[%swap3A_49] {strides = array<i32>} : memref<304xi32, #tpu.memory_space<vmem>>, vector<16xi32>,
      %swap3A_51 = vector.shape_cast %swap3A_50 : vector<16xi32> to vector<16xi32>
      %swap3A_52 = vector.shape_cast %broadcast_in_dim3A_48 : vector<16xi32> to vector<16xi32>
      tpu.vector_store %arg9[%swap3A_49], %swap3A_52 {strides = array<i32>} : memref<304xi32, #tpu.memory_space<vmem>>, vector<16xi32>,
      %broadcast_in_dim3A_53 = arith.constant 0 : i32
      %broadcast_in_dim3A_54 = vector.broadcast %broadcast_in_dim3A_53 : i32 to vector<16xi32>
      %swap3A_55 = arith.constant 112 : index
      %swap3A_56 = tpu.vector_load %arg9[%swap3A_55] {strides = array<i32>} : memref<304xi32, #tpu.memory_space<vmem>>, vector<16xi32>,
      %swap3A_57 = vector.shape_cast %swap3A_56 : vector<16xi32> to vector<16xi32>
      %swap3A_58 = vector.shape_cast %broadcast_in_dim3A_54 : vector<16xi32> to vector<16xi32>
      tpu.vector_store %arg9[%swap3A_55], %swap3A_58 {strides = array<i32>} : memref<304xi32, #tpu.memory_space<vmem>>, vector<16xi32>,
      "tpu.region"() ({
        %run_scoped3A = tpu.sem_alloc : memref<!tpu.dma_semaphore, #tpu.memory_space<semaphore_mem>>
        %dma_start3A = arith.constant 0 : i32
        %dma_start3A_59 = tpu.memref_slice %arg9[%dma_start3A] : memref<304xi32, #tpu.memory_space<vmem>> -> memref<128xi32, #tpu.memory_space<vmem>>
        %dma_start3A_60 = arith.constant 8064 : i32
        %dma_start3A_61 = tpu.memref_slice %arg3[%dma_start3A_60] : memref<8192xi32, #tpu.memory_space<hbm>> -> memref<128xi32, #tpu.memory_space<hbm>>
        %dma_start3A_62 = arith.constant 8064 : i32
        %dma_start3A_63 = tpu.memref_slice %arg3[%dma_start3A_62] : memref<8192xi32, #tpu.memory_space<hbm>> -> memref<128xi32, #tpu.memory_space<hbm>>
        %dma_start3A_64 = arith.constant 0 : i32
        %dma_start3A_65 = tpu.memref_slice %arg9[%dma_start3A_64] : memref<304xi32, #tpu.memory_space<vmem>> -> memref<128xi32, #tpu.memory_space<vmem>>
        tpu.enqueue_dma source(%dma_start3A_65 : memref<128xi32, #tpu.memory_space<vmem>>) target(%dma_start3A_63 : memref<128xi32, #tpu.memory_space<hbm>>) target_semaphore(%run_scoped3A : memref<!tpu.dma_semaphore, #tpu.memory_space<semaphore_mem>>)
        %dma_wait3A = arith.constant 0 : i32
        %dma_wait3A_66 = tpu.memref_slice %arg9[%dma_wait3A] : memref<304xi32, #tpu.memory_space<vmem>> -> memref<128xi32, #tpu.memory_space<vmem>>
        %dma_wait3A_67 = arith.constant 8064 : i32
        %dma_wait3A_68 = tpu.memref_slice %arg3[%dma_wait3A_67] : memref<8192xi32, #tpu.memory_space<hbm>> -> memref<128xi32, #tpu.memory_space<hbm>>
        %dma_wait3A_69 = arith.constant 8064 : i32
        %dma_wait3A_70 = tpu.memref_slice %arg3[%dma_wait3A_69] : memref<8192xi32, #tpu.memory_space<hbm>> -> memref<128xi32, #tpu.memory_space<hbm>>
        %dma_wait3A_71 = arith.constant 0 : i32
        %dma_wait3A_72 = tpu.memref_slice %arg9[%dma_wait3A_71] : memref<304xi32, #tpu.memory_space<vmem>> -> memref<128xi32, #tpu.memory_space<vmem>>
        tpu.wait_dma2 semaphore(%run_scoped3A : memref<!tpu.dma_semaphore, #tpu.memory_space<semaphore_mem>>) src(%dma_wait3A_72 : memref<128xi32, #tpu.memory_space<vmem>>) dst(%dma_wait3A_70 : memref<128xi32, #tpu.memory_space<hbm>>)
        tpu.yield
      }) : () -> ()
    } else {
    }
    return
  }
}

module attributes {stable_mosaic.version = 14 : i64} {
  func.func @_qk_body(%arg0: memref<224x512xf32, #tpu.memory_space<vmem>>, %arg1: memref<768x512xf32, #tpu.memory_space<vmem>>, %arg2: memref<224x768xf32, #tpu.memory_space<vmem>>) attributes {dimension_semantics = [], scalar_prefetch = 0 : i64, scratch_operands = 0 : i64, tpu.core_type = #tpu.core_type<tc>} {
    %get3A = arith.constant 0 : index
    %get3A_0 = arith.constant 0 : index
    %get3A_1 = vector.load %arg0[%get3A, %get3A_0] : memref<224x512xf32, #tpu.memory_space<vmem>>, vector<224x512xf32>
    %get3A_2 = arith.constant 0 : index
    %get3A_3 = arith.constant 0 : index
    %get3A_4 = vector.load %arg1[%get3A_2, %get3A_3] : memref<768x512xf32, #tpu.memory_space<vmem>>, vector<768x512xf32>
    %dot_general3A = arith.constant dense<0.000000e+00> : vector<224x768xf32>
    %dot_general3A_5 = tpu.matmul %get3A_1, %get3A_4, %dot_general3A {dimension_numbers = #tpu.dot_dimension_numbers<[1], [1], [0], [0], [0, 0, 1, 0], [], []>, transpose_lhs_hint = false} : vector<224x512xf32>, vector<768x512xf32>, vector<224x768xf32> -> vector<224x768xf32>
    %swap3A = arith.constant 0 : index
    %swap3A_6 = arith.constant 0 : index
    %swap3A_7 = vector.load %arg2[%swap3A, %swap3A_6] : memref<224x768xf32, #tpu.memory_space<vmem>>, vector<224x768xf32>
    tpu.vector_store %arg2[%swap3A, %swap3A_6], %dot_general3A_5 {strides = array<i32>} : memref<224x768xf32, #tpu.memory_space<vmem>>, vector<224x768xf32>,
    return
  }
}

module attributes {stable_mosaic.version = 14 : i64} {
  func.func @_attn_body(%arg0: i32, %arg1: i32, %arg2: memref<1x2048x768xf32, #tpu.memory_space<vmem>>, %arg3: memref<224x768xf32, #tpu.memory_space<vmem>>, %arg4: memref<224x2048xf32, #tpu.memory_space<vmem>>, %arg5: memref<1x8x768xf32, #tpu.memory_space<vmem>>) attributes {dimension_semantics = [#tpu.dimension_semantics<parallel>, #tpu.dimension_semantics<arbitrary>], iteration_bounds = array<i64: 4, 4>, scalar_prefetch = 0 : i64, scratch_operands = 0 : i64, tpu.core_type = #tpu.core_type<tc>, window_params = [{transform_indices = @transform_0, window_bounds = array<i64: 1, 2048, 768>}, {pipeline_mode = #tpu.pipeline_mode<synchronous>, transform_indices = @transform_1, window_bounds = array<i64: 224, 768>}, {transform_indices = @transform_2, window_bounds = array<i64: 224, 2048>}, {transform_indices = @transform_3, window_bounds = array<i64: 1, 8, 768>}]} {
    %get3A = arith.constant 0 : index
    %get3A_0 = arith.constant 0 : index
    %get3A_1 = arith.constant 0 : index
    %get3A_2 = vector.load %arg2[%get3A, %get3A_0, %get3A_1] : memref<1x2048x768xf32, #tpu.memory_space<vmem>>, vector<1x2048x768xf32>
    %get3A_3 = vector.shape_cast %get3A_2 : vector<1x2048x768xf32> to vector<2048x768xf32>
    %get3A_4 = arith.constant 0 : index
    %get3A_5 = arith.constant 0 : index
    %get3A_6 = vector.load %arg3[%get3A_4, %get3A_5] : memref<224x768xf32, #tpu.memory_space<vmem>>, vector<224x768xf32>
    %dot_general3A = arith.constant dense<0.000000e+00> : vector<224x2048xf32>
    %dot_general3A_7 = tpu.matmul %get3A_6, %get3A_3, %dot_general3A {dimension_numbers = #tpu.dot_dimension_numbers<[1], [1], [0], [0], [0, 0, 1, 0], [], []>, transpose_lhs_hint = false} : vector<224x768xf32>, vector<2048x768xf32>, vector<224x2048xf32> -> vector<224x2048xf32>
    %mul3A = arith.constant 3.7416575 : f32
    %mul3A_8 = vector.broadcast %mul3A : f32 to vector<224x2048xf32>
    %mul3A_9 = arith.mulf %dot_general3A_7, %mul3A_8 : vector<224x2048xf32>
    %swap3A = arith.constant 0 : index
    %swap3A_10 = arith.constant 0 : index
    %swap3A_11 = vector.load %arg4[%swap3A, %swap3A_10] : memref<224x2048xf32, #tpu.memory_space<vmem>>, vector<224x2048xf32>
    tpu.vector_store %arg4[%swap3A, %swap3A_10], %mul3A_9 {strides = array<i32>} : memref<224x2048xf32, #tpu.memory_space<vmem>>, vector<224x2048xf32>,
    %eq3A = arith.constant 0 : i32
    %eq3A_12 = arith.cmpi eq, %arg1, %eq3A : i32
    %convert_element_type3A = arith.extui %eq3A_12 : i1 to i32
    %cond3A = arith.constant 0 : i32
    %cond3A_13 = arith.cmpi ne, %convert_element_type3A, %cond3A : i32
    scf.if %cond3A_13 {
      %broadcast_in_dim3A_28 = arith.constant 0.000000e+00 : f32
      %broadcast_in_dim3A_29 = vector.broadcast %broadcast_in_dim3A_28 : f32 to vector<1x8x768xf32>
      %swap3A_30 = arith.constant 0 : index
      %swap3A_31 = arith.constant 0 : index
      %swap3A_32 = arith.constant 0 : index
      %swap3A_33 = vector.load %arg5[%swap3A_30, %swap3A_31, %swap3A_32] : memref<1x8x768xf32, #tpu.memory_space<vmem>>, vector<1x8x768xf32>
      tpu.vector_store %arg5[%swap3A_30, %swap3A_31, %swap3A_32], %broadcast_in_dim3A_29 {strides = array<i32>} : memref<1x8x768xf32, #tpu.memory_space<vmem>>, vector<1x8x768xf32>,
    } else {
    }
    %get3A_14 = arith.constant 0 : index
    %get3A_15 = arith.constant 0 : index
    %get3A_16 = arith.constant 0 : index
    %get3A_17 = vector.load %arg5[%get3A_14, %get3A_15, %get3A_16] : memref<1x8x768xf32, #tpu.memory_space<vmem>>, vector<1x8x768xf32>
    %get3A_18 = vector.shape_cast %get3A_17 : vector<1x8x768xf32> to vector<8x768xf32>
    %reduce_sum3A = arith.constant dense<0.000000e+00> : vector<768xf32>
    %reduce_sum3A_19 = vector.multi_reduction <add>, %get3A_3, %reduce_sum3A [0] : vector<2048x768xf32> to vector<768xf32>
    %broadcast_in_dim3A = vector.shape_cast %reduce_sum3A_19 : vector<768xf32> to vector<1x768xf32>
    %broadcast_in_dim3A_20 = vector.shape_cast %broadcast_in_dim3A : vector<1x768xf32> to vector<1x768xf32>
    %broadcast_in_dim3A_21 = vector.broadcast %broadcast_in_dim3A_20 : vector<1x768xf32> to vector<8x768xf32>
    %add3A = arith.addf %get3A_18, %broadcast_in_dim3A_21 : vector<8x768xf32>
    %swap3A_22 = arith.constant 0 : index
    %swap3A_23 = arith.constant 0 : index
    %swap3A_24 = arith.constant 0 : index
    %swap3A_25 = vector.load %arg5[%swap3A_22, %swap3A_23, %swap3A_24] : memref<1x8x768xf32, #tpu.memory_space<vmem>>, vector<1x8x768xf32>
    %swap3A_26 = vector.shape_cast %swap3A_25 : vector<1x8x768xf32> to vector<8x768xf32>
    %swap3A_27 = vector.shape_cast %add3A : vector<8x768xf32> to vector<1x8x768xf32>
    tpu.vector_store %arg5[%swap3A_22, %swap3A_23, %swap3A_24], %swap3A_27 {strides = array<i32>} : memref<1x8x768xf32, #tpu.memory_space<vmem>>, vector<1x8x768xf32>,
    return
  }
  func.func @transform_0(%arg0: i32, %arg1: i32) -> (i32, i32, i32) {
    %c0_i32 = arith.constant 0 : i32
    %c0_i32_0 = arith.constant 0 : i32
    return %arg0, %arg1, %c0_i32 : i32, i32, i32
  }
  func.func @transform_1(%arg0: i32, %arg1: i32) -> (i32, i32) {
    %c0_i32 = arith.constant 0 : i32
    %c0_i32_0 = arith.constant 0 : i32
    %c0_i32_1 = arith.constant 0 : i32
    return %c0_i32, %c0_i32_0 : i32, i32
  }
  func.func @transform_2(%arg0: i32, %arg1: i32) -> (i32, i32) {
    %c0_i32 = arith.constant 0 : i32
    return %arg0, %arg1 : i32, i32
  }
  func.func @transform_3(%arg0: i32, %arg1: i32) -> (i32, i32, i32) {
    %c0_i32 = arith.constant 0 : i32
    %c0_i32_0 = arith.constant 0 : i32
    %c0_i32_1 = arith.constant 0 : i32
    return %arg0, %c0_i32, %c0_i32_0 : i32, i32, i32
  }
}

module attributes {stable_mosaic.version = 14 : i64} {
  func.func @_combine_body(%arg0: i32, %arg1: memref<2016x768xf32, #tpu.memory_space<vmem>>, %arg2: memref<1x8x768xf32, #tpu.memory_space<vmem>>, %arg3: memref<768x512xf32, #tpu.memory_space<vmem>>, %arg4: memref<768x512xf32, #tpu.memory_space<vmem>>, %arg5: memref<224x512xf32, #tpu.memory_space<vmem>>, %arg6: memref<512x768xf32, #tpu.memory_space<vmem>>, %arg7: memref<1x768xf32, #tpu.memory_space<vmem>>, %arg8: memref<1x196x768xf32, #tpu.memory_space<vmem>>) attributes {dimension_semantics = [#tpu.dimension_semantics<arbitrary>], iteration_bounds = array<i64: 4>, scalar_prefetch = 0 : i64, scratch_operands = 0 : i64, tpu.core_type = #tpu.core_type<tc>, window_params = [{transform_indices = @transform_0, window_bounds = array<i64: 2016, 768>}, {transform_indices = @transform_1, window_bounds = array<i64: 1, 8, 768>}, {pipeline_mode = #tpu.pipeline_mode<synchronous>, transform_indices = @transform_2, window_bounds = array<i64: 768, 512>}, {pipeline_mode = #tpu.pipeline_mode<synchronous>, transform_indices = @transform_3, window_bounds = array<i64: 768, 512>}, {pipeline_mode = #tpu.pipeline_mode<synchronous>, transform_indices = @transform_4, window_bounds = array<i64: 224, 512>}, {pipeline_mode = #tpu.pipeline_mode<synchronous>, transform_indices = @transform_5, window_bounds = array<i64: 512, 768>}, {pipeline_mode = #tpu.pipeline_mode<synchronous>, transform_indices = @transform_6, window_bounds = array<i64: 1, 768>}, {transform_indices = @transform_7, window_bounds = array<i64: 1, 196, 768>}]} {
    %iota3A = tpu.iota {dimensions = array<i32: 1>} : vector<224x16xi32>
    %lt3A = arith.constant 9 : i32
    %lt3A_0 = vector.broadcast %lt3A : i32 to vector<224x16xi32>
    %lt3A_1 = arith.cmpi slt, %iota3A, %lt3A_0 : vector<224x16xi32>
    %get3A = arith.constant 0 : index
    %get3A_2 = arith.constant 0 : index
    %get3A_3 = vector.load %arg1[%get3A, %get3A_2] : memref<2016x768xf32, #tpu.memory_space<vmem>>, vector<2016x768xf32>
    %get3A_4 = arith.constant 0 : index
    %get3A_5 = arith.constant 0 : index
    %get3A_6 = vector.load %arg4[%get3A_4, %get3A_5] : memref<768x512xf32, #tpu.memory_space<vmem>>, vector<768x512xf32>
    %dot_general3A = arith.constant dense<0.000000e+00> : vector<2016x512xf32>
    %dot_general3A_7 = tpu.matmul %get3A_3, %get3A_6, %dot_general3A {dimension_numbers = #tpu.dot_dimension_numbers<[1], [0], [0], [1], [0, 0, 1, 1], [], []>, transpose_lhs_hint = false} : vector<2016x768xf32>, vector<768x512xf32>, vector<2016x512xf32> -> vector<2016x512xf32>
    %get3A_8 = arith.constant 0 : index
    %get3A_9 = arith.constant 0 : index
    %get3A_10 = vector.load %arg5[%get3A_8, %get3A_9] : memref<224x512xf32, #tpu.memory_space<vmem>>, vector<224x512xf32>
    %iota3A_11 = tpu.iota {dimensions = array<i32: 0>} : vector<224x224xi32>
    %iota3A_12 = tpu.iota {dimensions = array<i32: 1>} : vector<224x224xi32>
    %broadcast_in_dim3A = arith.constant 0.000000e+00 : f32
    %broadcast_in_dim3A_13 = vector.broadcast %broadcast_in_dim3A : f32 to vector<224x16xf32>
    %slice3A = vector.extract_strided_slice %dot_general3A_7 {offsets = [0, 0], sizes = [224, 512], strides = [1, 1]} : vector<2016x512xf32> to vector<224x512xf32>
    %dot_general3A_14 = arith.constant dense<0.000000e+00> : vector<224x224xf32>
    %dot_general3A_15 = tpu.matmul %get3A_10, %slice3A, %dot_general3A_14 {dimension_numbers = #tpu.dot_dimension_numbers<[1], [1], [0], [0], [0, 0, 1, 0], [], []>, transpose_lhs_hint = false} : vector<224x512xf32>, vector<224x512xf32>, vector<224x224xf32> -> vector<224x224xf32>
    %eq3A = arith.cmpi eq, %iota3A_11, %iota3A_12 : vector<224x224xi32>
    %jit3A = arith.constant 0.000000e+00 : f32
    %broadcast_in_dim3A_16 = vector.broadcast %jit3A : f32 to vector<224x224xf32>
    %select_n3A = arith.select %eq3A, %dot_general3A_15, %broadcast_in_dim3A_16 : vector<224x224xi1>, vector<224x224xf32>
    %reduce_sum3A = arith.constant dense<0.000000e+00> : vector<224xf32>
    %reduce_sum3A_17 = vector.multi_reduction <add>, %select_n3A, %reduce_sum3A [1] : vector<224x224xf32> to vector<224xf32>
    %broadcast_in_dim3A_18 = vector.shape_cast %reduce_sum3A_17 : vector<224xf32> to vector<224x1xf32>
    %mul3A = arith.constant 3.7416575 : f32
    %mul3A_19 = vector.broadcast %mul3A : f32 to vector<224x1xf32>
    %mul3A_20 = arith.mulf %broadcast_in_dim3A_18, %mul3A_19 : vector<224x1xf32>
    %eq3A_21 = arith.constant 0 : i32
    %eq3A_22 = vector.broadcast %eq3A_21 : i32 to vector<224x16xi32>
    %eq3A_23 = arith.cmpi eq, %iota3A, %eq3A_22 : vector<224x16xi32>
    %broadcast_in_dim3A_24 = vector.shape_cast %mul3A_20 : vector<224x1xf32> to vector<224x1xf32>
    %broadcast_in_dim3A_25 = vector.broadcast %broadcast_in_dim3A_24 : vector<224x1xf32> to vector<224x16xf32>
    %select_n3A_26 = arith.select %eq3A_23, %broadcast_in_dim3A_25, %broadcast_in_dim3A_13 : vector<224x16xi1>, vector<224x16xf32>
    %slice3A_27 = vector.extract_strided_slice %dot_general3A_7 {offsets = [224, 0], sizes = [224, 512], strides = [1, 1]} : vector<2016x512xf32> to vector<224x512xf32>
    %dot_general3A_28 = arith.constant dense<0.000000e+00> : vector<224x224xf32>
    %dot_general3A_29 = tpu.matmul %get3A_10, %slice3A_27, %dot_general3A_28 {dimension_numbers = #tpu.dot_dimension_numbers<[1], [1], [0], [0], [0, 0, 1, 0], [], []>, transpose_lhs_hint = false} : vector<224x512xf32>, vector<224x512xf32>, vector<224x224xf32> -> vector<224x224xf32>
    %eq3A_30 = arith.cmpi eq, %iota3A_11, %iota3A_12 : vector<224x224xi32>
    %jit3A_31 = arith.constant 0.000000e+00 : f32
    %broadcast_in_dim3A_32 = vector.broadcast %jit3A_31 : f32 to vector<224x224xf32>
    %select_n3A_33 = arith.select %eq3A_30, %dot_general3A_29, %broadcast_in_dim3A_32 : vector<224x224xi1>, vector<224x224xf32>
    %reduce_sum3A_34 = arith.constant dense<0.000000e+00> : vector<224xf32>
    %reduce_sum3A_35 = vector.multi_reduction <add>, %select_n3A_33, %reduce_sum3A_34 [1] : vector<224x224xf32> to vector<224xf32>
    %broadcast_in_dim3A_36 = vector.shape_cast %reduce_sum3A_35 : vector<224xf32> to vector<224x1xf32>
    %mul3A_37 = arith.constant 3.7416575 : f32
    %mul3A_38 = vector.broadcast %mul3A_37 : f32 to vector<224x1xf32>
    %mul3A_39 = arith.mulf %broadcast_in_dim3A_36, %mul3A_38 : vector<224x1xf32>
    %eq3A_40 = arith.constant 1 : i32
    %eq3A_41 = vector.broadcast %eq3A_40 : i32 to vector<224x16xi32>
    %eq3A_42 = arith.cmpi eq, %iota3A, %eq3A_41 : vector<224x16xi32>
    %broadcast_in_dim3A_43 = vector.shape_cast %mul3A_39 : vector<224x1xf32> to vector<224x1xf32>
    %broadcast_in_dim3A_44 = vector.broadcast %broadcast_in_dim3A_43 : vector<224x1xf32> to vector<224x16xf32>
    %select_n3A_45 = arith.select %eq3A_42, %broadcast_in_dim3A_44, %select_n3A_26 : vector<224x16xi1>, vector<224x16xf32>
    %slice3A_46 = vector.extract_strided_slice %dot_general3A_7 {offsets = [448, 0], sizes = [224, 512], strides = [1, 1]} : vector<2016x512xf32> to vector<224x512xf32>
    %dot_general3A_47 = arith.constant dense<0.000000e+00> : vector<224x224xf32>
    %dot_general3A_48 = tpu.matmul %get3A_10, %slice3A_46, %dot_general3A_47 {dimension_numbers = #tpu.dot_dimension_numbers<[1], [1], [0], [0], [0, 0, 1, 0], [], []>, transpose_lhs_hint = false} : vector<224x512xf32>, vector<224x512xf32>, vector<224x224xf32> -> vector<224x224xf32>
    %eq3A_49 = arith.cmpi eq, %iota3A_11, %iota3A_12 : vector<224x224xi32>
    %jit3A_50 = arith.constant 0.000000e+00 : f32
    %broadcast_in_dim3A_51 = vector.broadcast %jit3A_50 : f32 to vector<224x224xf32>
    %select_n3A_52 = arith.select %eq3A_49, %dot_general3A_48, %broadcast_in_dim3A_51 : vector<224x224xi1>, vector<224x224xf32>
    %reduce_sum3A_53 = arith.constant dense<0.000000e+00> : vector<224xf32>
    %reduce_sum3A_54 = vector.multi_reduction <add>, %select_n3A_52, %reduce_sum3A_53 [1] : vector<224x224xf32> to vector<224xf32>
    %broadcast_in_dim3A_55 = vector.shape_cast %reduce_sum3A_54 : vector<224xf32> to vector<224x1xf32>
    %mul3A_56 = arith.constant 3.7416575 : f32
    %mul3A_57 = vector.broadcast %mul3A_56 : f32 to vector<224x1xf32>
    %mul3A_58 = arith.mulf %broadcast_in_dim3A_55, %mul3A_57 : vector<224x1xf32>
    %eq3A_59 = arith.constant 2 : i32
    %eq3A_60 = vector.broadcast %eq3A_59 : i32 to vector<224x16xi32>
    %eq3A_61 = arith.cmpi eq, %iota3A, %eq3A_60 : vector<224x16xi32>
    %broadcast_in_dim3A_62 = vector.shape_cast %mul3A_58 : vector<224x1xf32> to vector<224x1xf32>
    %broadcast_in_dim3A_63 = vector.broadcast %broadcast_in_dim3A_62 : vector<224x1xf32> to vector<224x16xf32>
    %select_n3A_64 = arith.select %eq3A_61, %broadcast_in_dim3A_63, %select_n3A_45 : vector<224x16xi1>, vector<224x16xf32>
    %slice3A_65 = vector.extract_strided_slice %dot_general3A_7 {offsets = [672, 0], sizes = [224, 512], strides = [1, 1]} : vector<2016x512xf32> to vector<224x512xf32>
    %dot_general3A_66 = arith.constant dense<0.000000e+00> : vector<224x224xf32>
    %dot_general3A_67 = tpu.matmul %get3A_10, %slice3A_65, %dot_general3A_66 {dimension_numbers = #tpu.dot_dimension_numbers<[1], [1], [0], [0], [0, 0, 1, 0], [], []>, transpose_lhs_hint = false} : vector<224x512xf32>, vector<224x512xf32>, vector<224x224xf32> -> vector<224x224xf32>
    %eq3A_68 = arith.cmpi eq, %iota3A_11, %iota3A_12 : vector<224x224xi32>
    %jit3A_69 = arith.constant 0.000000e+00 : f32
    %broadcast_in_dim3A_70 = vector.broadcast %jit3A_69 : f32 to vector<224x224xf32>
    %select_n3A_71 = arith.select %eq3A_68, %dot_general3A_67, %broadcast_in_dim3A_70 : vector<224x224xi1>, vector<224x224xf32>
    %reduce_sum3A_72 = arith.constant dense<0.000000e+00> : vector<224xf32>
    %reduce_sum3A_73 = vector.multi_reduction <add>, %select_n3A_71, %reduce_sum3A_72 [1] : vector<224x224xf32> to vector<224xf32>
    %broadcast_in_dim3A_74 = vector.shape_cast %reduce_sum3A_73 : vector<224xf32> to vector<224x1xf32>
    %mul3A_75 = arith.constant 3.7416575 : f32
    %mul3A_76 = vector.broadcast %mul3A_75 : f32 to vector<224x1xf32>
    %mul3A_77 = arith.mulf %broadcast_in_dim3A_74, %mul3A_76 : vector<224x1xf32>
    %eq3A_78 = arith.constant 3 : i32
    %eq3A_79 = vector.broadcast %eq3A_78 : i32 to vector<224x16xi32>
    %eq3A_80 = arith.cmpi eq, %iota3A, %eq3A_79 : vector<224x16xi32>
    %broadcast_in_dim3A_81 = vector.shape_cast %mul3A_77 : vector<224x1xf32> to vector<224x1xf32>
    %broadcast_in_dim3A_82 = vector.broadcast %broadcast_in_dim3A_81 : vector<224x1xf32> to vector<224x16xf32>
    %select_n3A_83 = arith.select %eq3A_80, %broadcast_in_dim3A_82, %select_n3A_64 : vector<224x16xi1>, vector<224x16xf32>
    %slice3A_84 = vector.extract_strided_slice %dot_general3A_7 {offsets = [896, 0], sizes = [224, 512], strides = [1, 1]} : vector<2016x512xf32> to vector<224x512xf32>
    %dot_general3A_85 = arith.constant dense<0.000000e+00> : vector<224x224xf32>
    %dot_general3A_86 = tpu.matmul %get3A_10, %slice3A_84, %dot_general3A_85 {dimension_numbers = #tpu.dot_dimension_numbers<[1], [1], [0], [0], [0, 0, 1, 0], [], []>, transpose_lhs_hint = false} : vector<224x512xf32>, vector<224x512xf32>, vector<224x224xf32> -> vector<224x224xf32>
    %eq3A_87 = arith.cmpi eq, %iota3A_11, %iota3A_12 : vector<224x224xi32>
    %jit3A_88 = arith.constant 0.000000e+00 : f32
    %broadcast_in_dim3A_89 = vector.broadcast %jit3A_88 : f32 to vector<224x224xf32>
    %select_n3A_90 = arith.select %eq3A_87, %dot_general3A_86, %broadcast_in_dim3A_89 : vector<224x224xi1>, vector<224x224xf32>
    %reduce_sum3A_91 = arith.constant dense<0.000000e+00> : vector<224xf32>
    %reduce_sum3A_92 = vector.multi_reduction <add>, %select_n3A_90, %reduce_sum3A_91 [1] : vector<224x224xf32> to vector<224xf32>
    %broadcast_in_dim3A_93 = vector.shape_cast %reduce_sum3A_92 : vector<224xf32> to vector<224x1xf32>
    %mul3A_94 = arith.constant 3.7416575 : f32
    %mul3A_95 = vector.broadcast %mul3A_94 : f32 to vector<224x1xf32>
    %mul3A_96 = arith.mulf %broadcast_in_dim3A_93, %mul3A_95 : vector<224x1xf32>
    %eq3A_97 = arith.constant 4 : i32
    %eq3A_98 = vector.broadcast %eq3A_97 : i32 to vector<224x16xi32>
    %eq3A_99 = arith.cmpi eq, %iota3A, %eq3A_98 : vector<224x16xi32>
    %broadcast_in_dim3A_100 = vector.shape_cast %mul3A_96 : vector<224x1xf32> to vector<224x1xf32>
    %broadcast_in_dim3A_101 = vector.broadcast %broadcast_in_dim3A_100 : vector<224x1xf32> to vector<224x16xf32>
    %select_n3A_102 = arith.select %eq3A_99, %broadcast_in_dim3A_101, %select_n3A_83 : vector<224x16xi1>, vector<224x16xf32>
    %slice3A_103 = vector.extract_strided_slice %dot_general3A_7 {offsets = [1120, 0], sizes = [224, 512], strides = [1, 1]} : vector<2016x512xf32> to vector<224x512xf32>
    %dot_general3A_104 = arith.constant dense<0.000000e+00> : vector<224x224xf32>
    %dot_general3A_105 = tpu.matmul %get3A_10, %slice3A_103, %dot_general3A_104 {dimension_numbers = #tpu.dot_dimension_numbers<[1], [1], [0], [0], [0, 0, 1, 0], [], []>, transpose_lhs_hint = false} : vector<224x512xf32>, vector<224x512xf32>, vector<224x224xf32> -> vector<224x224xf32>
    %eq3A_106 = arith.cmpi eq, %iota3A_11, %iota3A_12 : vector<224x224xi32>
    %jit3A_107 = arith.constant 0.000000e+00 : f32
    %broadcast_in_dim3A_108 = vector.broadcast %jit3A_107 : f32 to vector<224x224xf32>
    %select_n3A_109 = arith.select %eq3A_106, %dot_general3A_105, %broadcast_in_dim3A_108 : vector<224x224xi1>, vector<224x224xf32>
    %reduce_sum3A_110 = arith.constant dense<0.000000e+00> : vector<224xf32>
    %reduce_sum3A_111 = vector.multi_reduction <add>, %select_n3A_109, %reduce_sum3A_110 [1] : vector<224x224xf32> to vector<224xf32>
    %broadcast_in_dim3A_112 = vector.shape_cast %reduce_sum3A_111 : vector<224xf32> to vector<224x1xf32>
    %mul3A_113 = arith.constant 3.7416575 : f32
    %mul3A_114 = vector.broadcast %mul3A_113 : f32 to vector<224x1xf32>
    %mul3A_115 = arith.mulf %broadcast_in_dim3A_112, %mul3A_114 : vector<224x1xf32>
    %eq3A_116 = arith.constant 5 : i32
    %eq3A_117 = vector.broadcast %eq3A_116 : i32 to vector<224x16xi32>
    %eq3A_118 = arith.cmpi eq, %iota3A, %eq3A_117 : vector<224x16xi32>
    %broadcast_in_dim3A_119 = vector.shape_cast %mul3A_115 : vector<224x1xf32> to vector<224x1xf32>
    %broadcast_in_dim3A_120 = vector.broadcast %broadcast_in_dim3A_119 : vector<224x1xf32> to vector<224x16xf32>
    %select_n3A_121 = arith.select %eq3A_118, %broadcast_in_dim3A_120, %select_n3A_102 : vector<224x16xi1>, vector<224x16xf32>
    %slice3A_122 = vector.extract_strided_slice %dot_general3A_7 {offsets = [1344, 0], sizes = [224, 512], strides = [1, 1]} : vector<2016x512xf32> to vector<224x512xf32>
    %dot_general3A_123 = arith.constant dense<0.000000e+00> : vector<224x224xf32>
    %dot_general3A_124 = tpu.matmul %get3A_10, %slice3A_122, %dot_general3A_123 {dimension_numbers = #tpu.dot_dimension_numbers<[1], [1], [0], [0], [0, 0, 1, 0], [], []>, transpose_lhs_hint = false} : vector<224x512xf32>, vector<224x512xf32>, vector<224x224xf32> -> vector<224x224xf32>
    %eq3A_125 = arith.cmpi eq, %iota3A_11, %iota3A_12 : vector<224x224xi32>
    %jit3A_126 = arith.constant 0.000000e+00 : f32
    %broadcast_in_dim3A_127 = vector.broadcast %jit3A_126 : f32 to vector<224x224xf32>
    %select_n3A_128 = arith.select %eq3A_125, %dot_general3A_124, %broadcast_in_dim3A_127 : vector<224x224xi1>, vector<224x224xf32>
    %reduce_sum3A_129 = arith.constant dense<0.000000e+00> : vector<224xf32>
    %reduce_sum3A_130 = vector.multi_reduction <add>, %select_n3A_128, %reduce_sum3A_129 [1] : vector<224x224xf32> to vector<224xf32>
    %broadcast_in_dim3A_131 = vector.shape_cast %reduce_sum3A_130 : vector<224xf32> to vector<224x1xf32>
    %mul3A_132 = arith.constant 3.7416575 : f32
    %mul3A_133 = vector.broadcast %mul3A_132 : f32 to vector<224x1xf32>
    %mul3A_134 = arith.mulf %broadcast_in_dim3A_131, %mul3A_133 : vector<224x1xf32>
    %eq3A_135 = arith.constant 6 : i32
    %eq3A_136 = vector.broadcast %eq3A_135 : i32 to vector<224x16xi32>
    %eq3A_137 = arith.cmpi eq, %iota3A, %eq3A_136 : vector<224x16xi32>
    %broadcast_in_dim3A_138 = vector.shape_cast %mul3A_134 : vector<224x1xf32> to vector<224x1xf32>
    %broadcast_in_dim3A_139 = vector.broadcast %broadcast_in_dim3A_138 : vector<224x1xf32> to vector<224x16xf32>
    %select_n3A_140 = arith.select %eq3A_137, %broadcast_in_dim3A_139, %select_n3A_121 : vector<224x16xi1>, vector<224x16xf32>
    %slice3A_141 = vector.extract_strided_slice %dot_general3A_7 {offsets = [1568, 0], sizes = [224, 512], strides = [1, 1]} : vector<2016x512xf32> to vector<224x512xf32>
    %dot_general3A_142 = arith.constant dense<0.000000e+00> : vector<224x224xf32>
    %dot_general3A_143 = tpu.matmul %get3A_10, %slice3A_141, %dot_general3A_142 {dimension_numbers = #tpu.dot_dimension_numbers<[1], [1], [0], [0], [0, 0, 1, 0], [], []>, transpose_lhs_hint = false} : vector<224x512xf32>, vector<224x512xf32>, vector<224x224xf32> -> vector<224x224xf32>
    %eq3A_144 = arith.cmpi eq, %iota3A_11, %iota3A_12 : vector<224x224xi32>
    %jit3A_145 = arith.constant 0.000000e+00 : f32
    %broadcast_in_dim3A_146 = vector.broadcast %jit3A_145 : f32 to vector<224x224xf32>
    %select_n3A_147 = arith.select %eq3A_144, %dot_general3A_143, %broadcast_in_dim3A_146 : vector<224x224xi1>, vector<224x224xf32>
    %reduce_sum3A_148 = arith.constant dense<0.000000e+00> : vector<224xf32>
    %reduce_sum3A_149 = vector.multi_reduction <add>, %select_n3A_147, %reduce_sum3A_148 [1] : vector<224x224xf32> to vector<224xf32>
    %broadcast_in_dim3A_150 = vector.shape_cast %reduce_sum3A_149 : vector<224xf32> to vector<224x1xf32>
    %mul3A_151 = arith.constant 3.7416575 : f32
    %mul3A_152 = vector.broadcast %mul3A_151 : f32 to vector<224x1xf32>
    %mul3A_153 = arith.mulf %broadcast_in_dim3A_150, %mul3A_152 : vector<224x1xf32>
    %eq3A_154 = arith.constant 7 : i32
    %eq3A_155 = vector.broadcast %eq3A_154 : i32 to vector<224x16xi32>
    %eq3A_156 = arith.cmpi eq, %iota3A, %eq3A_155 : vector<224x16xi32>
    %broadcast_in_dim3A_157 = vector.shape_cast %mul3A_153 : vector<224x1xf32> to vector<224x1xf32>
    %broadcast_in_dim3A_158 = vector.broadcast %broadcast_in_dim3A_157 : vector<224x1xf32> to vector<224x16xf32>
    %select_n3A_159 = arith.select %eq3A_156, %broadcast_in_dim3A_158, %select_n3A_140 : vector<224x16xi1>, vector<224x16xf32>
    %slice3A_160 = vector.extract_strided_slice %dot_general3A_7 {offsets = [1792, 0], sizes = [224, 512], strides = [1, 1]} : vector<2016x512xf32> to vector<224x512xf32>
    %dot_general3A_161 = arith.constant dense<0.000000e+00> : vector<224x224xf32>
    %dot_general3A_162 = tpu.matmul %get3A_10, %slice3A_160, %dot_general3A_161 {dimension_numbers = #tpu.dot_dimension_numbers<[1], [1], [0], [0], [0, 0, 1, 0], [], []>, transpose_lhs_hint = false} : vector<224x512xf32>, vector<224x512xf32>, vector<224x224xf32> -> vector<224x224xf32>
    %eq3A_163 = arith.cmpi eq, %iota3A_11, %iota3A_12 : vector<224x224xi32>
    %jit3A_164 = arith.constant 0.000000e+00 : f32
    %broadcast_in_dim3A_165 = vector.broadcast %jit3A_164 : f32 to vector<224x224xf32>
    %select_n3A_166 = arith.select %eq3A_163, %dot_general3A_162, %broadcast_in_dim3A_165 : vector<224x224xi1>, vector<224x224xf32>
    %reduce_sum3A_167 = arith.constant dense<0.000000e+00> : vector<224xf32>
    %reduce_sum3A_168 = vector.multi_reduction <add>, %select_n3A_166, %reduce_sum3A_167 [1] : vector<224x224xf32> to vector<224xf32>
    %broadcast_in_dim3A_169 = vector.shape_cast %reduce_sum3A_168 : vector<224xf32> to vector<224x1xf32>
    %mul3A_170 = arith.constant 3.7416575 : f32
    %mul3A_171 = vector.broadcast %mul3A_170 : f32 to vector<224x1xf32>
    %mul3A_172 = arith.mulf %broadcast_in_dim3A_169, %mul3A_171 : vector<224x1xf32>
    %eq3A_173 = arith.constant 8 : i32
    %eq3A_174 = vector.broadcast %eq3A_173 : i32 to vector<224x16xi32>
    %eq3A_175 = arith.cmpi eq, %iota3A, %eq3A_174 : vector<224x16xi32>
    %broadcast_in_dim3A_176 = vector.shape_cast %mul3A_172 : vector<224x1xf32> to vector<224x1xf32>
    %broadcast_in_dim3A_177 = vector.broadcast %broadcast_in_dim3A_176 : vector<224x1xf32> to vector<224x16xf32>
    %select_n3A_178 = arith.select %eq3A_175, %broadcast_in_dim3A_177, %select_n3A_159 : vector<224x16xi1>, vector<224x16xf32>
    %mul3A_179 = arith.mulf %select_n3A_178, %select_n3A_178 : vector<224x16xf32>
    %reduce_sum3A_180 = arith.constant dense<0.000000e+00> : vector<224xf32>
    %reduce_sum3A_181 = vector.multi_reduction <add>, %mul3A_179, %reduce_sum3A_180 [1] : vector<224x16xf32> to vector<224xf32>
    %broadcast_in_dim3A_182 = vector.shape_cast %reduce_sum3A_181 : vector<224xf32> to vector<224x1xf32>
    %sqrt3A = math.sqrt %broadcast_in_dim3A_182 : vector<224x1xf32>
    %div3A = vector.broadcast %sqrt3A : vector<224x1xf32> to vector<224x16xf32>
    %div3A_183 = arith.divf %select_n3A_178, %div3A : vector<224x16xf32>
    %mul3A_184 = arith.constant 8.192000e+03 : f32
    %mul3A_185 = vector.broadcast %mul3A_184 : f32 to vector<224x16xf32>
    %mul3A_186 = arith.mulf %div3A_183, %mul3A_185 : vector<224x16xf32>
    %jit3A_187 = arith.constant 0xFF800000 : f32
    %broadcast_in_dim3A_188 = vector.broadcast %jit3A_187 : f32 to vector<224x16xf32>
    %select_n3A_189 = arith.select %lt3A_1, %mul3A_186, %broadcast_in_dim3A_188 : vector<224x16xi1>, vector<224x16xf32>
    %reduce_max3A = arith.constant dense<0xFF800000> : vector<224xf32>
    %reduce_max3A_190 = vector.multi_reduction <maximumf>, %select_n3A_189, %reduce_max3A [1] : vector<224x16xf32> to vector<224xf32>
    %broadcast_in_dim3A_191 = vector.shape_cast %reduce_max3A_190 : vector<224xf32> to vector<224x1xf32>
    %max3A = arith.constant 0.000000e+00 : f32
    %max3A_192 = vector.broadcast %max3A : f32 to vector<224x1xf32>
    %max3A_193 = arith.maximumf %broadcast_in_dim3A_191, %max3A_192 : vector<224x1xf32>
    %sub3A = vector.broadcast %max3A_193 : vector<224x1xf32> to vector<224x16xf32>
    %sub3A_194 = arith.subf %select_n3A_189, %sub3A : vector<224x16xf32>
    %exp3A = math.exp %sub3A_194 : vector<224x16xf32>
    %jit3A_195 = arith.constant 0.000000e+00 : f32
    %broadcast_in_dim3A_196 = vector.broadcast %jit3A_195 : f32 to vector<224x16xf32>
    %select_n3A_197 = arith.select %lt3A_1, %exp3A, %broadcast_in_dim3A_196 : vector<224x16xi1>, vector<224x16xf32>
    %neg3A = arith.constant 0.000000e+00 : f32
    %neg3A_198 = vector.broadcast %neg3A : f32 to vector<224x1xf32>
    %neg3A_199 = arith.subf %neg3A_198, %max3A_193 : vector<224x1xf32>
    %exp3A_200 = math.exp %neg3A_199 : vector<224x1xf32>
    %reduce_sum3A_201 = arith.constant dense<0.000000e+00> : vector<224xf32>
    %reduce_sum3A_202 = vector.multi_reduction <add>, %select_n3A_197, %reduce_sum3A_201 [1] : vector<224x16xf32> to vector<224xf32>
    %broadcast_in_dim3A_203 = vector.shape_cast %reduce_sum3A_202 : vector<224xf32> to vector<224x1xf32>
    %mul3A_204 = arith.constant 8.183000e+03 : f32
    %mul3A_205 = vector.broadcast %mul3A_204 : f32 to vector<224x1xf32>
    %mul3A_206 = arith.mulf %mul3A_205, %exp3A_200 : vector<224x1xf32>
    %add3A = arith.addf %broadcast_in_dim3A_203, %mul3A_206 : vector<224x1xf32>
    %div3A_207 = vector.broadcast %add3A : vector<224x1xf32> to vector<224x16xf32>
    %div3A_208 = arith.divf %select_n3A_197, %div3A_207 : vector<224x16xf32>
    %get3A_209 = arith.constant 0 : index
    %get3A_210 = arith.constant 0 : index
    %get3A_211 = vector.load %arg1[%get3A_209, %get3A_210] : memref<2016x768xf32, #tpu.memory_space<vmem>>, vector<2016x768xf32>
    %get3A_212 = arith.constant 0 : index
    %get3A_213 = arith.constant 0 : index
    %get3A_214 = vector.load %arg3[%get3A_212, %get3A_213] : memref<768x512xf32, #tpu.memory_space<vmem>>, vector<768x512xf32>
    %dot_general3A_215 = arith.constant dense<0.000000e+00> : vector<2016x512xf32>
    %dot_general3A_216 = tpu.matmul %get3A_211, %get3A_214, %dot_general3A_215 {dimension_numbers = #tpu.dot_dimension_numbers<[1], [0], [0], [1], [0, 0, 1, 1], [], []>, transpose_lhs_hint = false} : vector<2016x768xf32>, vector<768x512xf32>, vector<2016x512xf32> -> vector<2016x512xf32>
    %broadcast_in_dim3A_217 = arith.constant 0.000000e+00 : f32
    %broadcast_in_dim3A_218 = vector.broadcast %broadcast_in_dim3A_217 : f32 to vector<224x512xf32>
    %broadcast_in_dim3A_219 = arith.constant 0.000000e+00 : f32
    %broadcast_in_dim3A_220 = vector.broadcast %broadcast_in_dim3A_219 : f32 to vector<224x512xf32>
    %slice3A_221 = vector.extract_strided_slice %dot_general3A_216 {offsets = [0, 0], sizes = [224, 512], strides = [1, 1]} : vector<2016x512xf32> to vector<224x512xf32>
    %eq3A_222 = arith.constant 0 : i32
    %eq3A_223 = vector.broadcast %eq3A_222 : i32 to vector<224x16xi32>
    %eq3A_224 = arith.cmpi eq, %iota3A, %eq3A_223 : vector<224x16xi32>
    %jit3A_225 = arith.constant 0.000000e+00 : f32
    %broadcast_in_dim3A_226 = vector.broadcast %jit3A_225 : f32 to vector<224x16xf32>
    %select_n3A_227 = arith.select %eq3A_224, %div3A_208, %broadcast_in_dim3A_226 : vector<224x16xi1>, vector<224x16xf32>
    %reduce_sum3A_228 = arith.constant dense<0.000000e+00> : vector<224xf32>
    %reduce_sum3A_229 = vector.multi_reduction <add>, %select_n3A_227, %reduce_sum3A_228 [1] : vector<224x16xf32> to vector<224xf32>
    %broadcast_in_dim3A_230 = vector.shape_cast %reduce_sum3A_229 : vector<224xf32> to vector<224x1xf32>
    %mul3A_231 = vector.broadcast %broadcast_in_dim3A_230 : vector<224x1xf32> to vector<224x512xf32>
    %mul3A_232 = arith.mulf %mul3A_231, %slice3A_221 : vector<224x512xf32>
    %add3A_233 = arith.addf %broadcast_in_dim3A_218, %mul3A_232 : vector<224x512xf32>
    %add3A_234 = arith.addf %broadcast_in_dim3A_220, %slice3A_221 : vector<224x512xf32>
    %slice3A_235 = vector.extract_strided_slice %dot_general3A_216 {offsets = [224, 0], sizes = [224, 512], strides = [1, 1]} : vector<2016x512xf32> to vector<224x512xf32>
    %eq3A_236 = arith.constant 1 : i32
    %eq3A_237 = vector.broadcast %eq3A_236 : i32 to vector<224x16xi32>
    %eq3A_238 = arith.cmpi eq, %iota3A, %eq3A_237 : vector<224x16xi32>
    %jit3A_239 = arith.constant 0.000000e+00 : f32
    %broadcast_in_dim3A_240 = vector.broadcast %jit3A_239 : f32 to vector<224x16xf32>
    %select_n3A_241 = arith.select %eq3A_238, %div3A_208, %broadcast_in_dim3A_240 : vector<224x16xi1>, vector<224x16xf32>
    %reduce_sum3A_242 = arith.constant dense<0.000000e+00> : vector<224xf32>
    %reduce_sum3A_243 = vector.multi_reduction <add>, %select_n3A_241, %reduce_sum3A_242 [1] : vector<224x16xf32> to vector<224xf32>
    %broadcast_in_dim3A_244 = vector.shape_cast %reduce_sum3A_243 : vector<224xf32> to vector<224x1xf32>
    %mul3A_245 = vector.broadcast %broadcast_in_dim3A_244 : vector<224x1xf32> to vector<224x512xf32>
    %mul3A_246 = arith.mulf %mul3A_245, %slice3A_235 : vector<224x512xf32>
    %add3A_247 = arith.addf %add3A_233, %mul3A_246 : vector<224x512xf32>
    %add3A_248 = arith.addf %add3A_234, %slice3A_235 : vector<224x512xf32>
    %slice3A_249 = vector.extract_strided_slice %dot_general3A_216 {offsets = [448, 0], sizes = [224, 512], strides = [1, 1]} : vector<2016x512xf32> to vector<224x512xf32>
    %eq3A_250 = arith.constant 2 : i32
    %eq3A_251 = vector.broadcast %eq3A_250 : i32 to vector<224x16xi32>
    %eq3A_252 = arith.cmpi eq, %iota3A, %eq3A_251 : vector<224x16xi32>
    %jit3A_253 = arith.constant 0.000000e+00 : f32
    %broadcast_in_dim3A_254 = vector.broadcast %jit3A_253 : f32 to vector<224x16xf32>
    %select_n3A_255 = arith.select %eq3A_252, %div3A_208, %broadcast_in_dim3A_254 : vector<224x16xi1>, vector<224x16xf32>
    %reduce_sum3A_256 = arith.constant dense<0.000000e+00> : vector<224xf32>
    %reduce_sum3A_257 = vector.multi_reduction <add>, %select_n3A_255, %reduce_sum3A_256 [1] : vector<224x16xf32> to vector<224xf32>
    %broadcast_in_dim3A_258 = vector.shape_cast %reduce_sum3A_257 : vector<224xf32> to vector<224x1xf32>
    %mul3A_259 = vector.broadcast %broadcast_in_dim3A_258 : vector<224x1xf32> to vector<224x512xf32>
    %mul3A_260 = arith.mulf %mul3A_259, %slice3A_249 : vector<224x512xf32>
    %add3A_261 = arith.addf %add3A_247, %mul3A_260 : vector<224x512xf32>
    %add3A_262 = arith.addf %add3A_248, %slice3A_249 : vector<224x512xf32>
    %slice3A_263 = vector.extract_strided_slice %dot_general3A_216 {offsets = [672, 0], sizes = [224, 512], strides = [1, 1]} : vector<2016x512xf32> to vector<224x512xf32>
    %eq3A_264 = arith.constant 3 : i32
    %eq3A_265 = vector.broadcast %eq3A_264 : i32 to vector<224x16xi32>
    %eq3A_266 = arith.cmpi eq, %iota3A, %eq3A_265 : vector<224x16xi32>
    %jit3A_267 = arith.constant 0.000000e+00 : f32
    %broadcast_in_dim3A_268 = vector.broadcast %jit3A_267 : f32 to vector<224x16xf32>
    %select_n3A_269 = arith.select %eq3A_266, %div3A_208, %broadcast_in_dim3A_268 : vector<224x16xi1>, vector<224x16xf32>
    %reduce_sum3A_270 = arith.constant dense<0.000000e+00> : vector<224xf32>
    %reduce_sum3A_271 = vector.multi_reduction <add>, %select_n3A_269, %reduce_sum3A_270 [1] : vector<224x16xf32> to vector<224xf32>
    %broadcast_in_dim3A_272 = vector.shape_cast %reduce_sum3A_271 : vector<224xf32> to vector<224x1xf32>
    %mul3A_273 = vector.broadcast %broadcast_in_dim3A_272 : vector<224x1xf32> to vector<224x512xf32>
    %mul3A_274 = arith.mulf %mul3A_273, %slice3A_263 : vector<224x512xf32>
    %add3A_275 = arith.addf %add3A_261, %mul3A_274 : vector<224x512xf32>
    %add3A_276 = arith.addf %add3A_262, %slice3A_263 : vector<224x512xf32>
    %slice3A_277 = vector.extract_strided_slice %dot_general3A_216 {offsets = [896, 0], sizes = [224, 512], strides = [1, 1]} : vector<2016x512xf32> to vector<224x512xf32>
    %eq3A_278 = arith.constant 4 : i32
    %eq3A_279 = vector.broadcast %eq3A_278 : i32 to vector<224x16xi32>
    %eq3A_280 = arith.cmpi eq, %iota3A, %eq3A_279 : vector<224x16xi32>
    %jit3A_281 = arith.constant 0.000000e+00 : f32
    %broadcast_in_dim3A_282 = vector.broadcast %jit3A_281 : f32 to vector<224x16xf32>
    %select_n3A_283 = arith.select %eq3A_280, %div3A_208, %broadcast_in_dim3A_282 : vector<224x16xi1>, vector<224x16xf32>
    %reduce_sum3A_284 = arith.constant dense<0.000000e+00> : vector<224xf32>
    %reduce_sum3A_285 = vector.multi_reduction <add>, %select_n3A_283, %reduce_sum3A_284 [1] : vector<224x16xf32> to vector<224xf32>
    %broadcast_in_dim3A_286 = vector.shape_cast %reduce_sum3A_285 : vector<224xf32> to vector<224x1xf32>
    %mul3A_287 = vector.broadcast %broadcast_in_dim3A_286 : vector<224x1xf32> to vector<224x512xf32>
    %mul3A_288 = arith.mulf %mul3A_287, %slice3A_277 : vector<224x512xf32>
    %add3A_289 = arith.addf %add3A_275, %mul3A_288 : vector<224x512xf32>
    %add3A_290 = arith.addf %add3A_276, %slice3A_277 : vector<224x512xf32>
    %slice3A_291 = vector.extract_strided_slice %dot_general3A_216 {offsets = [1120, 0], sizes = [224, 512], strides = [1, 1]} : vector<2016x512xf32> to vector<224x512xf32>
    %eq3A_292 = arith.constant 5 : i32
    %eq3A_293 = vector.broadcast %eq3A_292 : i32 to vector<224x16xi32>
    %eq3A_294 = arith.cmpi eq, %iota3A, %eq3A_293 : vector<224x16xi32>
    %jit3A_295 = arith.constant 0.000000e+00 : f32
    %broadcast_in_dim3A_296 = vector.broadcast %jit3A_295 : f32 to vector<224x16xf32>
    %select_n3A_297 = arith.select %eq3A_294, %div3A_208, %broadcast_in_dim3A_296 : vector<224x16xi1>, vector<224x16xf32>
    %reduce_sum3A_298 = arith.constant dense<0.000000e+00> : vector<224xf32>
    %reduce_sum3A_299 = vector.multi_reduction <add>, %select_n3A_297, %reduce_sum3A_298 [1] : vector<224x16xf32> to vector<224xf32>
    %broadcast_in_dim3A_300 = vector.shape_cast %reduce_sum3A_299 : vector<224xf32> to vector<224x1xf32>
    %mul3A_301 = vector.broadcast %broadcast_in_dim3A_300 : vector<224x1xf32> to vector<224x512xf32>
    %mul3A_302 = arith.mulf %mul3A_301, %slice3A_291 : vector<224x512xf32>
    %add3A_303 = arith.addf %add3A_289, %mul3A_302 : vector<224x512xf32>
    %add3A_304 = arith.addf %add3A_290, %slice3A_291 : vector<224x512xf32>
    %slice3A_305 = vector.extract_strided_slice %dot_general3A_216 {offsets = [1344, 0], sizes = [224, 512], strides = [1, 1]} : vector<2016x512xf32> to vector<224x512xf32>
    %eq3A_306 = arith.constant 6 : i32
    %eq3A_307 = vector.broadcast %eq3A_306 : i32 to vector<224x16xi32>
    %eq3A_308 = arith.cmpi eq, %iota3A, %eq3A_307 : vector<224x16xi32>
    %jit3A_309 = arith.constant 0.000000e+00 : f32
    %broadcast_in_dim3A_310 = vector.broadcast %jit3A_309 : f32 to vector<224x16xf32>
    %select_n3A_311 = arith.select %eq3A_308, %div3A_208, %broadcast_in_dim3A_310 : vector<224x16xi1>, vector<224x16xf32>
    %reduce_sum3A_312 = arith.constant dense<0.000000e+00> : vector<224xf32>
    %reduce_sum3A_313 = vector.multi_reduction <add>, %select_n3A_311, %reduce_sum3A_312 [1] : vector<224x16xf32> to vector<224xf32>
    %broadcast_in_dim3A_314 = vector.shape_cast %reduce_sum3A_313 : vector<224xf32> to vector<224x1xf32>
    %mul3A_315 = vector.broadcast %broadcast_in_dim3A_314 : vector<224x1xf32> to vector<224x512xf32>
    %mul3A_316 = arith.mulf %mul3A_315, %slice3A_305 : vector<224x512xf32>
    %add3A_317 = arith.addf %add3A_303, %mul3A_316 : vector<224x512xf32>
    %add3A_318 = arith.addf %add3A_304, %slice3A_305 : vector<224x512xf32>
    %slice3A_319 = vector.extract_strided_slice %dot_general3A_216 {offsets = [1568, 0], sizes = [224, 512], strides = [1, 1]} : vector<2016x512xf32> to vector<224x512xf32>
    %eq3A_320 = arith.constant 7 : i32
    %eq3A_321 = vector.broadcast %eq3A_320 : i32 to vector<224x16xi32>
    %eq3A_322 = arith.cmpi eq, %iota3A, %eq3A_321 : vector<224x16xi32>
    %jit3A_323 = arith.constant 0.000000e+00 : f32
    %broadcast_in_dim3A_324 = vector.broadcast %jit3A_323 : f32 to vector<224x16xf32>
    %select_n3A_325 = arith.select %eq3A_322, %div3A_208, %broadcast_in_dim3A_324 : vector<224x16xi1>, vector<224x16xf32>
    %reduce_sum3A_326 = arith.constant dense<0.000000e+00> : vector<224xf32>
    %reduce_sum3A_327 = vector.multi_reduction <add>, %select_n3A_325, %reduce_sum3A_326 [1] : vector<224x16xf32> to vector<224xf32>
    %broadcast_in_dim3A_328 = vector.shape_cast %reduce_sum3A_327 : vector<224xf32> to vector<224x1xf32>
    %mul3A_329 = vector.broadcast %broadcast_in_dim3A_328 : vector<224x1xf32> to vector<224x512xf32>
    %mul3A_330 = arith.mulf %mul3A_329, %slice3A_319 : vector<224x512xf32>
    %add3A_331 = arith.addf %add3A_317, %mul3A_330 : vector<224x512xf32>
    %add3A_332 = arith.addf %add3A_318, %slice3A_319 : vector<224x512xf32>
    %slice3A_333 = vector.extract_strided_slice %dot_general3A_216 {offsets = [1792, 0], sizes = [224, 512], strides = [1, 1]} : vector<2016x512xf32> to vector<224x512xf32>
    %eq3A_334 = arith.constant 8 : i32
    %eq3A_335 = vector.broadcast %eq3A_334 : i32 to vector<224x16xi32>
    %eq3A_336 = arith.cmpi eq, %iota3A, %eq3A_335 : vector<224x16xi32>
    %jit3A_337 = arith.constant 0.000000e+00 : f32
    %broadcast_in_dim3A_338 = vector.broadcast %jit3A_337 : f32 to vector<224x16xf32>
    %select_n3A_339 = arith.select %eq3A_336, %div3A_208, %broadcast_in_dim3A_338 : vector<224x16xi1>, vector<224x16xf32>
    %reduce_sum3A_340 = arith.constant dense<0.000000e+00> : vector<224xf32>
    %reduce_sum3A_341 = vector.multi_reduction <add>, %select_n3A_339, %reduce_sum3A_340 [1] : vector<224x16xf32> to vector<224xf32>
    %broadcast_in_dim3A_342 = vector.shape_cast %reduce_sum3A_341 : vector<224xf32> to vector<224x1xf32>
    %mul3A_343 = vector.broadcast %broadcast_in_dim3A_342 : vector<224x1xf32> to vector<224x512xf32>
    %mul3A_344 = arith.mulf %mul3A_343, %slice3A_333 : vector<224x512xf32>
    %add3A_345 = arith.addf %add3A_331, %mul3A_344 : vector<224x512xf32>
    %add3A_346 = arith.addf %add3A_332, %slice3A_333 : vector<224x512xf32>
    %get3A_347 = arith.constant 0 : index
    %get3A_348 = arith.constant 0 : index
    %get3A_349 = arith.constant 0 : index
    %get3A_350 = vector.load %arg2[%get3A_347, %get3A_348, %get3A_349] : memref<1x8x768xf32, #tpu.memory_space<vmem>>, vector<1x1x768xf32>
    %get3A_351 = vector.shape_cast %get3A_350 : vector<1x1x768xf32> to vector<1x768xf32>
    %get3A_352 = arith.constant 0 : index
    %get3A_353 = arith.constant 0 : index
    %get3A_354 = vector.load %arg3[%get3A_352, %get3A_353] : memref<768x512xf32, #tpu.memory_space<vmem>>, vector<768x512xf32>
    %dot_general3A_355 = arith.constant dense<0.000000e+00> : vector<1x512xf32>
    %dot_general3A_356 = tpu.matmul %get3A_351, %get3A_354, %dot_general3A_355 {dimension_numbers = #tpu.dot_dimension_numbers<[1], [0], [0], [1], [0, 0, 1, 1], [], []>, transpose_lhs_hint = false} : vector<1x768xf32>, vector<768x512xf32>, vector<1x512xf32> -> vector<1x512xf32>
    %div3A_357 = arith.divf %exp3A_200, %add3A : vector<224x1xf32>
    %sub3A_358 = vector.broadcast %dot_general3A_356 : vector<1x512xf32> to vector<224x512xf32>
    %sub3A_359 = arith.subf %sub3A_358, %add3A_346 : vector<224x512xf32>
    %mul3A_360 = vector.broadcast %div3A_357 : vector<224x1xf32> to vector<224x512xf32>
    %mul3A_361 = arith.mulf %mul3A_360, %sub3A_359 : vector<224x512xf32>
    %add3A_362 = arith.addf %add3A_345, %mul3A_361 : vector<224x512xf32>
    %get3A_363 = arith.constant 0 : index
    %get3A_364 = arith.constant 0 : index
    %get3A_365 = vector.load %arg6[%get3A_363, %get3A_364] : memref<512x768xf32, #tpu.memory_space<vmem>>, vector<512x768xf32>
    %dot_general3A_366 = arith.constant dense<0.000000e+00> : vector<224x768xf32>
    %dot_general3A_367 = tpu.matmul %add3A_362, %get3A_365, %dot_general3A_366 {dimension_numbers = #tpu.dot_dimension_numbers<[1], [0], [0], [1], [0, 0, 1, 1], [], []>, transpose_lhs_hint = false} : vector<224x512xf32>, vector<512x768xf32>, vector<224x768xf32> -> vector<224x768xf32>
    %get3A_368 = arith.constant 0 : index
    %get3A_369 = arith.constant 0 : index
    %get3A_370 = vector.load %arg7[%get3A_368, %get3A_369] : memref<1x768xf32, #tpu.memory_space<vmem>>, vector<1x768xf32>
    %add3A_371 = vector.broadcast %get3A_370 : vector<1x768xf32> to vector<224x768xf32>
    %add3A_372 = arith.addf %dot_general3A_367, %add3A_371 : vector<224x768xf32>
    %slice3A_373 = vector.extract_strided_slice %add3A_372 {offsets = [0, 0], sizes = [196, 768], strides = [1, 1]} : vector<224x768xf32> to vector<196x768xf32>
    %swap3A = arith.constant 0 : index
    %swap3A_374 = arith.constant 0 : index
    %swap3A_375 = arith.constant 0 : index
    %swap3A_376 = vector.load %arg8[%swap3A, %swap3A_374, %swap3A_375] : memref<1x196x768xf32, #tpu.memory_space<vmem>>, vector<1x196x768xf32>
    %swap3A_377 = vector.shape_cast %swap3A_376 : vector<1x196x768xf32> to vector<196x768xf32>
    %swap3A_378 = vector.shape_cast %slice3A_373 : vector<196x768xf32> to vector<1x196x768xf32>
    tpu.vector_store %arg8[%swap3A, %swap3A_374, %swap3A_375], %swap3A_378 {strides = array<i32>} : memref<1x196x768xf32, #tpu.memory_space<vmem>>, vector<1x196x768xf32>,
    return
  }
  func.func @transform_0(%arg0: i32) -> (i32, i32) {
    %c0_i32 = arith.constant 0 : i32
    %c0_i32_0 = arith.constant 0 : i32
    return %arg0, %c0_i32 : i32, i32
  }
  func.func @transform_1(%arg0: i32) -> (i32, i32, i32) {
    %c0_i32 = arith.constant 0 : i32
    %c0_i32_0 = arith.constant 0 : i32
    %c0_i32_1 = arith.constant 0 : i32
    return %arg0, %c0_i32, %c0_i32_0 : i32, i32, i32
  }
  func.func @transform_2(%arg0: i32) -> (i32, i32) {
    %c0_i32 = arith.constant 0 : i32
    %c0_i32_0 = arith.constant 0 : i32
    %c0_i32_1 = arith.constant 0 : i32
    return %c0_i32, %c0_i32_0 : i32, i32
  }
  func.func @transform_3(%arg0: i32) -> (i32, i32) {
    %c0_i32 = arith.constant 0 : i32
    %c0_i32_0 = arith.constant 0 : i32
    %c0_i32_1 = arith.constant 0 : i32
    return %c0_i32, %c0_i32_0 : i32, i32
  }
  func.func @transform_4(%arg0: i32) -> (i32, i32) {
    %c0_i32 = arith.constant 0 : i32
    %c0_i32_0 = arith.constant 0 : i32
    %c0_i32_1 = arith.constant 0 : i32
    return %c0_i32, %c0_i32_0 : i32, i32
  }
  func.func @transform_5(%arg0: i32) -> (i32, i32) {
    %c0_i32 = arith.constant 0 : i32
    %c0_i32_0 = arith.constant 0 : i32
    %c0_i32_1 = arith.constant 0 : i32
    return %c0_i32, %c0_i32_0 : i32, i32
  }
  func.func @transform_6(%arg0: i32) -> (i32, i32) {
    %c0_i32 = arith.constant 0 : i32
    %c0_i32_0 = arith.constant 0 : i32
    %c0_i32_1 = arith.constant 0 : i32
    return %c0_i32, %c0_i32_0 : i32, i32
  }
  func.func @transform_7(%arg0: i32) -> (i32, i32, i32) {
    %c0_i32 = arith.constant 0 : i32
    %c0_i32_0 = arith.constant 0 : i32
    %c0_i32_1 = arith.constant 0 : i32
    return %arg0, %c0_i32, %c0_i32_0 : i32, i32, i32
  }
}

</mosaic_0001>

<sc_bundles>
// kernel: kernel.10.cloned.1.call-start
scs
__scs_entry_jumppad:
0x0: {  	(pc) =	sbr.rel $0x88, $3  }
0x1: {  	(tag) =	ssettag $0x0;
	lr =	simm.s32 $0x1  }
0x2: {  	[smem:$0x3F9B] =	sst lr;
	_ =	strace $0xD0000000  }
0x3: {  	_ = 	snop  }
0x4: {  	_ = 	snop  }
0x5: {  	_ = 	snop  }
0x6: {  	_ = 	snop  }
0x7: {  	_ = 	snop  }
__scs_overlays_trampoline_lowered:
0x8: {  	[smem:$0x3FAA] =	sst s0  }
0x9: {  	[smem:$0x3FAB] =	sst s1  }
0xa: {  	[smem:$0x3FAC] =	sst s2  }
0xb: {  	[smem:$0x3FAD] =	sst s3  }
0xc: {  	[smem:$0x3FAE] =	sst s4  }
0xd: {  	[smem:$0x3FAF] =	sst s5  }
0xe: {  	[smem:$0x3FB0] =	sst s6  }
0xf: {  	[smem:$0x3FB1] =	sst s7  }
0x10: {  	[smem:$0x3FB2] =	sst s8  }
0x11: {  	[smem:$0x3FB3] =	sst s9;
	s0 =	simm.s32 @!p0 $0x0  }
0x12: {  	s1 =	sld [smem:$0x3F99];
	s0 =	simm.s32 @p0 $0x1  }
0x13: {  	[smem:$0x3FB4] =	sst s0;
	s0 =	simm.s32 @!p1 $0x0  }
0x14: {  	s2 =	sld [smem:$0x3F98];
	s0 =	simm.s32 @p1 $0x1  }
0x15: {  	[smem:$0x3FB5] =	sst s0;
	s0 =	simm.s32 @!p2 $0x0  }
0x16: {  	s3 =	sld [smem:$0x3FDB];
	s0 =	simm.s32 @p2 $0x1  }
0x17: {  	s4 =	simm.s32 $0x1BF5;
	[smem:$0x3FB7] =	sst s0  }
0x18: {  	s0 =	sld [smem:$0x3F9A];
	_ =	swait.ge [sflag:s4], $0x0  }
0x19: {  	s7 =	sld [smem:$0x3F9B]  }
0x1a: {  	s8 =	sadd.s32 $0xFFFFE003, lr  }
0x1b: {  	s9 =	sadd.s32 $0xFFFFFEF7, lr;
	s5 =	simm.s32 $0xFFFFFFFF;
	p2 =	slt.u32 s8, $0xFFFFF086  }
0x1c: {  	p1 =	slt.u32 s9, $0xF7A;
	s5 =	simm.s32 @!p2 $0x0  }
0x1d: {  	s5 =	simm.s32 @p1 $0x1;
	p0 =	seq.s32 s7, s2  }
0x1e: {  	s7 =	smul.u32 @!p0 $0xF7A, s2;
	p2 =	seq.s32 @!p0 s5, $0x0  }
0x1f: {  	s9 =	smul.u32 $0xF7A, s1;
	s8 =	simm.s32 @!p0 $0x1BF5;
	p2 =	por !p2, p0  }
0x20: {  	[sflag:s8] =	ssyncset.s32 @!p0 $0xFFFFF086;
	s6 =	sadd.s32 @!p0 s3, s7;
	s7 =	simm.s32 @!p0 $0x108  }
0x21: {  	s3 =	sadd.s32 s3, s9;
	s6 =	sadd.s32 @!p0 $0x88, s6;
	s7 =	simm.s32 @p2 $0x1082  }
0x22: {  	[simem:s7], [sflag:s8] =	dma.local @!p0 [hbm:s6], $0xF7A  }
0x23: {  	s9 =	sor.u32 $0xD0000000, s2;
	s6 =	simm.s32 $0x108;
	_ =	swait.ge @!p0 [sflag:s8], $0x0  }
0x24: {  	s3 =	sadd.s32 $0x88, s3;
	s6 =	simm.s32 @!p1 $0x1082;
	[sflag:s4] =	ssyncset.s32 $0xFFFFF086  }
0x25: {  	[simem:s6], [sflag:s4] =	dma.local [hbm:s3], $0xF7A  }
0x26: {  	[smem:$0x3F9B] =	sst s1;
	(tag) =	ssettag s2;
	_ =	strace s9  }
0x27: {  	s1 =	sld [smem:$0x3FAB]  }
0x28: {  	s2 =	sld [smem:$0x3FAC]  }
0x29: {  	s4 =	sld [smem:$0x3FAE]  }
0x2a: {  	p0 =	seq.s32 s5, $0x0;
	s5 =	sld [smem:$0x3FAF]  }
0x2b: {  	s6 =	sld [smem:$0x3FB0]  }
0x2c: {  	s7 =	sld [smem:$0x3FB1]  }
0x2d: {  	s3 =	simm.s32 $0x108;
	s8 =	sld [smem:$0x3FB2]  }
0x2e: {  	s3 =	simm.s32 @!p0 $0x1082;
	s9 =	sld [smem:$0x3FB3]  }
0x2f: {  	lr =	sadd.s32 s0, s3;
	s0 =	sld [smem:$0x3FAA]  }
0x30: {  	s3 =	sld [smem:$0x3FAD]  }
0x31: {  	[smem:$0x3FB6] =	sst s10  }
0x32: {  	s10 =	sld [smem:$0x3FB4];
	_ =	sdelay $0x3  }
0x33: {  	p0 =	seq.s32 s10, $0x1;
	s10 =	sld [smem:$0x3FB6];
	_ =	sdelay $0x3  }
0x34: {  	[smem:$0x3FB6] =	sst s10  }
0x35: {  	s10 =	sld [smem:$0x3FB5];
	_ =	sdelay $0x3  }
0x36: {  	p1 =	seq.s32 s10, $0x1;
	s10 =	sld [smem:$0x3FB6];
	_ =	sdelay $0x3  }
0x37: {  	[smem:$0x3FB6] =	sst s10  }
0x38: {  	s10 =	sld [smem:$0x3FB7]  }
0x39: {  	_ = 	snop;
	(pc) =	sbr.ind lr, $3  }
0x3a: {  	_ = 	snop  }
0x3b: {  	_ = 	snop  }
0x3c: {  	p2 =	seq.s32 s10, $0x1;
	s10 =	sld [smem:$0x3FB6]  }
0x3d: {  	_ =	shalt  }
0x3e: {  	_ =	shalt  }
0x3f: {  	_ =	shalt  }
0x40: {  	_ =	shalt  }
0x41: {  	_ =	shalt  }
0x42: {  	_ =	shalt  }
0x43: {  	_ =	shalt  }
0x44: {  	_ =	shalt  }
0x45: {  	_ =	shalt  }
0x46: {  	_ =	shalt  }
0x47: {  	_ =	shalt  }
0x48: {  	_ =	shalt  }
0x49: {  	_ =	shalt  }
0x4a: {  	_ =	shalt  }
0x4b: {  	_ =	shalt  }
0x4c: {  	_ =	shalt  }
0x4d: {  	_ =	shalt  }
0x4e: {  	_ =	shalt  }
0x4f: {  	_ =	shalt  }
0x50: {  	_ =	shalt  }
0x51: {  	_ =	shalt  }
0x52: {  	_ =	shalt  }
0x53: {  	_ =	shalt  }
0x54: {  	_ =	shalt  }
0x55: {  	_ =	shalt  }
0x56: {  	_ =	shalt  }
0x57: {  	_ =	shalt  }
0x58: {  	_ =	shalt  }
0x59: {  	_ =	shalt  }
0x5a: {  	_ =	shalt  }
0x5b: {  	_ =	shalt  }
0x5c: {  	_ =	shalt  }
0x5d: {  	_ =	shalt  }
0x5e: {  	_ =	shalt  }
0x5f: {  	_ =	shalt  }
0x60: {  	_ =	shalt  }
0x61: {  	_ =	shalt  }
0x62: {  	_ =	shalt  }
0x63: {  	_ =	shalt  }
0x64: {  	_ =	shalt  }
0x65: {  	_ =	shalt  }
0x66: {  	_ =	shalt  }
0x67: {  	_ =	shalt  }
0x68: {  	_ =	shalt  }
0x69: {  	_ =	shalt  }
0x6a: {  	_ =	shalt  }
0x6b: {  	_ =	shalt  }
0x6c: {  	_ =	shalt  }
0x6d: {  	_ =	shalt  }
0x6e: {  	_ =	shalt  }
0x6f: {  	_ =	shalt  }
0x70: {  	_ =	shalt  }
0x71: {  	_ =	shalt  }
0x72: {  	_ =	shalt  }
0x73: {  	_ =	shalt  }
0x74: {  	_ =	shalt  }
0x75: {  	_ =	shalt  }
0x76: {  	_ =	shalt  }
0x77: {  	_ =	shalt  }
0x78: {  	_ =	shalt  }
0x79: {  	_ =	shalt  }
0x7a: {  	_ =	shalt  }
0x7b: {  	_ =	shalt  }
0x7c: {  	_ =	shalt  }
0x7d: {  	_ =	shalt  }
0x7e: {  	_ =	shalt  }
0x7f: {  	_ =	shalt  }
0x80: {  	_ =	shalt  }
0x81: {  	_ =	shalt  }
0x82: {  	_ =	shalt  }
0x83: {  	_ =	shalt  }
0x84: {  	_ =	shalt  }
0x85: {  	_ =	shalt  }
0x86: {  	_ =	shalt  }
0x87: {  	_ =	shalt  }
.Lfunc_end0:
.L_simem_size_0:
called_computation.1_lowered:
.L_overlay_start_0:
0x88: {  	s2 =	sld [smem:$0x3FD9]  }
0x89: {  	s3 =	sld [smem:$0x3FFE];
	_ =	sdelay $0x1  }
0x8a: {  	s1 =	srdreg.scid  }
0x8b: {  	s0 =	sand.u32 $0x1, s1  }
0x8c: {  	s17 =	sshll.u32 s0, $0xA;
	s2 =	sadd.s32 s3, s2  }
0x8d: {  	s2 =	sadd.s32 s2, s17  }
0x8e: {  	[smem:$0x3FC2] =	sst s2  }
0x8f: {  	_ = 	snop  }
0x90: {  	s2 =	sld [smem:$0x3FC9];
	(tm) =	ssettm $0x1  }
0x91: {  	s18 =	sld [smem:$0x3FFB];
	_ =	sdelay $0x3  }
0x92: {  	_ =	strace s18  }
0x93: {  	s3 =	sld [smem:$0x3FFC];
	_ =	sdelay $0x3  }
0x94: {  	_ =	strace s3  }
0x95: {  	s3 =	sld [smem:$0x3FFD];
	_ =	sdelay $0x3  }
0x96: {  	_ =	strace s3  }
0x97: {  	_ =	strace $0x8FFFFFFF  }
0x98: {  	s19 =	sld [smem:$0x3FDB];
	_ =	sdelay $0x1  }
0x99: {  	s4 =	simm.s32 $_scs_section_size  }
0x9a: {  	s5 =	simm.s32 $_size__tile_overlayer_lowered;
	s6 =	simm.s32 $_tile_overlayer_lowered  }
0x9b: {  	s22 =	simm.s32 $0x1BFF;
	s21 =	sshll.u32 s6, $0x1;
	s3 =	sadd.s32 s4, s19  }
0x9c: {  	s7 =	simm.s32 $0x0;
	s20 =	sshll.u32 s5, $0x1;
	s5 =	sadd.s32 s21, s3  }
0x9d: {  	[timem:s7], [sflag:s22] =	dma.local [hbm:s5], s20  }
0x9e: {  	_ =	swait.ge [sflag:s22], s20  }
0x9f: {  	s4 =	ssub.s32 $0x0, s20;
	[sflag:s22] =	ssyncset.done $0x0  }
0xa0: {  	[sflag:s22] =	ssyncadd.s32 s4;
	_ =	sdelay $0x1  }
0xa1: {  	s23 =	simm.s32 $0x1B8B  }
0xa2: {  	_ =	swait.ge [sflag:s23], $0x1  }
0xa3: {  	[sflag:s23] =	ssyncset.done $0x0  }
0xa4: {  	s25 =	simm.s32 $0x1B8E;
	s24 =	sld [smem:$0x3FFE];
	[sflag:s23] =	ssyncadd.s32 $0xFFFFFFFF  }
0xa5: {  	s26 =	simm.s32 $execute0_lowered;
	[smem:$0x3FD2] =	sst s25  }
0xa6: {  	s5 =	sshll.u32 s26, $0x1;
	_ =	strace $0x80000049;
	[dreg:$0x1] =	wrdreg $0xFFFFFFFF  }
0xa7: {  	s28 =	simm.s32 $_size_execute0_lowered;
	s3 =	sadd.s32 s3, s5;
	[dreg:$0x0] =	wrdreg $0x0  }
0xa8: {  	s5 =	sshll.u32 s28, $0x1;
	[dreg:$0x2] =	wrdreg s3  }
0xa9: {  	[dreg:$0x3] =	wrdreg s5  }
0xaa: {  	[dreg:$0x4] =	wrdreg $0xC0  }
0xab: {  	_ =	task [dreg:s7], $0x5FFFF  }
0xac: {  	[dreg:$0x1] =	wrdreg $0xFFFFFFFF  }
0xad: {  	[dreg:$0x0] =	wrdreg $0x60  }
0xae: {  	[dreg:$0x2] =	wrdreg s2  }
0xaf: {  	[dreg:$0x3] =	wrdreg s24  }
0xb0: {  	[dreg:$0x4] =	wrdreg $0x9  }
0xb1: {  	_ =	task.clear_ibuf [dreg:s7], $0x5FFFF;
	_ =	strace $0x90000049  }
0xb2: {  	s29 =	simm.s32 $0x9;
	_ =	strace $0x8000004B  }
0xb3: {  	_ =	swait.ge [sflag:s29], $0x1  }
0xb4: {  	[sflag:s29] =	ssyncadd.s32 $0xFFFFFFFF  }
0xb5: {  	_ =	strace $0x9000004B  }
0xb6: {  	_ =	sfence  }
0xb7: {  	s30 =	sld [smem:$0x0];
	_ =	sdelay $0x2  }
0xb8: {  	s31 =	sshll.u32 s1, $0xD;
	s1 =	sshrl.u32 s1, $0x2  }
0xb9: {  	s3 =	sand.u32 $0x4000, s31;
	s1 =	sadd.s32 s1, s30  }
0xba: {  	s0 =	sor.u32 s3, s0;
	s1 =	sshll.u32 s1, $0x11  }
0xbb: {  	s0 =	sor.u32 s1, s0  }
0xbc: {  	s0 =	sadd.s32 $0x8F2B, s0  }
0xbd: {  	[sflag:s0] =	ssyncadd.remote.s32 $0x1  }
0xbe: {  	_ =	sfence.sel $0xFFFF  }
0xbf: {  	[dreg:$0x0] =	wrdreg $0xFFFFFFFF;
	(pc) =	sbr.abs _section_cstart, $3  }
0xc0: {  	[dreg:$0x1] =	wrdreg $0xFFFFFFFF  }
0xc1: {  	_ =	task.clear_ibuf [dreg:s7], $0x2FFFF;
	_ =	strace $0x9FFFFFFF  }
0xc2: {  	(tm) =	ssettm $0x7FFFFFFF  }
0xc3: {  	_ =	shalt  }
tec
execute0_lowered:
.L_overlay_start_1:
0x0: {  	(tag) =	ssettag $0x1  }
0x1: {  	s1 =	rddreg [dreg:$0x0]  }
0x2: {  	s0 =	rddreg [dreg:$0x1];
	s3 =	simm.s32 $0x0  }
0x3: {  	s2 =	srdreg.scid;
	s5 =	stileid.u32;
	s10 =	simm.s32 $0x1  }
0x4: {  	s11 =	simm.s32 $0x2;
	s13 =	simm.s32 $0x880;
	s14 =	simm.s32 $0x1080  }
0x5: {  	s15 =	simm.s32 $0x1880;
	s16 =	simm.s32 $0x2080;
	s17 =	simm.s32 $0x2880  }
0x6: {  	s28 =	simm.s32 $0x7880;
	s29 =	simm.s32 $0x8080;
	s30 =	simm.s32 $0x8880  }
0x7: {  	s31 =	simm.s32 $0x9080;
	[smem:$0x7FF] =	sst s3;
	s2 =	sand.u32 $0x1, s2  }
0x8: {  	s4 =	sadd.s32 $0xE1800, s0;
	s5 =	sshll.u32 s5, $0x6;
	s6 =	sshll.u32 s2, $0x5  }
0x9: {  	s0 =	sadd.s32 $0x1800, s0;
	s2 =	ssub.s32 $0x2, s2;
	s5 =	sor.u32 s6, s5  }
0xa: {  	_ =	strace $0x8000004A;
	s9 =	sshrl.u32 s2, $0x1;
	s6 =	sadd.s32 s4, s5  }
0xb: {  	s7 =	sor.u32 $0x8, s5;
	s8 =	smul.u32 $0x300, s5;
	s20 =	sor.u32 $0x10, s5  }
0xc: {  	s2 =	ssub.s32 s2, s9;
	s5 =	sor.u32 $0x18, s5;
	s9 =	simm.s32 $0xB080  }
0xd: {  	[dreg:$0x3] =	wrdreg s6;
	s18 =	sadd.s32 s4, s7;
	s7 =	smul.u32 $0x300, s7  }
0xe: {  	s21 =	sadd.s32 s4, s20;
	s23 =	smul.u32 $0x300, s20;
	s24 =	sadd.s32 s4, s5  }
0xf: {  	s25 =	smul.u32 $0x300, s5;
	s4 =	sadd.s32 $0x100, s1;
	s5 =	sadd.s32 $0x200, s1  }
0x10: {  	s6 =	smax.u32 s2, $0x1;
	s20 =	simm.s32 $0x4080;
	[dreg:$0x4] =	wrdreg s18  }
0x11: {  	s2 =	simm.s32 $0xC080;
	s19 =	sadd.s32 s0, s8;
	[dreg:$0x6] =	wrdreg s21  }
0x12: {  	[dreg:$0x8] =	wrdreg s24;
	s18 =	simm.s32 $0x3080;
	s21 =	simm.s32 $0x4880  }
0x13: {  	s24 =	simm.s32 $0x6080;
	s8 =	simm.s32 $0xB880;
	[dreg:$0x5] =	wrdreg s19  }
0x14: {  	s22 =	sadd.s32 s0, s7;
	s26 =	sadd.s32 s0, s23;
	s0 =	sadd.s32 s0, s25  }
0x15: {  	v2 =	vlaneseq.u32;
	s7 =	simm.s32 $0x3;
	s19 =	simm.s32 $0x3880;
	[dreg:$0x7] =	wrdreg s22  }
0x16: {  	vm0 =	vmmov $0xffff;
	v1 =	vshrl.u32 v2, $0x3;
	s23 =	simm.s32 $0x5880;
	s25 =	simm.s32 $0x6880;
	[dreg:$0x9] =	wrdreg s26  }
0x17: {  	v0 =	vand.u32 $0x7, v2;
	v2 =	vor.u32 $0x8, v2;
	v1 =	vmul.u32 $0x8, v1;
	[dreg:$0xa] =	wrdreg s0;
	s22 =	simm.s32 $0x5080;
	s26 =	simm.s32 $0x7080  }
.LBB2_1:
0x18: {  	s12 =	rddreg [dreg:$0x3]  }
0x19: {  	[tilespmem:s3], [sflag:$0x3] =	stream.linear.gather [hbm4b:s12+s3], $0x40, $0x38;
	[tilespmem:$0x18080] =	vst v63  }
0x1a: {  	_ =	swait.ge [sflag:s7], $0x40  }
0x1b: {  	[sflag:s7] =	ssyncset.done $0x0  }
0x1c: {  	[sflag:s7] =	ssyncadd.s32 $0xFFFFFFC0  }
0x1d: {  	v3 =	vld [tilespmem:$0x0];
	_ =	sdelay $0x4  }
0x1e: {  	v4 =	vshrl.u32 v3, $0x3  }
0x1f: {  	v4 =	vmul.u32 $0x30, v4  }
0x20: {  	v3 =	vand.u32 $0x7, v3  }
0x21: {  	v3 =	vor.u32 v3, v4  }
0x22: {  	v4 =	vperm.xlane v3, v0;
	_ =	sdelay $0x1  }
0x23: {  	v4 =	vadd.s32 v1, v4;
	_ =	sdelay $0x3  }
0x24: {  	s0 =	simm.s32 $0x80;
	v3 =	vperm.xlane v3, v2  }
0x25: {  	[tilespmem:s0], [sflag:$0x1] =	stream.indirect_vreg.gather [hbm4b:s1+s3], $0x80, v4, vm0, $0xb8;
	[tilespmem:$0x18080] =	vst v63  }
0x26: {  	v3 =	vadd.s32 v1, v3  }
0x27: {  	[tilespmem:s13], [sflag:$0x1] =	stream.indirect_vreg.gather [hbm4b:s4+s3], $0x80, v4, vm0, $0xb8;
	[tilespmem:$0x18080] =	vst v63  }
0x28: {  	_ = 	snop  }
0x29: {  	[tilespmem:s14], [sflag:$0x1] =	stream.indirect_vreg.gather [hbm4b:s5+s3], $0x80, v4, vm0, $0xb8;
	[tilespmem:$0x18080] =	vst v63  }
0x2a: {  	_ = 	snop  }
0x2b: {  	[tilespmem:s15], [sflag:$0x1] =	stream.indirect_vreg.gather [hbm4b:s1+s3], $0x80, v3, vm0, $0xb8;
	[tilespmem:$0x18080] =	vst v63  }
0x2c: {  	_ = 	snop  }
0x2d: {  	[tilespmem:s16], [sflag:$0x1] =	stream.indirect_vreg.gather [hbm4b:s4+s3], $0x80, v3, vm0, $0xb8;
	[tilespmem:$0x18080] =	vst v63  }
0x2e: {  	_ = 	snop  }
0x2f: {  	[tilespmem:s17], [sflag:$0x1] =	stream.indirect_vreg.gather [hbm4b:s5+s3], $0x80, v3, vm0, $0xb8;
	[tilespmem:$0x18080] =	vst v63  }
0x30: {  	v3 =	vld [tilespmem:$0x10];
	_ =	sdelay $0x4  }
0x31: {  	v49 =	vshrl.u32 v3, $0x3  }
0x32: {  	v4 =	vmul.u32 $0x30, v49  }
0x33: {  	v3 =	vand.u32 $0x7, v3  }
0x34: {  	v3 =	vor.u32 v3, v4  }
0x35: {  	v4 =	vperm.xlane v3, v0;
	_ =	sdelay $0x1  }
0x36: {  	v4 =	vadd.s32 v1, v4;
	_ =	sdelay $0x3  }
0x37: {  	v3 =	vperm.xlane v3, v2  }
0x38: {  	[tilespmem:s18], [sflag:$0x1] =	stream.indirect_vreg.gather [hbm4b:s1+s3], $0x80, v4, vm0, $0xb8;
	[tilespmem:$0x18080] =	vst v63  }
0x39: {  	v3 =	vadd.s32 v1, v3  }
0x3a: {  	[tilespmem:s19], [sflag:$0x1] =	stream.indirect_vreg.gather [hbm4b:s4+s3], $0x80, v4, vm0, $0xb8;
	[tilespmem:$0x18080] =	vst v63  }
0x3b: {  	_ = 	snop  }
0x3c: {  	[tilespmem:s20], [sflag:$0x1] =	stream.indirect_vreg.gather [hbm4b:s5+s3], $0x80, v4, vm0, $0xb8;
	[tilespmem:$0x18080] =	vst v63  }
0x3d: {  	_ = 	snop  }
0x3e: {  	[tilespmem:s21], [sflag:$0x1] =	stream.indirect_vreg.gather [hbm4b:s1+s3], $0x80, v3, vm0, $0xb8;
	[tilespmem:$0x18080] =	vst v63  }
0x3f: {  	_ = 	snop  }
0x40: {  	[tilespmem:s22], [sflag:$0x1] =	stream.indirect_vreg.gather [hbm4b:s4+s3], $0x80, v3, vm0, $0xb8;
	[tilespmem:$0x18080] =	vst v63  }
0x41: {  	_ = 	snop  }
0x42: {  	[tilespmem:s23], [sflag:$0x1] =	stream.indirect_vreg.gather [hbm4b:s5+s3], $0x80, v3, vm0, $0xb8;
	[tilespmem:$0x18080] =	vst v63  }
0x43: {  	v3 =	vld [tilespmem:$0x20];
	_ =	sdelay $0x4  }
0x44: {  	v50 =	vshrl.u32 v3, $0x3  }
0x45: {  	v4 =	vmul.u32 $0x30, v50  }
0x46: {  	v3 =	vand.u32 $0x7, v3  }
0x47: {  	v3 =	vor.u32 v3, v4  }
0x48: {  	v4 =	vperm.xlane v3, v0;
	_ =	sdelay $0x1  }
0x49: {  	v4 =	vadd.s32 v1, v4;
	_ =	sdelay $0x3  }
0x4a: {  	v3 =	vperm.xlane v3, v2  }
0x4b: {  	[tilespmem:s24], [sflag:$0x1] =	stream.indirect_vreg.gather [hbm4b:s1+s3], $0x80, v4, vm0, $0xb8;
	[tilespmem:$0x18080] =	vst v63  }
0x4c: {  	v3 =	vadd.s32 v1, v3  }
0x4d: {  	[tilespmem:s25], [sflag:$0x1] =	stream.indirect_vreg.gather [hbm4b:s4+s3], $0x80, v4, vm0, $0xb8;
	[tilespmem:$0x18080] =	vst v63  }
0x4e: {  	_ = 	snop  }
0x4f: {  	[tilespmem:s26], [sflag:$0x1] =	stream.indirect_vreg.gather [hbm4b:s5+s3], $0x80, v4, vm0, $0xb8;
	[tilespmem:$0x18080] =	vst v63  }
0x50: {  	_ = 	snop  }
0x51: {  	[tilespmem:s28], [sflag:$0x1] =	stream.indirect_vreg.gather [hbm4b:s1+s3], $0x80, v3, vm0, $0xb8;
	[tilespmem:$0x18080] =	vst v63  }
0x52: {  	_ = 	snop  }
0x53: {  	[tilespmem:s29], [sflag:$0x1] =	stream.indirect_vreg.gather [hbm4b:s4+s3], $0x80, v3, vm0, $0xb8;
	[tilespmem:$0x18080] =	vst v63  }
0x54: {  	_ = 	snop  }
0x55: {  	[tilespmem:s30], [sflag:$0x1] =	stream.indirect_vreg.gather [hbm4b:s5+s3], $0x80, v3, vm0, $0xb8;
	[tilespmem:$0x18080] =	vst v63  }
0x56: {  	v3 =	vld [tilespmem:$0x30];
	_ =	sdelay $0x4  }
0x57: {  	v51 =	vshrl.u32 v3, $0x3  }
0x58: {  	v4 =	vmul.u32 $0x30, v51  }
0x59: {  	v3 =	vand.u32 $0x7, v3  }
0x5a: {  	v3 =	vor.u32 v3, v4  }
0x5b: {  	v4 =	vperm.xlane v3, v0;
	_ =	sdelay $0x1  }
0x5c: {  	v4 =	vadd.s32 v1, v4;
	_ =	sdelay $0x3  }
0x5d: {  	v3 =	vperm.xlane v3, v2  }
0x5e: {  	[tilespmem:s31], [sflag:$0x1] =	stream.indirect_vreg.gather [hbm4b:s1+s3], $0x80, v4, vm0, $0xb8;
	[tilespmem:$0x18080] =	vst v63  }
0x5f: {  	s12 =	simm.s32 $0x9880;
	v3 =	vadd.s32 v1, v3  }
0x60: {  	[tilespmem:s12], [sflag:$0x1] =	stream.indirect_vreg.gather [hbm4b:s4+s3], $0x80, v4, vm0, $0xb8;
	[tilespmem:$0x18080] =	vst v63  }
0x61: {  	s12 =	simm.s32 $0xA080  }
0x62: {  	[tilespmem:s12], [sflag:$0x1] =	stream.indirect_vreg.gather [hbm4b:s5+s3], $0x80, v4, vm0, $0xb8;
	[tilespmem:$0x18080] =	vst v63  }
0x63: {  	s12 =	simm.s32 $0xA880  }
0x64: {  	[tilespmem:s12], [sflag:$0x1] =	stream.indirect_vreg.gather [hbm4b:s1+s3], $0x80, v3, vm0, $0xb8;
	[tilespmem:$0x18080] =	vst v63  }
0x65: {  	_ = 	snop  }
0x66: {  	[tilespmem:s9], [sflag:$0x1] =	stream.indirect_vreg.gather [hbm4b:s4+s3], $0x80, v3, vm0, $0xb8;
	[tilespmem:$0x18080] =	vst v63  }
0x67: {  	_ = 	snop  }
0x68: {  	[tilespmem:s8], [sflag:$0x1] =	stream.indirect_vreg.gather [hbm4b:s5+s3], $0x80, v3, vm0, $0xb8;
	[tilespmem:$0x18080] =	vst v63  }
0x69: {  	s0 =	simm.s32 $0x40;
	s12 =	rddreg [dreg:$0x4]  }
0x6a: {  	[tilespmem:s0], [sflag:$0x3] =	stream.linear.gather [hbm4b:s12+s3], $0x40, $0x38;
	[tilespmem:$0x18080] =	vst v63  }
0x6b: {  	_ =	swait.ge [sflag:s7], $0x40  }
0x6c: {  	[sflag:s7] =	ssyncset.done $0x0  }
0x6d: {  	[sflag:s7] =	ssyncadd.s32 $0xFFFFFFC0  }
0x6e: {  	v3 =	vld [tilespmem:$0x40];
	_ =	sdelay $0x4  }
0x6f: {  	v52 =	vshrl.u32 v3, $0x3  }
0x70: {  	v4 =	vmul.u32 $0x30, v52  }
0x71: {  	v3 =	vand.u32 $0x7, v3  }
0x72: {  	v3 =	vor.u32 v3, v4  }
0x73: {  	v4 =	vperm.xlane v3, v0;
	_ =	sdelay $0x1  }
0x74: {  	v4 =	vadd.s32 v1, v4;
	_ =	sdelay $0x3  }
0x75: {  	v3 =	vperm.xlane v3, v2  }
0x76: {  	[tilespmem:s2], [sflag:$0x1] =	stream.indirect_vreg.gather [hbm4b:s1+s3], $0x80, v4, vm0, $0xb8;
	[tilespmem:$0x18080] =	vst v63  }
0x77: {  	s12 =	simm.s32 $0xC880;
	v3 =	vadd.s32 v1, v3  }
0x78: {  	[tilespmem:s12], [sflag:$0x1] =	stream.indirect_vreg.gather [hbm4b:s4+s3], $0x80, v4, vm0, $0xb8;
	[tilespmem:$0x18080] =	vst v63  }
0x79: {  	s12 =	simm.s32 $0xD080  }
0x7a: {  	[tilespmem:s12], [sflag:$0x1] =	stream.indirect_vreg.gather [hbm4b:s5+s3], $0x80, v4, vm0, $0xb8;
	[tilespmem:$0x18080] =	vst v63  }
0x7b: {  	s12 =	simm.s32 $0xD880  }
0x7c: {  	[tilespmem:s12], [sflag:$0x1] =	stream.indirect_vreg.gather [hbm4b:s1+s3], $0x80, v3, vm0, $0xb8;
	[tilespmem:$0x18080] =	vst v63  }
0x7d: {  	s12 =	simm.s32 $0xE080  }
0x7e: {  	[tilespmem:s12], [sflag:$0x1] =	stream.indirect_vreg.gather [hbm4b:s4+s3], $0x80, v3, vm0, $0xb8;
	[tilespmem:$0x18080] =	vst v63  }
0x7f: {  	s12 =	simm.s32 $0xE880  }
0x80: {  	[tilespmem:s12], [sflag:$0x1] =	stream.indirect_vreg.gather [hbm4b:s5+s3], $0x80, v3, vm0, $0xb8;
	[tilespmem:$0x18080] =	vst v63  }
0x81: {  	v3 =	vld [tilespmem:$0x50];
	_ =	sdelay $0x4  }
0x82: {  	v53 =	vshrl.u32 v3, $0x3  }
0x83: {  	v4 =	vmul.u32 $0x30, v53  }
0x84: {  	v3 =	vand.u32 $0x7, v3  }
0x85: {  	v3 =	vor.u32 v3, v4  }
0x86: {  	v4 =	vperm.xlane v3, v0;
	_ =	sdelay $0x1  }
0x87: {  	v4 =	vadd.s32 v1, v4;
	_ =	sdelay $0x3  }
0x88: {  	s12 =	simm.s32 $0xF080;
	v3 =	vperm.xlane v3, v2  }
0x89: {  	[tilespmem:s12], [sflag:$0x1] =	stream.indirect_vreg.gather [hbm4b:s1+s3], $0x80, v4, vm0, $0xb8;
	[tilespmem:$0x18080] =	vst v63  }
0x8a: {  	v3 =	vadd.s32 v1, v3;
	s12 =	simm.s32 $0xF880  }
0x8b: {  	[tilespmem:s12], [sflag:$0x1] =	stream.indirect_vreg.gather [hbm4b:s4+s3], $0x80, v4, vm0, $0xb8;
	[tilespmem:$0x18080] =	vst v63  }
0x8c: {  	s12 =	simm.s32 $0x10080  }
0x8d: {  	[tilespmem:s12], [sflag:$0x1] =	stream.indirect_vreg.gather [hbm4b:s5+s3], $0x80, v4, vm0, $0xb8;
	[tilespmem:$0x18080] =	vst v63  }
0x8e: {  	s12 =	simm.s32 $0x10880  }
0x8f: {  	[tilespmem:s12], [sflag:$0x1] =	stream.indirect_vreg.gather [hbm4b:s1+s3], $0x80, v3, vm0, $0xb8;
	[tilespmem:$0x18080] =	vst v63  }
0x90: {  	s12 =	simm.s32 $0x11080  }
0x91: {  	[tilespmem:s12], [sflag:$0x1] =	stream.indirect_vreg.gather [hbm4b:s4+s3], $0x80, v3, vm0, $0xb8;
	[tilespmem:$0x18080] =	vst v63  }
0x92: {  	s12 =	simm.s32 $0x11880  }
0x93: {  	[tilespmem:s12], [sflag:$0x1] =	stream.indirect_vreg.gather [hbm4b:s5+s3], $0x80, v3, vm0, $0xb8;
	[tilespmem:$0x18080] =	vst v63  }
0x94: {  	v3 =	vld [tilespmem:$0x60];
	_ =	sdelay $0x4  }
0x95: {  	v54 =	vshrl.u32 v3, $0x3  }
0x96: {  	v4 =	vmul.u32 $0x30, v54  }
0x97: {  	v3 =	vand.u32 $0x7, v3  }
0x98: {  	v3 =	vor.u32 v3, v4  }
0x99: {  	v4 =	vperm.xlane v3, v0;
	_ =	sdelay $0x1  }
0x9a: {  	v4 =	vadd.s32 v1, v4;
	_ =	sdelay $0x3  }
0x9b: {  	s12 =	simm.s32 $0x12080;
	v3 =	vperm.xlane v3, v2  }
0x9c: {  	[tilespmem:s12], [sflag:$0x1] =	stream.indirect_vreg.gather [hbm4b:s1+s3], $0x80, v4, vm0, $0xb8;
	[tilespmem:$0x18080] =	vst v63  }
0x9d: {  	v3 =	vadd.s32 v1, v3;
	s12 =	simm.s32 $0x12880  }
0x9e: {  	[tilespmem:s12], [sflag:$0x1] =	stream.indirect_vreg.gather [hbm4b:s4+s3], $0x80, v4, vm0, $0xb8;
	[tilespmem:$0x18080] =	vst v63  }
0x9f: {  	s12 =	simm.s32 $0x13080  }
0xa0: {  	[tilespmem:s12], [sflag:$0x1] =	stream.indirect_vreg.gather [hbm4b:s5+s3], $0x80, v4, vm0, $0xb8;
	[tilespmem:$0x18080] =	vst v63  }
0xa1: {  	s12 =	simm.s32 $0x13880  }
0xa2: {  	[tilespmem:s12], [sflag:$0x1] =	stream.indirect_vreg.gather [hbm4b:s1+s3], $0x80, v3, vm0, $0xb8;
	[tilespmem:$0x18080] =	vst v63  }
0xa3: {  	s12 =	simm.s32 $0x14080  }
0xa4: {  	[tilespmem:s12], [sflag:$0x1] =	stream.indirect_vreg.gather [hbm4b:s4+s3], $0x80, v3, vm0, $0xb8;
	[tilespmem:$0x18080] =	vst v63  }
0xa5: {  	s12 =	simm.s32 $0x14880  }
0xa6: {  	[tilespmem:s12], [sflag:$0x1] =	stream.indirect_vreg.gather [hbm4b:s5+s3], $0x80, v3, vm0, $0xb8;
	[tilespmem:$0x18080] =	vst v63  }
0xa7: {  	v3 =	vld [tilespmem:$0x70];
	_ =	sdelay $0x4  }
0xa8: {  	v55 =	vshrl.u32 v3, $0x3  }
0xa9: {  	v4 =	vmul.u32 $0x30, v55  }
0xaa: {  	v3 =	vand.u32 $0x7, v3  }
0xab: {  	v3 =	vor.u32 v3, v4  }
0xac: {  	v4 =	vperm.xlane v3, v0;
	_ =	sdelay $0x1  }
0xad: {  	v4 =	vadd.s32 v1, v4;
	_ =	sdelay $0x3  }
0xae: {  	s12 =	simm.s32 $0x15080;
	v3 =	vperm.xlane v3, v2  }
0xaf: {  	[tilespmem:s12], [sflag:$0x1] =	stream.indirect_vreg.gather [hbm4b:s1+s3], $0x80, v4, vm0, $0xb8;
	[tilespmem:$0x18080] =	vst v63  }
0xb0: {  	v3 =	vadd.s32 v1, v3;
	s12 =	simm.s32 $0x15880  }
0xb1: {  	[tilespmem:s12], [sflag:$0x1] =	stream.indirect_vreg.gather [hbm4b:s4+s3], $0x80, v4, vm0, $0xb8;
	[tilespmem:$0x18080] =	vst v63  }
0xb2: {  	s12 =	simm.s32 $0x16080  }
0xb3: {  	[tilespmem:s12], [sflag:$0x1] =	stream.indirect_vreg.gather [hbm4b:s5+s3], $0x80, v4, vm0, $0xb8;
	[tilespmem:$0x18080] =	vst v63  }
0xb4: {  	s12 =	simm.s32 $0x16880  }
0xb5: {  	[tilespmem:s12], [sflag:$0x1] =	stream.indirect_vreg.gather [hbm4b:s1+s3], $0x80, v3, vm0, $0xb8;
	[tilespmem:$0x18080] =	vst v63  }
0xb6: {  	s12 =	simm.s32 $0x17080  }
0xb7: {  	[tilespmem:s12], [sflag:$0x1] =	stream.indirect_vreg.gather [hbm4b:s4+s3], $0x80, v3, vm0, $0xb8;
	[tilespmem:$0x18080] =	vst v63  }
0xb8: {  	s12 =	simm.s32 $0x17880  }
0xb9: {  	[tilespmem:s12], [sflag:$0x1] =	stream.indirect_vreg.gather [hbm4b:s5+s3], $0x80, v3, vm0, $0xb8;
	[tilespmem:$0x18080] =	vst v63  }
0xba: {  	_ =	swait.ge [sflag:s10], $0xC000  }
0xbb: {  	[sflag:s10] =	ssyncset.done $0x0  }
0xbc: {  	s0 =	simm.s32 $0x80;
	s12 =	rddreg [dreg:$0x5];
	[sflag:s10] =	ssyncadd.s32 $0xFFFF4000  }
0xbd: {  	[hbm4b:s12+s3] =	stream.linear.scatter [tilespmem:s0], [sflag:$0x2], $0xC000, $0x38;
	[tilespmem:$0x18080] =	vst v63  }
0xbe: {  	_ =	swait.ge [sflag:s11], $0xC000  }
0xbf: {  	[sflag:s11] =	ssyncset.done $0x0  }
0xc0: {  	s12 =	rddreg [dreg:$0x6];
	[sflag:s11] =	ssyncadd.s32 $0xFFFF4000  }
0xc1: {  	[tilespmem:s3], [sflag:$0x3] =	stream.linear.gather [hbm4b:s12+s3], $0x40, $0x38;
	[tilespmem:$0x18080] =	vst v63  }
0xc2: {  	_ =	swait.ge [sflag:s7], $0x40  }
0xc3: {  	[sflag:s7] =	ssyncset.done $0x0  }
0xc4: {  	[sflag:s7] =	ssyncadd.s32 $0xFFFFFFC0  }
0xc5: {  	v3 =	vld [tilespmem:$0x0];
	_ =	sdelay $0x4  }
0xc6: {  	v56 =	vshrl.u32 v3, $0x3  }
0xc7: {  	v4 =	vmul.u32 $0x30, v56  }
0xc8: {  	v3 =	vand.u32 $0x7, v3  }
0xc9: {  	v3 =	vor.u32 v3, v4  }
0xca: {  	v4 =	vperm.xlane v3, v0;
	_ =	sdelay $0x1  }
0xcb: {  	v4 =	vadd.s32 v1, v4;
	_ =	sdelay $0x3  }
0xcc: {  	v3 =	vperm.xlane v3, v2  }
0xcd: {  	[tilespmem:s0], [sflag:$0x1] =	stream.indirect_vreg.gather [hbm4b:s1+s3], $0x80, v4, vm0, $0xb8;
	[tilespmem:$0x18080] =	vst v63  }
0xce: {  	v3 =	vadd.s32 v1, v3  }
0xcf: {  	[tilespmem:s13], [sflag:$0x1] =	stream.indirect_vreg.gather [hbm4b:s4+s3], $0x80, v4, vm0, $0xb8;
	[tilespmem:$0x18080] =	vst v63  }
0xd0: {  	_ = 	snop  }
0xd1: {  	[tilespmem:s14], [sflag:$0x1] =	stream.indirect_vreg.gather [hbm4b:s5+s3], $0x80, v4, vm0, $0xb8;
	[tilespmem:$0x18080] =	vst v63  }
0xd2: {  	_ = 	snop  }
0xd3: {  	[tilespmem:s15], [sflag:$0x1] =	stream.indirect_vreg.gather [hbm4b:s1+s3], $0x80, v3, vm0, $0xb8;
	[tilespmem:$0x18080] =	vst v63  }
0xd4: {  	_ = 	snop  }
0xd5: {  	[tilespmem:s16], [sflag:$0x1] =	stream.indirect_vreg.gather [hbm4b:s4+s3], $0x80, v3, vm0, $0xb8;
	[tilespmem:$0x18080] =	vst v63  }
0xd6: {  	_ = 	snop  }
0xd7: {  	[tilespmem:s17], [sflag:$0x1] =	stream.indirect_vreg.gather [hbm4b:s5+s3], $0x80, v3, vm0, $0xb8;
	[tilespmem:$0x18080] =	vst v63  }
0xd8: {  	v3 =	vld [tilespmem:$0x10];
	_ =	sdelay $0x4  }
0xd9: {  	v57 =	vshrl.u32 v3, $0x3  }
0xda: {  	v4 =	vmul.u32 $0x30, v57  }
0xdb: {  	v3 =	vand.u32 $0x7, v3  }
0xdc: {  	v3 =	vor.u32 v3, v4  }
0xdd: {  	v4 =	vperm.xlane v3, v0;
	_ =	sdelay $0x1  }
0xde: {  	v4 =	vadd.s32 v1, v4;
	_ =	sdelay $0x3  }
0xdf: {  	v3 =	vperm.xlane v3, v2  }
0xe0: {  	[tilespmem:s18], [sflag:$0x1] =	stream.indirect_vreg.gather [hbm4b:s1+s3], $0x80, v4, vm0, $0xb8;
	[tilespmem:$0x18080] =	vst v63  }
0xe1: {  	v3 =	vadd.s32 v1, v3  }
0xe2: {  	[tilespmem:s19], [sflag:$0x1] =	stream.indirect_vreg.gather [hbm4b:s4+s3], $0x80, v4, vm0, $0xb8;
	[tilespmem:$0x18080] =	vst v63  }
0xe3: {  	_ = 	snop  }
0xe4: {  	[tilespmem:s20], [sflag:$0x1] =	stream.indirect_vreg.gather [hbm4b:s5+s3], $0x80, v4, vm0, $0xb8;
	[tilespmem:$0x18080] =	vst v63  }
0xe5: {  	_ = 	snop  }
0xe6: {  	[tilespmem:s21], [sflag:$0x1] =	stream.indirect_vreg.gather [hbm4b:s1+s3], $0x80, v3, vm0, $0xb8;
	[tilespmem:$0x18080] =	vst v63  }
0xe7: {  	_ = 	snop  }
0xe8: {  	[tilespmem:s22], [sflag:$0x1] =	stream.indirect_vreg.gather [hbm4b:s4+s3], $0x80, v3, vm0, $0xb8;
	[tilespmem:$0x18080] =	vst v63  }
0xe9: {  	_ = 	snop  }
0xea: {  	[tilespmem:s23], [sflag:$0x1] =	stream.indirect_vreg.gather [hbm4b:s5+s3], $0x80, v3, vm0, $0xb8;
	[tilespmem:$0x18080] =	vst v63  }
0xeb: {  	v3 =	vld [tilespmem:$0x20];
	_ =	sdelay $0x4  }
0xec: {  	v58 =	vshrl.u32 v3, $0x3  }
0xed: {  	v4 =	vmul.u32 $0x30, v58  }
0xee: {  	v3 =	vand.u32 $0x7, v3  }
0xef: {  	v3 =	vor.u32 v3, v4  }
0xf0: {  	v4 =	vperm.xlane v3, v0;
	_ =	sdelay $0x1  }
0xf1: {  	v4 =	vadd.s32 v1, v4;
	_ =	sdelay $0x3  }
0xf2: {  	v3 =	vperm.xlane v3, v2  }
0xf3: {  	[tilespmem:s24], [sflag:$0x1] =	stream.indirect_vreg.gather [hbm4b:s1+s3], $0x80, v4, vm0, $0xb8;
	[tilespmem:$0x18080] =	vst v63  }
0xf4: {  	v3 =	vadd.s32 v1, v3  }
0xf5: {  	[tilespmem:s25], [sflag:$0x1] =	stream.indirect_vreg.gather [hbm4b:s4+s3], $0x80, v4, vm0, $0xb8;
	[tilespmem:$0x18080] =	vst v63  }
0xf6: {  	_ = 	snop  }
0xf7: {  	[tilespmem:s26], [sflag:$0x1] =	stream.indirect_vreg.gather [hbm4b:s5+s3], $0x80, v4, vm0, $0xb8;
	[tilespmem:$0x18080] =	vst v63  }
0xf8: {  	_ = 	snop  }
0xf9: {  	[tilespmem:s28], [sflag:$0x1] =	stream.indirect_vreg.gather [hbm4b:s1+s3], $0x80, v3, vm0, $0xb8;
	[tilespmem:$0x18080] =	vst v63  }
0xfa: {  	_ = 	snop  }
0xfb: {  	[tilespmem:s29], [sflag:$0x1] =	stream.indirect_vreg.gather [hbm4b:s4+s3], $0x80, v3, vm0, $0xb8;
	[tilespmem:$0x18080] =	vst v63  }
0xfc: {  	_ = 	snop  }
0xfd: {  	[tilespmem:s30], [sflag:$0x1] =	stream.indirect_vreg.gather [hbm4b:s5+s3], $0x80, v3, vm0, $0xb8;
	[tilespmem:$0x18080] =	vst v63  }
0xfe: {  	v3 =	vld [tilespmem:$0x30];
	_ =	sdelay $0x4  }
0xff: {  	v59 =	vshrl.u32 v3, $0x3  }
0x100: {  	v4 =	vmul.u32 $0x30, v59  }
0x101: {  	v3 =	vand.u32 $0x7, v3  }
0x102: {  	v3 =	vor.u32 v3, v4  }
0x103: {  	v4 =	vperm.xlane v3, v0;
	_ =	sdelay $0x1  }
0x104: {  	v4 =	vadd.s32 v1, v4;
	_ =	sdelay $0x3  }
0x105: {  	v3 =	vperm.xlane v3, v2  }
0x106: {  	[tilespmem:s31], [sflag:$0x1] =	stream.indirect_vreg.gather [hbm4b:s1+s3], $0x80, v4, vm0, $0xb8;
	[tilespmem:$0x18080] =	vst v63  }
0x107: {  	s12 =	simm.s32 $0x9880;
	v3 =	vadd.s32 v1, v3  }
0x108: {  	[tilespmem:s12], [sflag:$0x1] =	stream.indirect_vreg.gather [hbm4b:s4+s3], $0x80, v4, vm0, $0xb8;
	[tilespmem:$0x18080] =	vst v63  }
0x109: {  	s12 =	simm.s32 $0xA080  }
0x10a: {  	[tilespmem:s12], [sflag:$0x1] =	stream.indirect_vreg.gather [hbm4b:s5+s3], $0x80, v4, vm0, $0xb8;
	[tilespmem:$0x18080] =	vst v63  }
0x10b: {  	s12 =	simm.s32 $0xA880  }
0x10c: {  	[tilespmem:s12], [sflag:$0x1] =	stream.indirect_vreg.gather [hbm4b:s1+s3], $0x80, v3, vm0, $0xb8;
	[tilespmem:$0x18080] =	vst v63  }
0x10d: {  	_ = 	snop  }
0x10e: {  	[tilespmem:s9], [sflag:$0x1] =	stream.indirect_vreg.gather [hbm4b:s4+s3], $0x80, v3, vm0, $0xb8;
	[tilespmem:$0x18080] =	vst v63  }
0x10f: {  	_ = 	snop  }
0x110: {  	[tilespmem:s8], [sflag:$0x1] =	stream.indirect_vreg.gather [hbm4b:s5+s3], $0x80, v3, vm0, $0xb8;
	[tilespmem:$0x18080] =	vst v63  }
0x111: {  	_ =	swait.ge [sflag:s10], $0xC000  }
0x112: {  	[sflag:s10] =	ssyncset.done $0x0  }
0x113: {  	s0 =	rddreg [dreg:$0x7];
	[sflag:s10] =	ssyncadd.s32 $0xFFFF4000  }
0x114: {  	[hbm4b:s0+s3] =	stream.linear.scatter [tilespmem:s2], [sflag:$0x2], $0xC000, $0x38;
	[tilespmem:$0x18080] =	vst v63  }
0x115: {  	_ =	swait.ge [sflag:s11], $0xC000  }
0x116: {  	[sflag:s11] =	ssyncset.done $0x0  }
0x117: {  	s0 =	simm.s32 $0x40;
	s12 =	rddreg [dreg:$0x8];
	[sflag:s11] =	ssyncadd.s32 $0xFFFF4000  }
0x118: {  	[tilespmem:s0], [sflag:$0x3] =	stream.linear.gather [hbm4b:s12+s3], $0x40, $0x38;
	[tilespmem:$0x18080] =	vst v63  }
0x119: {  	_ =	swait.ge [sflag:s7], $0x40  }
0x11a: {  	[sflag:s7] =	ssyncset.done $0x0  }
0x11b: {  	[sflag:s7] =	ssyncadd.s32 $0xFFFFFFC0  }
0x11c: {  	v3 =	vld [tilespmem:$0x40];
	_ =	sdelay $0x4  }
0x11d: {  	v60 =	vshrl.u32 v3, $0x3  }
0x11e: {  	v4 =	vmul.u32 $0x30, v60  }
0x11f: {  	v3 =	vand.u32 $0x7, v3  }
0x120: {  	v3 =	vor.u32 v3, v4  }
0x121: {  	v4 =	vperm.xlane v3, v0;
	_ =	sdelay $0x1  }
0x122: {  	v4 =	vadd.s32 v1, v4;
	_ =	sdelay $0x3  }
0x123: {  	v3 =	vperm.xlane v3, v2  }
0x124: {  	[tilespmem:s2], [sflag:$0x1] =	stream.indirect_vreg.gather [hbm4b:s1+s3], $0x80, v4, vm0, $0xb8;
	[tilespmem:$0x18080] =	vst v63  }
0x125: {  	s12 =	simm.s32 $0xC880;
	v3 =	vadd.s32 v1, v3  }
0x126: {  	[tilespmem:s12], [sflag:$0x1] =	stream.indirect_vreg.gather [hbm4b:s4+s3], $0x80, v4, vm0, $0xb8;
	[tilespmem:$0x18080] =	vst v63  }
0x127: {  	s12 =	simm.s32 $0xD080  }
0x128: {  	[tilespmem:s12], [sflag:$0x1] =	stream.indirect_vreg.gather [hbm4b:s5+s3], $0x80, v4, vm0, $0xb8;
	[tilespmem:$0x18080] =	vst v63  }
0x129: {  	s12 =	simm.s32 $0xD880  }
0x12a: {  	[tilespmem:s12], [sflag:$0x1] =	stream.indirect_vreg.gather [hbm4b:s1+s3], $0x80, v3, vm0, $0xb8;
	[tilespmem:$0x18080] =	vst v63  }
0x12b: {  	s12 =	simm.s32 $0xE080  }
0x12c: {  	[tilespmem:s12], [sflag:$0x1] =	stream.indirect_vreg.gather [hbm4b:s4+s3], $0x80, v3, vm0, $0xb8;
	[tilespmem:$0x18080] =	vst v63  }
0x12d: {  	s12 =	simm.s32 $0xE880  }
0x12e: {  	[tilespmem:s12], [sflag:$0x1] =	stream.indirect_vreg.gather [hbm4b:s5+s3], $0x80, v3, vm0, $0xb8;
	[tilespmem:$0x18080] =	vst v63  }
0x12f: {  	v3 =	vld [tilespmem:$0x50];
	_ =	sdelay $0x4  }
0x130: {  	v61 =	vshrl.u32 v3, $0x3  }
0x131: {  	v4 =	vmul.u32 $0x30, v61  }
0x132: {  	v3 =	vand.u32 $0x7, v3  }
0x133: {  	v3 =	vor.u32 v3, v4  }
0x134: {  	v4 =	vperm.xlane v3, v0;
	_ =	sdelay $0x1  }
0x135: {  	v4 =	vadd.s32 v1, v4;
	_ =	sdelay $0x3  }
0x136: {  	s12 =	simm.s32 $0xF080;
	v3 =	vperm.xlane v3, v2  }
0x137: {  	[tilespmem:s12], [sflag:$0x1] =	stream.indirect_vreg.gather [hbm4b:s1+s3], $0x80, v4, vm0, $0xb8;
	[tilespmem:$0x18080] =	vst v63  }
0x138: {  	v3 =	vadd.s32 v1, v3;
	s12 =	simm.s32 $0xF880  }
0x139: {  	[tilespmem:s12], [sflag:$0x1] =	stream.indirect_vreg.gather [hbm4b:s4+s3], $0x80, v4, vm0, $0xb8;
	[tilespmem:$0x18080] =	vst v63  }
0x13a: {  	s12 =	simm.s32 $0x10080  }
0x13b: {  	[tilespmem:s12], [sflag:$0x1] =	stream.indirect_vreg.gather [hbm4b:s5+s3], $0x80, v4, vm0, $0xb8;
	[tilespmem:$0x18080] =	vst v63  }
0x13c: {  	s12 =	simm.s32 $0x10880  }
0x13d: {  	[tilespmem:s12], [sflag:$0x1] =	stream.indirect_vreg.gather [hbm4b:s1+s3], $0x80, v3, vm0, $0xb8;
	[tilespmem:$0x18080] =	vst v63  }
0x13e: {  	s12 =	simm.s32 $0x11080  }
0x13f: {  	[tilespmem:s12], [sflag:$0x1] =	stream.indirect_vreg.gather [hbm4b:s4+s3], $0x80, v3, vm0, $0xb8;
	[tilespmem:$0x18080] =	vst v63  }
0x140: {  	s12 =	simm.s32 $0x11880  }
0x141: {  	[tilespmem:s12], [sflag:$0x1] =	stream.indirect_vreg.gather [hbm4b:s5+s3], $0x80, v3, vm0, $0xb8;
	[tilespmem:$0x18080] =	vst v63  }
0x142: {  	v3 =	vld [tilespmem:$0x60];
	_ =	sdelay $0x4  }
0x143: {  	v62 =	vshrl.u32 v3, $0x3  }
0x144: {  	v4 =	vmul.u32 $0x30, v62  }
0x145: {  	v3 =	vand.u32 $0x7, v3  }
0x146: {  	v3 =	vor.u32 v3, v4  }
0x147: {  	v4 =	vperm.xlane v3, v0;
	_ =	sdelay $0x1  }
0x148: {  	v4 =	vadd.s32 v1, v4;
	_ =	sdelay $0x3  }
0x149: {  	s12 =	simm.s32 $0x12080;
	v3 =	vperm.xlane v3, v2  }
0x14a: {  	[tilespmem:s12], [sflag:$0x1] =	stream.indirect_vreg.gather [hbm4b:s1+s3], $0x80, v4, vm0, $0xb8;
	[tilespmem:$0x18080] =	vst v63  }
0x14b: {  	v3 =	vadd.s32 v1, v3;
	s12 =	simm.s32 $0x12880  }
0x14c: {  	[tilespmem:s12], [sflag:$0x1] =	stream.indirect_vreg.gather [hbm4b:s4+s3], $0x80, v4, vm0, $0xb8;
	[tilespmem:$0x18080] =	vst v63  }
0x14d: {  	s12 =	simm.s32 $0x13080  }
0x14e: {  	[tilespmem:s12], [sflag:$0x1] =	stream.indirect_vreg.gather [hbm4b:s5+s3], $0x80, v4, vm0, $0xb8;
	[tilespmem:$0x18080] =	vst v63  }
0x14f: {  	s12 =	simm.s32 $0x13880  }
0x150: {  	[tilespmem:s12], [sflag:$0x1] =	stream.indirect_vreg.gather [hbm4b:s1+s3], $0x80, v3, vm0, $0xb8;
	[tilespmem:$0x18080] =	vst v63  }
0x151: {  	s12 =	simm.s32 $0x14080  }
0x152: {  	[tilespmem:s12], [sflag:$0x1] =	stream.indirect_vreg.gather [hbm4b:s4+s3], $0x80, v3, vm0, $0xb8;
	[tilespmem:$0x18080] =	vst v63  }
0x153: {  	s12 =	simm.s32 $0x14880  }
0x154: {  	[tilespmem:s12], [sflag:$0x1] =	stream.indirect_vreg.gather [hbm4b:s5+s3], $0x80, v3, vm0, $0xb8;
	[tilespmem:$0x18080] =	vst v63  }
0x155: {  	v3 =	vld [tilespmem:$0x70];
	_ =	sdelay $0x4  }
0x156: {  	v63 =	vshrl.u32 v3, $0x3  }
0x157: {  	v4 =	vmul.u32 $0x30, v63  }
0x158: {  	v3 =	vand.u32 $0x7, v3  }
0x159: {  	v3 =	vor.u32 v3, v4  }
0x15a: {  	v4 =	vperm.xlane v3, v0;
	_ =	sdelay $0x1  }
0x15b: {  	v4 =	vadd.s32 v1, v4;
	_ =	sdelay $0x3  }
0x15c: {  	s12 =	simm.s32 $0x15080;
	v3 =	vperm.xlane v3, v2  }
0x15d: {  	[tilespmem:s12], [sflag:$0x1] =	stream.indirect_vreg.gather [hbm4b:s1+s3], $0x80, v4, vm0, $0xb8;
	[tilespmem:$0x18080] =	vst v63  }
0x15e: {  	v3 =	vadd.s32 v1, v3;
	s12 =	simm.s32 $0x15880  }
0x15f: {  	[tilespmem:s12], [sflag:$0x1] =	stream.indirect_vreg.gather [hbm4b:s4+s3], $0x80, v4, vm0, $0xb8;
	[tilespmem:$0x18080] =	vst v63  }
0x160: {  	s12 =	simm.s32 $0x16080  }
0x161: {  	[tilespmem:s12], [sflag:$0x1] =	stream.indirect_vreg.gather [hbm4b:s5+s3], $0x80, v4, vm0, $0xb8;
	[tilespmem:$0x18080] =	vst v63  }
0x162: {  	s12 =	simm.s32 $0x16880  }
0x163: {  	[tilespmem:s12], [sflag:$0x1] =	stream.indirect_vreg.gather [hbm4b:s1+s3], $0x80, v3, vm0, $0xb8;
	[tilespmem:$0x18080] =	vst v63  }
0x164: {  	s12 =	simm.s32 $0x17080  }
0x165: {  	[tilespmem:s12], [sflag:$0x1] =	stream.indirect_vreg.gather [hbm4b:s4+s3], $0x80, v3, vm0, $0xb8;
	[tilespmem:$0x18080] =	vst v63  }
0x166: {  	s12 =	simm.s32 $0x17880  }
0x167: {  	[tilespmem:s12], [sflag:$0x1] =	stream.indirect_vreg.gather [hbm4b:s5+s3], $0x80, v3, vm0, $0xb8;
	[tilespmem:$0x18080] =	vst v63  }
0x168: {  	_ =	swait.ge [sflag:s10], $0xC000  }
0x169: {  	[sflag:s10] =	ssyncset.done $0x0  }
0x16a: {  	s0 =	simm.s32 $0x80;
	s12 =	rddreg [dreg:$0x9];
	[sflag:s10] =	ssyncadd.s32 $0xFFFF4000  }
0x16b: {  	[hbm4b:s12+s3] =	stream.linear.scatter [tilespmem:s0], [sflag:$0x2], $0xC000, $0x38;
	[tilespmem:$0x18080] =	vst v63  }
0x16c: {  	_ =	swait.ge [sflag:s10], $0xC000  }
0x16d: {  	[sflag:s10] =	ssyncset.done $0x0  }
0x16e: {  	s0 =	rddreg [dreg:$0xa];
	[sflag:s10] =	ssyncadd.s32 $0xFFFF4000  }
0x16f: {  	[hbm4b:s0+s3] =	stream.linear.scatter [tilespmem:s2], [sflag:$0x2], $0xC000, $0x38;
	[tilespmem:$0x18080] =	vst v63  }
0x170: {  	p0 =	sne.s32 s6, $0x1;
	_ =	swait.ge [sflag:s11], $0xC000  }
.Ltmp0:
0x171: {  	[sflag:s11] =	ssyncset.done $0x0;
	(pc) =	sbr.rel @p0 .LBB2_1-.Ltmp0, $4  }
0x172: {  	[sflag:s11] =	ssyncadd.s32 $0xFFFF4000  }
0x173: {  	_ =	swait.ge [sflag:s11], $0xC000  }
0x174: {  	[sflag:s11] =	ssyncset.done $0x0  }
0x175: {  	s6 =	sadd.s32 $0xFFFFFFFF, s6;
	[sflag:s11] =	ssyncadd.s32 $0xFFFF4000  }
0x176: {  	_ =	sfence.sel $0x180000  }
0x177: {  	[bflag:$0x0] =	sbarrier.arrive $0xFFFF  }
0x178: {  	_ =	strace $0x9000004A  }
0x179: {  	s0 =	stileid.u32;
	[bflag:$0x2] =	sbarrier.arrive $0xFFFF  }
0x17a: {  	p0 =	sne.s32 s0, $0x0;
	s0 =	rddreg [dreg:$0x2]  }
0x17b: {  	s0 =	sadd.s32 @!p0 $0x100000, s0  }
0x17c: {  	[sflag:s0] =	ssyncadd.tile.s32 @!p0 $0x1;
	_ =	shalt  }
.Lfunc_end2:
_tile_overlayer_lowered:
.L_overlay_start_2:
0x17d: {  	(tag) =	ssettag $0x2  }
0x17e: {  	s0 =	rddreg [dreg:$0x0];
	s2 =	stileid.u32  }
0x17f: {  	s1 =	rddreg [dreg:$0x1];
	p0 =	sne.s32 s2, $0x0  }
0x180: {  	s3 =	rddreg [dreg:$0x2];
	[bflag:$0x3] =	sbarrier.arrive $0xFFFF;
	s2 =	simm.s32 @!p0 $0x1C03  }
0x181: {  	[timem:s3], [sflag:s2] =	dma.local @!p0 [hbm:s0], s1  }
0x182: {  	s0 =	simm.s32 @!p0 $0x3  }
0x183: {  	_ =	swait.ge @!p0 [sflag:s0], s1  }
0x184: {  	s1 =	ssub.s32 @!p0 $0x0, s1;
	[sflag:s0] =	ssyncset.done @!p0 $0x0  }
0x185: {  	[sflag:s0] =	ssyncadd.s32 @!p0 s1  }
0x186: {  	[bflag:$0x3] =	sbarrier.arrive $0xFFFF  }
0x187: {  	_ =	shalt  }

// kernel: kernel.7.cloned.1.call-start
scs
__scs_entry_jumppad:
0x0: {  	(pc) =	sbr.rel $0x88, $3  }
0x1: {  	(tag) =	ssettag $0x0;
	lr =	simm.s32 $0x1  }
0x2: {  	[smem:$0x3F9B] =	sst lr;
	_ =	strace $0xD0000000  }
0x3: {  	_ = 	snop  }
0x4: {  	_ = 	snop  }
0x5: {  	_ = 	snop  }
0x6: {  	_ = 	snop  }
0x7: {  	_ = 	snop  }
__scs_overlays_trampoline_lowered:
0x8: {  	[smem:$0x3FAA] =	sst s0  }
0x9: {  	[smem:$0x3FAB] =	sst s1  }
0xa: {  	[smem:$0x3FAC] =	sst s2  }
0xb: {  	[smem:$0x3FAD] =	sst s3  }
0xc: {  	[smem:$0x3FAE] =	sst s4  }
0xd: {  	[smem:$0x3FAF] =	sst s5  }
0xe: {  	[smem:$0x3FB0] =	sst s6  }
0xf: {  	[smem:$0x3FB1] =	sst s7  }
0x10: {  	[smem:$0x3FB2] =	sst s8  }
0x11: {  	[smem:$0x3FB3] =	sst s9;
	s0 =	simm.s32 @!p0 $0x0  }
0x12: {  	s1 =	sld [smem:$0x3F99];
	s0 =	simm.s32 @p0 $0x1  }
0x13: {  	[smem:$0x3FB4] =	sst s0;
	s0 =	simm.s32 @!p1 $0x0  }
0x14: {  	s2 =	sld [smem:$0x3F98];
	s0 =	simm.s32 @p1 $0x1  }
0x15: {  	[smem:$0x3FB5] =	sst s0;
	s0 =	simm.s32 @!p2 $0x0  }
0x16: {  	s3 =	sld [smem:$0x3FDB];
	s0 =	simm.s32 @p2 $0x1  }
0x17: {  	s4 =	simm.s32 $0x1BF5;
	[smem:$0x3FB7] =	sst s0  }
0x18: {  	s0 =	sld [smem:$0x3F9A];
	_ =	swait.ge [sflag:s4], $0x0  }
0x19: {  	s7 =	sld [smem:$0x3F9B]  }
0x1a: {  	s8 =	sadd.s32 $0xFFFFE003, lr  }
0x1b: {  	s9 =	sadd.s32 $0xFFFFFEF7, lr;
	s5 =	simm.s32 $0xFFFFFFFF;
	p2 =	slt.u32 s8, $0xFFFFF086  }
0x1c: {  	p1 =	slt.u32 s9, $0xF7A;
	s5 =	simm.s32 @!p2 $0x0  }
0x1d: {  	s5 =	simm.s32 @p1 $0x1;
	p0 =	seq.s32 s7, s2  }
0x1e: {  	s7 =	smul.u32 @!p0 $0xF7A, s2;
	p2 =	seq.s32 @!p0 s5, $0x0  }
0x1f: {  	s9 =	smul.u32 $0xF7A, s1;
	s8 =	simm.s32 @!p0 $0x1BF5;
	p2 =	por !p2, p0  }
0x20: {  	[sflag:s8] =	ssyncset.s32 @!p0 $0xFFFFF086;
	s6 =	sadd.s32 @!p0 s3, s7;
	s7 =	simm.s32 @!p0 $0x108  }
0x21: {  	s3 =	sadd.s32 s3, s9;
	s6 =	sadd.s32 @!p0 $0x88, s6;
	s7 =	simm.s32 @p2 $0x1082  }
0x22: {  	[simem:s7], [sflag:s8] =	dma.local @!p0 [hbm:s6], $0xF7A  }
0x23: {  	s9 =	sor.u32 $0xD0000000, s2;
	s6 =	simm.s32 $0x108;
	_ =	swait.ge @!p0 [sflag:s8], $0x0  }
0x24: {  	s3 =	sadd.s32 $0x88, s3;
	s6 =	simm.s32 @!p1 $0x1082;
	[sflag:s4] =	ssyncset.s32 $0xFFFFF086  }
0x25: {  	[simem:s6], [sflag:s4] =	dma.local [hbm:s3], $0xF7A  }
0x26: {  	[smem:$0x3F9B] =	sst s1;
	(tag) =	ssettag s2;
	_ =	strace s9  }
0x27: {  	s1 =	sld [smem:$0x3FAB]  }
0x28: {  	s2 =	sld [smem:$0x3FAC]  }
0x29: {  	s4 =	sld [smem:$0x3FAE]  }
0x2a: {  	p0 =	seq.s32 s5, $0x0;
	s5 =	sld [smem:$0x3FAF]  }
0x2b: {  	s6 =	sld [smem:$0x3FB0]  }
0x2c: {  	s7 =	sld [smem:$0x3FB1]  }
0x2d: {  	s3 =	simm.s32 $0x108;
	s8 =	sld [smem:$0x3FB2]  }
0x2e: {  	s3 =	simm.s32 @!p0 $0x1082;
	s9 =	sld [smem:$0x3FB3]  }
0x2f: {  	lr =	sadd.s32 s0, s3;
	s0 =	sld [smem:$0x3FAA]  }
0x30: {  	s3 =	sld [smem:$0x3FAD]  }
0x31: {  	[smem:$0x3FB6] =	sst s10  }
0x32: {  	s10 =	sld [smem:$0x3FB4];
	_ =	sdelay $0x3  }
0x33: {  	p0 =	seq.s32 s10, $0x1;
	s10 =	sld [smem:$0x3FB6];
	_ =	sdelay $0x3  }
0x34: {  	[smem:$0x3FB6] =	sst s10  }
0x35: {  	s10 =	sld [smem:$0x3FB5];
	_ =	sdelay $0x3  }
0x36: {  	p1 =	seq.s32 s10, $0x1;
	s10 =	sld [smem:$0x3FB6];
	_ =	sdelay $0x3  }
0x37: {  	[smem:$0x3FB6] =	sst s10  }
0x38: {  	s10 =	sld [smem:$0x3FB7]  }
0x39: {  	_ = 	snop;
	(pc) =	sbr.ind lr, $3  }
0x3a: {  	_ = 	snop  }
0x3b: {  	_ = 	snop  }
0x3c: {  	p2 =	seq.s32 s10, $0x1;
	s10 =	sld [smem:$0x3FB6]  }
0x3d: {  	_ =	shalt  }
0x3e: {  	_ =	shalt  }
0x3f: {  	_ =	shalt  }
0x40: {  	_ =	shalt  }
0x41: {  	_ =	shalt  }
0x42: {  	_ =	shalt  }
0x43: {  	_ =	shalt  }
0x44: {  	_ =	shalt  }
0x45: {  	_ =	shalt  }
0x46: {  	_ =	shalt  }
0x47: {  	_ =	shalt  }
0x48: {  	_ =	shalt  }
0x49: {  	_ =	shalt  }
0x4a: {  	_ =	shalt  }
0x4b: {  	_ =	shalt  }
0x4c: {  	_ =	shalt  }
0x4d: {  	_ =	shalt  }
0x4e: {  	_ =	shalt  }
0x4f: {  	_ =	shalt  }
0x50: {  	_ =	shalt  }
0x51: {  	_ =	shalt  }
0x52: {  	_ =	shalt  }
0x53: {  	_ =	shalt  }
0x54: {  	_ =	shalt  }
0x55: {  	_ =	shalt  }
0x56: {  	_ =	shalt  }
0x57: {  	_ =	shalt  }
0x58: {  	_ =	shalt  }
0x59: {  	_ =	shalt  }
0x5a: {  	_ =	shalt  }
0x5b: {  	_ =	shalt  }
0x5c: {  	_ =	shalt  }
0x5d: {  	_ =	shalt  }
0x5e: {  	_ =	shalt  }
0x5f: {  	_ =	shalt  }
0x60: {  	_ =	shalt  }
0x61: {  	_ =	shalt  }
0x62: {  	_ =	shalt  }
0x63: {  	_ =	shalt  }
0x64: {  	_ =	shalt  }
0x65: {  	_ =	shalt  }
0x66: {  	_ =	shalt  }
0x67: {  	_ =	shalt  }
0x68: {  	_ =	shalt  }
0x69: {  	_ =	shalt  }
0x6a: {  	_ =	shalt  }
0x6b: {  	_ =	shalt  }
0x6c: {  	_ =	shalt  }
0x6d: {  	_ =	shalt  }
0x6e: {  	_ =	shalt  }
0x6f: {  	_ =	shalt  }
0x70: {  	_ =	shalt  }
0x71: {  	_ =	shalt  }
0x72: {  	_ =	shalt  }
0x73: {  	_ =	shalt  }
0x74: {  	_ =	shalt  }
0x75: {  	_ =	shalt  }
0x76: {  	_ =	shalt  }
0x77: {  	_ =	shalt  }
0x78: {  	_ =	shalt  }
0x79: {  	_ =	shalt  }
0x7a: {  	_ =	shalt  }
0x7b: {  	_ =	shalt  }
0x7c: {  	_ =	shalt  }
0x7d: {  	_ =	shalt  }
0x7e: {  	_ =	shalt  }
0x7f: {  	_ =	shalt  }
0x80: {  	_ =	shalt  }
0x81: {  	_ =	shalt  }
0x82: {  	_ =	shalt  }
0x83: {  	_ =	shalt  }
0x84: {  	_ =	shalt  }
0x85: {  	_ =	shalt  }
0x86: {  	_ =	shalt  }
0x87: {  	_ =	shalt  }
.Lfunc_end0:
.L_simem_size_0:
called_computation_lowered:
.L_overlay_start_0:
0x88: {  	s2 =	sld [smem:$0x3FD9]  }
0x89: {  	s3 =	sld [smem:$0x3FFE];
	_ =	sdelay $0x1  }
0x8a: {  	s1 =	srdreg.scid  }
0x8b: {  	s0 =	sand.u32 $0x1, s1  }
0x8c: {  	s16 =	sshll.u32 s0, $0xA;
	s2 =	sadd.s32 s3, s2  }
0x8d: {  	s2 =	sadd.s32 s2, s16  }
0x8e: {  	[smem:$0x3FC2] =	sst s2  }
0x8f: {  	_ = 	snop  }
0x90: {  	(tm) =	ssettm $0x1  }
0x91: {  	s17 =	sld [smem:$0x3FFB];
	_ =	sdelay $0x3  }
0x92: {  	_ =	strace s17  }
0x93: {  	s2 =	sld [smem:$0x3FFC];
	_ =	sdelay $0x3  }
0x94: {  	_ =	strace s2  }
0x95: {  	s2 =	sld [smem:$0x3FFD];
	_ =	sdelay $0x3  }
0x96: {  	_ =	strace s2  }
0x97: {  	_ =	strace $0x8FFFFFFF  }
0x98: {  	s18 =	sld [smem:$0x3FDB];
	_ =	sdelay $0x1  }
0x99: {  	s19 =	simm.s32 $_scs_section_size  }
0x9a: {  	s4 =	simm.s32 $_size__tile_overlayer_lowered;
	s5 =	simm.s32 $_tile_overlayer_lowered  }
0x9b: {  	s22 =	simm.s32 $0x1BFF;
	s21 =	sshll.u32 s5, $0x1;
	s2 =	sadd.s32 s19, s18  }
0x9c: {  	s6 =	simm.s32 $0x0;
	s20 =	sshll.u32 s4, $0x1;
	s4 =	sadd.s32 s21, s2  }
0x9d: {  	[timem:s6], [sflag:s22] =	dma.local [hbm:s4], s20  }
0x9e: {  	_ =	swait.ge [sflag:s22], s20  }
0x9f: {  	s3 =	ssub.s32 $0x0, s20;
	[sflag:s22] =	ssyncset.done $0x0  }
0xa0: {  	[sflag:s22] =	ssyncadd.s32 s3;
	_ =	sdelay $0x1  }
0xa1: {  	s23 =	simm.s32 $0x1B8B  }
0xa2: {  	_ =	swait.ge [sflag:s23], $0x1  }
0xa3: {  	[sflag:s23] =	ssyncset.done $0x0  }
0xa4: {  	s25 =	simm.s32 $0x1B8E;
	s24 =	sld [smem:$0x3FFE];
	[sflag:s23] =	ssyncadd.s32 $0xFFFFFFFF  }
0xa5: {  	s26 =	simm.s32 $execute0_lowered;
	[smem:$0x3FD2] =	sst s25  }
0xa6: {  	s4 =	sshll.u32 s26, $0x1;
	_ =	strace $0x80000046;
	[dreg:$0x1] =	wrdreg $0xFFFFFFFF  }
0xa7: {  	s28 =	simm.s32 $_size_execute0_lowered;
	s2 =	sadd.s32 s2, s4;
	[dreg:$0x0] =	wrdreg $0x0  }
0xa8: {  	s4 =	sshll.u32 s28, $0x1;
	[dreg:$0x2] =	wrdreg s2  }
0xa9: {  	[dreg:$0x3] =	wrdreg s4  }
0xaa: {  	[dreg:$0x4] =	wrdreg $0xC0  }
0xab: {  	_ =	task [dreg:s6], $0x5FFFF  }
0xac: {  	[dreg:$0x1] =	wrdreg $0xFFFFFFFF  }
0xad: {  	[dreg:$0x0] =	wrdreg $0x60  }
0xae: {  	[dreg:$0x2] =	wrdreg s24  }
0xaf: {  	[dreg:$0x3] =	wrdreg $0x9  }
0xb0: {  	_ =	task.clear_ibuf [dreg:s6], $0x4FFFF;
	_ =	strace $0x90000046  }
0xb1: {  	s29 =	simm.s32 $0x9;
	_ =	strace $0x80000048  }
0xb2: {  	_ =	swait.ge [sflag:s29], $0x1  }
0xb3: {  	[sflag:s29] =	ssyncadd.s32 $0xFFFFFFFF  }
0xb4: {  	_ =	strace $0x90000048  }
0xb5: {  	_ =	sfence  }
0xb6: {  	s30 =	sld [smem:$0x0];
	_ =	sdelay $0x2  }
0xb7: {  	s31 =	sshll.u32 s1, $0xD;
	s1 =	sshrl.u32 s1, $0x2  }
0xb8: {  	s3 =	sand.u32 $0x4000, s31;
	s1 =	sadd.s32 s1, s30  }
0xb9: {  	s0 =	sor.u32 s3, s0;
	s1 =	sshll.u32 s1, $0x11  }
0xba: {  	s0 =	sor.u32 s1, s0  }
0xbb: {  	s0 =	sadd.s32 $0x8F2B, s0  }
0xbc: {  	[sflag:s0] =	ssyncadd.remote.s32 $0x1  }
0xbd: {  	_ =	sfence.sel $0xFFFF  }
0xbe: {  	[dreg:$0x0] =	wrdreg $0xFFFFFFFF;
	(pc) =	sbr.abs _section_cstart, $3  }
0xbf: {  	[dreg:$0x1] =	wrdreg $0xFFFFFFFF  }
0xc0: {  	_ =	task.clear_ibuf [dreg:s6], $0x2FFFF;
	_ =	strace $0x9FFFFFFF  }
0xc1: {  	(tm) =	ssettm $0x7FFFFFFF  }
tec
execute0_lowered:
.L_overlay_start_1:
0x0: {  	(tag) =	ssettag $0x1  }
0x1: {  	s0 =	srdreg.scid;
	s17 =	stileid.u32  }
0x2: {  	s15 =	rddreg [dreg:$0x0];
	s0 =	sand.u32 $0x1, s0;
	s1 =	sshll.u32 s17, $0x1  }
0x3: {  	s19 =	simm.s32 $0x1;
	s21 =	simm.s32 $0x2;
	s1 =	sor.u32 s0, s1  }
0x4: {  	s29 =	simm.s32 $0x43E0;
	s30 =	simm.s32 $0x4400;
	s2 =	smul.u32 $0x25, s1  }
0x5: {  	s31 =	simm.s32 $0x0;
	p0 =	sgt.u32 s17, $0xD;
	s0 =	ssub.s32 $0x2, s0  }
0x6: {  	s28 =	sshrl.u32 s0, $0x1;
	p1 =	sne.s32 s1, $0x1C;
	s5 =	sshrl.u32 s2, $0x8  }
0x7: {  	s0 =	ssub.s32 s0, s28;
	s2 =	sadd.s32 s5, s1;
	s4 =	smul.u32 $0x7E0, s5  }
0x8: {  	s16 =	smax.u32 s0, $0x1;
	s7 =	smul.u32 $0xE0, s5;
	s3 =	sshll.u32 s2, $0x5  }
0x9: {  	s8 =	sshll.u32 s5, $0xD;
	s2 =	simm.s32 $0x0;
	s6 =	sand.u32 $0xE0, s3  }
0xa: {  	[smem:$0x7FF] =	sst s2;
	s3 =	sadd.s32 $0x1800, s15;
	s4 =	sadd.s32 s6, s4  }
0xb: {  	_ =	strace $0x80000047;
	[dreg:$0x2] =	wrdreg s8;
	s4 =	sshrl.u32 s4, $0x3  }
.Ltmp0:
0xc: {  	s14 =	sadd.s32 s4, s15;
	s4 =	sadd.s32 s6, s7;
	(pc) =	sbr.rel .LBB2_1-.Ltmp0, $4  }
0xd: {  	s15 =	sadd.s32 $0xE1BF0, s15;
	s7 =	sshll.u32 s4, $0xA;
	s6 =	sadd.s32 $0xE1800, s14  }
0xe: {  	s8 =	sadd.s32 $0xE1838, s14;
	s9 =	sadd.s32 $0xE1854, s14;
	s10 =	sadd.s32 $0xE1870, s14  }
0xf: {  	s11 =	sadd.s32 $0xE188C, s14;
	s12 =	sadd.s32 $0xE18A8, s14;
	s13 =	sadd.s32 $0xE18C4, s14  }
0x10: {  	v0 =	vlaneseq.u32;
	v1 =	vimm.f32 $-Inf;
	v2 =	vimm.s32 $0x40000000;
	s5 =	sadd.s32 s3, s7;
	s7 =	sadd.s32 $0xE181C, s14;
	s14 =	sadd.s32 $0xE18E0, s14  }
.LBB2_10:
0x11: {  	v3 =	vimm.s32 @!p1 $0x0  }
0x12: {  	[tilespmem:$0x4300] =	vst @!p1 v3  }
0x13: {  	[tilespmem:$0x4310] =	vst @!p1 v3  }
0x14: {  	[tilespmem:$0x4320] =	vst @!p1 v3  }
0x15: {  	[tilespmem:$0x4330] =	vst @!p1 v3  }
0x16: {  	[tilespmem:$0x4340] =	vst @!p1 v3  }
0x17: {  	[tilespmem:$0x4350] =	vst @!p1 v3  }
0x18: {  	s31 =	sadd.s32 $0x1, s31;
	[tilespmem:$0x4360] =	vst @!p1 v3  }
0x19: {  	s0 =	simm.s32 @!p1 $0x0;
	s1 =	simm.s32 @!p1 $0x4300;
	[tilespmem:$0x4370] =	vst @!p1 v3;
	p2 =	sne.s32 s31, s16  }
0x1a: {  	[hbm4b:s15+s0] =	stream.linear.scatter @!p1 [tilespmem:s1], [sflag:$0x2], $0x80, $0x38;
	[tilespmem:$0x4480] =	vst v63  }
.Ltmp1:
0x1b: {  	_ = 	snop;
	(pc) =	sbr.rel @!p2 .LBB2_11-.Ltmp1, $4  }
0x1c: {  	s0 =	simm.s32 @!p1 $0x2  }
0x1d: {  	_ =	swait.ge @!p1 [sflag:s0], $0x80  }
0x1e: {  	[sflag:s0] =	ssyncset.done @!p1 $0x0  }
0x1f: {  	[sflag:s0] =	ssyncadd.s32 @!p1 $0xFFFFFF80  }
.LBB2_1:
.Ltmp2:
0x20: {  	(pc) =	sbr.rel @p0 .LBB2_10-.Ltmp2, $1  }
0x21: {  	_ =	sdelay $0x3  }
0x22: {  	s18 =	simm.s32 $0x0;
	s0 =	simm.s32 $0x80;
	s1 =	simm.s32 $0x400  }
0x23: {  	[tilespmem:s18], [sflag:$0x1] =	stream.strided.gather [hbm4b:s5+s0], $0x2000, s1, s0, $0x38;
	[tilespmem:$0x4480] =	vst v63  }
0x24: {  	p2 =	por $0x0, $0x0;
	s1 =	simm.s32 $0x0  }
.LBB2_4:
0x25: {  	s17 =	simm.s32 $0x1  }
0x26: {  	p3 =	seq.s32 s18, $0x1F;
	s17 =	simm.s32 @!p2 $0x0  }
0x27: {  	s0 =	smov.u32 s18;
	s18 =	sor.u32 @!p3 s4, s18;
	s17 =	sshll.u32 s17, $0xD  }
0x28: {  	s22 =	sor.u32 $0x100, s17;
	s17 =	sadd.s32 @!p3 $0x1, s18  }
0x29: {  	_ =	swait.ge [sflag:s19], $0x2000;
	s20 =	sshll.u32 @!p3 s17, $0xD;
	s17 =	sshll.u32 @!p3 s17, $0x7  }
0x2a: {  	[sflag:s19] =	ssyncset.done $0x0;
	s20 =	sand.u32 @!p3 $0xFFFF0000, s20;
	s17 =	sand.u32 @!p3 $0x380, s17  }
0x2b: {  	s23 =	simm.s32 @!p3 $0x80;
	s18 =	sadd.s32 $0x1, s0;
	s17 =	sor.u32 @!p3 s17, s20  }
0x2c: {  	s24 =	simm.s32 @!p3 $0x400;
	s20 =	sshll.u32 @!p3 s18, $0xD;
	s17 =	sshrl.u32 @!p3 s17, $0x3  }
0x2d: {  	[sflag:s19] =	ssyncadd.s32 $0xFFFFE000;
	s20 =	sand.u32 @!p3 $0x2000, s20;
	s17 =	sadd.s32 @!p3 s3, s17  }
0x2e: {  	[tilespmem:s20], [sflag:$0x1] =	stream.strided.gather @!p3 [hbm4b:s17+s23], $0x2000, s24, s23, $0x38;
	[tilespmem:$0x4480] =	vst v63  }
0x2f: {  	v3 =	vld [tilespmem:s22+$0xFFFFFF10]  }
0x30: {  	v4 =	vld [tilespmem:s22+$0xFFFFFF00];
	_ =	sdelay $0x1  }
0x31: {  	v5 =	vld [tilespmem:s22+$0xFFFFFF20];
	_ =	sdelay $0x1  }
0x32: {  	v6 =	vld [tilespmem:s22+$0xFFFFFF30]  }
0x33: {  	vm15 =	vgt.f32 v3, v4  }
0x34: {  	v3 =	vsel vm15, v3, v4;
	v4 =	vld [tilespmem:s22+$0xFFFFFF40]  }
0x35: {  	vm13 =	vgt.f32 v5, v3  }
0x36: {  	v3 =	vsel vm13, v5, v3;
	v5 =	vld [tilespmem:s22+$0xFFFFFF50]  }
0x37: {  	vm14 =	vgt.f32 v6, v3  }
0x38: {  	v55 =	vld [tilespmem:s22+$0xFFFFFF60];
	v3 =	vsel vm14, v6, v3  }
0x39: {  	vm11 =	vgt.f32 v4, v3  }
0x3a: {  	v3 =	vsel vm11, v4, v3;
	v4 =	vld [tilespmem:s22+$0xFFFFFF70]  }
0x3b: {  	vm12 =	vgt.f32 v5, v3  }
0x3c: {  	v3 =	vsel vm12, v5, v3;
	v5 =	vld [tilespmem:s22+$0xFFFFFF80]  }
0x3d: {  	vm9 =	vgt.f32 v55, v3  }
0x3e: {  	v56 =	vld [tilespmem:s22+$0xFFFFFF90];
	v3 =	vsel vm9, v55, v3  }
0x3f: {  	vm10 =	vgt.f32 v4, v3  }
0x40: {  	v3 =	vsel vm10, v4, v3;
	v4 =	vld [tilespmem:s22+$0xFFFFFFA0]  }
0x41: {  	vm7 =	vgt.f32 v5, v3  }
0x42: {  	v3 =	vsel vm7, v5, v3;
	v5 =	vld [tilespmem:s22+$0xFFFFFFB0]  }
0x43: {  	vm8 =	vgt.f32 v56, v3  }
0x44: {  	v57 =	vld [tilespmem:s22+$0xFFFFFFC0];
	v3 =	vsel vm8, v56, v3  }
0x45: {  	vm4 =	vgt.f32 v4, v3  }
0x46: {  	v3 =	vsel vm4, v4, v3;
	v4 =	vld [tilespmem:s22+$0xFFFFFFD0]  }
0x47: {  	vm5 =	vgt.f32 v5, v3  }
0x48: {  	v3 =	vsel vm5, v5, v3;
	v5 =	vld [tilespmem:s22+$0xFFFFFFE0]  }
0x49: {  	vm2 =	vgt.f32 v57, v3  }
0x4a: {  	v58 =	vld [tilespmem:s22+$0xFFFFFFF0];
	v3 =	vsel vm2, v57, v3  }
0x4b: {  	vm3 =	vgt.f32 v4, v3  }
0x4c: {  	v3 =	vsel vm3, v4, v3;
	v4 =	vld [tilespmem:s22+$0x0]  }
0x4d: {  	vm0 =	vgt.f32 v5, v3  }
0x4e: {  	v3 =	vsel vm0, v5, v3;
	v5 =	vld [tilespmem:s22+$0x10]  }
0x4f: {  	vm1 =	vgt.f32 v58, v3  }
0x50: {  	s24 =	simm.s32 $0x0;
	v59 =	vld [tilespmem:s22+$0x20];
	v3 =	vsel vm1, v58, v3  }
0x51: {  	s25 =	simm.s32 $0x10;
	v7 =	vmov s24;
	vm6 =	vgt.f32 v4, v3  }
0x52: {  	s26 =	simm.s32 $0x20;
	v7 =	vsel vm15, s25, v7;
	v3 =	vsel vm6, v4, v3;
	v4 =	vld [tilespmem:s22+$0x30]  }
0x53: {  	s28 =	simm.s32 $0x30;
	v7 =	vsel vm13, s26, v7;
	vm13 =	vgt.f32 v5, v3  }
0x54: {  	s20 =	simm.s32 $0x40;
	v7 =	vsel vm14, s28, v7;
	v3 =	vsel vm13, v5, v3;
	v5 =	vld [tilespmem:s22+$0x40]  }
0x55: {  	s23 =	simm.s32 $0x50;
	v7 =	vsel vm11, s20, v7;
	vm11 =	vgt.f32 v59, v3  }
0x56: {  	s24 =	simm.s32 $0x60;
	v60 =	vld [tilespmem:s22+$0x50];
	v7 =	vsel vm12, s23, v7;
	v3 =	vsel vm11, v59, v3  }
0x57: {  	s25 =	simm.s32 $0x70;
	v7 =	vsel vm9, s24, v7;
	vm9 =	vgt.f32 v4, v3  }
0x58: {  	s26 =	simm.s32 $0x80;
	v7 =	vsel vm10, s25, v7;
	v3 =	vsel vm9, v4, v3;
	v4 =	vld [tilespmem:s22+$0x60]  }
0x59: {  	s28 =	simm.s32 $0x90;
	v7 =	vsel vm7, s26, v7;
	vm10 =	vgt.f32 v5, v3  }
0x5a: {  	s20 =	simm.s32 $0xA0;
	v7 =	vsel vm8, s28, v7;
	v3 =	vsel vm10, v5, v3;
	v5 =	vld [tilespmem:s22+$0x70]  }
0x5b: {  	s23 =	simm.s32 $0xB0;
	v7 =	vsel vm4, s20, v7;
	vm4 =	vgt.f32 v60, v3  }
0x5c: {  	v61 =	vld [tilespmem:s22+$0x80];
	s24 =	simm.s32 $0xC0;
	v7 =	vsel vm5, s23, v7;
	v3 =	vsel vm4, v60, v3  }
0x5d: {  	s25 =	simm.s32 $0xD0;
	v7 =	vsel vm2, s24, v7;
	vm12 =	vgt.f32 v4, v3  }
0x5e: {  	s26 =	simm.s32 $0xE0;
	v7 =	vsel vm3, s25, v7;
	v3 =	vsel vm12, v4, v3;
	v4 =	vld [tilespmem:s22+$0x90]  }
0x5f: {  	s28 =	simm.s32 $0xF0;
	v7 =	vsel vm0, s26, v7;
	vm14 =	vgt.f32 v5, v3  }
0x60: {  	s20 =	simm.s32 $0x100;
	v7 =	vsel vm1, s28, v7;
	v3 =	vsel vm14, v5, v3;
	v5 =	vld [tilespmem:s22+$0xA0]  }
0x61: {  	s23 =	simm.s32 $0x110;
	v7 =	vsel vm6, s20, v7;
	vm15 =	vgt.f32 v61, v3  }
0x62: {  	v62 =	vld [tilespmem:s22+$0xB0];
	s24 =	simm.s32 $0x120;
	v7 =	vsel vm13, s23, v7;
	v3 =	vsel vm15, v61, v3  }
0x63: {  	s25 =	simm.s32 $0x130;
	v7 =	vsel vm11, s24, v7;
	vm8 =	vgt.f32 v4, v3  }
0x64: {  	s26 =	simm.s32 $0x140;
	v7 =	vsel vm9, s25, v7;
	v3 =	vsel vm8, v4, v3;
	v4 =	vld [tilespmem:s22+$0xC0]  }
0x65: {  	s28 =	simm.s32 $0x150;
	v7 =	vsel vm10, s26, v7;
	vm10 =	vgt.f32 v5, v3  }
0x66: {  	s20 =	simm.s32 $0x160;
	v7 =	vsel vm4, s28, v7;
	v3 =	vsel vm10, v5, v3;
	v5 =	vld [tilespmem:s22+$0xD0]  }
0x67: {  	s23 =	simm.s32 $0x170;
	v7 =	vsel vm12, s20, v7;
	vm11 =	vgt.f32 v62, v3  }
0x68: {  	v63 =	vld [tilespmem:s22+$0xE0];
	s24 =	simm.s32 $0x180;
	v7 =	vsel vm14, s23, v7;
	v3 =	vsel vm11, v62, v3  }
0x69: {  	s25 =	simm.s32 $0x190;
	v7 =	vsel vm15, s24, v7;
	vm12 =	vgt.f32 v4, v3  }
0x6a: {  	s26 =	simm.s32 $0x1A0;
	v7 =	vsel vm8, s25, v7;
	v3 =	vsel vm12, v4, v3;
	v4 =	vld [tilespmem:s22+$0xF0]  }
0x6b: {  	s28 =	simm.s32 $0x1B0;
	v7 =	vsel vm10, s26, v7;
	vm13 =	vgt.f32 v5, v3  }
0x6c: {  	s20 =	simm.s32 $0x1C0;
	v7 =	vsel vm11, s28, v7;
	v3 =	vsel vm13, v5, v3  }
0x6d: {  	s23 =	simm.s32 $0x1D0;
	v5 =	vsel vm12, s20, v7;
	vm14 =	vgt.f32 v63, v3  }
0x6e: {  	s25 =	simm.s32 $0x1E0;
	v5 =	vsel vm13, s23, v5;
	v3 =	vsel vm14, v63, v3  }
0x6f: {  	s24 =	sshrl.u32 s1, $0x2;
	s26 =	simm.s32 $0x1F0;
	s28 =	sshll.u32 s0, $0xD;
	v5 =	vsel vm14, s25, v5;
	vm15 =	vgt.f32 v4, v3  }
0x70: {  	s17 =	sand.u32 $0x2000, s28;
	s20 =	sand.u32 $0x3FFFFFF0, s24;
	s23 =	simm.s32 $0x4000;
	v4 =	vsel vm15, v4, v3;
	v3 =	vsel vm15, s26, v5  }
0x71: {  	s24 =	simm.s32 $0x4100;
	s20 =	sadd.s32 $0x4300, s20;
	s25 =	simm.s32 $0x3F0;
	v3 =	vor.u32 v0, v3;
	[tilespmem:s23+$0x0] =	vst v4  }
.LBB2_5:
0x72: {  	[tilespmem:s24+$0x0] =	vst v3;
	s23 =	sadd.s32 $0x10, s23;
	s24 =	sadd.s32 $0x10, s24;
	s22 =	sadd.s32 $0x200, s22  }
0x73: {  	p3 =	sne.s32 s25, $0x1FF0;
	s26 =	smov.u32 s25;
	s25 =	sadd.s32 $0x200, s25;
	v3 =	vld [tilespmem:s22+$0xFFFFFF10]  }
0x74: {  	v4 =	vld [tilespmem:s22+$0xFFFFFF00];
	_ =	sdelay $0x1  }
0x75: {  	v5 =	vld [tilespmem:s22+$0xFFFFFF20];
	_ =	sdelay $0x1  }
0x76: {  	v6 =	vld [tilespmem:s22+$0xFFFFFF30]  }
0x77: {  	vm0 =	vgt.f32 v3, v4  }
0x78: {  	v3 =	vsel vm0, v3, v4;
	v4 =	vld [tilespmem:s22+$0xFFFFFF40]  }
0x79: {  	vm1 =	vgt.f32 v5, v3  }
0x7a: {  	v3 =	vsel vm1, v5, v3;
	v5 =	vld [tilespmem:s22+$0xFFFFFF50]  }
0x7b: {  	vm2 =	vgt.f32 v6, v3  }
0x7c: {  	v3 =	vsel vm2, v6, v3;
	v6 =	vld [tilespmem:s22+$0xFFFFFF60]  }
0x7d: {  	vm3 =	vgt.f32 v4, v3  }
0x7e: {  	v3 =	vsel vm3, v4, v3;
	v4 =	vld [tilespmem:s22+$0xFFFFFF70]  }
0x7f: {  	vm4 =	vgt.f32 v5, v3  }
0x80: {  	v3 =	vsel vm4, v5, v3;
	v5 =	vld [tilespmem:s22+$0xFFFFFF80]  }
0x81: {  	vm5 =	vgt.f32 v6, v3  }
0x82: {  	v3 =	vsel vm5, v6, v3;
	v6 =	vld [tilespmem:s22+$0xFFFFFF90]  }
0x83: {  	vm6 =	vgt.f32 v4, v3  }
0x84: {  	v3 =	vsel vm6, v4, v3;
	v4 =	vld [tilespmem:s22+$0xFFFFFFA0]  }
0x85: {  	vm7 =	vgt.f32 v5, v3  }
0x86: {  	v3 =	vsel vm7, v5, v3;
	v5 =	vld [tilespmem:s22+$0xFFFFFFB0]  }
0x87: {  	vm8 =	vgt.f32 v6, v3  }
0x88: {  	v3 =	vsel vm8, v6, v3;
	v6 =	vld [tilespmem:s22+$0xFFFFFFC0]  }
0x89: {  	vm9 =	vgt.f32 v4, v3  }
0x8a: {  	v3 =	vsel vm9, v4, v3;
	v4 =	vld [tilespmem:s22+$0xFFFFFFD0]  }
0x8b: {  	vm10 =	vgt.f32 v5, v3  }
0x8c: {  	v3 =	vsel vm10, v5, v3;
	v5 =	vld [tilespmem:s22+$0xFFFFFFE0]  }
0x8d: {  	vm11 =	vgt.f32 v6, v3  }
0x8e: {  	v3 =	vsel vm11, v6, v3;
	v6 =	vld [tilespmem:s22+$0xFFFFFFF0]  }
0x8f: {  	vm12 =	vgt.f32 v4, v3  }
0x90: {  	v3 =	vsel vm12, v4, v3;
	v4 =	vld [tilespmem:s22+$0x0]  }
0x91: {  	vm13 =	vgt.f32 v5, v3  }
0x92: {  	v3 =	vsel vm13, v5, v3;
	v5 =	vld [tilespmem:s22+$0x10]  }
0x93: {  	vm14 =	vgt.f32 v6, v3  }
0x94: {  	s28 =	sadd.s32 $0xFFFFFE10, s26;
	v3 =	vsel vm14, v6, v3;
	v6 =	vld [tilespmem:s22+$0x20]  }
0x95: {  	v7 =	vmov s28;
	s28 =	sadd.s32 $0xFFFFFE20, s26;
	vm15 =	vgt.f32 v4, v3  }
0x96: {  	v7 =	vsel vm0, s28, v7;
	s28 =	sadd.s32 $0xFFFFFE30, s26;
	v3 =	vsel vm15, v4, v3;
	v4 =	vld [tilespmem:s22+$0x30]  }
0x97: {  	v7 =	vsel vm1, s28, v7;
	s28 =	sadd.s32 $0xFFFFFE40, s26;
	vm0 =	vgt.f32 v5, v3  }
0x98: {  	v7 =	vsel vm2, s28, v7;
	s28 =	sadd.s32 $0xFFFFFE50, s26;
	v3 =	vsel vm0, v5, v3;
	v5 =	vld [tilespmem:s22+$0x40]  }
0x99: {  	v7 =	vsel vm3, s28, v7;
	s28 =	sadd.s32 $0xFFFFFE60, s26;
	vm1 =	vgt.f32 v6, v3  }
0x9a: {  	v7 =	vsel vm4, s28, v7;
	s28 =	sadd.s32 $0xFFFFFE70, s26;
	v3 =	vsel vm1, v6, v3;
	v6 =	vld [tilespmem:s22+$0x50]  }
0x9b: {  	v7 =	vsel vm5, s28, v7;
	s28 =	sadd.s32 $0xFFFFFE80, s26;
	vm2 =	vgt.f32 v4, v3  }
0x9c: {  	v7 =	vsel vm6, s28, v7;
	s28 =	sadd.s32 $0xFFFFFE90, s26;
	v3 =	vsel vm2, v4, v3;
	v4 =	vld [tilespmem:s22+$0x60]  }
0x9d: {  	v7 =	vsel vm7, s28, v7;
	s28 =	sadd.s32 $0xFFFFFEA0, s26;
	vm3 =	vgt.f32 v5, v3  }
0x9e: {  	v7 =	vsel vm8, s28, v7;
	s28 =	sadd.s32 $0xFFFFFEB0, s26;
	v3 =	vsel vm3, v5, v3;
	v5 =	vld [tilespmem:s22+$0x70]  }
0x9f: {  	v7 =	vsel vm9, s28, v7;
	s28 =	sadd.s32 $0xFFFFFEC0, s26;
	vm4 =	vgt.f32 v6, v3  }
0xa0: {  	v7 =	vsel vm10, s28, v7;
	s28 =	sadd.s32 $0xFFFFFED0, s26;
	v3 =	vsel vm4, v6, v3;
	v6 =	vld [tilespmem:s22+$0x80]  }
0xa1: {  	v7 =	vsel vm11, s28, v7;
	s28 =	sadd.s32 $0xFFFFFEE0, s26;
	vm5 =	vgt.f32 v4, v3  }
0xa2: {  	v7 =	vsel vm12, s28, v7;
	s28 =	sadd.s32 $0xFFFFFEF0, s26;
	v3 =	vsel vm5, v4, v3;
	v4 =	vld [tilespmem:s22+$0x90]  }
0xa3: {  	v7 =	vsel vm13, s28, v7;
	s28 =	sadd.s32 $0xFFFFFF00, s26;
	vm6 =	vgt.f32 v5, v3  }
0xa4: {  	v7 =	vsel vm14, s28, v7;
	s28 =	sadd.s32 $0xFFFFFF10, s26;
	v3 =	vsel vm6, v5, v3;
	v5 =	vld [tilespmem:s22+$0xA0]  }
0xa5: {  	v7 =	vsel vm15, s28, v7;
	s28 =	sadd.s32 $0xFFFFFF20, s26;
	vm7 =	vgt.f32 v6, v3  }
0xa6: {  	v7 =	vsel vm0, s28, v7;
	s28 =	sadd.s32 $0xFFFFFF30, s26;
	v3 =	vsel vm7, v6, v3;
	v6 =	vld [tilespmem:s22+$0xB0]  }
0xa7: {  	v7 =	vsel vm1, s28, v7;
	s28 =	sadd.s32 $0xFFFFFF40, s26;
	vm0 =	vgt.f32 v4, v3  }
0xa8: {  	v7 =	vsel vm2, s28, v7;
	s28 =	sadd.s32 $0xFFFFFF50, s26;
	v3 =	vsel vm0, v4, v3;
	v4 =	vld [tilespmem:s22+$0xC0]  }
0xa9: {  	v7 =	vsel vm3, s28, v7;
	s28 =	sadd.s32 $0xFFFFFF60, s26;
	vm1 =	vgt.f32 v5, v3  }
0xaa: {  	v7 =	vsel vm4, s28, v7;
	s28 =	sadd.s32 $0xFFFFFF70, s26;
	v3 =	vsel vm1, v5, v3;
	v5 =	vld [tilespmem:s22+$0xD0]  }
0xab: {  	v7 =	vsel vm5, s28, v7;
	s28 =	sadd.s32 $0xFFFFFF80, s26;
	vm2 =	vgt.f32 v6, v3  }
0xac: {  	v7 =	vsel vm6, s28, v7;
	s28 =	sadd.s32 $0xFFFFFF90, s26;
	v3 =	vsel vm2, v6, v3;
	v6 =	vld [tilespmem:s22+$0xE0]  }
0xad: {  	v7 =	vsel vm7, s28, v7;
	s28 =	sadd.s32 $0xFFFFFFA0, s26;
	vm3 =	vgt.f32 v4, v3  }
0xae: {  	v7 =	vsel vm0, s28, v7;
	s28 =	sadd.s32 $0xFFFFFFB0, s26;
	v3 =	vsel vm3, v4, v3;
	v4 =	vld [tilespmem:s22+$0xF0]  }
0xaf: {  	v7 =	vsel vm1, s28, v7;
	s28 =	sadd.s32 $0xFFFFFFC0, s26;
	vm0 =	vgt.f32 v5, v3  }
0xb0: {  	v7 =	vsel vm2, s28, v7;
	s28 =	sadd.s32 $0xFFFFFFD0, s26;
	v3 =	vsel vm0, v5, v3  }
.Ltmp3:
0xb1: {  	v5 =	vsel vm3, s28, v7;
	s28 =	sadd.s32 $0xFFFFFFE0, s26;
	vm1 =	vgt.f32 v6, v3;
	(pc) =	sbr.rel @p3 .LBB2_5-.Ltmp3, $4  }
0xb2: {  	v5 =	vsel vm0, s28, v5;
	s28 =	sadd.s32 $0xFFFFFFF0, s26;
	v3 =	vsel vm1, v6, v3  }
0xb3: {  	v5 =	vsel vm1, s28, v5;
	vm0 =	vgt.f32 v4, v3  }
0xb4: {  	v4 =	vsel vm0, v4, v3;
	v3 =	vsel vm0, s26, v5  }
0xb5: {  	v3 =	vor.u32 v0, v3;
	[tilespmem:s23+$0x0] =	vst v4  }
0xb6: {  	[tilespmem:s24+$0x0] =	vst v3  }
0xb7: {  	v3 =	vld [tilespmem:$0x4000]  }
0xb8: {  	v4 =	vld [tilespmem:$0x4010]  }
0xb9: {  	v5 =	vld [tilespmem:$0x40F0]  }
0xba: {  	v6 =	vld [tilespmem:$0x4020]  }
0xbb: {  	v7 =	vld [tilespmem:$0x40E0]  }
0xbc: {  	v8 =	vld [tilespmem:$0x4030]  }
0xbd: {  	v9 =	vld [tilespmem:$0x40D0];
	vm0 =	vgt.f32 v4, v3  }
0xbe: {  	v3 =	vsel vm0, v4, v3;
	v4 =	vld [tilespmem:$0x4040]  }
0xbf: {  	v10 =	vld [tilespmem:$0x40C0];
	vm1 =	vgt.f32 v6, v3  }
0xc0: {  	v3 =	vsel vm1, v6, v3;
	v6 =	vld [tilespmem:$0x4050]  }
0xc1: {  	v11 =	vld [tilespmem:$0x40B0];
	vm2 =	vgt.f32 v8, v3  }
0xc2: {  	v3 =	vsel vm2, v8, v3;
	v8 =	vld [tilespmem:$0x4060]  }
0xc3: {  	v12 =	vld [tilespmem:$0x40A0];
	vm3 =	vgt.f32 v4, v3  }
0xc4: {  	v3 =	vsel vm3, v4, v3;
	v4 =	vld [tilespmem:$0x4070]  }
0xc5: {  	v13 =	vld [tilespmem:$0x4090];
	vm4 =	vgt.f32 v6, v3  }
0xc6: {  	v3 =	vsel vm4, v6, v3;
	v6 =	vld [tilespmem:$0x4080]  }
0xc7: {  	v14 =	vld [tilespmem:$0x4110];
	vm5 =	vgt.f32 v8, v3  }
0xc8: {  	v15 =	vld [tilespmem:$0x4100];
	v3 =	vsel vm5, v8, v3  }
0xc9: {  	v8 =	vld [tilespmem:$0x4120];
	vm6 =	vgt.f32 v4, v3  }
0xca: {  	v16 =	vld [tilespmem:$0x4130];
	v3 =	vsel vm6, v4, v3  }
0xcb: {  	v4 =	vld [tilespmem:$0x4140];
	vm7 =	vgt.f32 v6, v3  }
0xcc: {  	v17 =	vld [tilespmem:$0x4150];
	v3 =	vsel vm7, v6, v3  }
0xcd: {  	v54 =	vld [tilespmem:$0x4160];
	v6 =	vsel vm0, v14, v15;
	vm0 =	vgt.f32 v13, v3  }
0xce: {  	v6 =	vsel vm1, v8, v6;
	v8 =	vld [tilespmem:$0x4170];
	v3 =	vsel vm0, v13, v3  }
0xcf: {  	v55 =	vld [tilespmem:$0x4180];
	v6 =	vsel vm2, v16, v6;
	vm1 =	vgt.f32 v12, v3  }
0xd0: {  	v4 =	vsel vm3, v4, v6;
	v6 =	vld [tilespmem:$0x4190];
	v3 =	vsel vm1, v12, v3  }
0xd1: {  	v56 =	vld [tilespmem:$0x41A0];
	v4 =	vsel vm4, v17, v4;
	vm2 =	vgt.f32 v11, v3  }
0xd2: {  	v57 =	vld [tilespmem:$0x41B0];
	v4 =	vsel vm5, v54, v4;
	v3 =	vsel vm2, v11, v3  }
0xd3: {  	v4 =	vsel vm6, v8, v4;
	v8 =	vld [tilespmem:$0x41C0];
	vm3 =	vgt.f32 v10, v3  }
0xd4: {  	v58 =	vld [tilespmem:$0x41D0];
	v4 =	vsel vm7, v55, v4;
	v3 =	vsel vm3, v10, v3  }
0xd5: {  	v4 =	vsel vm0, v6, v4;
	v6 =	vld [tilespmem:$0x41E0];
	vm0 =	vgt.f32 v9, v3  }
0xd6: {  	v59 =	vld [tilespmem:$0x41F0];
	v4 =	vsel vm1, v56, v4;
	v3 =	vsel vm0, v9, v3  }
0xd7: {  	v4 =	vsel vm2, v57, v4;
	vm1 =	vgt.f32 v7, v3  }
0xd8: {  	v4 =	vsel vm3, v8, v4;
	v3 =	vsel vm1, v7, v3  }
0xd9: {  	v4 =	vsel vm0, v58, v4;
	vm0 =	vgt.f32 v5, v3  }
0xda: {  	[tilespmem:$0x4290] =	vst v2;
	v4 =	vsel vm1, v6, v4;
	v3 =	vsel vm0, v5, v3  }
0xdb: {  	v4 =	vsel vm0, v59, v4;
	[tilespmem:$0x4200] =	vst v3  }
0xdc: {  	[tilespmem:$0x4280] =	vst v4;
	v3 =	vld [tilespmem:$0x4200]  }
0xdd: {  	[tilespmem:$0x4210] =	vst v1;
	v5 =	vld [tilespmem:$0x4288]  }
0xde: {  	v6 =	vld [tilespmem:$0x4208];
	_ =	sdelay $0x4  }
0xdf: {  	vm0 =	vlt.s32 v5, v4;
	vm1 =	veq.f32 v6, v3  }
0xe0: {  	vm2 =	vgt.f32 v6, v3;
	vm0 =	vmand vm1, vm0  }
0xe1: {  	vm0 =	vmor vm2, vm0  }
0xe2: {  	v3 =	vsel vm0, v6, v3  }
0xe3: {  	[tilespmem:$0x4200] =	vst v3  }
0xe4: {  	v3 =	vsel vm0, v5, v4;
	v4 =	vld [tilespmem:$0x4200]  }
0xe5: {  	[tilespmem:$0x4280] =	vst v3;
	v5 =	vld [tilespmem:$0x4204]  }
0xe6: {  	v6 =	vld [tilespmem:$0x4284];
	_ =	sdelay $0x4  }
0xe7: {  	vm0 =	veq.f32 v5, v4;
	vm1 =	vlt.s32 v6, v3  }
0xe8: {  	vm2 =	vgt.f32 v5, v4;
	vm0 =	vmand vm0, vm1  }
0xe9: {  	vm0 =	vmor vm2, vm0  }
0xea: {  	v4 =	vsel vm0, v5, v4  }
0xeb: {  	v3 =	vsel vm0, v6, v3;
	[tilespmem:$0x4200] =	vst v4  }
0xec: {  	[tilespmem:$0x4280] =	vst v3;
	v4 =	vld [tilespmem:$0x4200]  }
0xed: {  	v5 =	vld [tilespmem:$0x4282]  }
0xee: {  	v6 =	vld [tilespmem:$0x4202];
	_ =	sdelay $0x4  }
0xef: {  	vm0 =	vlt.s32 v5, v3;
	vm1 =	veq.f32 v6, v4  }
0xf0: {  	vm2 =	vgt.f32 v6, v4;
	vm0 =	vmand vm1, vm0  }
0xf1: {  	vm0 =	vmor vm2, vm0  }
0xf2: {  	v4 =	vsel vm0, v6, v4  }
0xf3: {  	[tilespmem:$0x4200] =	vst v4  }
0xf4: {  	v3 =	vsel vm0, v5, v3;
	v4 =	vld [tilespmem:$0x4200]  }
0xf5: {  	[tilespmem:$0x4280] =	vst v3;
	v5 =	vld [tilespmem:$0x4201]  }
0xf6: {  	v6 =	vld [tilespmem:$0x4281];
	_ =	sdelay $0x4  }
0xf7: {  	vm0 =	veq.f32 v5, v4;
	vm1 =	vlt.s32 v6, v3  }
0xf8: {  	vm2 =	vgt.f32 v5, v4;
	vm0 =	vmand vm0, vm1  }
0xf9: {  	vm0 =	vmor vm2, vm0  }
0xfa: {  	v3 =	vsel vm0, v6, v3  }
0xfb: {  	(v2sf) =	vpush v3, $0x0;
	_ =	sdelay $0xe  }
0xfc: {  	s22 =	spop (v2sf)  }
0xfd: {  	s23 =	sshra.s32 s22, $0x1F  }
0xfe: {  	s26 =	sshrl.u32 s23, $0x1C  }
0xff: {  	s24 =	sadd.s32 s26, s22  }
0x100: {  	s25 =	sand.u32 $0xFFFFFFF0, s24  }
0x101: {  	p3 =	slt.s32 s22, $0x1;
	p4 =	sne.s32 s22, s25  }
0x102: {  	p4 =	por !p3, !p4  }
0x103: {  	s25 =	simm.s32 $0x1;
	p4 =	por !p4, !p4  }
0x104: {  	s24 =	sshrl.u32 s24, $0x4;
	s25 =	simm.s32 @!p4 $0x0  }
0x105: {  	s24 =	ssub.s32 s24, s25  }
0x106: {  	s24 =	sshll.u32 s24, $0x4  }
0x107: {  	s28 =	sadd.s32 s17, s24  }
0x108: {  	v4 =	vsel vm0, v5, v4;
	[tilespmem:$0x4280] =	vst v3;
	s24 =	sand.u32 $0x70, s24;
	s25 =	sand.u32 $0xFFFFFF80, s28  }
0x109: {  	[tilespmem:$0x4200] =	vst v4;
	s24 =	sor.u32 s24, s25  }
0x10a: {  	s26 =	sand.u32 $0x1FF, s22;
	v4 =	vld [tilespmem:s24+$0x0]  }
0x10b: {  	p6 =	sne.s32 s26, $0x0  }
0x10c: {  	v3 =	vmov s17;
	s23 =	sshrl.u32 s23, $0x17;
	p3 =	por !p3, !p6;
	s28 =	sand.u32 $0xF, s22  }
0x10d: {  	s23 =	sadd.s32 s23, s22;
	p3 =	por !p3, !p3;
	v5 =	vmov s28;
	s25 =	simm.s32 $0x1  }
0x10e: {  	s23 =	sshra.s32 s23, $0x9;
	s25 =	simm.s32 @!p3 $0x0;
	vm0 =	veq.s32 v5, v0  }
0x10f: {  	s23 =	ssub.s32 s23, s25;
	v4 =	vsel vm0, $0xFF800000, v4  }
0x110: {  	[tilespmem:s24+$0x0] =	vst v4;
	s24 =	sshll.u32 s23, $0x9  }
0x111: {  	v4 =	vld.idx.msk [tilespmem:v3+s24+$0x0 ss:$0x1], $0xffff  }
0x112: {  	v5 =	vld.idx.msk [tilespmem:v3+s24+$0x10 ss:$0x1], $0xffff;
	_ =	sdelay $0x1  }
0x113: {  	v6 =	vld.idx.msk [tilespmem:v3+s24+$0x20 ss:$0x1], $0xffff;
	_ =	sdelay $0x1  }
0x114: {  	v7 =	vld.idx.msk [tilespmem:v3+s24+$0x30 ss:$0x1], $0xffff  }
0x115: {  	vm12 =	vgt.f32 v5, v4  }
0x116: {  	v8 =	vld.idx.msk [tilespmem:v3+s24+$0x40 ss:$0x1], $0xffff;
	v4 =	vsel vm12, v5, v4  }
0x117: {  	vm15 =	vgt.f32 v6, v4  }
0x118: {  	v5 =	vld.idx.msk [tilespmem:v3+s24+$0x50 ss:$0x1], $0xffff;
	v4 =	vsel vm15, v6, v4  }
0x119: {  	vm13 =	vgt.f32 v7, v4  }
0x11a: {  	v6 =	vld.idx.msk [tilespmem:v3+s24+$0x60 ss:$0x1], $0xffff;
	v4 =	vsel vm13, v7, v4  }
0x11b: {  	vm14 =	vgt.f32 v8, v4  }
0x11c: {  	v7 =	vld.idx.msk [tilespmem:v3+s24+$0x70 ss:$0x1], $0xffff;
	v4 =	vsel vm14, v8, v4  }
0x11d: {  	vm10 =	vgt.f32 v5, v4  }
0x11e: {  	v8 =	vld.idx.msk [tilespmem:v3+s24+$0x80 ss:$0x1], $0xffff;
	v4 =	vsel vm10, v5, v4  }
0x11f: {  	vm11 =	vgt.f32 v6, v4  }
0x120: {  	v5 =	vld.idx.msk [tilespmem:v3+s24+$0x90 ss:$0x1], $0xffff;
	v4 =	vsel vm11, v6, v4  }
0x121: {  	vm8 =	vgt.f32 v7, v4  }
0x122: {  	v6 =	vld.idx.msk [tilespmem:v3+s24+$0xA0 ss:$0x1], $0xffff;
	v4 =	vsel vm8, v7, v4  }
0x123: {  	vm9 =	vgt.f32 v8, v4  }
0x124: {  	v7 =	vld.idx.msk [tilespmem:v3+s24+$0xB0 ss:$0x1], $0xffff;
	v4 =	vsel vm9, v8, v4  }
0x125: {  	vm6 =	vgt.f32 v5, v4  }
0x126: {  	v8 =	vld.idx.msk [tilespmem:v3+s24+$0xC0 ss:$0x1], $0xffff;
	v4 =	vsel vm6, v5, v4  }
0x127: {  	vm7 =	vgt.f32 v6, v4  }
0x128: {  	v5 =	vld.idx.msk [tilespmem:v3+s24+$0xD0 ss:$0x1], $0xffff;
	v4 =	vsel vm7, v6, v4  }
0x129: {  	vm3 =	vgt.f32 v7, v4  }
0x12a: {  	v6 =	vld.idx.msk [tilespmem:v3+s24+$0xE0 ss:$0x1], $0xffff;
	v4 =	vsel vm3, v7, v4  }
0x12b: {  	vm4 =	vgt.f32 v8, v4  }
0x12c: {  	v7 =	vld.idx.msk [tilespmem:v3+s24+$0xF0 ss:$0x1], $0xffff;
	v4 =	vsel vm4, v8, v4  }
0x12d: {  	vm1 =	vgt.f32 v5, v4  }
0x12e: {  	v8 =	vld.idx.msk [tilespmem:v3+s24+$0x100 ss:$0x1], $0xffff;
	v4 =	vsel vm1, v5, v4  }
0x12f: {  	vm2 =	vgt.f32 v6, v4  }
0x130: {  	v5 =	vld.idx.msk [tilespmem:v3+s24+$0x110 ss:$0x1], $0xffff;
	v4 =	vsel vm2, v6, v4  }
0x131: {  	vm0 =	vgt.f32 v7, v4  }
0x132: {  	v6 =	vld.idx.msk [tilespmem:v3+s24+$0x120 ss:$0x1], $0xffff;
	v4 =	vsel vm0, v7, v4  }
0x133: {  	s26 =	sor.u32 $0x10, s24;
	v7 =	vmov s24;
	vm5 =	vgt.f32 v8, v4  }
0x134: {  	v60 =	vld.idx.msk [tilespmem:v3+s24+$0x130 ss:$0x1], $0xffff;
	s28 =	sor.u32 $0x20, s24;
	v7 =	vsel vm12, s26, v7;
	v4 =	vsel vm5, v8, v4  }
0x135: {  	s26 =	sor.u32 $0x30, s24;
	v7 =	vsel vm15, s28, v7;
	vm12 =	vgt.f32 v5, v4  }
0x136: {  	v8 =	vld.idx.msk [tilespmem:v3+s24+$0x140 ss:$0x1], $0xffff;
	s28 =	sor.u32 $0x40, s24;
	v7 =	vsel vm13, s26, v7;
	v4 =	vsel vm12, v5, v4  }
0x137: {  	s26 =	sor.u32 $0x50, s24;
	v5 =	vsel vm14, s28, v7;
	vm13 =	vgt.f32 v6, v4  }
0x138: {  	v7 =	vld.idx.msk [tilespmem:v3+s24+$0x150 ss:$0x1], $0xffff;
	s28 =	sor.u32 $0x60, s24;
	v5 =	vsel vm10, s26, v5;
	v4 =	vsel vm13, v6, v4  }
0x139: {  	s26 =	sor.u32 $0x70, s24;
	v5 =	vsel vm11, s28, v5;
	vm10 =	vgt.f32 v60, v4  }
0x13a: {  	v6 =	vld.idx.msk [tilespmem:v3+s24+$0x160 ss:$0x1], $0xffff;
	s28 =	sor.u32 $0x80, s24;
	v5 =	vsel vm8, s26, v5;
	v4 =	vsel vm10, v60, v4  }
0x13b: {  	s26 =	sor.u32 $0x90, s24;
	v5 =	vsel vm9, s28, v5;
	vm15 =	vgt.f32 v8, v4  }
0x13c: {  	v61 =	vld.idx.msk [tilespmem:v3+s24+$0x170 ss:$0x1], $0xffff;
	s28 =	sor.u32 $0xA0, s24;
	v5 =	vsel vm6, s26, v5;
	v4 =	vsel vm15, v8, v4  }
0x13d: {  	s26 =	sor.u32 $0xB0, s24;
	v5 =	vsel vm7, s28, v5;
	vm14 =	vgt.f32 v7, v4  }
0x13e: {  	v8 =	vld.idx.msk [tilespmem:v3+s24+$0x180 ss:$0x1], $0xffff;
	s28 =	sor.u32 $0xC0, s24;
	v5 =	vsel vm3, s26, v5;
	v4 =	vsel vm14, v7, v4  }
0x13f: {  	s26 =	sor.u32 $0xD0, s24;
	v5 =	vsel vm4, s28, v5;
	vm3 =	vgt.f32 v6, v4  }
0x140: {  	v7 =	vld.idx.msk [tilespmem:v3+s24+$0x190 ss:$0x1], $0xffff;
	s28 =	sor.u32 $0xE0, s24;
	v5 =	vsel vm1, s26, v5;
	v4 =	vsel vm3, v6, v4  }
0x141: {  	s26 =	sor.u32 $0xF0, s24;
	v5 =	vsel vm2, s28, v5;
	vm1 =	vgt.f32 v61, v4  }
0x142: {  	v6 =	vld.idx.msk [tilespmem:v3+s24+$0x1A0 ss:$0x1], $0xffff;
	s28 =	sor.u32 $0x100, s24;
	v5 =	vsel vm0, s26, v5;
	v4 =	vsel vm1, v61, v4  }
0x143: {  	s26 =	sor.u32 $0x110, s24;
	v5 =	vsel vm5, s28, v5;
	vm0 =	vgt.f32 v8, v4  }
0x144: {  	v62 =	vld.idx.msk [tilespmem:v3+s24+$0x1B0 ss:$0x1], $0xffff;
	s28 =	sor.u32 $0x120, s24;
	v5 =	vsel vm12, s26, v5;
	v4 =	vsel vm0, v8, v4  }
0x145: {  	s26 =	sor.u32 $0x130, s24;
	v5 =	vsel vm13, s28, v5;
	vm2 =	vgt.f32 v7, v4  }
0x146: {  	v8 =	vld.idx.msk [tilespmem:v3+s24+$0x1C0 ss:$0x1], $0xffff;
	s28 =	sor.u32 $0x140, s24;
	v5 =	vsel vm10, s26, v5;
	v4 =	vsel vm2, v7, v4  }
0x147: {  	s26 =	sor.u32 $0x150, s24;
	v5 =	vsel vm15, s28, v5;
	vm15 =	vgt.f32 v6, v4  }
0x148: {  	v7 =	vld.idx.msk [tilespmem:v3+s24+$0x1D0 ss:$0x1], $0xffff;
	s28 =	sor.u32 $0x160, s24;
	v5 =	vsel vm14, s26, v5;
	v4 =	vsel vm15, v6, v4  }
0x149: {  	s26 =	sor.u32 $0x170, s24;
	v5 =	vsel vm3, s28, v5;
	vm3 =	vgt.f32 v62, v4  }
0x14a: {  	v6 =	vld.idx.msk [tilespmem:v3+s24+$0x1E0 ss:$0x1], $0xffff;
	s28 =	sor.u32 $0x180, s24;
	v5 =	vsel vm1, s26, v5;
	v4 =	vsel vm3, v62, v4  }
0x14b: {  	s26 =	sor.u32 $0x190, s24;
	v5 =	vsel vm0, s28, v5;
	vm0 =	vgt.f32 v8, v4  }
0x14c: {  	v63 =	vld.idx.msk [tilespmem:v3+s24+$0x1F0 ss:$0x1], $0xffff;
	s28 =	sor.u32 $0x1A0, s24;
	v5 =	vsel vm2, s26, v5;
	v4 =	vsel vm0, v8, v4  }
0x14d: {  	s26 =	sor.u32 $0x1B0, s24;
	v5 =	vsel vm15, s28, v5;
	vm1 =	vgt.f32 v7, v4  }
0x14e: {  	s0 =	sand.u32 $0xF, s0;
	s28 =	sor.u32 $0x1C0, s24;
	v5 =	vsel vm3, s26, v5;
	v4 =	vsel vm1, v7, v4  }
0x14f: {  	s26 =	sor.u32 $0x1D0, s24;
	v5 =	vsel vm0, s28, v5;
	v7 =	vmov s0;
	vm2 =	vgt.f32 v6, v4  }
0x150: {  	s28 =	sor.u32 $0x1E0, s24;
	v5 =	vsel vm1, s26, v5;
	v6 =	vsel vm2, v6, v4;
	v4 =	vmov s20  }
0x151: {  	s24 =	sor.u32 $0x1F0, s24;
	vm0 =	veq.s32 v7, v0;
	v7 =	vsel vm2, s28, v5;
	vm1 =	vgt.f32 v63, v6  }
0x152: {  	s23 =	sshll.u32 s23, $0x4;
	s0 =	simm.s32 $0x0;
	s20 =	simm.s32 $0x80;
	v5 =	vsel vm1, v63, v6;
	v6 =	vsel vm1, s24, v7  }
.LBB2_7:
0x153: {  	v6 =	vor.u32 v0, v6;
	[tilespmem:s23+$0x4000] =	vst v5  }
0x154: {  	[tilespmem:s23+$0x4100] =	vst v6  }
0x155: {  	v5 =	vld.idx.msk [tilespmem:v4+s0+$0x0 ss:$0x1], $0xffff;
	_ =	sdelay $0x2  }
0x156: {  	s26 =	rddreg [dreg:$0x2]  }
0x157: {  	s22 =	sadd.s32 s26, s22  }
0x158: {  	v5 =	vsel vm0, s22, v5  }
0x159: {  	[tilespmem:v4+s0+$0x0 ss:$0x1] =	vst.idx.msk $0xffff, v5  }
0x15a: {  	v6 =	vld [tilespmem:$0x4000]  }
0x15b: {  	v7 =	vld [tilespmem:$0x4010]  }
0x15c: {  	v5 =	vld [tilespmem:$0x40F0]  }
0x15d: {  	v9 =	vld [tilespmem:$0x4020]  }
0x15e: {  	v8 =	vld [tilespmem:$0x40E0]  }
0x15f: {  	v11 =	vld [tilespmem:$0x4030]  }
0x160: {  	v10 =	vld [tilespmem:$0x40D0];
	vm1 =	vgt.f32 v7, v6  }
0x161: {  	v6 =	vsel vm1, v7, v6;
	v7 =	vld [tilespmem:$0x4040]  }
0x162: {  	v12 =	vld [tilespmem:$0x40C0];
	vm2 =	vgt.f32 v9, v6  }
0x163: {  	v31 =	vld [tilespmem:$0x4050];
	v6 =	vsel vm2, v9, v6  }
0x164: {  	v13 =	vld [tilespmem:$0x40B0];
	vm3 =	vgt.f32 v11, v6  }
0x165: {  	v32 =	vld [tilespmem:$0x4060];
	v6 =	vsel vm3, v11, v6  }
0x166: {  	v14 =	vld [tilespmem:$0x40A0];
	vm4 =	vgt.f32 v7, v6  }
0x167: {  	v6 =	vsel vm4, v7, v6;
	v7 =	vld [tilespmem:$0x4070]  }
0x168: {  	v15 =	vld [tilespmem:$0x4090];
	vm5 =	vgt.f32 v31, v6  }
0x169: {  	v33 =	vld [tilespmem:$0x4080];
	v6 =	vsel vm5, v31, v6  }
0x16a: {  	v16 =	vld [tilespmem:$0x4110];
	vm6 =	vgt.f32 v32, v6  }
0x16b: {  	v17 =	vld [tilespmem:$0x4100];
	v6 =	vsel vm6, v32, v6  }
0x16c: {  	v18 =	vld [tilespmem:$0x4120];
	vm7 =	vgt.f32 v7, v6  }
0x16d: {  	v34 =	vld [tilespmem:$0x4130];
	v6 =	vsel vm7, v7, v6  }
0x16e: {  	v19 =	vld [tilespmem:$0x4140];
	vm8 =	vgt.f32 v33, v6  }
0x16f: {  	v7 =	vld [tilespmem:$0x4150];
	v6 =	vsel vm8, v33, v6  }
0x170: {  	v35 =	vld [tilespmem:$0x4160];
	v16 =	vsel vm1, v16, v17;
	vm1 =	vgt.f32 v15, v6  }
0x171: {  	v37 =	vld [tilespmem:$0x4170];
	v36 =	vsel vm2, v18, v16;
	v6 =	vsel vm1, v15, v6  }
0x172: {  	v38 =	vld [tilespmem:$0x4180];
	v9 =	vsel vm3, v34, v36;
	vm2 =	vgt.f32 v14, v6  }
0x173: {  	v39 =	vld [tilespmem:$0x4190];
	v9 =	vsel vm4, v19, v9;
	v6 =	vsel vm2, v14, v6  }
0x174: {  	v40 =	vld [tilespmem:$0x41A0];
	v7 =	vsel vm5, v7, v9;
	vm3 =	vgt.f32 v13, v6  }
0x175: {  	v41 =	vld [tilespmem:$0x41B0];
	v7 =	vsel vm6, v35, v7;
	v6 =	vsel vm3, v13, v6  }
0x176: {  	v42 =	vld [tilespmem:$0x41C0];
	v7 =	vsel vm7, v37, v7;
	vm12 =	vgt.f32 v12, v6  }
0x177: {  	v43 =	vld [tilespmem:$0x41D0];
	v7 =	vsel vm8, v38, v7;
	v6 =	vsel vm12, v12, v6  }
0x178: {  	v44 =	vld [tilespmem:$0x41E0];
	v7 =	vsel vm1, v39, v7;
	vm1 =	vgt.f32 v10, v6  }
0x179: {  	v45 =	vld [tilespmem:$0x41F0];
	v7 =	vsel vm2, v40, v7;
	v6 =	vsel vm1, v10, v6  }
0x17a: {  	v7 =	vsel vm3, v41, v7;
	vm2 =	vgt.f32 v8, v6  }
0x17b: {  	v7 =	vsel vm12, v42, v7;
	v6 =	vsel vm2, v8, v6  }
0x17c: {  	v7 =	vsel vm1, v43, v7;
	vm1 =	vgt.f32 v5, v6  }
0x17d: {  	v7 =	vsel vm2, v44, v7;
	v5 =	vsel vm1, v5, v6  }
0x17e: {  	v6 =	vsel vm1, v45, v7;
	[tilespmem:$0x4200] =	vst v5  }
0x17f: {  	[tilespmem:$0x4280] =	vst v6;
	v5 =	vld [tilespmem:$0x4200]  }
0x180: {  	v7 =	vld [tilespmem:$0x4288]  }
0x181: {  	v8 =	vld [tilespmem:$0x4208];
	_ =	sdelay $0x4  }
0x182: {  	vm1 =	vlt.s32 v7, v6;
	vm3 =	veq.f32 v8, v5  }
0x183: {  	vm2 =	vgt.f32 v8, v5;
	vm1 =	vmand vm3, vm1  }
0x184: {  	vm1 =	vmor vm2, vm1  }
0x185: {  	v5 =	vsel vm1, v8, v5  }
0x186: {  	[tilespmem:$0x4200] =	vst v5  }
0x187: {  	v6 =	vsel vm1, v7, v6;
	v5 =	vld [tilespmem:$0x4200]  }
0x188: {  	[tilespmem:$0x4280] =	vst v6;
	v7 =	vld [tilespmem:$0x4204]  }
0x189: {  	v8 =	vld [tilespmem:$0x4284];
	_ =	sdelay $0x4  }
0x18a: {  	vm2 =	veq.f32 v7, v5;
	vm3 =	vlt.s32 v8, v6  }
0x18b: {  	vm1 =	vgt.f32 v7, v5;
	vm2 =	vmand vm2, vm3  }
0x18c: {  	vm1 =	vmor vm1, vm2  }
0x18d: {  	v5 =	vsel vm1, v7, v5  }
0x18e: {  	v6 =	vsel vm1, v8, v6;
	[tilespmem:$0x4200] =	vst v5  }
0x18f: {  	[tilespmem:$0x4280] =	vst v6;
	v5 =	vld [tilespmem:$0x4200]  }
0x190: {  	v7 =	vld [tilespmem:$0x4282]  }
0x191: {  	v8 =	vld [tilespmem:$0x4202];
	_ =	sdelay $0x4  }
0x192: {  	vm1 =	vlt.s32 v7, v6;
	vm3 =	veq.f32 v8, v5  }
0x193: {  	vm2 =	vgt.f32 v8, v5;
	vm1 =	vmand vm3, vm1  }
0x194: {  	vm1 =	vmor vm2, vm1  }
0x195: {  	v5 =	vsel vm1, v8, v5  }
0x196: {  	[tilespmem:$0x4200] =	vst v5  }
0x197: {  	v6 =	vsel vm1, v7, v6;
	v5 =	vld [tilespmem:$0x4200]  }
0x198: {  	[tilespmem:$0x4280] =	vst v6;
	v7 =	vld [tilespmem:$0x4201]  }
0x199: {  	v8 =	vld [tilespmem:$0x4281];
	_ =	sdelay $0x4  }
0x19a: {  	vm2 =	veq.f32 v7, v5;
	vm3 =	vlt.s32 v8, v6  }
0x19b: {  	vm1 =	vgt.f32 v7, v5;
	vm2 =	vmand vm2, vm3  }
0x19c: {  	vm1 =	vmor vm1, vm2  }
0x19d: {  	v6 =	vsel vm1, v8, v6  }
0x19e: {  	(v2sf) =	vpush v6, $0x0;
	_ =	sdelay $0xe  }
0x19f: {  	s22 =	spop (v2sf)  }
0x1a0: {  	s23 =	sshra.s32 s22, $0x1F  }
0x1a1: {  	s28 =	sand.u32 $0xF, s22;
	s26 =	sshrl.u32 s23, $0x1C  }
0x1a2: {  	v5 =	vsel vm1, v7, v5;
	v7 =	vmov s28;
	s28 =	sadd.s32 s26, s22  }
0x1a3: {  	s26 =	sand.u32 $0xFFFFFFF0, s28  }
0x1a4: {  	p4 =	slt.s32 s22, $0x1;
	p5 =	sne.s32 s22, s26  }
0x1a5: {  	s24 =	sshra.s32 s20, $0x2;
	s25 =	sand.u32 $0x1FF, s22;
	p5 =	por !p4, !p5  }
0x1a6: {  	p6 =	sne.s32 s25, $0x0;
	s25 =	simm.s32 $0x1;
	p5 =	por !p5, !p5  }
0x1a7: {  	s0 =	smov.u32 s24;
	s24 =	sshrl.u32 s28, $0x4;
	s25 =	simm.s32 @!p5 $0x0  }
0x1a8: {  	s24 =	ssub.s32 s24, s25  }
0x1a9: {  	s24 =	sshll.u32 s24, $0x4  }
0x1aa: {  	s28 =	sadd.s32 s17, s24  }
0x1ab: {  	[tilespmem:$0x4280] =	vst v6;
	s24 =	sand.u32 $0x70, s24;
	s25 =	sand.u32 $0xFFFFFF80, s28  }
0x1ac: {  	[tilespmem:$0x4200] =	vst v5;
	s24 =	sor.u32 s24, s25  }
0x1ad: {  	v5 =	vld [tilespmem:s24+$0x0];
	_ =	sdelay $0x1  }
0x1ae: {  	s23 =	sshrl.u32 s23, $0x17;
	p4 =	por !p4, !p6  }
0x1af: {  	s23 =	sadd.s32 s23, s22;
	s26 =	simm.s32 $0x1;
	p4 =	por !p4, !p4  }
0x1b0: {  	vm1 =	veq.s32 v7, v0;
	s23 =	sshra.s32 s23, $0x9;
	s26 =	simm.s32 @!p4 $0x0  }
0x1b1: {  	s23 =	ssub.s32 s23, s26;
	v5 =	vsel vm1, $0xFF800000, v5  }
0x1b2: {  	[tilespmem:s24+$0x0] =	vst v5;
	s24 =	sshll.u32 s23, $0x9  }
0x1b3: {  	v5 =	vld.idx.msk [tilespmem:v3+s24+$0x0 ss:$0x1], $0xffff  }
0x1b4: {  	v6 =	vld.idx.msk [tilespmem:v3+s24+$0x10 ss:$0x1], $0xffff;
	_ =	sdelay $0x1  }
0x1b5: {  	v7 =	vld.idx.msk [tilespmem:v3+s24+$0x20 ss:$0x1], $0xffff;
	_ =	sdelay $0x1  }
0x1b6: {  	v8 =	vld.idx.msk [tilespmem:v3+s24+$0x30 ss:$0x1], $0xffff  }
0x1b7: {  	vm1 =	vgt.f32 v6, v5  }
0x1b8: {  	v46 =	vld.idx.msk [tilespmem:v3+s24+$0x40 ss:$0x1], $0xffff;
	v5 =	vsel vm1, v6, v5  }
0x1b9: {  	vm2 =	vgt.f32 v7, v5  }
0x1ba: {  	v47 =	vld.idx.msk [tilespmem:v3+s24+$0x50 ss:$0x1], $0xffff;
	v5 =	vsel vm2, v7, v5  }
0x1bb: {  	vm3 =	vgt.f32 v8, v5  }
0x1bc: {  	v48 =	vld.idx.msk [tilespmem:v3+s24+$0x60 ss:$0x1], $0xffff;
	v5 =	vsel vm3, v8, v5  }
0x1bd: {  	vm4 =	vgt.f32 v46, v5  }
0x1be: {  	v49 =	vld.idx.msk [tilespmem:v3+s24+$0x70 ss:$0x1], $0xffff;
	v5 =	vsel vm4, v46, v5  }
0x1bf: {  	vm5 =	vgt.f32 v47, v5  }
0x1c0: {  	v6 =	vld.idx.msk [tilespmem:v3+s24+$0x80 ss:$0x1], $0xffff;
	v5 =	vsel vm5, v47, v5  }
0x1c1: {  	vm6 =	vgt.f32 v48, v5  }
0x1c2: {  	v50 =	vld.idx.msk [tilespmem:v3+s24+$0x90 ss:$0x1], $0xffff;
	v5 =	vsel vm6, v48, v5  }
0x1c3: {  	vm7 =	vgt.f32 v49, v5  }
0x1c4: {  	v7 =	vld.idx.msk [tilespmem:v3+s24+$0xA0 ss:$0x1], $0xffff;
	v5 =	vsel vm7, v49, v5  }
0x1c5: {  	vm8 =	vgt.f32 v6, v5  }
0x1c6: {  	v51 =	vld.idx.msk [tilespmem:v3+s24+$0xB0 ss:$0x1], $0xffff;
	v5 =	vsel vm8, v6, v5  }
0x1c7: {  	vm9 =	vgt.f32 v50, v5  }
0x1c8: {  	v8 =	vld.idx.msk [tilespmem:v3+s24+$0xC0 ss:$0x1], $0xffff;
	v5 =	vsel vm9, v50, v5  }
0x1c9: {  	vm10 =	vgt.f32 v7, v5  }
0x1ca: {  	v52 =	vld.idx.msk [tilespmem:v3+s24+$0xD0 ss:$0x1], $0xffff;
	v5 =	vsel vm10, v7, v5  }
0x1cb: {  	vm11 =	vgt.f32 v51, v5  }
0x1cc: {  	v53 =	vld.idx.msk [tilespmem:v3+s24+$0xE0 ss:$0x1], $0xffff;
	v5 =	vsel vm11, v51, v5  }
0x1cd: {  	vm12 =	vgt.f32 v8, v5  }
0x1ce: {  	v54 =	vld.idx.msk [tilespmem:v3+s24+$0xF0 ss:$0x1], $0xffff;
	v8 =	vsel vm12, v8, v5  }
0x1cf: {  	vm13 =	vgt.f32 v52, v8  }
0x1d0: {  	v55 =	vld.idx.msk [tilespmem:v3+s24+$0x100 ss:$0x1], $0xffff;
	v8 =	vsel vm13, v52, v8  }
0x1d1: {  	vm14 =	vgt.f32 v53, v8  }
0x1d2: {  	v56 =	vld.idx.msk [tilespmem:v3+s24+$0x110 ss:$0x1], $0xffff;
	v8 =	vsel vm14, v53, v8  }
0x1d3: {  	vm15 =	vgt.f32 v54, v8  }
0x1d4: {  	v57 =	vld.idx.msk [tilespmem:v3+s24+$0x120 ss:$0x1], $0xffff;
	v63 =	vmov s24;
	s26 =	sor.u32 $0x10, s24;
	v8 =	vsel vm15, v54, v8  }
0x1d5: {  	s28 =	sor.u32 $0x20, s24;
	v9 =	vsel vm1, s26, v63;
	vm1 =	vgt.f32 v55, v8  }
0x1d6: {  	v58 =	vld.idx.msk [tilespmem:v3+s24+$0x130 ss:$0x1], $0xffff;
	s26 =	sor.u32 $0x30, s24;
	v9 =	vsel vm2, s28, v9;
	v8 =	vsel vm1, v55, v8  }
0x1d7: {  	s28 =	sor.u32 $0x40, s24;
	v9 =	vsel vm3, s26, v9;
	vm2 =	vgt.f32 v56, v8  }
0x1d8: {  	v59 =	vld.idx.msk [tilespmem:v3+s24+$0x140 ss:$0x1], $0xffff;
	s26 =	sor.u32 $0x50, s24;
	v9 =	vsel vm4, s28, v9;
	v8 =	vsel vm2, v56, v8  }
0x1d9: {  	s28 =	sor.u32 $0x60, s24;
	v9 =	vsel vm5, s26, v9;
	vm3 =	vgt.f32 v57, v8  }
0x1da: {  	v60 =	vld.idx.msk [tilespmem:v3+s24+$0x150 ss:$0x1], $0xffff;
	s26 =	sor.u32 $0x70, s24;
	v9 =	vsel vm6, s28, v9;
	v8 =	vsel vm3, v57, v8  }
0x1db: {  	s28 =	sor.u32 $0x80, s24;
	v9 =	vsel vm7, s26, v9;
	vm4 =	vgt.f32 v58, v8  }
0x1dc: {  	v20 =	vld.idx.msk [tilespmem:v3+s24+$0x160 ss:$0x1], $0xffff;
	s26 =	sor.u32 $0x90, s24;
	v9 =	vsel vm8, s28, v9;
	v8 =	vsel vm4, v58, v8  }
0x1dd: {  	s28 =	sor.u32 $0xA0, s24;
	v9 =	vsel vm9, s26, v9;
	vm5 =	vgt.f32 v59, v8  }
0x1de: {  	v21 =	vld.idx.msk [tilespmem:v3+s24+$0x170 ss:$0x1], $0xffff;
	s26 =	sor.u32 $0xB0, s24;
	v9 =	vsel vm10, s28, v9;
	v8 =	vsel vm5, v59, v8  }
0x1df: {  	s28 =	sor.u32 $0xC0, s24;
	v9 =	vsel vm11, s26, v9;
	vm6 =	vgt.f32 v60, v8  }
0x1e0: {  	v61 =	vld.idx.msk [tilespmem:v3+s24+$0x180 ss:$0x1], $0xffff;
	s26 =	sor.u32 $0xD0, s24;
	v9 =	vsel vm12, s28, v9;
	v8 =	vsel vm6, v60, v8  }
0x1e1: {  	v9 =	vsel vm13, s26, v9;
	vm13 =	vgt.f32 v20, v8  }
0x1e2: {  	v22 =	vld.idx.msk [tilespmem:v3+s24+$0x190 ss:$0x1], $0xffff;
	s28 =	sor.u32 $0xE0, s24;
	v8 =	vsel vm13, v20, v8  }
0x1e3: {  	s26 =	sor.u32 $0xF0, s24;
	v9 =	vsel vm14, s28, v9;
	vm14 =	vgt.f32 v21, v8  }
0x1e4: {  	v23 =	vld.idx.msk [tilespmem:v3+s24+$0x1A0 ss:$0x1], $0xffff;
	s28 =	sor.u32 $0x100, s24;
	v9 =	vsel vm15, s26, v9;
	v8 =	vsel vm14, v21, v8  }
0x1e5: {  	s26 =	sor.u32 $0x110, s24;
	v9 =	vsel vm1, s28, v9;
	vm1 =	vgt.f32 v61, v8  }
0x1e6: {  	v24 =	vld.idx.msk [tilespmem:v3+s24+$0x1B0 ss:$0x1], $0xffff;
	s28 =	sor.u32 $0x120, s24;
	v9 =	vsel vm2, s26, v9;
	v8 =	vsel vm1, v61, v8  }
0x1e7: {  	s26 =	sor.u32 $0x130, s24;
	v9 =	vsel vm3, s28, v9;
	vm2 =	vgt.f32 v22, v8  }
0x1e8: {  	v62 =	vld.idx.msk [tilespmem:v3+s24+$0x1C0 ss:$0x1], $0xffff;
	s28 =	sor.u32 $0x140, s24;
	v9 =	vsel vm4, s26, v9;
	v8 =	vsel vm2, v22, v8  }
0x1e9: {  	s26 =	sor.u32 $0x150, s24;
	v9 =	vsel vm5, s28, v9;
	vm3 =	vgt.f32 v23, v8  }
0x1ea: {  	v7 =	vld.idx.msk [tilespmem:v3+s24+$0x1D0 ss:$0x1], $0xffff;
	s28 =	sor.u32 $0x160, s24;
	v9 =	vsel vm6, s26, v9;
	v8 =	vsel vm3, v23, v8  }
0x1eb: {  	s26 =	sor.u32 $0x170, s24;
	v9 =	vsel vm13, s28, v9;
	vm15 =	vgt.f32 v24, v8  }
0x1ec: {  	v6 =	vld.idx.msk [tilespmem:v3+s24+$0x1E0 ss:$0x1], $0xffff;
	s28 =	sor.u32 $0x180, s24;
	v9 =	vsel vm14, s26, v9;
	v8 =	vsel vm15, v24, v8  }
0x1ed: {  	s26 =	sor.u32 $0x190, s24;
	v9 =	vsel vm1, s28, v9;
	vm1 =	vgt.f32 v62, v8  }
0x1ee: {  	v5 =	vld.idx.msk [tilespmem:v3+s24+$0x1F0 ss:$0x1], $0xffff;
	s28 =	sor.u32 $0x1A0, s24;
	v9 =	vsel vm2, s26, v9;
	v8 =	vsel vm1, v62, v8  }
0x1ef: {  	p3 =	seq.s32 s20, $0x400;
	s26 =	sor.u32 $0x1B0, s24;
	v9 =	vsel vm3, s28, v9;
	vm2 =	vgt.f32 v7, v8  }
.Ltmp4:
0x1f0: {  	s28 =	sor.u32 $0x1C0, s24;
	v9 =	vsel vm15, s26, v9;
	v7 =	vsel vm2, v7, v8;
	(pc) =	sbr.rel @!p3 .LBB2_7-.Ltmp4, $4  }
0x1f1: {  	s26 =	sor.u32 $0x1D0, s24;
	v9 =	vsel vm1, s28, v9;
	vm1 =	vgt.f32 v6, v7  }
0x1f2: {  	s28 =	sor.u32 $0x1E0, s24;
	v8 =	vsel vm2, s26, v9;
	v6 =	vsel vm1, v6, v7  }
0x1f3: {  	s24 =	sor.u32 $0x1F0, s24;
	v7 =	vsel vm1, s28, v8;
	vm1 =	vgt.f32 v5, v6  }
0x1f4: {  	s20 =	sadd.s32 $0x80, s20;
	s23 =	sshll.u32 s23, $0x4;
	v5 =	vsel vm1, v5, v6;
	v6 =	vsel vm1, s24, v7  }
0x1f5: {  	_ =	sdelay $0x1  }
0x1f6: {  	v3 =	vor.u32 v0, v6;
	[tilespmem:s23+$0x4000] =	vst v5  }
0x1f7: {  	[tilespmem:s23+$0x4100] =	vst v3  }
0x1f8: {  	v3 =	vld.idx.msk [tilespmem:v4+s0+$0x0 ss:$0x1], $0xffff;
	_ =	sdelay $0x2  }
0x1f9: {  	s17 =	rddreg [dreg:$0x2]  }
0x1fa: {  	s17 =	sadd.s32 s17, s22  }
0x1fb: {  	v3 =	vsel vm0, s17, v3  }
0x1fc: {  	[tilespmem:v4+s0+$0x0 ss:$0x1] =	vst.idx.msk $0xffff, v3  }
0x1fd: {  	p3 =	seq.s32 s18, $0x20  }
.Ltmp5:
0x1fe: {  	_ = 	snop;
	(pc) =	sbr.rel @!p3 .LBB2_4-.Ltmp5, $2  }
0x1ff: {  	_ =	sdelay $0x2  }
0x200: {  	p2 =	por !p2, !p2;
	s1 =	sadd.s32 $0x4, s1  }
0x201: {  	s0 =	simm.s32 $0x4300  }
0x202: {  	[hbm4b:s6+s2] =	stream.linear.scatter [tilespmem:s0], [sflag:$0x2], $0x20, $0x38;
	[tilespmem:$0x4480] =	vst v63  }
0x203: {  	_ =	swait.ge [sflag:s21], $0x20  }
0x204: {  	[sflag:s21] =	ssyncset.done $0x0  }
0x205: {  	s22 =	simm.s32 $0x4320;
	[sflag:s21] =	ssyncadd.s32 $0xFFFFFFE0  }
0x206: {  	[hbm4b:s7+s2] =	stream.linear.scatter [tilespmem:s22], [sflag:$0x2], $0x20, $0x38;
	[tilespmem:$0x4480] =	vst v63  }
0x207: {  	_ =	swait.ge [sflag:s21], $0x20  }
0x208: {  	[sflag:s21] =	ssyncset.done $0x0  }
0x209: {  	s23 =	simm.s32 $0x4340;
	[sflag:s21] =	ssyncadd.s32 $0xFFFFFFE0  }
0x20a: {  	[hbm4b:s8+s2] =	stream.linear.scatter [tilespmem:s23], [sflag:$0x2], $0x20, $0x38;
	[tilespmem:$0x4480] =	vst v63  }
0x20b: {  	_ =	swait.ge [sflag:s21], $0x20  }
0x20c: {  	[sflag:s21] =	ssyncset.done $0x0  }
0x20d: {  	s24 =	simm.s32 $0x4360;
	[sflag:s21] =	ssyncadd.s32 $0xFFFFFFE0  }
0x20e: {  	[hbm4b:s9+s2] =	stream.linear.scatter [tilespmem:s24], [sflag:$0x2], $0x20, $0x38;
	[tilespmem:$0x4480] =	vst v63  }
0x20f: {  	_ =	swait.ge [sflag:s21], $0x20  }
0x210: {  	[sflag:s21] =	ssyncset.done $0x0  }
0x211: {  	s25 =	simm.s32 $0x4380;
	[sflag:s21] =	ssyncadd.s32 $0xFFFFFFE0  }
0x212: {  	[hbm4b:s10+s2] =	stream.linear.scatter [tilespmem:s25], [sflag:$0x2], $0x20, $0x38;
	[tilespmem:$0x4480] =	vst v63  }
0x213: {  	_ =	swait.ge [sflag:s21], $0x20  }
0x214: {  	[sflag:s21] =	ssyncset.done $0x0  }
0x215: {  	s26 =	simm.s32 $0x43A0;
	[sflag:s21] =	ssyncadd.s32 $0xFFFFFFE0  }
0x216: {  	[hbm4b:s11+s2] =	stream.linear.scatter [tilespmem:s26], [sflag:$0x2], $0x20, $0x38;
	[tilespmem:$0x4480] =	vst v63  }
0x217: {  	_ =	swait.ge [sflag:s21], $0x20  }
0x218: {  	[sflag:s21] =	ssyncset.done $0x0  }
0x219: {  	s28 =	simm.s32 $0x43C0;
	[sflag:s21] =	ssyncadd.s32 $0xFFFFFFE0  }
0x21a: {  	[hbm4b:s12+s2] =	stream.linear.scatter [tilespmem:s28], [sflag:$0x2], $0x20, $0x38;
	[tilespmem:$0x4480] =	vst v63  }
0x21b: {  	_ =	swait.ge [sflag:s21], $0x20  }
0x21c: {  	[sflag:s21] =	ssyncset.done $0x0  }
0x21d: {  	[sflag:s21] =	ssyncadd.s32 $0xFFFFFFE0  }
0x21e: {  	[hbm4b:s13+s2] =	stream.linear.scatter [tilespmem:s29], [sflag:$0x2], $0x20, $0x38;
	[tilespmem:$0x4480] =	vst v63  }
0x21f: {  	_ =	swait.ge [sflag:s21], $0x20  }
0x220: {  	[sflag:s21] =	ssyncset.done $0x0  }
.Ltmp6:
0x221: {  	[sflag:s21] =	ssyncadd.s32 $0xFFFFFFE0;
	(pc) =	sbr.rel .LBB2_10-.Ltmp6, $4  }
0x222: {  	[hbm4b:s14+s2] =	stream.linear.scatter [tilespmem:s30], [sflag:$0x2], $0x20, $0x38;
	[tilespmem:$0x4480] =	vst v63  }
0x223: {  	_ =	swait.ge [sflag:s21], $0x20  }
0x224: {  	[sflag:s21] =	ssyncset.done $0x0  }
0x225: {  	[sflag:s21] =	ssyncadd.s32 $0xFFFFFFE0  }
.LBB2_11:
0x226: {  	_ =	sfence.sel $0x180000  }
0x227: {  	[bflag:$0x0] =	sbarrier.arrive $0xFFFF  }
0x228: {  	_ =	strace $0x90000047  }
0x229: {  	s0 =	stileid.u32;
	[bflag:$0x2] =	sbarrier.arrive $0xFFFF  }
0x22a: {  	p0 =	sne.s32 s0, $0x0;
	s0 =	rddreg [dreg:$0x1]  }
0x22b: {  	s0 =	sadd.s32 @!p0 $0x100000, s0  }
0x22c: {  	[sflag:s0] =	ssyncadd.tile.s32 @!p0 $0x1;
	_ =	shalt  }
.Lfunc_end2:
_tile_overlayer_lowered:
.L_overlay_start_2:
0x22d: {  	(tag) =	ssettag $0x2  }
0x22e: {  	s0 =	rddreg [dreg:$0x0];
	s2 =	stileid.u32  }
0x22f: {  	s1 =	rddreg [dreg:$0x1];
	p0 =	sne.s32 s2, $0x0  }
0x230: {  	s3 =	rddreg [dreg:$0x2];
	[bflag:$0x3] =	sbarrier.arrive $0xFFFF;
	s2 =	simm.s32 @!p0 $0x1C02  }
0x231: {  	[timem:s3], [sflag:s2] =	dma.local @!p0 [hbm:s0], s1  }
0x232: {  	s0 =	simm.s32 @!p0 $0x2  }
0x233: {  	_ =	swait.ge @!p0 [sflag:s0], s1  }
0x234: {  	s1 =	ssub.s32 @!p0 $0x0, s1;
	[sflag:s0] =	ssyncset.done @!p0 $0x0  }
0x235: {  	[sflag:s0] =	ssyncadd.s32 @!p0 s1  }
0x236: {  	[bflag:$0x3] =	sbarrier.arrive $0xFFFF  }
0x237: {  	_ =	shalt  }

</sc_bundles>
